<compile_context>
chip_gen: v7x
topology: tpu7x:2x2x1
jax: 0.10.2.dev20260603
libtpu: 0.0.44.dev20260713+nightly
codegen_flags: <defaults>
</compile_context>

<pallas_src>
import functools
import math

import jax
import jax.numpy as jnp
from jax import lax
from jax.experimental import pallas as pl
from jax.experimental.pallas import tpu as pltpu
from jax.experimental.pallas import tpu_sc as plsc

N = 512
SEQ = 12
FIN = 64
HID = 128
OUT = 64
E = 16384

NC = 2
NS = 16
ROWS = E // NS // 128
CELLS = N * N
CPS = CELLS // NS
ZCH = 2048

TI = 64
GJ = 8


def _edge_scatter_body(src_hbm, dst_hbm, w_hbm, wp_hbm, cp_hbm,
                       src_v, dst_v, w_v, idx_v, stage_v, sh, sem, zsem):
    c = lax.axis_index("c")
    s = lax.axis_index("s")
    a1 = pltpu.async_copy(src_hbm.at[pl.ds(s * ROWS, ROWS)], src_v, sem)
    a2 = pltpu.async_copy(dst_hbm.at[pl.ds(s * ROWS, ROWS)], dst_v, sem)
    a3 = pltpu.async_copy(w_hbm.at[pl.ds(s * ROWS, ROWS)], w_v, sem)

    def zbody(i, carry):
        stage_v[pl.ds(i * 16, 16)] = jnp.zeros((16,), jnp.float32)
        return carry
    lax.fori_loop(0, ZCH // 16, zbody, 0)
    zc = [pltpu.async_copy(stage_v, sh.at[pl.ds(s * CPS + k * ZCH, ZCH)], zsem)
          for k in range(CPS // ZCH)]
    a1.wait()
    a2.wait()
    a3.wait()

    @pl.when(c == 1)
    def _():
        for r in range(ROWS):
            for ch in range(8):
                w_v[r, pl.ds(ch * 16, 16)] = jnp.full((16,), 1.0, jnp.float32)

    for r in range(ROWS):
        for ch in range(8):
            sl = pl.ds(ch * 16, 16)
            idx_v[r, sl] = dst_v[r, sl] * N + src_v[r, sl]

    for z in zc:
        z.wait()
    plsc.subcore_barrier()
    sc_dmas = [pltpu.async_copy(w_v.at[r], sh.at[idx_v.at[r]], zsem,
                                add=True)
               for r in range(ROWS)]
    for d in sc_dmas:
        d.wait()
    plsc.subcore_barrier()

    @pl.when(c == 0)
    def _():
        pltpu.sync_copy(sh.at[pl.ds(s * CPS, CPS)],
                        wp_hbm.at[pl.ds(s * CPS, CPS)])

    @pl.when(c == 1)
    def _():
        pltpu.sync_copy(sh.at[pl.ds(s * CPS, CPS)],
                        cp_hbm.at[pl.ds(s * CPS, CPS)])


@functools.cache
def _edge_scatter():
    return pl.kernel(
        _edge_scatter_body,
        mesh=plsc.VectorSubcoreMesh(core_axis_name="c", subcore_axis_name="s"),
        out_type=[jax.ShapeDtypeStruct((CELLS,), jnp.float32),
                  jax.ShapeDtypeStruct((CELLS,), jnp.float32)],
        scratch_types=[
            pltpu.VMEM((ROWS, 128), jnp.int32),
            pltpu.VMEM((ROWS, 128), jnp.int32),
            pltpu.VMEM((ROWS, 128), jnp.float32),
            pltpu.VMEM((ROWS, 128), jnp.int32),
            pltpu.VMEM((ZCH,), jnp.float32),
            pltpu.VMEM_SHARED((CELLS,), jnp.float32),
            pltpu.SemaphoreType.DMA,
            pltpu.SemaphoreType.DMA,
        ],
    )


def _layer_norm(h, g, b):
    mu = jnp.mean(h, axis=1, keepdims=True)
    d = h - mu
    var = jnp.mean(d * d, axis=1, keepdims=True)
    return d * lax.rsqrt(var + 1e-5) * g + b


def _tconv(h, C, Wqkvs, bqkvs):
    qkvs = jnp.dot(h, Wqkvs) + bqkvs
    q = qkvs[:, :HID]
    k = qkvs[:, HID:2 * HID]
    v = qkvs[:, 2 * HID:3 * HID]
    sk = qkvs[:, 3 * HID:]
    sc = lax.dot_general(q, k, (((1,), (1,)), ((), ()))) * (1.0 / math.sqrt(HID))
    neg = jnp.where(C > 0, sc, -1e30)
    m = jnp.max(neg, axis=1, keepdims=True)
    m = jnp.where(m > -1e29, m, 0.0)
    ee = C * jnp.exp(jnp.minimum(sc - m, 0.0))
    denom = jnp.sum(ee, axis=1, keepdims=True)
    msg = jnp.dot(ee, v)
    return msg / (denom + 1e-16) + sk


def _dense_core(dense_refs, npred_out, ait_out, bjt_out):
    (wp, cp, x3,
     Wzc, Wzl, bzc, bzl, Whc, Whl, bhc, bhl,
     projW, projb, convk, convb,
     q1W, k1W, v1W, s1W, b1q, b1k, b1v, b1s, ln1g, ln1b,
     q2W, k2W, v2W, s2W, b2q, b2k, b2v, b2s, ln2g, ln2b,
     skW, skb, predW, predb, ip1W, ip1b) = [r[...] for r in dense_refs]
    W = wp
    C = cp
    deg = jnp.sum(W, axis=1, keepdims=True) + 1.0
    dinv = lax.rsqrt(deg)
    x2d = jnp.concatenate([x3[t] for t in range(SEQ)], axis=1)
    Wqkvs1 = jnp.concatenate([q1W, k1W, v1W, s1W], axis=1)
    Wqkvs2 = jnp.concatenate([q2W, k2W, v2W, s2W], axis=1)
    bqkvs1 = jnp.concatenate([b1q, b1k, b1v, b1s], axis=1)
    bqkvs2 = jnp.concatenate([b2q, b2k, b2v, b2s], axis=1)
    y = x2d * dinv
    S = (jnp.dot(W, y) + y) * dinv

    Wzh = jnp.concatenate([jnp.dot(Wzc, Wzl[:HID, :]),
                           jnp.dot(Whc, Whl[:HID, :])], axis=1)
    bzh = jnp.concatenate([jnp.dot(bzc, Wzl[:HID, :]) + bzl,
                           jnp.dot(bhc, Whl[:HID, :]) + bhl], axis=1)

    hsum = jnp.zeros((N, HID), jnp.float32)
    h0 = None
    hlast = None
    for t in range(SEQ):
        St = S[:, t * FIN:(t + 1) * FIN]
        G = jnp.dot(St, Wzh) + bzh
        Zt = jax.nn.sigmoid(G[:, :HID])
        Tt = jnp.tanh(G[:, HID:])
        ht = (1.0 - Zt) * Tt
        if t == 0:
            h0 = ht
        if t == SEQ - 1:
            hlast = ht
        hsum = hsum + ht

    PP = jnp.dot(jnp.concatenate([hsum, h0, hlast], axis=0), projW)
    Psum = PP[:N] + SEQ * projb
    P0 = PP[N:2 * N] + projb
    PL = PP[2 * N:] + projb
    ht_mean = jnp.dot(
        jnp.concatenate([Psum - PL, Psum, Psum - P0], axis=1),
        convk.reshape(3 * HID, HID)) * (1.0 / SEQ) + convb

    hi = hsum * (1.0 / SEQ)
    hi = _tconv(hi, C, Wqkvs1, bqkvs1)
    hi = jnp.maximum(_layer_norm(hi, ln1g, ln1b), 0.0)
    hi = _tconv(hi, C, Wqkvs2, bqkvs2)
    hi = jnp.maximum(_layer_norm(hi, ln2g, ln2b), 0.0)
    hi = hi + jnp.dot(hi, skW) + skb

    hc = jnp.concatenate([ht_mean, hi], axis=1)
    npred_out[...] = jnp.dot(hc, predW) + predb
    for g in range(N // TI):
        ait_out[g] = (lax.dot_general(
            ip1W[:2 * HID, :], hc[g * TI:(g + 1) * TI, :],
            (((0,), (1,)), ((), ()))) + ip1b).astype(jnp.bfloat16)
    bjt_out[...] = lax.dot_general(
        ip1W[2 * HID:, :], hc, (((0,), (1,)), ((), ()))).astype(jnp.bfloat16)


def _pair_core(at, bt, w2f, b2v, w3v, b3s, out):
    w2v = w2f.astype(jnp.bfloat16)
    zero = jnp.bfloat16(0.0)
    rows = []
    for g in range(TI // GJ):
        planes = [jnp.maximum(at[:, i:i + 1] + bt, zero)
                  for i in range(g * GJ, (g + 1) * GJ)]
        h1 = jnp.concatenate(planes, axis=1)
        z = lax.dot_general(w2v, h1, (((0,), (0,)), ((), ())),
                            preferred_element_type=jnp.float32)
        h2 = jnp.maximum(z + b2v, 0.0)
        rsum = lax.dot_general(w3v, h2, (((0,), (0,)), ((), ())),
                               preferred_element_type=jnp.float32)
        rows.extend(rsum[:, i * N:(i + 1) * N] for i in range(GJ))
    r = jnp.concatenate(rows, axis=0) + b3s
    out[...] = jax.nn.sigmoid(r)


def _dense_body(*refs):
    _dense_core(refs[:-3], refs[-3], refs[-2], refs[-1])


def _pair_body(ait, bjt, w2, b2t, w3t, b3, out):
    _pair_core(ait[0], bjt[...], w2[...], b2t[...], w3t[...], b3[0, 0], out)


def kernel(x, edge_index, edge_weight, params):
    p = params
    t = p['tgcn']
    tc1 = p['tc1']
    tc2 = p['tc2']

    src = edge_index[0].reshape(E // 128, 128)
    dst = edge_index[1].reshape(E // 128, 128)
    ew = edge_weight.reshape(E // 128, 128)
    wp, cp = _edge_scatter()(src, dst, ew)
    wp = wp.reshape(N, N)
    cp = cp.reshape(N, N)

    convk = jnp.transpose(p['conv_W'], (2, 1, 0))
    r2 = lambda v: v.reshape(1, -1)

    dense_in = [
        wp, cp, x,
        t['Wzc'], t['Wzl'], r2(t['bzc']), r2(t['bzl']),
        t['Whc'], t['Whl'], r2(t['bhc']), r2(t['bhl']),
        p['proj_W'], r2(p['proj_b']), convk, r2(p['conv_b']),
        tc1['Wq'], tc1['Wk'], tc1['Wv'], tc1['Ws'],
        r2(tc1['bq']), r2(tc1['bk']), r2(tc1['bv']), r2(tc1['bs']),
        r2(p['ln1_g']), r2(p['ln1_b']),
        tc2['Wq'], tc2['Wk'], tc2['Wv'], tc2['Ws'],
        r2(tc2['bq']), r2(tc2['bk']), r2(tc2['bv']), r2(tc2['bs']),
        r2(p['ln2_g']), r2(p['ln2_b']),
        p['skip_W'], r2(p['skip_b']), p['pred_W'], r2(p['pred_b']),
        p['ip1_W'], p['ip1_b'].reshape(-1, 1),
    ]
    npred, ait, bjt = pl.pallas_call(
        _dense_body,
        out_shape=[
            jax.ShapeDtypeStruct((N, OUT), jnp.float32),
            jax.ShapeDtypeStruct((N // TI, HID, TI), jnp.bfloat16),
            jax.ShapeDtypeStruct((HID, N), jnp.bfloat16),
        ],
    )(*dense_in)

    inter = pl.pallas_call(
        _pair_body,
        grid=(N // TI,),
        in_specs=[
            pl.BlockSpec((1, HID, TI), lambda i: (i, 0, 0)),
            pl.BlockSpec((HID, N), lambda i: (0, 0)),
            pl.BlockSpec((HID, HID // 2), lambda i: (0, 0)),
            pl.BlockSpec((HID // 2, 1), lambda i: (0, 0)),
            pl.BlockSpec((HID // 2, 1), lambda i: (0, 0)),
            pl.BlockSpec((1, 1), lambda i: (0, 0)),
        ],
        out_specs=pl.BlockSpec((TI, N), lambda i: (i, 0)),
        out_shape=jax.ShapeDtypeStruct((N, N), jnp.float32),
    )(ait, bjt,
      p['ip2_W'], p['ip2_b'].reshape(-1, 1),
      p['ip3_W'], p['ip3_b'].reshape(1, 1))

    return npred, inter

# --- scband reference (transcript-rebuilt; emitter-appended) ---
"""Pipeline reference for scband-temporal-interaction-net-30666066493880 (READ-ONLY COPY).

The authoritative reference and input builder live on the scoring server;
editing this copy changes nothing except your own understanding.
"""

import jax, jax.numpy as jnp
import numpy as np

N = 512
SEQ = 12
FIN = 64
HID = 128
OUT = 64
E = 16384


def _make_params(key):
    ks = jax.random.split(key, 32)
    i = [0]
    def nx(shape, scale=0.05):
        k = ks[i[0]]
        i[0] += 1
        return jax.random.normal(k, shape, dtype=jnp.float32) * scale
    def zeros(n):
        return jnp.zeros((n,), jnp.float32)
    tgcn = {}
    for g in ('z', 'r', 'h'):
        tgcn['W' + g + 'c'] = nx((FIN, HID))
        tgcn['b' + g + 'c'] = zeros(HID)
        tgcn['W' + g + 'l'] = nx((2 * HID, HID))
        tgcn['b' + g + 'l'] = zeros(HID)
    def tcp():
        return {'Wq': nx((HID, HID)), 'bq': zeros(HID), 'Wk': nx((HID, HID)), 'bk': zeros(HID), 'Wv': nx((HID, HID)), 'bv': zeros(HID), 'Ws': nx((HID, HID)), 'bs': zeros(HID)}
    return {'tgcn': tgcn, 'tc1': tcp(), 'tc2': tcp(), 'proj_W': nx((2 * FIN, HID)), 'proj_b': zeros(HID), 'conv_W': nx((HID, HID, 3)), 'conv_b': zeros(HID), 'skip_W': nx((HID, HID)), 'skip_b': zeros(HID), 'pred_W': nx((2 * HID, OUT)), 'pred_b': zeros(OUT), 'ip1_W': nx((4 * HID, HID)), 'ip1_b': zeros(HID), 'ip2_W': nx((HID, HID // 2)), 'ip2_b': zeros(HID // 2), 'ip3_W': nx((HID // 2, 1)), 'ip3_b': zeros(1), 'ln1_g': jnp.ones((HID,), jnp.float32), 'ln1_b': zeros(HID), 'ln2_g': jnp.ones((HID,), jnp.float32), 'ln2_b': zeros(HID)}


def setup_inputs(seed: int = 0):
    key = jax.random.key(seed)
    k1, k2, k3, k4 = jax.random.split(key, 4)
    x = jax.random.normal(k1, (SEQ, N, FIN), dtype=jnp.float32)
    edge_index = jax.random.randint(k2, (2, E), 0, N, dtype=jnp.int32)
    edge_weight = jax.random.uniform(k3, (E,), dtype=jnp.float32)
    params = _make_params(k4)
    return {'x': x, 'edge_index': edge_index, 'edge_weight': edge_weight, 'params': params}


def _gcn_conv(x, src, dst, ew, W, b, n):
    xw = x @ W
    loop = jnp.arange(n)
    s = jnp.concatenate([src, loop])
    d = jnp.concatenate([dst, loop])
    w = jnp.concatenate([ew, jnp.ones((n,), x.dtype)])
    deg = jax.ops.segment_sum(w, d, num_segments=n)
    safe = jnp.where(deg > 0, deg, 1.0)
    dinv = jnp.where(deg > 0, 1.0 / jnp.sqrt(safe), 0.0)
    norm = dinv[s] * w * dinv[d]
    out = jax.ops.segment_sum(norm[:, None] * xw[s], d, num_segments=n)
    return out + b


def _tgcn_cell(xt, src, dst, ew, p, n):
    H = jnp.zeros((n, HID), xt.dtype)
    cz = _gcn_conv(xt, src, dst, ew, p['Wzc'], p['bzc'], n)
    Z = jax.nn.sigmoid(jnp.concatenate([cz, H], axis=-1) @ p['Wzl'] + p['bzl'])
    cr = _gcn_conv(xt, src, dst, ew, p['Wrc'], p['brc'], n)
    R = jax.nn.sigmoid(jnp.concatenate([cr, H], axis=-1) @ p['Wrl'] + p['brl'])
    ch = _gcn_conv(xt, src, dst, ew, p['Whc'], p['bhc'], n)
    Ht = jnp.tanh(jnp.concatenate([ch, R * H], axis=-1) @ p['Whl'] + p['bhl'])
    return Z * H + (1.0 - Z) * Ht


def _transformer_conv(x, src, dst, p, n):
    q = x @ p['Wq'] + p['bq']
    k = x @ p['Wk'] + p['bk']
    v = x @ p['Wv'] + p['bv']
    alpha = jnp.sum(q[dst] * k[src], axis=-1) / jnp.sqrt(float(HID))
    m = jax.ops.segment_max(alpha, dst, num_segments=n)
    m = jnp.where(jnp.isfinite(m), m, 0.0)
    e = jnp.exp(alpha - m[dst])
    denom = jax.ops.segment_sum(e, dst, num_segments=n)
    msg = jax.ops.segment_sum(e[:, None] * v[src], dst, num_segments=n)
    out = msg / (denom[:, None] + 1e-16)
    return out + x @ p['Ws'] + p['bs']


def _layer_norm(h, g, b):
    mu = jnp.mean(h, axis=-1, keepdims=True)
    var = jnp.var(h, axis=-1, keepdims=True)
    return (h - mu) / jnp.sqrt(var + 1e-5) * g + b


def _forward(x, edge_index, edge_weight, params):
    src = edge_index[0]
    dst = edge_index[1]
    seq_len, n, _ = x.shape
    h_seq = jax.vmap(lambda xt: _tgcn_cell(xt, src, dst, edge_weight, params['tgcn'], n))(x)
    h_temporal = jnp.transpose(h_seq, (1, 0, 2))
    ht = h_temporal.reshape(-1, HID) @ params['proj_W'] + params['proj_b']
    ht = ht.reshape(n, seq_len, HID)
    ht = jnp.transpose(ht, (0, 2, 1))
    ht = jax.lax.conv_general_dilated(ht, params['conv_W'], (1,), ((1, 1),), dimension_numbers=('NCH', 'OIH', 'NCH')) + params['conv_b'][None, :, None]
    ht = jnp.transpose(ht, (0, 2, 1))
    ht = jnp.mean(ht, axis=1)
    hi = jnp.mean(h_temporal, axis=1)
    hi = _transformer_conv(hi, src, dst, params['tc1'], n)
    hi = jax.nn.relu(_layer_norm(hi, params['ln1_g'], params['ln1_b']))
    hi = _transformer_conv(hi, src, dst, params['tc2'], n)
    hi = jax.nn.relu(_layer_norm(hi, params['ln2_g'], params['ln2_b']))
    hi = hi + (hi @ params['skip_W'] + params['skip_b'])
    hc = jnp.concatenate([ht, hi], axis=-1)
    node_pred = hc @ params['pred_W'] + params['pred_b']
    d = hc.shape[-1]
    ni = jnp.broadcast_to(hc[:, None, :], (n, n, d))
    nj = jnp.broadcast_to(hc[None, :, :], (n, n, d))
    pairs = jnp.concatenate([ni, nj], axis=-1).reshape(-1, 2 * d)
    h = jax.nn.relu(pairs @ params['ip1_W'] + params['ip1_b'])
    h = jax.nn.relu(h @ params['ip2_W'] + params['ip2_b'])
    inter = jax.nn.sigmoid(h @ params['ip3_W'] + params['ip3_b']).reshape(n, n)
    return node_pred, inter


def reference(x, edge_index, edge_weight, params):
    return _forward(x, edge_index, edge_weight, params)

if __name__ == "__main__":
    import jax
    _d = setup_inputs()
    print(jax.jit(kernel)(*tuple(_d.values())))

</pallas_src>

<mosaic_0001>
#map = affine_map<(d0, d1) -> (0, 0)>
#map1 = affine_map<(d0, d1) -> (0)>
module attributes {stable_mosaic.version = 14 : i64} {
  func.func @_edge_scatter_body(%arg0: i32, %arg1: i32, %arg2: memref<128x128xi32, #tpu.memory_space<hbm>>, %arg3: memref<128x128xi32, #tpu.memory_space<hbm>>, %arg4: memref<128x128xf32, #tpu.memory_space<hbm>>, %arg5: memref<262144xf32, #tpu.memory_space<hbm>>, %arg6: memref<262144xf32, #tpu.memory_space<hbm>>, %arg7: memref<8x128xi32, #tpu.memory_space<vmem>>, %arg8: memref<8x128xi32, #tpu.memory_space<vmem>>, %arg9: memref<8x128xf32, #tpu.memory_space<vmem>>, %arg10: memref<8x128xi32, #tpu.memory_space<vmem>>, %arg11: memref<2048xf32, #tpu.memory_space<vmem>>, %arg12: memref<262144xf32, #tpu.memory_space<vmem_shared>>, %arg13: memref<!tpu.dma_semaphore, #tpu.memory_space<semaphore_mem>>, %arg14: memref<!tpu.dma_semaphore, #tpu.memory_space<semaphore_mem>>) attributes {dimension_semantics = [#tpu.dimension_semantics<core_parallel>, #tpu.dimension_semantics<subcore_parallel>], iteration_bounds = array<i64: 2, 16>, scalar_prefetch = 0 : i64, scratch_operands = 8 : i64, tpu.core_type = #tpu.core_type<sc_vector_subcore>, window_params = [{transform_indices = #map}, {transform_indices = #map}, {transform_indices = #map}, {transform_indices = #map1}, {transform_indices = #map1}]} {
    %mul3A = arith.constant 8 : i32
    %mul3A_0 = arith.muli %arg1, %mul3A : i32
    %dma_start3A = arith.constant 0 : i32
    %dma_start3A_1 = tpu.memref_slice %arg2[%mul3A_0, %dma_start3A] : memref<128x128xi32, #tpu.memory_space<hbm>> -> memref<8x128xi32, #tpu.memory_space<hbm>>
    %dma_start3A_2 = arith.constant 0 : i32
    %dma_start3A_3 = tpu.memref_slice %arg2[%mul3A_0, %dma_start3A_2] : memref<128x128xi32, #tpu.memory_space<hbm>> -> memref<8x128xi32, #tpu.memory_space<hbm>>
    tpu.enqueue_dma source(%dma_start3A_3 : memref<8x128xi32, #tpu.memory_space<hbm>>) target(%arg7 : memref<8x128xi32, #tpu.memory_space<vmem>>) target_semaphore(%arg13 : memref<!tpu.dma_semaphore, #tpu.memory_space<semaphore_mem>>)
    %mul3A_4 = arith.constant 8 : i32
    %mul3A_5 = arith.muli %arg1, %mul3A_4 : i32
    %dma_start3A_6 = arith.constant 0 : i32
    %dma_start3A_7 = tpu.memref_slice %arg3[%mul3A_5, %dma_start3A_6] : memref<128x128xi32, #tpu.memory_space<hbm>> -> memref<8x128xi32, #tpu.memory_space<hbm>>
    %dma_start3A_8 = arith.constant 0 : i32
    %dma_start3A_9 = tpu.memref_slice %arg3[%mul3A_5, %dma_start3A_8] : memref<128x128xi32, #tpu.memory_space<hbm>> -> memref<8x128xi32, #tpu.memory_space<hbm>>
    tpu.enqueue_dma source(%dma_start3A_9 : memref<8x128xi32, #tpu.memory_space<hbm>>) target(%arg8 : memref<8x128xi32, #tpu.memory_space<vmem>>) target_semaphore(%arg13 : memref<!tpu.dma_semaphore, #tpu.memory_space<semaphore_mem>>)
    %mul3A_10 = arith.constant 8 : i32
    %mul3A_11 = arith.muli %arg1, %mul3A_10 : i32
    %dma_start3A_12 = arith.constant 0 : i32
    %dma_start3A_13 = tpu.memref_slice %arg4[%mul3A_11, %dma_start3A_12] : memref<128x128xf32, #tpu.memory_space<hbm>> -> memref<8x128xf32, #tpu.memory_space<hbm>>
    %dma_start3A_14 = arith.constant 0 : i32
    %dma_start3A_15 = tpu.memref_slice %arg4[%mul3A_11, %dma_start3A_14] : memref<128x128xf32, #tpu.memory_space<hbm>> -> memref<8x128xf32, #tpu.memory_space<hbm>>
    tpu.enqueue_dma source(%dma_start3A_15 : memref<8x128xf32, #tpu.memory_space<hbm>>) target(%arg9 : memref<8x128xf32, #tpu.memory_space<vmem>>) target_semaphore(%arg13 : memref<!tpu.dma_semaphore, #tpu.memory_space<semaphore_mem>>)
    %scan3A = arith.constant 0 : i32
    %scan3A_16 = arith.constant 0 : i32
    %scan3A_17 = arith.constant 128 : i32
    %scan3A_18 = arith.addi %scan3A_16, %scan3A_17 : i32
    %scan3A_19 = arith.constant 1 : i32
    scf.for %scan3A_1546 = %scan3A_16 to %scan3A_18 step %scan3A_19  : i32 {
      %broadcast_in_dim3A = arith.constant 0.000000e+00 : f32
      %broadcast_in_dim3A_1547 = vector.broadcast %broadcast_in_dim3A : f32 to vector<16xf32>
      %mul3A_1548 = arith.constant 16 : i32
      %mul3A_1549 = arith.muli %scan3A_1546, %mul3A_1548 : i32
      %swap3A_1550 = arith.index_cast %mul3A_1549 : i32 to index
      %swap3A_1551 = tpu.vector_load %arg11[%swap3A_1550] {strides = array<i32>} : memref<2048xf32, #tpu.memory_space<vmem>>, vector<16xf32>,
      %swap3A_1552 = vector.shape_cast %swap3A_1551 : vector<16xf32> to vector<16xf32>
      %swap3A_1553 = vector.shape_cast %broadcast_in_dim3A_1547 : vector<16xf32> to vector<16xf32>
      tpu.vector_store %arg11[%swap3A_1550], %swap3A_1553 {strides = array<i32>} : memref<2048xf32, #tpu.memory_space<vmem>>, vector<16xf32>,
    }
    %scan3A_20 = arith.constant 128 : i32
    %mul3A_21 = arith.constant 16384 : i32
    %mul3A_22 = arith.muli %arg1, %mul3A_21 : i32
    %add3A = arith.constant 0 : i32
    %add3A_23 = arith.addi %mul3A_22, %add3A : i32
    %dma_start3A_24 = tpu.memref_slice %arg12[%add3A_23] : memref<262144xf32, #tpu.memory_space<vmem_shared>> -> memref<2048xf32, #tpu.memory_space<vmem_shared>>
    %dma_start3A_25 = tpu.memref_slice %arg12[%add3A_23] : memref<262144xf32, #tpu.memory_space<vmem_shared>> -> memref<2048xf32, #tpu.memory_space<vmem_shared>>
    tpu.enqueue_dma source(%arg11 : memref<2048xf32, #tpu.memory_space<vmem>>) target(%dma_start3A_25 : memref<2048xf32, #tpu.memory_space<vmem_shared>>) target_semaphore(%arg14 : memref<!tpu.dma_semaphore, #tpu.memory_space<semaphore_mem>>)
    %mul3A_26 = arith.constant 16384 : i32
    %mul3A_27 = arith.muli %arg1, %mul3A_26 : i32
    %add3A_28 = arith.constant 2048 : i32
    %add3A_29 = arith.addi %mul3A_27, %add3A_28 : i32
    %dma_start3A_30 = tpu.memref_slice %arg12[%add3A_29] : memref<262144xf32, #tpu.memory_space<vmem_shared>> -> memref<2048xf32, #tpu.memory_space<vmem_shared>>
    %dma_start3A_31 = tpu.memref_slice %arg12[%add3A_29] : memref<262144xf32, #tpu.memory_space<vmem_shared>> -> memref<2048xf32, #tpu.memory_space<vmem_shared>>
    tpu.enqueue_dma source(%arg11 : memref<2048xf32, #tpu.memory_space<vmem>>) target(%dma_start3A_31 : memref<2048xf32, #tpu.memory_space<vmem_shared>>) target_semaphore(%arg14 : memref<!tpu.dma_semaphore, #tpu.memory_space<semaphore_mem>>)
    %mul3A_32 = arith.constant 16384 : i32
    %mul3A_33 = arith.muli %arg1, %mul3A_32 : i32
    %add3A_34 = arith.constant 4096 : i32
    %add3A_35 = arith.addi %mul3A_33, %add3A_34 : i32
    %dma_start3A_36 = tpu.memref_slice %arg12[%add3A_35] : memref<262144xf32, #tpu.memory_space<vmem_shared>> -> memref<2048xf32, #tpu.memory_space<vmem_shared>>
    %dma_start3A_37 = tpu.memref_slice %arg12[%add3A_35] : memref<262144xf32, #tpu.memory_space<vmem_shared>> -> memref<2048xf32, #tpu.memory_space<vmem_shared>>
    tpu.enqueue_dma source(%arg11 : memref<2048xf32, #tpu.memory_space<vmem>>) target(%dma_start3A_37 : memref<2048xf32, #tpu.memory_space<vmem_shared>>) target_semaphore(%arg14 : memref<!tpu.dma_semaphore, #tpu.memory_space<semaphore_mem>>)
    %mul3A_38 = arith.constant 16384 : i32
    %mul3A_39 = arith.muli %arg1, %mul3A_38 : i32
    %add3A_40 = arith.constant 6144 : i32
    %add3A_41 = arith.addi %mul3A_39, %add3A_40 : i32
    %dma_start3A_42 = tpu.memref_slice %arg12[%add3A_41] : memref<262144xf32, #tpu.memory_space<vmem_shared>> -> memref<2048xf32, #tpu.memory_space<vmem_shared>>
    %dma_start3A_43 = tpu.memref_slice %arg12[%add3A_41] : memref<262144xf32, #tpu.memory_space<vmem_shared>> -> memref<2048xf32, #tpu.memory_space<vmem_shared>>
    tpu.enqueue_dma source(%arg11 : memref<2048xf32, #tpu.memory_space<vmem>>) target(%dma_start3A_43 : memref<2048xf32, #tpu.memory_space<vmem_shared>>) target_semaphore(%arg14 : memref<!tpu.dma_semaphore, #tpu.memory_space<semaphore_mem>>)
    %mul3A_44 = arith.constant 16384 : i32
    %mul3A_45 = arith.muli %arg1, %mul3A_44 : i32
    %add3A_46 = arith.constant 8192 : i32
    %add3A_47 = arith.addi %mul3A_45, %add3A_46 : i32
    %dma_start3A_48 = tpu.memref_slice %arg12[%add3A_47] : memref<262144xf32, #tpu.memory_space<vmem_shared>> -> memref<2048xf32, #tpu.memory_space<vmem_shared>>
    %dma_start3A_49 = tpu.memref_slice %arg12[%add3A_47] : memref<262144xf32, #tpu.memory_space<vmem_shared>> -> memref<2048xf32, #tpu.memory_space<vmem_shared>>
    tpu.enqueue_dma source(%arg11 : memref<2048xf32, #tpu.memory_space<vmem>>) target(%dma_start3A_49 : memref<2048xf32, #tpu.memory_space<vmem_shared>>) target_semaphore(%arg14 : memref<!tpu.dma_semaphore, #tpu.memory_space<semaphore_mem>>)
    %mul3A_50 = arith.constant 16384 : i32
    %mul3A_51 = arith.muli %arg1, %mul3A_50 : i32
    %add3A_52 = arith.constant 10240 : i32
    %add3A_53 = arith.addi %mul3A_51, %add3A_52 : i32
    %dma_start3A_54 = tpu.memref_slice %arg12[%add3A_53] : memref<262144xf32, #tpu.memory_space<vmem_shared>> -> memref<2048xf32, #tpu.memory_space<vmem_shared>>
    %dma_start3A_55 = tpu.memref_slice %arg12[%add3A_53] : memref<262144xf32, #tpu.memory_space<vmem_shared>> -> memref<2048xf32, #tpu.memory_space<vmem_shared>>
    tpu.enqueue_dma source(%arg11 : memref<2048xf32, #tpu.memory_space<vmem>>) target(%dma_start3A_55 : memref<2048xf32, #tpu.memory_space<vmem_shared>>) target_semaphore(%arg14 : memref<!tpu.dma_semaphore, #tpu.memory_space<semaphore_mem>>)
    %mul3A_56 = arith.constant 16384 : i32
    %mul3A_57 = arith.muli %arg1, %mul3A_56 : i32
    %add3A_58 = arith.constant 12288 : i32
    %add3A_59 = arith.addi %mul3A_57, %add3A_58 : i32
    %dma_start3A_60 = tpu.memref_slice %arg12[%add3A_59] : memref<262144xf32, #tpu.memory_space<vmem_shared>> -> memref<2048xf32, #tpu.memory_space<vmem_shared>>
    %dma_start3A_61 = tpu.memref_slice %arg12[%add3A_59] : memref<262144xf32, #tpu.memory_space<vmem_shared>> -> memref<2048xf32, #tpu.memory_space<vmem_shared>>
    tpu.enqueue_dma source(%arg11 : memref<2048xf32, #tpu.memory_space<vmem>>) target(%dma_start3A_61 : memref<2048xf32, #tpu.memory_space<vmem_shared>>) target_semaphore(%arg14 : memref<!tpu.dma_semaphore, #tpu.memory_space<semaphore_mem>>)
    %mul3A_62 = arith.constant 16384 : i32
    %mul3A_63 = arith.muli %arg1, %mul3A_62 : i32
    %add3A_64 = arith.constant 14336 : i32
    %add3A_65 = arith.addi %mul3A_63, %add3A_64 : i32
    %dma_start3A_66 = tpu.memref_slice %arg12[%add3A_65] : memref<262144xf32, #tpu.memory_space<vmem_shared>> -> memref<2048xf32, #tpu.memory_space<vmem_shared>>
    %dma_start3A_67 = tpu.memref_slice %arg12[%add3A_65] : memref<262144xf32, #tpu.memory_space<vmem_shared>> -> memref<2048xf32, #tpu.memory_space<vmem_shared>>
    tpu.enqueue_dma source(%arg11 : memref<2048xf32, #tpu.memory_space<vmem>>) target(%dma_start3A_67 : memref<2048xf32, #tpu.memory_space<vmem_shared>>) target_semaphore(%arg14 : memref<!tpu.dma_semaphore, #tpu.memory_space<semaphore_mem>>)
    %dma_wait3A = arith.constant 0 : i32
    %dma_wait3A_68 = tpu.memref_slice %arg2[%mul3A_0, %dma_wait3A] : memref<128x128xi32, #tpu.memory_space<hbm>> -> memref<8x128xi32, #tpu.memory_space<hbm>>
    %dma_wait3A_69 = arith.constant 0 : i32
    %dma_wait3A_70 = tpu.memref_slice %arg2[%mul3A_0, %dma_wait3A_69] : memref<128x128xi32, #tpu.memory_space<hbm>> -> memref<8x128xi32, #tpu.memory_space<hbm>>
    tpu.wait_dma2 semaphore(%arg13 : memref<!tpu.dma_semaphore, #tpu.memory_space<semaphore_mem>>) src(%dma_wait3A_70 : memref<8x128xi32, #tpu.memory_space<hbm>>) dst(%arg7 : memref<8x128xi32, #tpu.memory_space<vmem>>)
    %dma_wait3A_71 = arith.constant 0 : i32
    %dma_wait3A_72 = tpu.memref_slice %arg3[%mul3A_5, %dma_wait3A_71] : memref<128x128xi32, #tpu.memory_space<hbm>> -> memref<8x128xi32, #tpu.memory_space<hbm>>
    %dma_wait3A_73 = arith.constant 0 : i32
    %dma_wait3A_74 = tpu.memref_slice %arg3[%mul3A_5, %dma_wait3A_73] : memref<128x128xi32, #tpu.memory_space<hbm>> -> memref<8x128xi32, #tpu.memory_space<hbm>>
    tpu.wait_dma2 semaphore(%arg13 : memref<!tpu.dma_semaphore, #tpu.memory_space<semaphore_mem>>) src(%dma_wait3A_74 : memref<8x128xi32, #tpu.memory_space<hbm>>) dst(%arg8 : memref<8x128xi32, #tpu.memory_space<vmem>>)
    %dma_wait3A_75 = arith.constant 0 : i32
    %dma_wait3A_76 = tpu.memref_slice %arg4[%mul3A_11, %dma_wait3A_75] : memref<128x128xf32, #tpu.memory_space<hbm>> -> memref<8x128xf32, #tpu.memory_space<hbm>>
    %dma_wait3A_77 = arith.constant 0 : i32
    %dma_wait3A_78 = tpu.memref_slice %arg4[%mul3A_11, %dma_wait3A_77] : memref<128x128xf32, #tpu.memory_space<hbm>> -> memref<8x128xf32, #tpu.memory_space<hbm>>
    tpu.wait_dma2 semaphore(%arg13 : memref<!tpu.dma_semaphore, #tpu.memory_space<semaphore_mem>>) src(%dma_wait3A_78 : memref<8x128xf32, #tpu.memory_space<hbm>>) dst(%arg9 : memref<8x128xf32, #tpu.memory_space<vmem>>)
    %eq3A = arith.constant 1 : i32
    %eq3A_79 = arith.cmpi eq, %arg0, %eq3A : i32
    %convert_element_type3A = arith.extui %eq3A_79 : i1 to i32
    %cond3A = arith.constant 0 : i32
    %cond3A_80 = arith.cmpi ne, %convert_element_type3A, %cond3A : i32
    scf.if %cond3A_80 {
      %broadcast_in_dim3A = arith.constant 1.000000e+00 : f32
      %broadcast_in_dim3A_1546 = vector.broadcast %broadcast_in_dim3A : f32 to vector<16xf32>
      %swap3A_1547 = arith.constant 0 : i32
      %swap3A_1548 = arith.index_cast %swap3A_1547 : i32 to index
      %swap3A_1549 = arith.constant 0 : index
      %swap3A_1550 = tpu.vector_load %arg9[%swap3A_1548, %swap3A_1549] {strides = array<i32>} : memref<8x128xf32, #tpu.memory_space<vmem>>, vector<1x16xf32>,
      %swap3A_1551 = vector.shape_cast %swap3A_1550 : vector<1x16xf32> to vector<16xf32>
      %swap3A_1552 = vector.shape_cast %broadcast_in_dim3A_1546 : vector<16xf32> to vector<1x16xf32>
      tpu.vector_store %arg9[%swap3A_1548, %swap3A_1549], %swap3A_1552 {strides = array<i32>} : memref<8x128xf32, #tpu.memory_space<vmem>>, vector<1x16xf32>,
      %broadcast_in_dim3A_1553 = arith.constant 1.000000e+00 : f32
      %broadcast_in_dim3A_1554 = vector.broadcast %broadcast_in_dim3A_1553 : f32 to vector<16xf32>
      %swap3A_1555 = arith.constant 0 : i32
      %swap3A_1556 = arith.index_cast %swap3A_1555 : i32 to index
      %swap3A_1557 = arith.constant 16 : index
      %swap3A_1558 = tpu.vector_load %arg9[%swap3A_1556, %swap3A_1557] {strides = array<i32>} : memref<8x128xf32, #tpu.memory_space<vmem>>, vector<1x16xf32>,
      %swap3A_1559 = vector.shape_cast %swap3A_1558 : vector<1x16xf32> to vector<16xf32>
      %swap3A_1560 = vector.shape_cast %broadcast_in_dim3A_1554 : vector<16xf32> to vector<1x16xf32>
      tpu.vector_store %arg9[%swap3A_1556, %swap3A_1557], %swap3A_1560 {strides = array<i32>} : memref<8x128xf32, #tpu.memory_space<vmem>>, vector<1x16xf32>,
      %broadcast_in_dim3A_1561 = arith.constant 1.000000e+00 : f32
      %broadcast_in_dim3A_1562 = vector.broadcast %broadcast_in_dim3A_1561 : f32 to vector<16xf32>
      %swap3A_1563 = arith.constant 0 : i32
      %swap3A_1564 = arith.index_cast %swap3A_1563 : i32 to index
      %swap3A_1565 = arith.constant 32 : index
      %swap3A_1566 = tpu.vector_load %arg9[%swap3A_1564, %swap3A_1565] {strides = array<i32>} : memref<8x128xf32, #tpu.memory_space<vmem>>, vector<1x16xf32>,
      %swap3A_1567 = vector.shape_cast %swap3A_1566 : vector<1x16xf32> to vector<16xf32>
      %swap3A_1568 = vector.shape_cast %broadcast_in_dim3A_1562 : vector<16xf32> to vector<1x16xf32>
      tpu.vector_store %arg9[%swap3A_1564, %swap3A_1565], %swap3A_1568 {strides = array<i32>} : memref<8x128xf32, #tpu.memory_space<vmem>>, vector<1x16xf32>,
      %broadcast_in_dim3A_1569 = arith.constant 1.000000e+00 : f32
      %broadcast_in_dim3A_1570 = vector.broadcast %broadcast_in_dim3A_1569 : f32 to vector<16xf32>
      %swap3A_1571 = arith.constant 0 : i32
      %swap3A_1572 = arith.index_cast %swap3A_1571 : i32 to index
      %swap3A_1573 = arith.constant 48 : index
      %swap3A_1574 = tpu.vector_load %arg9[%swap3A_1572, %swap3A_1573] {strides = array<i32>} : memref<8x128xf32, #tpu.memory_space<vmem>>, vector<1x16xf32>,
      %swap3A_1575 = vector.shape_cast %swap3A_1574 : vector<1x16xf32> to vector<16xf32>
      %swap3A_1576 = vector.shape_cast %broadcast_in_dim3A_1570 : vector<16xf32> to vector<1x16xf32>
      tpu.vector_store %arg9[%swap3A_1572, %swap3A_1573], %swap3A_1576 {strides = array<i32>} : memref<8x128xf32, #tpu.memory_space<vmem>>, vector<1x16xf32>,
      %broadcast_in_dim3A_1577 = arith.constant 1.000000e+00 : f32
      %broadcast_in_dim3A_1578 = vector.broadcast %broadcast_in_dim3A_1577 : f32 to vector<16xf32>
      %swap3A_1579 = arith.constant 0 : i32
      %swap3A_1580 = arith.index_cast %swap3A_1579 : i32 to index
      %swap3A_1581 = arith.constant 64 : index
      %swap3A_1582 = tpu.vector_load %arg9[%swap3A_1580, %swap3A_1581] {strides = array<i32>} : memref<8x128xf32, #tpu.memory_space<vmem>>, vector<1x16xf32>,
      %swap3A_1583 = vector.shape_cast %swap3A_1582 : vector<1x16xf32> to vector<16xf32>
      %swap3A_1584 = vector.shape_cast %broadcast_in_dim3A_1578 : vector<16xf32> to vector<1x16xf32>
      tpu.vector_store %arg9[%swap3A_1580, %swap3A_1581], %swap3A_1584 {strides = array<i32>} : memref<8x128xf32, #tpu.memory_space<vmem>>, vector<1x16xf32>,
      %broadcast_in_dim3A_1585 = arith.constant 1.000000e+00 : f32
      %broadcast_in_dim3A_1586 = vector.broadcast %broadcast_in_dim3A_1585 : f32 to vector<16xf32>
      %swap3A_1587 = arith.constant 0 : i32
      %swap3A_1588 = arith.index_cast %swap3A_1587 : i32 to index
      %swap3A_1589 = arith.constant 80 : index
      %swap3A_1590 = tpu.vector_load %arg9[%swap3A_1588, %swap3A_1589] {strides = array<i32>} : memref<8x128xf32, #tpu.memory_space<vmem>>, vector<1x16xf32>,
      %swap3A_1591 = vector.shape_cast %swap3A_1590 : vector<1x16xf32> to vector<16xf32>
      %swap3A_1592 = vector.shape_cast %broadcast_in_dim3A_1586 : vector<16xf32> to vector<1x16xf32>
      tpu.vector_store %arg9[%swap3A_1588, %swap3A_1589], %swap3A_1592 {strides = array<i32>} : memref<8x128xf32, #tpu.memory_space<vmem>>, vector<1x16xf32>,
      %broadcast_in_dim3A_1593 = arith.constant 1.000000e+00 : f32
      %broadcast_in_dim3A_1594 = vector.broadcast %broadcast_in_dim3A_1593 : f32 to vector<16xf32>
      %swap3A_1595 = arith.constant 0 : i32
      %swap3A_1596 = arith.index_cast %swap3A_1595 : i32 to index
      %swap3A_1597 = arith.constant 96 : index
      %swap3A_1598 = tpu.vector_load %arg9[%swap3A_1596, %swap3A_1597] {strides = array<i32>} : memref<8x128xf32, #tpu.memory_space<vmem>>, vector<1x16xf32>,
      %swap3A_1599 = vector.shape_cast %swap3A_1598 : vector<1x16xf32> to vector<16xf32>
      %swap3A_1600 = vector.shape_cast %broadcast_in_dim3A_1594 : vector<16xf32> to vector<1x16xf32>
      tpu.vector_store %arg9[%swap3A_1596, %swap3A_1597], %swap3A_1600 {strides = array<i32>} : memref<8x128xf32, #tpu.memory_space<vmem>>, vector<1x16xf32>,
      %broadcast_in_dim3A_1601 = arith.constant 1.000000e+00 : f32
      %broadcast_in_dim3A_1602 = vector.broadcast %broadcast_in_dim3A_1601 : f32 to vector<16xf32>
      %swap3A_1603 = arith.constant 0 : i32
      %swap3A_1604 = arith.index_cast %swap3A_1603 : i32 to index
      %swap3A_1605 = arith.constant 112 : index
      %swap3A_1606 = tpu.vector_load %arg9[%swap3A_1604, %swap3A_1605] {strides = array<i32>} : memref<8x128xf32, #tpu.memory_space<vmem>>, vector<1x16xf32>,
      %swap3A_1607 = vector.shape_cast %swap3A_1606 : vector<1x16xf32> to vector<16xf32>
      %swap3A_1608 = vector.shape_cast %broadcast_in_dim3A_1602 : vector<16xf32> to vector<1x16xf32>
      tpu.vector_store %arg9[%swap3A_1604, %swap3A_1605], %swap3A_1608 {strides = array<i32>} : memref<8x128xf32, #tpu.memory_space<vmem>>, vector<1x16xf32>,
      %broadcast_in_dim3A_1609 = arith.constant 1.000000e+00 : f32
      %broadcast_in_dim3A_1610 = vector.broadcast %broadcast_in_dim3A_1609 : f32 to vector<16xf32>
      %swap3A_1611 = arith.constant 1 : i32
      %swap3A_1612 = arith.index_cast %swap3A_1611 : i32 to index
      %swap3A_1613 = arith.constant 0 : index
      %swap3A_1614 = tpu.vector_load %arg9[%swap3A_1612, %swap3A_1613] {strides = array<i32>} : memref<8x128xf32, #tpu.memory_space<vmem>>, vector<1x16xf32>,
      %swap3A_1615 = vector.shape_cast %swap3A_1614 : vector<1x16xf32> to vector<16xf32>
      %swap3A_1616 = vector.shape_cast %broadcast_in_dim3A_1610 : vector<16xf32> to vector<1x16xf32>
      tpu.vector_store %arg9[%swap3A_1612, %swap3A_1613], %swap3A_1616 {strides = array<i32>} : memref<8x128xf32, #tpu.memory_space<vmem>>, vector<1x16xf32>,
      %broadcast_in_dim3A_1617 = arith.constant 1.000000e+00 : f32
      %broadcast_in_dim3A_1618 = vector.broadcast %broadcast_in_dim3A_1617 : f32 to vector<16xf32>
      %swap3A_1619 = arith.constant 1 : i32
      %swap3A_1620 = arith.index_cast %swap3A_1619 : i32 to index
      %swap3A_1621 = arith.constant 16 : index
      %swap3A_1622 = tpu.vector_load %arg9[%swap3A_1620, %swap3A_1621] {strides = array<i32>} : memref<8x128xf32, #tpu.memory_space<vmem>>, vector<1x16xf32>,
      %swap3A_1623 = vector.shape_cast %swap3A_1622 : vector<1x16xf32> to vector<16xf32>
      %swap3A_1624 = vector.shape_cast %broadcast_in_dim3A_1618 : vector<16xf32> to vector<1x16xf32>
      tpu.vector_store %arg9[%swap3A_1620, %swap3A_1621], %swap3A_1624 {strides = array<i32>} : memref<8x128xf32, #tpu.memory_space<vmem>>, vector<1x16xf32>,
      %broadcast_in_dim3A_1625 = arith.constant 1.000000e+00 : f32
      %broadcast_in_dim3A_1626 = vector.broadcast %broadcast_in_dim3A_1625 : f32 to vector<16xf32>
      %swap3A_1627 = arith.constant 1 : i32
      %swap3A_1628 = arith.index_cast %swap3A_1627 : i32 to index
      %swap3A_1629 = arith.constant 32 : index
      %swap3A_1630 = tpu.vector_load %arg9[%swap3A_1628, %swap3A_1629] {strides = array<i32>} : memref<8x128xf32, #tpu.memory_space<vmem>>, vector<1x16xf32>,
      %swap3A_1631 = vector.shape_cast %swap3A_1630 : vector<1x16xf32> to vector<16xf32>
      %swap3A_1632 = vector.shape_cast %broadcast_in_dim3A_1626 : vector<16xf32> to vector<1x16xf32>
      tpu.vector_store %arg9[%swap3A_1628, %swap3A_1629], %swap3A_1632 {strides = array<i32>} : memref<8x128xf32, #tpu.memory_space<vmem>>, vector<1x16xf32>,
      %broadcast_in_dim3A_1633 = arith.constant 1.000000e+00 : f32
      %broadcast_in_dim3A_1634 = vector.broadcast %broadcast_in_dim3A_1633 : f32 to vector<16xf32>
      %swap3A_1635 = arith.constant 1 : i32
      %swap3A_1636 = arith.index_cast %swap3A_1635 : i32 to index
      %swap3A_1637 = arith.constant 48 : index
      %swap3A_1638 = tpu.vector_load %arg9[%swap3A_1636, %swap3A_1637] {strides = array<i32>} : memref<8x128xf32, #tpu.memory_space<vmem>>, vector<1x16xf32>,
      %swap3A_1639 = vector.shape_cast %swap3A_1638 : vector<1x16xf32> to vector<16xf32>
      %swap3A_1640 = vector.shape_cast %broadcast_in_dim3A_1634 : vector<16xf32> to vector<1x16xf32>
      tpu.vector_store %arg9[%swap3A_1636, %swap3A_1637], %swap3A_1640 {strides = array<i32>} : memref<8x128xf32, #tpu.memory_space<vmem>>, vector<1x16xf32>,
      %broadcast_in_dim3A_1641 = arith.constant 1.000000e+00 : f32
      %broadcast_in_dim3A_1642 = vector.broadcast %broadcast_in_dim3A_1641 : f32 to vector<16xf32>
      %swap3A_1643 = arith.constant 1 : i32
      %swap3A_1644 = arith.index_cast %swap3A_1643 : i32 to index
      %swap3A_1645 = arith.constant 64 : index
      %swap3A_1646 = tpu.vector_load %arg9[%swap3A_1644, %swap3A_1645] {strides = array<i32>} : memref<8x128xf32, #tpu.memory_space<vmem>>, vector<1x16xf32>,
      %swap3A_1647 = vector.shape_cast %swap3A_1646 : vector<1x16xf32> to vector<16xf32>
      %swap3A_1648 = vector.shape_cast %broadcast_in_dim3A_1642 : vector<16xf32> to vector<1x16xf32>
      tpu.vector_store %arg9[%swap3A_1644, %swap3A_1645], %swap3A_1648 {strides = array<i32>} : memref<8x128xf32, #tpu.memory_space<vmem>>, vector<1x16xf32>,
      %broadcast_in_dim3A_1649 = arith.constant 1.000000e+00 : f32
      %broadcast_in_dim3A_1650 = vector.broadcast %broadcast_in_dim3A_1649 : f32 to vector<16xf32>
      %swap3A_1651 = arith.constant 1 : i32
      %swap3A_1652 = arith.index_cast %swap3A_1651 : i32 to index
      %swap3A_1653 = arith.constant 80 : index
      %swap3A_1654 = tpu.vector_load %arg9[%swap3A_1652, %swap3A_1653] {strides = array<i32>} : memref<8x128xf32, #tpu.memory_space<vmem>>, vector<1x16xf32>,
      %swap3A_1655 = vector.shape_cast %swap3A_1654 : vector<1x16xf32> to vector<16xf32>
      %swap3A_1656 = vector.shape_cast %broadcast_in_dim3A_1650 : vector<16xf32> to vector<1x16xf32>
      tpu.vector_store %arg9[%swap3A_1652, %swap3A_1653], %swap3A_1656 {strides = array<i32>} : memref<8x128xf32, #tpu.memory_space<vmem>>, vector<1x16xf32>,
      %broadcast_in_dim3A_1657 = arith.constant 1.000000e+00 : f32
      %broadcast_in_dim3A_1658 = vector.broadcast %broadcast_in_dim3A_1657 : f32 to vector<16xf32>
      %swap3A_1659 = arith.constant 1 : i32
      %swap3A_1660 = arith.index_cast %swap3A_1659 : i32 to index
      %swap3A_1661 = arith.constant 96 : index
      %swap3A_1662 = tpu.vector_load %arg9[%swap3A_1660, %swap3A_1661] {strides = array<i32>} : memref<8x128xf32, #tpu.memory_space<vmem>>, vector<1x16xf32>,
      %swap3A_1663 = vector.shape_cast %swap3A_1662 : vector<1x16xf32> to vector<16xf32>
      %swap3A_1664 = vector.shape_cast %broadcast_in_dim3A_1658 : vector<16xf32> to vector<1x16xf32>
      tpu.vector_store %arg9[%swap3A_1660, %swap3A_1661], %swap3A_1664 {strides = array<i32>} : memref<8x128xf32, #tpu.memory_space<vmem>>, vector<1x16xf32>,
      %broadcast_in_dim3A_1665 = arith.constant 1.000000e+00 : f32
      %broadcast_in_dim3A_1666 = vector.broadcast %broadcast_in_dim3A_1665 : f32 to vector<16xf32>
      %swap3A_1667 = arith.constant 1 : i32
      %swap3A_1668 = arith.index_cast %swap3A_1667 : i32 to index
      %swap3A_1669 = arith.constant 112 : index
      %swap3A_1670 = tpu.vector_load %arg9[%swap3A_1668, %swap3A_1669] {strides = array<i32>} : memref<8x128xf32, #tpu.memory_space<vmem>>, vector<1x16xf32>,
      %swap3A_1671 = vector.shape_cast %swap3A_1670 : vector<1x16xf32> to vector<16xf32>
      %swap3A_1672 = vector.shape_cast %broadcast_in_dim3A_1666 : vector<16xf32> to vector<1x16xf32>
      tpu.vector_store %arg9[%swap3A_1668, %swap3A_1669], %swap3A_1672 {strides = array<i32>} : memref<8x128xf32, #tpu.memory_space<vmem>>, vector<1x16xf32>,
      %broadcast_in_dim3A_1673 = arith.constant 1.000000e+00 : f32
      %broadcast_in_dim3A_1674 = vector.broadcast %broadcast_in_dim3A_1673 : f32 to vector<16xf32>
      %swap3A_1675 = arith.constant 2 : i32
      %swap3A_1676 = arith.index_cast %swap3A_1675 : i32 to index
      %swap3A_1677 = arith.constant 0 : index
      %swap3A_1678 = tpu.vector_load %arg9[%swap3A_1676, %swap3A_1677] {strides = array<i32>} : memref<8x128xf32, #tpu.memory_space<vmem>>, vector<1x16xf32>,
      %swap3A_1679 = vector.shape_cast %swap3A_1678 : vector<1x16xf32> to vector<16xf32>
      %swap3A_1680 = vector.shape_cast %broadcast_in_dim3A_1674 : vector<16xf32> to vector<1x16xf32>
      tpu.vector_store %arg9[%swap3A_1676, %swap3A_1677], %swap3A_1680 {strides = array<i32>} : memref<8x128xf32, #tpu.memory_space<vmem>>, vector<1x16xf32>,
      %broadcast_in_dim3A_1681 = arith.constant 1.000000e+00 : f32
      %broadcast_in_dim3A_1682 = vector.broadcast %broadcast_in_dim3A_1681 : f32 to vector<16xf32>
      %swap3A_1683 = arith.constant 2 : i32
      %swap3A_1684 = arith.index_cast %swap3A_1683 : i32 to index
      %swap3A_1685 = arith.constant 16 : index
      %swap3A_1686 = tpu.vector_load %arg9[%swap3A_1684, %swap3A_1685] {strides = array<i32>} : memref<8x128xf32, #tpu.memory_space<vmem>>, vector<1x16xf32>,
      %swap3A_1687 = vector.shape_cast %swap3A_1686 : vector<1x16xf32> to vector<16xf32>
      %swap3A_1688 = vector.shape_cast %broadcast_in_dim3A_1682 : vector<16xf32> to vector<1x16xf32>
      tpu.vector_store %arg9[%swap3A_1684, %swap3A_1685], %swap3A_1688 {strides = array<i32>} : memref<8x128xf32, #tpu.memory_space<vmem>>, vector<1x16xf32>,
      %broadcast_in_dim3A_1689 = arith.constant 1.000000e+00 : f32
      %broadcast_in_dim3A_1690 = vector.broadcast %broadcast_in_dim3A_1689 : f32 to vector<16xf32>
      %swap3A_1691 = arith.constant 2 : i32
      %swap3A_1692 = arith.index_cast %swap3A_1691 : i32 to index
      %swap3A_1693 = arith.constant 32 : index
      %swap3A_1694 = tpu.vector_load %arg9[%swap3A_1692, %swap3A_1693] {strides = array<i32>} : memref<8x128xf32, #tpu.memory_space<vmem>>, vector<1x16xf32>,
      %swap3A_1695 = vector.shape_cast %swap3A_1694 : vector<1x16xf32> to vector<16xf32>
      %swap3A_1696 = vector.shape_cast %broadcast_in_dim3A_1690 : vector<16xf32> to vector<1x16xf32>
      tpu.vector_store %arg9[%swap3A_1692, %swap3A_1693], %swap3A_1696 {strides = array<i32>} : memref<8x128xf32, #tpu.memory_space<vmem>>, vector<1x16xf32>,
      %broadcast_in_dim3A_1697 = arith.constant 1.000000e+00 : f32
      %broadcast_in_dim3A_1698 = vector.broadcast %broadcast_in_dim3A_1697 : f32 to vector<16xf32>
      %swap3A_1699 = arith.constant 2 : i32
      %swap3A_1700 = arith.index_cast %swap3A_1699 : i32 to index
      %swap3A_1701 = arith.constant 48 : index
      %swap3A_1702 = tpu.vector_load %arg9[%swap3A_1700, %swap3A_1701] {strides = array<i32>} : memref<8x128xf32, #tpu.memory_space<vmem>>, vector<1x16xf32>,
      %swap3A_1703 = vector.shape_cast %swap3A_1702 : vector<1x16xf32> to vector<16xf32>
      %swap3A_1704 = vector.shape_cast %broadcast_in_dim3A_1698 : vector<16xf32> to vector<1x16xf32>
      tpu.vector_store %arg9[%swap3A_1700, %swap3A_1701], %swap3A_1704 {strides = array<i32>} : memref<8x128xf32, #tpu.memory_space<vmem>>, vector<1x16xf32>,
      %broadcast_in_dim3A_1705 = arith.constant 1.000000e+00 : f32
      %broadcast_in_dim3A_1706 = vector.broadcast %broadcast_in_dim3A_1705 : f32 to vector<16xf32>
      %swap3A_1707 = arith.constant 2 : i32
      %swap3A_1708 = arith.index_cast %swap3A_1707 : i32 to index
      %swap3A_1709 = arith.constant 64 : index
      %swap3A_1710 = tpu.vector_load %arg9[%swap3A_1708, %swap3A_1709] {strides = array<i32>} : memref<8x128xf32, #tpu.memory_space<vmem>>, vector<1x16xf32>,
      %swap3A_1711 = vector.shape_cast %swap3A_1710 : vector<1x16xf32> to vector<16xf32>
      %swap3A_1712 = vector.shape_cast %broadcast_in_dim3A_1706 : vector<16xf32> to vector<1x16xf32>
      tpu.vector_store %arg9[%swap3A_1708, %swap3A_1709], %swap3A_1712 {strides = array<i32>} : memref<8x128xf32, #tpu.memory_space<vmem>>, vector<1x16xf32>,
      %broadcast_in_dim3A_1713 = arith.constant 1.000000e+00 : f32
      %broadcast_in_dim3A_1714 = vector.broadcast %broadcast_in_dim3A_1713 : f32 to vector<16xf32>
      %swap3A_1715 = arith.constant 2 : i32
      %swap3A_1716 = arith.index_cast %swap3A_1715 : i32 to index
      %swap3A_1717 = arith.constant 80 : index
      %swap3A_1718 = tpu.vector_load %arg9[%swap3A_1716, %swap3A_1717] {strides = array<i32>} : memref<8x128xf32, #tpu.memory_space<vmem>>, vector<1x16xf32>,
      %swap3A_1719 = vector.shape_cast %swap3A_1718 : vector<1x16xf32> to vector<16xf32>
      %swap3A_1720 = vector.shape_cast %broadcast_in_dim3A_1714 : vector<16xf32> to vector<1x16xf32>
      tpu.vector_store %arg9[%swap3A_1716, %swap3A_1717], %swap3A_1720 {strides = array<i32>} : memref<8x128xf32, #tpu.memory_space<vmem>>, vector<1x16xf32>,
      %broadcast_in_dim3A_1721 = arith.constant 1.000000e+00 : f32
      %broadcast_in_dim3A_1722 = vector.broadcast %broadcast_in_dim3A_1721 : f32 to vector<16xf32>
      %swap3A_1723 = arith.constant 2 : i32
      %swap3A_1724 = arith.index_cast %swap3A_1723 : i32 to index
      %swap3A_1725 = arith.constant 96 : index
      %swap3A_1726 = tpu.vector_load %arg9[%swap3A_1724, %swap3A_1725] {strides = array<i32>} : memref<8x128xf32, #tpu.memory_space<vmem>>, vector<1x16xf32>,
      %swap3A_1727 = vector.shape_cast %swap3A_1726 : vector<1x16xf32> to vector<16xf32>
      %swap3A_1728 = vector.shape_cast %broadcast_in_dim3A_1722 : vector<16xf32> to vector<1x16xf32>
      tpu.vector_store %arg9[%swap3A_1724, %swap3A_1725], %swap3A_1728 {strides = array<i32>} : memref<8x128xf32, #tpu.memory_space<vmem>>, vector<1x16xf32>,
      %broadcast_in_dim3A_1729 = arith.constant 1.000000e+00 : f32
      %broadcast_in_dim3A_1730 = vector.broadcast %broadcast_in_dim3A_1729 : f32 to vector<16xf32>
      %swap3A_1731 = arith.constant 2 : i32
      %swap3A_1732 = arith.index_cast %swap3A_1731 : i32 to index
      %swap3A_1733 = arith.constant 112 : index
      %swap3A_1734 = tpu.vector_load %arg9[%swap3A_1732, %swap3A_1733] {strides = array<i32>} : memref<8x128xf32, #tpu.memory_space<vmem>>, vector<1x16xf32>,
      %swap3A_1735 = vector.shape_cast %swap3A_1734 : vector<1x16xf32> to vector<16xf32>
      %swap3A_1736 = vector.shape_cast %broadcast_in_dim3A_1730 : vector<16xf32> to vector<1x16xf32>
      tpu.vector_store %arg9[%swap3A_1732, %swap3A_1733], %swap3A_1736 {strides = array<i32>} : memref<8x128xf32, #tpu.memory_space<vmem>>, vector<1x16xf32>,
      %broadcast_in_dim3A_1737 = arith.constant 1.000000e+00 : f32
      %broadcast_in_dim3A_1738 = vector.broadcast %broadcast_in_dim3A_1737 : f32 to vector<16xf32>
      %swap3A_1739 = arith.constant 3 : i32
      %swap3A_1740 = arith.index_cast %swap3A_1739 : i32 to index
      %swap3A_1741 = arith.constant 0 : index
      %swap3A_1742 = tpu.vector_load %arg9[%swap3A_1740, %swap3A_1741] {strides = array<i32>} : memref<8x128xf32, #tpu.memory_space<vmem>>, vector<1x16xf32>,
      %swap3A_1743 = vector.shape_cast %swap3A_1742 : vector<1x16xf32> to vector<16xf32>
      %swap3A_1744 = vector.shape_cast %broadcast_in_dim3A_1738 : vector<16xf32> to vector<1x16xf32>
      tpu.vector_store %arg9[%swap3A_1740, %swap3A_1741], %swap3A_1744 {strides = array<i32>} : memref<8x128xf32, #tpu.memory_space<vmem>>, vector<1x16xf32>,
      %broadcast_in_dim3A_1745 = arith.constant 1.000000e+00 : f32
      %broadcast_in_dim3A_1746 = vector.broadcast %broadcast_in_dim3A_1745 : f32 to vector<16xf32>
      %swap3A_1747 = arith.constant 3 : i32
      %swap3A_1748 = arith.index_cast %swap3A_1747 : i32 to index
      %swap3A_1749 = arith.constant 16 : index
      %swap3A_1750 = tpu.vector_load %arg9[%swap3A_1748, %swap3A_1749] {strides = array<i32>} : memref<8x128xf32, #tpu.memory_space<vmem>>, vector<1x16xf32>,
      %swap3A_1751 = vector.shape_cast %swap3A_1750 : vector<1x16xf32> to vector<16xf32>
      %swap3A_1752 = vector.shape_cast %broadcast_in_dim3A_1746 : vector<16xf32> to vector<1x16xf32>
      tpu.vector_store %arg9[%swap3A_1748, %swap3A_1749], %swap3A_1752 {strides = array<i32>} : memref<8x128xf32, #tpu.memory_space<vmem>>, vector<1x16xf32>,
      %broadcast_in_dim3A_1753 = arith.constant 1.000000e+00 : f32
      %broadcast_in_dim3A_1754 = vector.broadcast %broadcast_in_dim3A_1753 : f32 to vector<16xf32>
      %swap3A_1755 = arith.constant 3 : i32
      %swap3A_1756 = arith.index_cast %swap3A_1755 : i32 to index
      %swap3A_1757 = arith.constant 32 : index
      %swap3A_1758 = tpu.vector_load %arg9[%swap3A_1756, %swap3A_1757] {strides = array<i32>} : memref<8x128xf32, #tpu.memory_space<vmem>>, vector<1x16xf32>,
      %swap3A_1759 = vector.shape_cast %swap3A_1758 : vector<1x16xf32> to vector<16xf32>
      %swap3A_1760 = vector.shape_cast %broadcast_in_dim3A_1754 : vector<16xf32> to vector<1x16xf32>
      tpu.vector_store %arg9[%swap3A_1756, %swap3A_1757], %swap3A_1760 {strides = array<i32>} : memref<8x128xf32, #tpu.memory_space<vmem>>, vector<1x16xf32>,
      %broadcast_in_dim3A_1761 = arith.constant 1.000000e+00 : f32
      %broadcast_in_dim3A_1762 = vector.broadcast %broadcast_in_dim3A_1761 : f32 to vector<16xf32>
      %swap3A_1763 = arith.constant 3 : i32
      %swap3A_1764 = arith.index_cast %swap3A_1763 : i32 to index
      %swap3A_1765 = arith.constant 48 : index
      %swap3A_1766 = tpu.vector_load %arg9[%swap3A_1764, %swap3A_1765] {strides = array<i32>} : memref<8x128xf32, #tpu.memory_space<vmem>>, vector<1x16xf32>,
      %swap3A_1767 = vector.shape_cast %swap3A_1766 : vector<1x16xf32> to vector<16xf32>
      %swap3A_1768 = vector.shape_cast %broadcast_in_dim3A_1762 : vector<16xf32> to vector<1x16xf32>
      tpu.vector_store %arg9[%swap3A_1764, %swap3A_1765], %swap3A_1768 {strides = array<i32>} : memref<8x128xf32, #tpu.memory_space<vmem>>, vector<1x16xf32>,
      %broadcast_in_dim3A_1769 = arith.constant 1.000000e+00 : f32
      %broadcast_in_dim3A_1770 = vector.broadcast %broadcast_in_dim3A_1769 : f32 to vector<16xf32>
      %swap3A_1771 = arith.constant 3 : i32
      %swap3A_1772 = arith.index_cast %swap3A_1771 : i32 to index
      %swap3A_1773 = arith.constant 64 : index
      %swap3A_1774 = tpu.vector_load %arg9[%swap3A_1772, %swap3A_1773] {strides = array<i32>} : memref<8x128xf32, #tpu.memory_space<vmem>>, vector<1x16xf32>,
      %swap3A_1775 = vector.shape_cast %swap3A_1774 : vector<1x16xf32> to vector<16xf32>
      %swap3A_1776 = vector.shape_cast %broadcast_in_dim3A_1770 : vector<16xf32> to vector<1x16xf32>
      tpu.vector_store %arg9[%swap3A_1772, %swap3A_1773], %swap3A_1776 {strides = array<i32>} : memref<8x128xf32, #tpu.memory_space<vmem>>, vector<1x16xf32>,
      %broadcast_in_dim3A_1777 = arith.constant 1.000000e+00 : f32
      %broadcast_in_dim3A_1778 = vector.broadcast %broadcast_in_dim3A_1777 : f32 to vector<16xf32>
      %swap3A_1779 = arith.constant 3 : i32
      %swap3A_1780 = arith.index_cast %swap3A_1779 : i32 to index
      %swap3A_1781 = arith.constant 80 : index
      %swap3A_1782 = tpu.vector_load %arg9[%swap3A_1780, %swap3A_1781] {strides = array<i32>} : memref<8x128xf32, #tpu.memory_space<vmem>>, vector<1x16xf32>,
      %swap3A_1783 = vector.shape_cast %swap3A_1782 : vector<1x16xf32> to vector<16xf32>
      %swap3A_1784 = vector.shape_cast %broadcast_in_dim3A_1778 : vector<16xf32> to vector<1x16xf32>
      tpu.vector_store %arg9[%swap3A_1780, %swap3A_1781], %swap3A_1784 {strides = array<i32>} : memref<8x128xf32, #tpu.memory_space<vmem>>, vector<1x16xf32>,
      %broadcast_in_dim3A_1785 = arith.constant 1.000000e+00 : f32
      %broadcast_in_dim3A_1786 = vector.broadcast %broadcast_in_dim3A_1785 : f32 to vector<16xf32>
      %swap3A_1787 = arith.constant 3 : i32
      %swap3A_1788 = arith.index_cast %swap3A_1787 : i32 to index
      %swap3A_1789 = arith.constant 96 : index
      %swap3A_1790 = tpu.vector_load %arg9[%swap3A_1788, %swap3A_1789] {strides = array<i32>} : memref<8x128xf32, #tpu.memory_space<vmem>>, vector<1x16xf32>,
      %swap3A_1791 = vector.shape_cast %swap3A_1790 : vector<1x16xf32> to vector<16xf32>
      %swap3A_1792 = vector.shape_cast %broadcast_in_dim3A_1786 : vector<16xf32> to vector<1x16xf32>
      tpu.vector_store %arg9[%swap3A_1788, %swap3A_1789], %swap3A_1792 {strides = array<i32>} : memref<8x128xf32, #tpu.memory_space<vmem>>, vector<1x16xf32>,
      %broadcast_in_dim3A_1793 = arith.constant 1.000000e+00 : f32
      %broadcast_in_dim3A_1794 = vector.broadcast %broadcast_in_dim3A_1793 : f32 to vector<16xf32>
      %swap3A_1795 = arith.constant 3 : i32
      %swap3A_1796 = arith.index_cast %swap3A_1795 : i32 to index
      %swap3A_1797 = arith.constant 112 : index
      %swap3A_1798 = tpu.vector_load %arg9[%swap3A_1796, %swap3A_1797] {strides = array<i32>} : memref<8x128xf32, #tpu.memory_space<vmem>>, vector<1x16xf32>,
      %swap3A_1799 = vector.shape_cast %swap3A_1798 : vector<1x16xf32> to vector<16xf32>
      %swap3A_1800 = vector.shape_cast %broadcast_in_dim3A_1794 : vector<16xf32> to vector<1x16xf32>
      tpu.vector_store %arg9[%swap3A_1796, %swap3A_1797], %swap3A_1800 {strides = array<i32>} : memref<8x128xf32, #tpu.memory_space<vmem>>, vector<1x16xf32>,
      %broadcast_in_dim3A_1801 = arith.constant 1.000000e+00 : f32
      %broadcast_in_dim3A_1802 = vector.broadcast %broadcast_in_dim3A_1801 : f32 to vector<16xf32>
      %swap3A_1803 = arith.constant 4 : i32
      %swap3A_1804 = arith.index_cast %swap3A_1803 : i32 to index
      %swap3A_1805 = arith.constant 0 : index
      %swap3A_1806 = tpu.vector_load %arg9[%swap3A_1804, %swap3A_1805] {strides = array<i32>} : memref<8x128xf32, #tpu.memory_space<vmem>>, vector<1x16xf32>,
      %swap3A_1807 = vector.shape_cast %swap3A_1806 : vector<1x16xf32> to vector<16xf32>
      %swap3A_1808 = vector.shape_cast %broadcast_in_dim3A_1802 : vector<16xf32> to vector<1x16xf32>
      tpu.vector_store %arg9[%swap3A_1804, %swap3A_1805], %swap3A_1808 {strides = array<i32>} : memref<8x128xf32, #tpu.memory_space<vmem>>, vector<1x16xf32>,
      %broadcast_in_dim3A_1809 = arith.constant 1.000000e+00 : f32
      %broadcast_in_dim3A_1810 = vector.broadcast %broadcast_in_dim3A_1809 : f32 to vector<16xf32>
      %swap3A_1811 = arith.constant 4 : i32
      %swap3A_1812 = arith.index_cast %swap3A_1811 : i32 to index
      %swap3A_1813 = arith.constant 16 : index
      %swap3A_1814 = tpu.vector_load %arg9[%swap3A_1812, %swap3A_1813] {strides = array<i32>} : memref<8x128xf32, #tpu.memory_space<vmem>>, vector<1x16xf32>,
      %swap3A_1815 = vector.shape_cast %swap3A_1814 : vector<1x16xf32> to vector<16xf32>
      %swap3A_1816 = vector.shape_cast %broadcast_in_dim3A_1810 : vector<16xf32> to vector<1x16xf32>
      tpu.vector_store %arg9[%swap3A_1812, %swap3A_1813], %swap3A_1816 {strides = array<i32>} : memref<8x128xf32, #tpu.memory_space<vmem>>, vector<1x16xf32>,
      %broadcast_in_dim3A_1817 = arith.constant 1.000000e+00 : f32
      %broadcast_in_dim3A_1818 = vector.broadcast %broadcast_in_dim3A_1817 : f32 to vector<16xf32>
      %swap3A_1819 = arith.constant 4 : i32
      %swap3A_1820 = arith.index_cast %swap3A_1819 : i32 to index
      %swap3A_1821 = arith.constant 32 : index
      %swap3A_1822 = tpu.vector_load %arg9[%swap3A_1820, %swap3A_1821] {strides = array<i32>} : memref<8x128xf32, #tpu.memory_space<vmem>>, vector<1x16xf32>,
      %swap3A_1823 = vector.shape_cast %swap3A_1822 : vector<1x16xf32> to vector<16xf32>
      %swap3A_1824 = vector.shape_cast %broadcast_in_dim3A_1818 : vector<16xf32> to vector<1x16xf32>
      tpu.vector_store %arg9[%swap3A_1820, %swap3A_1821], %swap3A_1824 {strides = array<i32>} : memref<8x128xf32, #tpu.memory_space<vmem>>, vector<1x16xf32>,
      %broadcast_in_dim3A_1825 = arith.constant 1.000000e+00 : f32
      %broadcast_in_dim3A_1826 = vector.broadcast %broadcast_in_dim3A_1825 : f32 to vector<16xf32>
      %swap3A_1827 = arith.constant 4 : i32
      %swap3A_1828 = arith.index_cast %swap3A_1827 : i32 to index
      %swap3A_1829 = arith.constant 48 : index
      %swap3A_1830 = tpu.vector_load %arg9[%swap3A_1828, %swap3A_1829] {strides = array<i32>} : memref<8x128xf32, #tpu.memory_space<vmem>>, vector<1x16xf32>,
      %swap3A_1831 = vector.shape_cast %swap3A_1830 : vector<1x16xf32> to vector<16xf32>
      %swap3A_1832 = vector.shape_cast %broadcast_in_dim3A_1826 : vector<16xf32> to vector<1x16xf32>
      tpu.vector_store %arg9[%swap3A_1828, %swap3A_1829], %swap3A_1832 {strides = array<i32>} : memref<8x128xf32, #tpu.memory_space<vmem>>, vector<1x16xf32>,
      %broadcast_in_dim3A_1833 = arith.constant 1.000000e+00 : f32
      %broadcast_in_dim3A_1834 = vector.broadcast %broadcast_in_dim3A_1833 : f32 to vector<16xf32>
      %swap3A_1835 = arith.constant 4 : i32
      %swap3A_1836 = arith.index_cast %swap3A_1835 : i32 to index
      %swap3A_1837 = arith.constant 64 : index
      %swap3A_1838 = tpu.vector_load %arg9[%swap3A_1836, %swap3A_1837] {strides = array<i32>} : memref<8x128xf32, #tpu.memory_space<vmem>>, vector<1x16xf32>,
      %swap3A_1839 = vector.shape_cast %swap3A_1838 : vector<1x16xf32> to vector<16xf32>
      %swap3A_1840 = vector.shape_cast %broadcast_in_dim3A_1834 : vector<16xf32> to vector<1x16xf32>
      tpu.vector_store %arg9[%swap3A_1836, %swap3A_1837], %swap3A_1840 {strides = array<i32>} : memref<8x128xf32, #tpu.memory_space<vmem>>, vector<1x16xf32>,
      %broadcast_in_dim3A_1841 = arith.constant 1.000000e+00 : f32
      %broadcast_in_dim3A_1842 = vector.broadcast %broadcast_in_dim3A_1841 : f32 to vector<16xf32>
      %swap3A_1843 = arith.constant 4 : i32
      %swap3A_1844 = arith.index_cast %swap3A_1843 : i32 to index
      %swap3A_1845 = arith.constant 80 : index
      %swap3A_1846 = tpu.vector_load %arg9[%swap3A_1844, %swap3A_1845] {strides = array<i32>} : memref<8x128xf32, #tpu.memory_space<vmem>>, vector<1x16xf32>,
      %swap3A_1847 = vector.shape_cast %swap3A_1846 : vector<1x16xf32> to vector<16xf32>
      %swap3A_1848 = vector.shape_cast %broadcast_in_dim3A_1842 : vector<16xf32> to vector<1x16xf32>
      tpu.vector_store %arg9[%swap3A_1844, %swap3A_1845], %swap3A_1848 {strides = array<i32>} : memref<8x128xf32, #tpu.memory_space<vmem>>, vector<1x16xf32>,
      %broadcast_in_dim3A_1849 = arith.constant 1.000000e+00 : f32
      %broadcast_in_dim3A_1850 = vector.broadcast %broadcast_in_dim3A_1849 : f32 to vector<16xf32>
      %swap3A_1851 = arith.constant 4 : i32
      %swap3A_1852 = arith.index_cast %swap3A_1851 : i32 to index
      %swap3A_1853 = arith.constant 96 : index
      %swap3A_1854 = tpu.vector_load %arg9[%swap3A_1852, %swap3A_1853] {strides = array<i32>} : memref<8x128xf32, #tpu.memory_space<vmem>>, vector<1x16xf32>,
      %swap3A_1855 = vector.shape_cast %swap3A_1854 : vector<1x16xf32> to vector<16xf32>
      %swap3A_1856 = vector.shape_cast %broadcast_in_dim3A_1850 : vector<16xf32> to vector<1x16xf32>
      tpu.vector_store %arg9[%swap3A_1852, %swap3A_1853], %swap3A_1856 {strides = array<i32>} : memref<8x128xf32, #tpu.memory_space<vmem>>, vector<1x16xf32>,
      %broadcast_in_dim3A_1857 = arith.constant 1.000000e+00 : f32
      %broadcast_in_dim3A_1858 = vector.broadcast %broadcast_in_dim3A_1857 : f32 to vector<16xf32>
      %swap3A_1859 = arith.constant 4 : i32
      %swap3A_1860 = arith.index_cast %swap3A_1859 : i32 to index
      %swap3A_1861 = arith.constant 112 : index
      %swap3A_1862 = tpu.vector_load %arg9[%swap3A_1860, %swap3A_1861] {strides = array<i32>} : memref<8x128xf32, #tpu.memory_space<vmem>>, vector<1x16xf32>,
      %swap3A_1863 = vector.shape_cast %swap3A_1862 : vector<1x16xf32> to vector<16xf32>
      %swap3A_1864 = vector.shape_cast %broadcast_in_dim3A_1858 : vector<16xf32> to vector<1x16xf32>
      tpu.vector_store %arg9[%swap3A_1860, %swap3A_1861], %swap3A_1864 {strides = array<i32>} : memref<8x128xf32, #tpu.memory_space<vmem>>, vector<1x16xf32>,
      %broadcast_in_dim3A_1865 = arith.constant 1.000000e+00 : f32
      %broadcast_in_dim3A_1866 = vector.broadcast %broadcast_in_dim3A_1865 : f32 to vector<16xf32>
      %swap3A_1867 = arith.constant 5 : i32
      %swap3A_1868 = arith.index_cast %swap3A_1867 : i32 to index
      %swap3A_1869 = arith.constant 0 : index
      %swap3A_1870 = tpu.vector_load %arg9[%swap3A_1868, %swap3A_1869] {strides = array<i32>} : memref<8x128xf32, #tpu.memory_space<vmem>>, vector<1x16xf32>,
      %swap3A_1871 = vector.shape_cast %swap3A_1870 : vector<1x16xf32> to vector<16xf32>
      %swap3A_1872 = vector.shape_cast %broadcast_in_dim3A_1866 : vector<16xf32> to vector<1x16xf32>
      tpu.vector_store %arg9[%swap3A_1868, %swap3A_1869], %swap3A_1872 {strides = array<i32>} : memref<8x128xf32, #tpu.memory_space<vmem>>, vector<1x16xf32>,
      %broadcast_in_dim3A_1873 = arith.constant 1.000000e+00 : f32
      %broadcast_in_dim3A_1874 = vector.broadcast %broadcast_in_dim3A_1873 : f32 to vector<16xf32>
      %swap3A_1875 = arith.constant 5 : i32
      %swap3A_1876 = arith.index_cast %swap3A_1875 : i32 to index
      %swap3A_1877 = arith.constant 16 : index
      %swap3A_1878 = tpu.vector_load %arg9[%swap3A_1876, %swap3A_1877] {strides = array<i32>} : memref<8x128xf32, #tpu.memory_space<vmem>>, vector<1x16xf32>,
      %swap3A_1879 = vector.shape_cast %swap3A_1878 : vector<1x16xf32> to vector<16xf32>
      %swap3A_1880 = vector.shape_cast %broadcast_in_dim3A_1874 : vector<16xf32> to vector<1x16xf32>
      tpu.vector_store %arg9[%swap3A_1876, %swap3A_1877], %swap3A_1880 {strides = array<i32>} : memref<8x128xf32, #tpu.memory_space<vmem>>, vector<1x16xf32>,
      %broadcast_in_dim3A_1881 = arith.constant 1.000000e+00 : f32
      %broadcast_in_dim3A_1882 = vector.broadcast %broadcast_in_dim3A_1881 : f32 to vector<16xf32>
      %swap3A_1883 = arith.constant 5 : i32
      %swap3A_1884 = arith.index_cast %swap3A_1883 : i32 to index
      %swap3A_1885 = arith.constant 32 : index
      %swap3A_1886 = tpu.vector_load %arg9[%swap3A_1884, %swap3A_1885] {strides = array<i32>} : memref<8x128xf32, #tpu.memory_space<vmem>>, vector<1x16xf32>,
      %swap3A_1887 = vector.shape_cast %swap3A_1886 : vector<1x16xf32> to vector<16xf32>
      %swap3A_1888 = vector.shape_cast %broadcast_in_dim3A_1882 : vector<16xf32> to vector<1x16xf32>
      tpu.vector_store %arg9[%swap3A_1884, %swap3A_1885], %swap3A_1888 {strides = array<i32>} : memref<8x128xf32, #tpu.memory_space<vmem>>, vector<1x16xf32>,
      %broadcast_in_dim3A_1889 = arith.constant 1.000000e+00 : f32
      %broadcast_in_dim3A_1890 = vector.broadcast %broadcast_in_dim3A_1889 : f32 to vector<16xf32>
      %swap3A_1891 = arith.constant 5 : i32
      %swap3A_1892 = arith.index_cast %swap3A_1891 : i32 to index
      %swap3A_1893 = arith.constant 48 : index
      %swap3A_1894 = tpu.vector_load %arg9[%swap3A_1892, %swap3A_1893] {strides = array<i32>} : memref<8x128xf32, #tpu.memory_space<vmem>>, vector<1x16xf32>,
      %swap3A_1895 = vector.shape_cast %swap3A_1894 : vector<1x16xf32> to vector<16xf32>
      %swap3A_1896 = vector.shape_cast %broadcast_in_dim3A_1890 : vector<16xf32> to vector<1x16xf32>
      tpu.vector_store %arg9[%swap3A_1892, %swap3A_1893], %swap3A_1896 {strides = array<i32>} : memref<8x128xf32, #tpu.memory_space<vmem>>, vector<1x16xf32>,
      %broadcast_in_dim3A_1897 = arith.constant 1.000000e+00 : f32
      %broadcast_in_dim3A_1898 = vector.broadcast %broadcast_in_dim3A_1897 : f32 to vector<16xf32>
      %swap3A_1899 = arith.constant 5 : i32
      %swap3A_1900 = arith.index_cast %swap3A_1899 : i32 to index
      %swap3A_1901 = arith.constant 64 : index
      %swap3A_1902 = tpu.vector_load %arg9[%swap3A_1900, %swap3A_1901] {strides = array<i32>} : memref<8x128xf32, #tpu.memory_space<vmem>>, vector<1x16xf32>,
      %swap3A_1903 = vector.shape_cast %swap3A_1902 : vector<1x16xf32> to vector<16xf32>
      %swap3A_1904 = vector.shape_cast %broadcast_in_dim3A_1898 : vector<16xf32> to vector<1x16xf32>
      tpu.vector_store %arg9[%swap3A_1900, %swap3A_1901], %swap3A_1904 {strides = array<i32>} : memref<8x128xf32, #tpu.memory_space<vmem>>, vector<1x16xf32>,
      %broadcast_in_dim3A_1905 = arith.constant 1.000000e+00 : f32
      %broadcast_in_dim3A_1906 = vector.broadcast %broadcast_in_dim3A_1905 : f32 to vector<16xf32>
      %swap3A_1907 = arith.constant 5 : i32
      %swap3A_1908 = arith.index_cast %swap3A_1907 : i32 to index
      %swap3A_1909 = arith.constant 80 : index
      %swap3A_1910 = tpu.vector_load %arg9[%swap3A_1908, %swap3A_1909] {strides = array<i32>} : memref<8x128xf32, #tpu.memory_space<vmem>>, vector<1x16xf32>,
      %swap3A_1911 = vector.shape_cast %swap3A_1910 : vector<1x16xf32> to vector<16xf32>
      %swap3A_1912 = vector.shape_cast %broadcast_in_dim3A_1906 : vector<16xf32> to vector<1x16xf32>
      tpu.vector_store %arg9[%swap3A_1908, %swap3A_1909], %swap3A_1912 {strides = array<i32>} : memref<8x128xf32, #tpu.memory_space<vmem>>, vector<1x16xf32>,
      %broadcast_in_dim3A_1913 = arith.constant 1.000000e+00 : f32
      %broadcast_in_dim3A_1914 = vector.broadcast %broadcast_in_dim3A_1913 : f32 to vector<16xf32>
      %swap3A_1915 = arith.constant 5 : i32
      %swap3A_1916 = arith.index_cast %swap3A_1915 : i32 to index
      %swap3A_1917 = arith.constant 96 : index
      %swap3A_1918 = tpu.vector_load %arg9[%swap3A_1916, %swap3A_1917] {strides = array<i32>} : memref<8x128xf32, #tpu.memory_space<vmem>>, vector<1x16xf32>,
      %swap3A_1919 = vector.shape_cast %swap3A_1918 : vector<1x16xf32> to vector<16xf32>
      %swap3A_1920 = vector.shape_cast %broadcast_in_dim3A_1914 : vector<16xf32> to vector<1x16xf32>
      tpu.vector_store %arg9[%swap3A_1916, %swap3A_1917], %swap3A_1920 {strides = array<i32>} : memref<8x128xf32, #tpu.memory_space<vmem>>, vector<1x16xf32>,
      %broadcast_in_dim3A_1921 = arith.constant 1.000000e+00 : f32
      %broadcast_in_dim3A_1922 = vector.broadcast %broadcast_in_dim3A_1921 : f32 to vector<16xf32>
      %swap3A_1923 = arith.constant 5 : i32
      %swap3A_1924 = arith.index_cast %swap3A_1923 : i32 to index
      %swap3A_1925 = arith.constant 112 : index
      %swap3A_1926 = tpu.vector_load %arg9[%swap3A_1924, %swap3A_1925] {strides = array<i32>} : memref<8x128xf32, #tpu.memory_space<vmem>>, vector<1x16xf32>,
      %swap3A_1927 = vector.shape_cast %swap3A_1926 : vector<1x16xf32> to vector<16xf32>
      %swap3A_1928 = vector.shape_cast %broadcast_in_dim3A_1922 : vector<16xf32> to vector<1x16xf32>
      tpu.vector_store %arg9[%swap3A_1924, %swap3A_1925], %swap3A_1928 {strides = array<i32>} : memref<8x128xf32, #tpu.memory_space<vmem>>, vector<1x16xf32>,
      %broadcast_in_dim3A_1929 = arith.constant 1.000000e+00 : f32
      %broadcast_in_dim3A_1930 = vector.broadcast %broadcast_in_dim3A_1929 : f32 to vector<16xf32>
      %swap3A_1931 = arith.constant 6 : i32
      %swap3A_1932 = arith.index_cast %swap3A_1931 : i32 to index
      %swap3A_1933 = arith.constant 0 : index
      %swap3A_1934 = tpu.vector_load %arg9[%swap3A_1932, %swap3A_1933] {strides = array<i32>} : memref<8x128xf32, #tpu.memory_space<vmem>>, vector<1x16xf32>,
      %swap3A_1935 = vector.shape_cast %swap3A_1934 : vector<1x16xf32> to vector<16xf32>
      %swap3A_1936 = vector.shape_cast %broadcast_in_dim3A_1930 : vector<16xf32> to vector<1x16xf32>
      tpu.vector_store %arg9[%swap3A_1932, %swap3A_1933], %swap3A_1936 {strides = array<i32>} : memref<8x128xf32, #tpu.memory_space<vmem>>, vector<1x16xf32>,
      %broadcast_in_dim3A_1937 = arith.constant 1.000000e+00 : f32
      %broadcast_in_dim3A_1938 = vector.broadcast %broadcast_in_dim3A_1937 : f32 to vector<16xf32>
      %swap3A_1939 = arith.constant 6 : i32
      %swap3A_1940 = arith.index_cast %swap3A_1939 : i32 to index
      %swap3A_1941 = arith.constant 16 : index
      %swap3A_1942 = tpu.vector_load %arg9[%swap3A_1940, %swap3A_1941] {strides = array<i32>} : memref<8x128xf32, #tpu.memory_space<vmem>>, vector<1x16xf32>,
      %swap3A_1943 = vector.shape_cast %swap3A_1942 : vector<1x16xf32> to vector<16xf32>
      %swap3A_1944 = vector.shape_cast %broadcast_in_dim3A_1938 : vector<16xf32> to vector<1x16xf32>
      tpu.vector_store %arg9[%swap3A_1940, %swap3A_1941], %swap3A_1944 {strides = array<i32>} : memref<8x128xf32, #tpu.memory_space<vmem>>, vector<1x16xf32>,
      %broadcast_in_dim3A_1945 = arith.constant 1.000000e+00 : f32
      %broadcast_in_dim3A_1946 = vector.broadcast %broadcast_in_dim3A_1945 : f32 to vector<16xf32>
      %swap3A_1947 = arith.constant 6 : i32
      %swap3A_1948 = arith.index_cast %swap3A_1947 : i32 to index
      %swap3A_1949 = arith.constant 32 : index
      %swap3A_1950 = tpu.vector_load %arg9[%swap3A_1948, %swap3A_1949] {strides = array<i32>} : memref<8x128xf32, #tpu.memory_space<vmem>>, vector<1x16xf32>,
      %swap3A_1951 = vector.shape_cast %swap3A_1950 : vector<1x16xf32> to vector<16xf32>
      %swap3A_1952 = vector.shape_cast %broadcast_in_dim3A_1946 : vector<16xf32> to vector<1x16xf32>
      tpu.vector_store %arg9[%swap3A_1948, %swap3A_1949], %swap3A_1952 {strides = array<i32>} : memref<8x128xf32, #tpu.memory_space<vmem>>, vector<1x16xf32>,
      %broadcast_in_dim3A_1953 = arith.constant 1.000000e+00 : f32
      %broadcast_in_dim3A_1954 = vector.broadcast %broadcast_in_dim3A_1953 : f32 to vector<16xf32>
      %swap3A_1955 = arith.constant 6 : i32
      %swap3A_1956 = arith.index_cast %swap3A_1955 : i32 to index
      %swap3A_1957 = arith.constant 48 : index
      %swap3A_1958 = tpu.vector_load %arg9[%swap3A_1956, %swap3A_1957] {strides = array<i32>} : memref<8x128xf32, #tpu.memory_space<vmem>>, vector<1x16xf32>,
      %swap3A_1959 = vector.shape_cast %swap3A_1958 : vector<1x16xf32> to vector<16xf32>
      %swap3A_1960 = vector.shape_cast %broadcast_in_dim3A_1954 : vector<16xf32> to vector<1x16xf32>
      tpu.vector_store %arg9[%swap3A_1956, %swap3A_1957], %swap3A_1960 {strides = array<i32>} : memref<8x128xf32, #tpu.memory_space<vmem>>, vector<1x16xf32>,
      %broadcast_in_dim3A_1961 = arith.constant 1.000000e+00 : f32
      %broadcast_in_dim3A_1962 = vector.broadcast %broadcast_in_dim3A_1961 : f32 to vector<16xf32>
      %swap3A_1963 = arith.constant 6 : i32
      %swap3A_1964 = arith.index_cast %swap3A_1963 : i32 to index
      %swap3A_1965 = arith.constant 64 : index
      %swap3A_1966 = tpu.vector_load %arg9[%swap3A_1964, %swap3A_1965] {strides = array<i32>} : memref<8x128xf32, #tpu.memory_space<vmem>>, vector<1x16xf32>,
      %swap3A_1967 = vector.shape_cast %swap3A_1966 : vector<1x16xf32> to vector<16xf32>
      %swap3A_1968 = vector.shape_cast %broadcast_in_dim3A_1962 : vector<16xf32> to vector<1x16xf32>
      tpu.vector_store %arg9[%swap3A_1964, %swap3A_1965], %swap3A_1968 {strides = array<i32>} : memref<8x128xf32, #tpu.memory_space<vmem>>, vector<1x16xf32>,
      %broadcast_in_dim3A_1969 = arith.constant 1.000000e+00 : f32
      %broadcast_in_dim3A_1970 = vector.broadcast %broadcast_in_dim3A_1969 : f32 to vector<16xf32>
      %swap3A_1971 = arith.constant 6 : i32
      %swap3A_1972 = arith.index_cast %swap3A_1971 : i32 to index
      %swap3A_1973 = arith.constant 80 : index
      %swap3A_1974 = tpu.vector_load %arg9[%swap3A_1972, %swap3A_1973] {strides = array<i32>} : memref<8x128xf32, #tpu.memory_space<vmem>>, vector<1x16xf32>,
      %swap3A_1975 = vector.shape_cast %swap3A_1974 : vector<1x16xf32> to vector<16xf32>
      %swap3A_1976 = vector.shape_cast %broadcast_in_dim3A_1970 : vector<16xf32> to vector<1x16xf32>
      tpu.vector_store %arg9[%swap3A_1972, %swap3A_1973], %swap3A_1976 {strides = array<i32>} : memref<8x128xf32, #tpu.memory_space<vmem>>, vector<1x16xf32>,
      %broadcast_in_dim3A_1977 = arith.constant 1.000000e+00 : f32
      %broadcast_in_dim3A_1978 = vector.broadcast %broadcast_in_dim3A_1977 : f32 to vector<16xf32>
      %swap3A_1979 = arith.constant 6 : i32
      %swap3A_1980 = arith.index_cast %swap3A_1979 : i32 to index
      %swap3A_1981 = arith.constant 96 : index
      %swap3A_1982 = tpu.vector_load %arg9[%swap3A_1980, %swap3A_1981] {strides = array<i32>} : memref<8x128xf32, #tpu.memory_space<vmem>>, vector<1x16xf32>,
      %swap3A_1983 = vector.shape_cast %swap3A_1982 : vector<1x16xf32> to vector<16xf32>
      %swap3A_1984 = vector.shape_cast %broadcast_in_dim3A_1978 : vector<16xf32> to vector<1x16xf32>
      tpu.vector_store %arg9[%swap3A_1980, %swap3A_1981], %swap3A_1984 {strides = array<i32>} : memref<8x128xf32, #tpu.memory_space<vmem>>, vector<1x16xf32>,
      %broadcast_in_dim3A_1985 = arith.constant 1.000000e+00 : f32
      %broadcast_in_dim3A_1986 = vector.broadcast %broadcast_in_dim3A_1985 : f32 to vector<16xf32>
      %swap3A_1987 = arith.constant 6 : i32
      %swap3A_1988 = arith.index_cast %swap3A_1987 : i32 to index
      %swap3A_1989 = arith.constant 112 : index
      %swap3A_1990 = tpu.vector_load %arg9[%swap3A_1988, %swap3A_1989] {strides = array<i32>} : memref<8x128xf32, #tpu.memory_space<vmem>>, vector<1x16xf32>,
      %swap3A_1991 = vector.shape_cast %swap3A_1990 : vector<1x16xf32> to vector<16xf32>
      %swap3A_1992 = vector.shape_cast %broadcast_in_dim3A_1986 : vector<16xf32> to vector<1x16xf32>
      tpu.vector_store %arg9[%swap3A_1988, %swap3A_1989], %swap3A_1992 {strides = array<i32>} : memref<8x128xf32, #tpu.memory_space<vmem>>, vector<1x16xf32>,
      %broadcast_in_dim3A_1993 = arith.constant 1.000000e+00 : f32
      %broadcast_in_dim3A_1994 = vector.broadcast %broadcast_in_dim3A_1993 : f32 to vector<16xf32>
      %swap3A_1995 = arith.constant 7 : i32
      %swap3A_1996 = arith.index_cast %swap3A_1995 : i32 to index
      %swap3A_1997 = arith.constant 0 : index
      %swap3A_1998 = tpu.vector_load %arg9[%swap3A_1996, %swap3A_1997] {strides = array<i32>} : memref<8x128xf32, #tpu.memory_space<vmem>>, vector<1x16xf32>,
      %swap3A_1999 = vector.shape_cast %swap3A_1998 : vector<1x16xf32> to vector<16xf32>
      %swap3A_2000 = vector.shape_cast %broadcast_in_dim3A_1994 : vector<16xf32> to vector<1x16xf32>
      tpu.vector_store %arg9[%swap3A_1996, %swap3A_1997], %swap3A_2000 {strides = array<i32>} : memref<8x128xf32, #tpu.memory_space<vmem>>, vector<1x16xf32>,
      %broadcast_in_dim3A_2001 = arith.constant 1.000000e+00 : f32
      %broadcast_in_dim3A_2002 = vector.broadcast %broadcast_in_dim3A_2001 : f32 to vector<16xf32>
      %swap3A_2003 = arith.constant 7 : i32
      %swap3A_2004 = arith.index_cast %swap3A_2003 : i32 to index
      %swap3A_2005 = arith.constant 16 : index
      %swap3A_2006 = tpu.vector_load %arg9[%swap3A_2004, %swap3A_2005] {strides = array<i32>} : memref<8x128xf32, #tpu.memory_space<vmem>>, vector<1x16xf32>,
      %swap3A_2007 = vector.shape_cast %swap3A_2006 : vector<1x16xf32> to vector<16xf32>
      %swap3A_2008 = vector.shape_cast %broadcast_in_dim3A_2002 : vector<16xf32> to vector<1x16xf32>
      tpu.vector_store %arg9[%swap3A_2004, %swap3A_2005], %swap3A_2008 {strides = array<i32>} : memref<8x128xf32, #tpu.memory_space<vmem>>, vector<1x16xf32>,
      %broadcast_in_dim3A_2009 = arith.constant 1.000000e+00 : f32
      %broadcast_in_dim3A_2010 = vector.broadcast %broadcast_in_dim3A_2009 : f32 to vector<16xf32>
      %swap3A_2011 = arith.constant 7 : i32
      %swap3A_2012 = arith.index_cast %swap3A_2011 : i32 to index
      %swap3A_2013 = arith.constant 32 : index
      %swap3A_2014 = tpu.vector_load %arg9[%swap3A_2012, %swap3A_2013] {strides = array<i32>} : memref<8x128xf32, #tpu.memory_space<vmem>>, vector<1x16xf32>,
      %swap3A_2015 = vector.shape_cast %swap3A_2014 : vector<1x16xf32> to vector<16xf32>
      %swap3A_2016 = vector.shape_cast %broadcast_in_dim3A_2010 : vector<16xf32> to vector<1x16xf32>
      tpu.vector_store %arg9[%swap3A_2012, %swap3A_2013], %swap3A_2016 {strides = array<i32>} : memref<8x128xf32, #tpu.memory_space<vmem>>, vector<1x16xf32>,
      %broadcast_in_dim3A_2017 = arith.constant 1.000000e+00 : f32
      %broadcast_in_dim3A_2018 = vector.broadcast %broadcast_in_dim3A_2017 : f32 to vector<16xf32>
      %swap3A_2019 = arith.constant 7 : i32
      %swap3A_2020 = arith.index_cast %swap3A_2019 : i32 to index
      %swap3A_2021 = arith.constant 48 : index
      %swap3A_2022 = tpu.vector_load %arg9[%swap3A_2020, %swap3A_2021] {strides = array<i32>} : memref<8x128xf32, #tpu.memory_space<vmem>>, vector<1x16xf32>,
      %swap3A_2023 = vector.shape_cast %swap3A_2022 : vector<1x16xf32> to vector<16xf32>
      %swap3A_2024 = vector.shape_cast %broadcast_in_dim3A_2018 : vector<16xf32> to vector<1x16xf32>
      tpu.vector_store %arg9[%swap3A_2020, %swap3A_2021], %swap3A_2024 {strides = array<i32>} : memref<8x128xf32, #tpu.memory_space<vmem>>, vector<1x16xf32>,
      %broadcast_in_dim3A_2025 = arith.constant 1.000000e+00 : f32
      %broadcast_in_dim3A_2026 = vector.broadcast %broadcast_in_dim3A_2025 : f32 to vector<16xf32>
      %swap3A_2027 = arith.constant 7 : i32
      %swap3A_2028 = arith.index_cast %swap3A_2027 : i32 to index
      %swap3A_2029 = arith.constant 64 : index
      %swap3A_2030 = tpu.vector_load %arg9[%swap3A_2028, %swap3A_2029] {strides = array<i32>} : memref<8x128xf32, #tpu.memory_space<vmem>>, vector<1x16xf32>,
      %swap3A_2031 = vector.shape_cast %swap3A_2030 : vector<1x16xf32> to vector<16xf32>
      %swap3A_2032 = vector.shape_cast %broadcast_in_dim3A_2026 : vector<16xf32> to vector<1x16xf32>
      tpu.vector_store %arg9[%swap3A_2028, %swap3A_2029], %swap3A_2032 {strides = array<i32>} : memref<8x128xf32, #tpu.memory_space<vmem>>, vector<1x16xf32>,
      %broadcast_in_dim3A_2033 = arith.constant 1.000000e+00 : f32
      %broadcast_in_dim3A_2034 = vector.broadcast %broadcast_in_dim3A_2033 : f32 to vector<16xf32>
      %swap3A_2035 = arith.constant 7 : i32
      %swap3A_2036 = arith.index_cast %swap3A_2035 : i32 to index
      %swap3A_2037 = arith.constant 80 : index
      %swap3A_2038 = tpu.vector_load %arg9[%swap3A_2036, %swap3A_2037] {strides = array<i32>} : memref<8x128xf32, #tpu.memory_space<vmem>>, vector<1x16xf32>,
      %swap3A_2039 = vector.shape_cast %swap3A_2038 : vector<1x16xf32> to vector<16xf32>
      %swap3A_2040 = vector.shape_cast %broadcast_in_dim3A_2034 : vector<16xf32> to vector<1x16xf32>
      tpu.vector_store %arg9[%swap3A_2036, %swap3A_2037], %swap3A_2040 {strides = array<i32>} : memref<8x128xf32, #tpu.memory_space<vmem>>, vector<1x16xf32>,
      %broadcast_in_dim3A_2041 = arith.constant 1.000000e+00 : f32
      %broadcast_in_dim3A_2042 = vector.broadcast %broadcast_in_dim3A_2041 : f32 to vector<16xf32>
      %swap3A_2043 = arith.constant 7 : i32
      %swap3A_2044 = arith.index_cast %swap3A_2043 : i32 to index
      %swap3A_2045 = arith.constant 96 : index
      %swap3A_2046 = tpu.vector_load %arg9[%swap3A_2044, %swap3A_2045] {strides = array<i32>} : memref<8x128xf32, #tpu.memory_space<vmem>>, vector<1x16xf32>,
      %swap3A_2047 = vector.shape_cast %swap3A_2046 : vector<1x16xf32> to vector<16xf32>
      %swap3A_2048 = vector.shape_cast %broadcast_in_dim3A_2042 : vector<16xf32> to vector<1x16xf32>
      tpu.vector_store %arg9[%swap3A_2044, %swap3A_2045], %swap3A_2048 {strides = array<i32>} : memref<8x128xf32, #tpu.memory_space<vmem>>, vector<1x16xf32>,
      %broadcast_in_dim3A_2049 = arith.constant 1.000000e+00 : f32
      %broadcast_in_dim3A_2050 = vector.broadcast %broadcast_in_dim3A_2049 : f32 to vector<16xf32>
      %swap3A_2051 = arith.constant 7 : i32
      %swap3A_2052 = arith.index_cast %swap3A_2051 : i32 to index
      %swap3A_2053 = arith.constant 112 : index
      %swap3A_2054 = tpu.vector_load %arg9[%swap3A_2052, %swap3A_2053] {strides = array<i32>} : memref<8x128xf32, #tpu.memory_space<vmem>>, vector<1x16xf32>,
      %swap3A_2055 = vector.shape_cast %swap3A_2054 : vector<1x16xf32> to vector<16xf32>
      %swap3A_2056 = vector.shape_cast %broadcast_in_dim3A_2050 : vector<16xf32> to vector<1x16xf32>
      tpu.vector_store %arg9[%swap3A_2052, %swap3A_2053], %swap3A_2056 {strides = array<i32>} : memref<8x128xf32, #tpu.memory_space<vmem>>, vector<1x16xf32>,
    } else {
    }
    %get3A = arith.constant 0 : i32
    %get3A_81 = arith.index_cast %get3A : i32 to index
    %get3A_82 = arith.constant 0 : index
    %get3A_83 = tpu.vector_load %arg8[%get3A_81, %get3A_82] {strides = array<i32>} : memref<8x128xi32, #tpu.memory_space<vmem>>, vector<1x16xi32>,
    %get3A_84 = vector.shape_cast %get3A_83 : vector<1x16xi32> to vector<16xi32>
    %mul3A_85 = arith.constant 512 : i32
    %mul3A_86 = vector.broadcast %mul3A_85 : i32 to vector<16xi32>
    %mul3A_87 = arith.muli %get3A_84, %mul3A_86 : vector<16xi32>
    %get3A_88 = arith.constant 0 : i32
    %get3A_89 = arith.index_cast %get3A_88 : i32 to index
    %get3A_90 = arith.constant 0 : index
    %get3A_91 = tpu.vector_load %arg7[%get3A_89, %get3A_90] {strides = array<i32>} : memref<8x128xi32, #tpu.memory_space<vmem>>, vector<1x16xi32>,
    %get3A_92 = vector.shape_cast %get3A_91 : vector<1x16xi32> to vector<16xi32>
    %add3A_93 = arith.addi %mul3A_87, %get3A_92 : vector<16xi32>
    %swap3A = arith.constant 0 : i32
    %swap3A_94 = arith.index_cast %swap3A : i32 to index
    %swap3A_95 = arith.constant 0 : index
    %swap3A_96 = tpu.vector_load %arg10[%swap3A_94, %swap3A_95] {strides = array<i32>} : memref<8x128xi32, #tpu.memory_space<vmem>>, vector<1x16xi32>,
    %swap3A_97 = vector.shape_cast %swap3A_96 : vector<1x16xi32> to vector<16xi32>
    %swap3A_98 = vector.shape_cast %add3A_93 : vector<16xi32> to vector<1x16xi32>
    tpu.vector_store %arg10[%swap3A_94, %swap3A_95], %swap3A_98 {strides = array<i32>} : memref<8x128xi32, #tpu.memory_space<vmem>>, vector<1x16xi32>,
    %get3A_99 = arith.constant 0 : i32
    %get3A_100 = arith.index_cast %get3A_99 : i32 to index
    %get3A_101 = arith.constant 16 : index
    %get3A_102 = tpu.vector_load %arg8[%get3A_100, %get3A_101] {strides = array<i32>} : memref<8x128xi32, #tpu.memory_space<vmem>>, vector<1x16xi32>,
    %get3A_103 = vector.shape_cast %get3A_102 : vector<1x16xi32> to vector<16xi32>
    %mul3A_104 = arith.constant 512 : i32
    %mul3A_105 = vector.broadcast %mul3A_104 : i32 to vector<16xi32>
    %mul3A_106 = arith.muli %get3A_103, %mul3A_105 : vector<16xi32>
    %get3A_107 = arith.constant 0 : i32
    %get3A_108 = arith.index_cast %get3A_107 : i32 to index
    %get3A_109 = arith.constant 16 : index
    %get3A_110 = tpu.vector_load %arg7[%get3A_108, %get3A_109] {strides = array<i32>} : memref<8x128xi32, #tpu.memory_space<vmem>>, vector<1x16xi32>,
    %get3A_111 = vector.shape_cast %get3A_110 : vector<1x16xi32> to vector<16xi32>
    %add3A_112 = arith.addi %mul3A_106, %get3A_111 : vector<16xi32>
    %swap3A_113 = arith.constant 0 : i32
    %swap3A_114 = arith.index_cast %swap3A_113 : i32 to index
    %swap3A_115 = arith.constant 16 : index
    %swap3A_116 = tpu.vector_load %arg10[%swap3A_114, %swap3A_115] {strides = array<i32>} : memref<8x128xi32, #tpu.memory_space<vmem>>, vector<1x16xi32>,
    %swap3A_117 = vector.shape_cast %swap3A_116 : vector<1x16xi32> to vector<16xi32>
    %swap3A_118 = vector.shape_cast %add3A_112 : vector<16xi32> to vector<1x16xi32>
    tpu.vector_store %arg10[%swap3A_114, %swap3A_115], %swap3A_118 {strides = array<i32>} : memref<8x128xi32, #tpu.memory_space<vmem>>, vector<1x16xi32>,
    %get3A_119 = arith.constant 0 : i32
    %get3A_120 = arith.index_cast %get3A_119 : i32 to index
    %get3A_121 = arith.constant 32 : index
    %get3A_122 = tpu.vector_load %arg8[%get3A_120, %get3A_121] {strides = array<i32>} : memref<8x128xi32, #tpu.memory_space<vmem>>, vector<1x16xi32>,
    %get3A_123 = vector.shape_cast %get3A_122 : vector<1x16xi32> to vector<16xi32>
    %mul3A_124 = arith.constant 512 : i32
    %mul3A_125 = vector.broadcast %mul3A_124 : i32 to vector<16xi32>
    %mul3A_126 = arith.muli %get3A_123, %mul3A_125 : vector<16xi32>
    %get3A_127 = arith.constant 0 : i32
    %get3A_128 = arith.index_cast %get3A_127 : i32 to index
    %get3A_129 = arith.constant 32 : index
    %get3A_130 = tpu.vector_load %arg7[%get3A_128, %get3A_129] {strides = array<i32>} : memref<8x128xi32, #tpu.memory_space<vmem>>, vector<1x16xi32>,
    %get3A_131 = vector.shape_cast %get3A_130 : vector<1x16xi32> to vector<16xi32>
    %add3A_132 = arith.addi %mul3A_126, %get3A_131 : vector<16xi32>
    %swap3A_133 = arith.constant 0 : i32
    %swap3A_134 = arith.index_cast %swap3A_133 : i32 to index
    %swap3A_135 = arith.constant 32 : index
    %swap3A_136 = tpu.vector_load %arg10[%swap3A_134, %swap3A_135] {strides = array<i32>} : memref<8x128xi32, #tpu.memory_space<vmem>>, vector<1x16xi32>,
    %swap3A_137 = vector.shape_cast %swap3A_136 : vector<1x16xi32> to vector<16xi32>
    %swap3A_138 = vector.shape_cast %add3A_132 : vector<16xi32> to vector<1x16xi32>
    tpu.vector_store %arg10[%swap3A_134, %swap3A_135], %swap3A_138 {strides = array<i32>} : memref<8x128xi32, #tpu.memory_space<vmem>>, vector<1x16xi32>,
    %get3A_139 = arith.constant 0 : i32
    %get3A_140 = arith.index_cast %get3A_139 : i32 to index
    %get3A_141 = arith.constant 48 : index
    %get3A_142 = tpu.vector_load %arg8[%get3A_140, %get3A_141] {strides = array<i32>} : memref<8x128xi32, #tpu.memory_space<vmem>>, vector<1x16xi32>,
    %get3A_143 = vector.shape_cast %get3A_142 : vector<1x16xi32> to vector<16xi32>
    %mul3A_144 = arith.constant 512 : i32
    %mul3A_145 = vector.broadcast %mul3A_144 : i32 to vector<16xi32>
    %mul3A_146 = arith.muli %get3A_143, %mul3A_145 : vector<16xi32>
    %get3A_147 = arith.constant 0 : i32
    %get3A_148 = arith.index_cast %get3A_147 : i32 to index
    %get3A_149 = arith.constant 48 : index
    %get3A_150 = tpu.vector_load %arg7[%get3A_148, %get3A_149] {strides = array<i32>} : memref<8x128xi32, #tpu.memory_space<vmem>>, vector<1x16xi32>,
    %get3A_151 = vector.shape_cast %get3A_150 : vector<1x16xi32> to vector<16xi32>
    %add3A_152 = arith.addi %mul3A_146, %get3A_151 : vector<16xi32>
    %swap3A_153 = arith.constant 0 : i32
    %swap3A_154 = arith.index_cast %swap3A_153 : i32 to index
    %swap3A_155 = arith.constant 48 : index
    %swap3A_156 = tpu.vector_load %arg10[%swap3A_154, %swap3A_155] {strides = array<i32>} : memref<8x128xi32, #tpu.memory_space<vmem>>, vector<1x16xi32>,
    %swap3A_157 = vector.shape_cast %swap3A_156 : vector<1x16xi32> to vector<16xi32>
    %swap3A_158 = vector.shape_cast %add3A_152 : vector<16xi32> to vector<1x16xi32>
    tpu.vector_store %arg10[%swap3A_154, %swap3A_155], %swap3A_158 {strides = array<i32>} : memref<8x128xi32, #tpu.memory_space<vmem>>, vector<1x16xi32>,
    %get3A_159 = arith.constant 0 : i32
    %get3A_160 = arith.index_cast %get3A_159 : i32 to index
    %get3A_161 = arith.constant 64 : index
    %get3A_162 = tpu.vector_load %arg8[%get3A_160, %get3A_161] {strides = array<i32>} : memref<8x128xi32, #tpu.memory_space<vmem>>, vector<1x16xi32>,
    %get3A_163 = vector.shape_cast %get3A_162 : vector<1x16xi32> to vector<16xi32>
    %mul3A_164 = arith.constant 512 : i32
    %mul3A_165 = vector.broadcast %mul3A_164 : i32 to vector<16xi32>
    %mul3A_166 = arith.muli %get3A_163, %mul3A_165 : vector<16xi32>
    %get3A_167 = arith.constant 0 : i32
    %get3A_168 = arith.index_cast %get3A_167 : i32 to index
    %get3A_169 = arith.constant 64 : index
    %get3A_170 = tpu.vector_load %arg7[%get3A_168, %get3A_169] {strides = array<i32>} : memref<8x128xi32, #tpu.memory_space<vmem>>, vector<1x16xi32>,
    %get3A_171 = vector.shape_cast %get3A_170 : vector<1x16xi32> to vector<16xi32>
    %add3A_172 = arith.addi %mul3A_166, %get3A_171 : vector<16xi32>
    %swap3A_173 = arith.constant 0 : i32
    %swap3A_174 = arith.index_cast %swap3A_173 : i32 to index
    %swap3A_175 = arith.constant 64 : index
    %swap3A_176 = tpu.vector_load %arg10[%swap3A_174, %swap3A_175] {strides = array<i32>} : memref<8x128xi32, #tpu.memory_space<vmem>>, vector<1x16xi32>,
    %swap3A_177 = vector.shape_cast %swap3A_176 : vector<1x16xi32> to vector<16xi32>
    %swap3A_178 = vector.shape_cast %add3A_172 : vector<16xi32> to vector<1x16xi32>
    tpu.vector_store %arg10[%swap3A_174, %swap3A_175], %swap3A_178 {strides = array<i32>} : memref<8x128xi32, #tpu.memory_space<vmem>>, vector<1x16xi32>,
    %get3A_179 = arith.constant 0 : i32
    %get3A_180 = arith.index_cast %get3A_179 : i32 to index
    %get3A_181 = arith.constant 80 : index
    %get3A_182 = tpu.vector_load %arg8[%get3A_180, %get3A_181] {strides = array<i32>} : memref<8x128xi32, #tpu.memory_space<vmem>>, vector<1x16xi32>,
    %get3A_183 = vector.shape_cast %get3A_182 : vector<1x16xi32> to vector<16xi32>
    %mul3A_184 = arith.constant 512 : i32
    %mul3A_185 = vector.broadcast %mul3A_184 : i32 to vector<16xi32>
    %mul3A_186 = arith.muli %get3A_183, %mul3A_185 : vector<16xi32>
    %get3A_187 = arith.constant 0 : i32
    %get3A_188 = arith.index_cast %get3A_187 : i32 to index
    %get3A_189 = arith.constant 80 : index
    %get3A_190 = tpu.vector_load %arg7[%get3A_188, %get3A_189] {strides = array<i32>} : memref<8x128xi32, #tpu.memory_space<vmem>>, vector<1x16xi32>,
    %get3A_191 = vector.shape_cast %get3A_190 : vector<1x16xi32> to vector<16xi32>
    %add3A_192 = arith.addi %mul3A_186, %get3A_191 : vector<16xi32>
    %swap3A_193 = arith.constant 0 : i32
    %swap3A_194 = arith.index_cast %swap3A_193 : i32 to index
    %swap3A_195 = arith.constant 80 : index
    %swap3A_196 = tpu.vector_load %arg10[%swap3A_194, %swap3A_195] {strides = array<i32>} : memref<8x128xi32, #tpu.memory_space<vmem>>, vector<1x16xi32>,
    %swap3A_197 = vector.shape_cast %swap3A_196 : vector<1x16xi32> to vector<16xi32>
    %swap3A_198 = vector.shape_cast %add3A_192 : vector<16xi32> to vector<1x16xi32>
    tpu.vector_store %arg10[%swap3A_194, %swap3A_195], %swap3A_198 {strides = array<i32>} : memref<8x128xi32, #tpu.memory_space<vmem>>, vector<1x16xi32>,
    %get3A_199 = arith.constant 0 : i32
    %get3A_200 = arith.index_cast %get3A_199 : i32 to index
    %get3A_201 = arith.constant 96 : index
    %get3A_202 = tpu.vector_load %arg8[%get3A_200, %get3A_201] {strides = array<i32>} : memref<8x128xi32, #tpu.memory_space<vmem>>, vector<1x16xi32>,
    %get3A_203 = vector.shape_cast %get3A_202 : vector<1x16xi32> to vector<16xi32>
    %mul3A_204 = arith.constant 512 : i32
    %mul3A_205 = vector.broadcast %mul3A_204 : i32 to vector<16xi32>
    %mul3A_206 = arith.muli %get3A_203, %mul3A_205 : vector<16xi32>
    %get3A_207 = arith.constant 0 : i32
    %get3A_208 = arith.index_cast %get3A_207 : i32 to index
    %get3A_209 = arith.constant 96 : index
    %get3A_210 = tpu.vector_load %arg7[%get3A_208, %get3A_209] {strides = array<i32>} : memref<8x128xi32, #tpu.memory_space<vmem>>, vector<1x16xi32>,
    %get3A_211 = vector.shape_cast %get3A_210 : vector<1x16xi32> to vector<16xi32>
    %add3A_212 = arith.addi %mul3A_206, %get3A_211 : vector<16xi32>
    %swap3A_213 = arith.constant 0 : i32
    %swap3A_214 = arith.index_cast %swap3A_213 : i32 to index
    %swap3A_215 = arith.constant 96 : index
    %swap3A_216 = tpu.vector_load %arg10[%swap3A_214, %swap3A_215] {strides = array<i32>} : memref<8x128xi32, #tpu.memory_space<vmem>>, vector<1x16xi32>,
    %swap3A_217 = vector.shape_cast %swap3A_216 : vector<1x16xi32> to vector<16xi32>
    %swap3A_218 = vector.shape_cast %add3A_212 : vector<16xi32> to vector<1x16xi32>
    tpu.vector_store %arg10[%swap3A_214, %swap3A_215], %swap3A_218 {strides = array<i32>} : memref<8x128xi32, #tpu.memory_space<vmem>>, vector<1x16xi32>,
    %get3A_219 = arith.constant 0 : i32
    %get3A_220 = arith.index_cast %get3A_219 : i32 to index
    %get3A_221 = arith.constant 112 : index
    %get3A_222 = tpu.vector_load %arg8[%get3A_220, %get3A_221] {strides = array<i32>} : memref<8x128xi32, #tpu.memory_space<vmem>>, vector<1x16xi32>,
    %get3A_223 = vector.shape_cast %get3A_222 : vector<1x16xi32> to vector<16xi32>
    %mul3A_224 = arith.constant 512 : i32
    %mul3A_225 = vector.broadcast %mul3A_224 : i32 to vector<16xi32>
    %mul3A_226 = arith.muli %get3A_223, %mul3A_225 : vector<16xi32>
    %get3A_227 = arith.constant 0 : i32
    %get3A_228 = arith.index_cast %get3A_227 : i32 to index
    %get3A_229 = arith.constant 112 : index
    %get3A_230 = tpu.vector_load %arg7[%get3A_228, %get3A_229] {strides = array<i32>} : memref<8x128xi32, #tpu.memory_space<vmem>>, vector<1x16xi32>,
    %get3A_231 = vector.shape_cast %get3A_230 : vector<1x16xi32> to vector<16xi32>
    %add3A_232 = arith.addi %mul3A_226, %get3A_231 : vector<16xi32>
    %swap3A_233 = arith.constant 0 : i32
    %swap3A_234 = arith.index_cast %swap3A_233 : i32 to index
    %swap3A_235 = arith.constant 112 : index
    %swap3A_236 = tpu.vector_load %arg10[%swap3A_234, %swap3A_235] {strides = array<i32>} : memref<8x128xi32, #tpu.memory_space<vmem>>, vector<1x16xi32>,
    %swap3A_237 = vector.shape_cast %swap3A_236 : vector<1x16xi32> to vector<16xi32>
    %swap3A_238 = vector.shape_cast %add3A_232 : vector<16xi32> to vector<1x16xi32>
    tpu.vector_store %arg10[%swap3A_234, %swap3A_235], %swap3A_238 {strides = array<i32>} : memref<8x128xi32, #tpu.memory_space<vmem>>, vector<1x16xi32>,
    %get3A_239 = arith.constant 1 : i32
    %get3A_240 = arith.index_cast %get3A_239 : i32 to index
    %get3A_241 = arith.constant 0 : index
    %get3A_242 = tpu.vector_load %arg8[%get3A_240, %get3A_241] {strides = array<i32>} : memref<8x128xi32, #tpu.memory_space<vmem>>, vector<1x16xi32>,
    %get3A_243 = vector.shape_cast %get3A_242 : vector<1x16xi32> to vector<16xi32>
    %mul3A_244 = arith.constant 512 : i32
    %mul3A_245 = vector.broadcast %mul3A_244 : i32 to vector<16xi32>
    %mul3A_246 = arith.muli %get3A_243, %mul3A_245 : vector<16xi32>
    %get3A_247 = arith.constant 1 : i32
    %get3A_248 = arith.index_cast %get3A_247 : i32 to index
    %get3A_249 = arith.constant 0 : index
    %get3A_250 = tpu.vector_load %arg7[%get3A_248, %get3A_249] {strides = array<i32>} : memref<8x128xi32, #tpu.memory_space<vmem>>, vector<1x16xi32>,
    %get3A_251 = vector.shape_cast %get3A_250 : vector<1x16xi32> to vector<16xi32>
    %add3A_252 = arith.addi %mul3A_246, %get3A_251 : vector<16xi32>
    %swap3A_253 = arith.constant 1 : i32
    %swap3A_254 = arith.index_cast %swap3A_253 : i32 to index
    %swap3A_255 = arith.constant 0 : index
    %swap3A_256 = tpu.vector_load %arg10[%swap3A_254, %swap3A_255] {strides = array<i32>} : memref<8x128xi32, #tpu.memory_space<vmem>>, vector<1x16xi32>,
    %swap3A_257 = vector.shape_cast %swap3A_256 : vector<1x16xi32> to vector<16xi32>
    %swap3A_258 = vector.shape_cast %add3A_252 : vector<16xi32> to vector<1x16xi32>
    tpu.vector_store %arg10[%swap3A_254, %swap3A_255], %swap3A_258 {strides = array<i32>} : memref<8x128xi32, #tpu.memory_space<vmem>>, vector<1x16xi32>,
    %get3A_259 = arith.constant 1 : i32
    %get3A_260 = arith.index_cast %get3A_259 : i32 to index
    %get3A_261 = arith.constant 16 : index
    %get3A_262 = tpu.vector_load %arg8[%get3A_260, %get3A_261] {strides = array<i32>} : memref<8x128xi32, #tpu.memory_space<vmem>>, vector<1x16xi32>,
    %get3A_263 = vector.shape_cast %get3A_262 : vector<1x16xi32> to vector<16xi32>
    %mul3A_264 = arith.constant 512 : i32
    %mul3A_265 = vector.broadcast %mul3A_264 : i32 to vector<16xi32>
    %mul3A_266 = arith.muli %get3A_263, %mul3A_265 : vector<16xi32>
    %get3A_267 = arith.constant 1 : i32
    %get3A_268 = arith.index_cast %get3A_267 : i32 to index
    %get3A_269 = arith.constant 16 : index
    %get3A_270 = tpu.vector_load %arg7[%get3A_268, %get3A_269] {strides = array<i32>} : memref<8x128xi32, #tpu.memory_space<vmem>>, vector<1x16xi32>,
    %get3A_271 = vector.shape_cast %get3A_270 : vector<1x16xi32> to vector<16xi32>
    %add3A_272 = arith.addi %mul3A_266, %get3A_271 : vector<16xi32>
    %swap3A_273 = arith.constant 1 : i32
    %swap3A_274 = arith.index_cast %swap3A_273 : i32 to index
    %swap3A_275 = arith.constant 16 : index
    %swap3A_276 = tpu.vector_load %arg10[%swap3A_274, %swap3A_275] {strides = array<i32>} : memref<8x128xi32, #tpu.memory_space<vmem>>, vector<1x16xi32>,
    %swap3A_277 = vector.shape_cast %swap3A_276 : vector<1x16xi32> to vector<16xi32>
    %swap3A_278 = vector.shape_cast %add3A_272 : vector<16xi32> to vector<1x16xi32>
    tpu.vector_store %arg10[%swap3A_274, %swap3A_275], %swap3A_278 {strides = array<i32>} : memref<8x128xi32, #tpu.memory_space<vmem>>, vector<1x16xi32>,
    %get3A_279 = arith.constant 1 : i32
    %get3A_280 = arith.index_cast %get3A_279 : i32 to index
    %get3A_281 = arith.constant 32 : index
    %get3A_282 = tpu.vector_load %arg8[%get3A_280, %get3A_281] {strides = array<i32>} : memref<8x128xi32, #tpu.memory_space<vmem>>, vector<1x16xi32>,
    %get3A_283 = vector.shape_cast %get3A_282 : vector<1x16xi32> to vector<16xi32>
    %mul3A_284 = arith.constant 512 : i32
    %mul3A_285 = vector.broadcast %mul3A_284 : i32 to vector<16xi32>
    %mul3A_286 = arith.muli %get3A_283, %mul3A_285 : vector<16xi32>
    %get3A_287 = arith.constant 1 : i32
    %get3A_288 = arith.index_cast %get3A_287 : i32 to index
    %get3A_289 = arith.constant 32 : index
    %get3A_290 = tpu.vector_load %arg7[%get3A_288, %get3A_289] {strides = array<i32>} : memref<8x128xi32, #tpu.memory_space<vmem>>, vector<1x16xi32>,
    %get3A_291 = vector.shape_cast %get3A_290 : vector<1x16xi32> to vector<16xi32>
    %add3A_292 = arith.addi %mul3A_286, %get3A_291 : vector<16xi32>
    %swap3A_293 = arith.constant 1 : i32
    %swap3A_294 = arith.index_cast %swap3A_293 : i32 to index
    %swap3A_295 = arith.constant 32 : index
    %swap3A_296 = tpu.vector_load %arg10[%swap3A_294, %swap3A_295] {strides = array<i32>} : memref<8x128xi32, #tpu.memory_space<vmem>>, vector<1x16xi32>,
    %swap3A_297 = vector.shape_cast %swap3A_296 : vector<1x16xi32> to vector<16xi32>
    %swap3A_298 = vector.shape_cast %add3A_292 : vector<16xi32> to vector<1x16xi32>
    tpu.vector_store %arg10[%swap3A_294, %swap3A_295], %swap3A_298 {strides = array<i32>} : memref<8x128xi32, #tpu.memory_space<vmem>>, vector<1x16xi32>,
    %get3A_299 = arith.constant 1 : i32
    %get3A_300 = arith.index_cast %get3A_299 : i32 to index
    %get3A_301 = arith.constant 48 : index
    %get3A_302 = tpu.vector_load %arg8[%get3A_300, %get3A_301] {strides = array<i32>} : memref<8x128xi32, #tpu.memory_space<vmem>>, vector<1x16xi32>,
    %get3A_303 = vector.shape_cast %get3A_302 : vector<1x16xi32> to vector<16xi32>
    %mul3A_304 = arith.constant 512 : i32
    %mul3A_305 = vector.broadcast %mul3A_304 : i32 to vector<16xi32>
    %mul3A_306 = arith.muli %get3A_303, %mul3A_305 : vector<16xi32>
    %get3A_307 = arith.constant 1 : i32
    %get3A_308 = arith.index_cast %get3A_307 : i32 to index
    %get3A_309 = arith.constant 48 : index
    %get3A_310 = tpu.vector_load %arg7[%get3A_308, %get3A_309] {strides = array<i32>} : memref<8x128xi32, #tpu.memory_space<vmem>>, vector<1x16xi32>,
    %get3A_311 = vector.shape_cast %get3A_310 : vector<1x16xi32> to vector<16xi32>
    %add3A_312 = arith.addi %mul3A_306, %get3A_311 : vector<16xi32>
    %swap3A_313 = arith.constant 1 : i32
    %swap3A_314 = arith.index_cast %swap3A_313 : i32 to index
    %swap3A_315 = arith.constant 48 : index
    %swap3A_316 = tpu.vector_load %arg10[%swap3A_314, %swap3A_315] {strides = array<i32>} : memref<8x128xi32, #tpu.memory_space<vmem>>, vector<1x16xi32>,
    %swap3A_317 = vector.shape_cast %swap3A_316 : vector<1x16xi32> to vector<16xi32>
    %swap3A_318 = vector.shape_cast %add3A_312 : vector<16xi32> to vector<1x16xi32>
    tpu.vector_store %arg10[%swap3A_314, %swap3A_315], %swap3A_318 {strides = array<i32>} : memref<8x128xi32, #tpu.memory_space<vmem>>, vector<1x16xi32>,
    %get3A_319 = arith.constant 1 : i32
    %get3A_320 = arith.index_cast %get3A_319 : i32 to index
    %get3A_321 = arith.constant 64 : index
    %get3A_322 = tpu.vector_load %arg8[%get3A_320, %get3A_321] {strides = array<i32>} : memref<8x128xi32, #tpu.memory_space<vmem>>, vector<1x16xi32>,
    %get3A_323 = vector.shape_cast %get3A_322 : vector<1x16xi32> to vector<16xi32>
    %mul3A_324 = arith.constant 512 : i32
    %mul3A_325 = vector.broadcast %mul3A_324 : i32 to vector<16xi32>
    %mul3A_326 = arith.muli %get3A_323, %mul3A_325 : vector<16xi32>
    %get3A_327 = arith.constant 1 : i32
    %get3A_328 = arith.index_cast %get3A_327 : i32 to index
    %get3A_329 = arith.constant 64 : index
    %get3A_330 = tpu.vector_load %arg7[%get3A_328, %get3A_329] {strides = array<i32>} : memref<8x128xi32, #tpu.memory_space<vmem>>, vector<1x16xi32>,
    %get3A_331 = vector.shape_cast %get3A_330 : vector<1x16xi32> to vector<16xi32>
    %add3A_332 = arith.addi %mul3A_326, %get3A_331 : vector<16xi32>
    %swap3A_333 = arith.constant 1 : i32
    %swap3A_334 = arith.index_cast %swap3A_333 : i32 to index
    %swap3A_335 = arith.constant 64 : index
    %swap3A_336 = tpu.vector_load %arg10[%swap3A_334, %swap3A_335] {strides = array<i32>} : memref<8x128xi32, #tpu.memory_space<vmem>>, vector<1x16xi32>,
    %swap3A_337 = vector.shape_cast %swap3A_336 : vector<1x16xi32> to vector<16xi32>
    %swap3A_338 = vector.shape_cast %add3A_332 : vector<16xi32> to vector<1x16xi32>
    tpu.vector_store %arg10[%swap3A_334, %swap3A_335], %swap3A_338 {strides = array<i32>} : memref<8x128xi32, #tpu.memory_space<vmem>>, vector<1x16xi32>,
    %get3A_339 = arith.constant 1 : i32
    %get3A_340 = arith.index_cast %get3A_339 : i32 to index
    %get3A_341 = arith.constant 80 : index
    %get3A_342 = tpu.vector_load %arg8[%get3A_340, %get3A_341] {strides = array<i32>} : memref<8x128xi32, #tpu.memory_space<vmem>>, vector<1x16xi32>,
    %get3A_343 = vector.shape_cast %get3A_342 : vector<1x16xi32> to vector<16xi32>
    %mul3A_344 = arith.constant 512 : i32
    %mul3A_345 = vector.broadcast %mul3A_344 : i32 to vector<16xi32>
    %mul3A_346 = arith.muli %get3A_343, %mul3A_345 : vector<16xi32>
    %get3A_347 = arith.constant 1 : i32
    %get3A_348 = arith.index_cast %get3A_347 : i32 to index
    %get3A_349 = arith.constant 80 : index
    %get3A_350 = tpu.vector_load %arg7[%get3A_348, %get3A_349] {strides = array<i32>} : memref<8x128xi32, #tpu.memory_space<vmem>>, vector<1x16xi32>,
    %get3A_351 = vector.shape_cast %get3A_350 : vector<1x16xi32> to vector<16xi32>
    %add3A_352 = arith.addi %mul3A_346, %get3A_351 : vector<16xi32>
    %swap3A_353 = arith.constant 1 : i32
    %swap3A_354 = arith.index_cast %swap3A_353 : i32 to index
    %swap3A_355 = arith.constant 80 : index
    %swap3A_356 = tpu.vector_load %arg10[%swap3A_354, %swap3A_355] {strides = array<i32>} : memref<8x128xi32, #tpu.memory_space<vmem>>, vector<1x16xi32>,
    %swap3A_357 = vector.shape_cast %swap3A_356 : vector<1x16xi32> to vector<16xi32>
    %swap3A_358 = vector.shape_cast %add3A_352 : vector<16xi32> to vector<1x16xi32>
    tpu.vector_store %arg10[%swap3A_354, %swap3A_355], %swap3A_358 {strides = array<i32>} : memref<8x128xi32, #tpu.memory_space<vmem>>, vector<1x16xi32>,
    %get3A_359 = arith.constant 1 : i32
    %get3A_360 = arith.index_cast %get3A_359 : i32 to index
    %get3A_361 = arith.constant 96 : index
    %get3A_362 = tpu.vector_load %arg8[%get3A_360, %get3A_361] {strides = array<i32>} : memref<8x128xi32, #tpu.memory_space<vmem>>, vector<1x16xi32>,
    %get3A_363 = vector.shape_cast %get3A_362 : vector<1x16xi32> to vector<16xi32>
    %mul3A_364 = arith.constant 512 : i32
    %mul3A_365 = vector.broadcast %mul3A_364 : i32 to vector<16xi32>
    %mul3A_366 = arith.muli %get3A_363, %mul3A_365 : vector<16xi32>
    %get3A_367 = arith.constant 1 : i32
    %get3A_368 = arith.index_cast %get3A_367 : i32 to index
    %get3A_369 = arith.constant 96 : index
    %get3A_370 = tpu.vector_load %arg7[%get3A_368, %get3A_369] {strides = array<i32>} : memref<8x128xi32, #tpu.memory_space<vmem>>, vector<1x16xi32>,
    %get3A_371 = vector.shape_cast %get3A_370 : vector<1x16xi32> to vector<16xi32>
    %add3A_372 = arith.addi %mul3A_366, %get3A_371 : vector<16xi32>
    %swap3A_373 = arith.constant 1 : i32
    %swap3A_374 = arith.index_cast %swap3A_373 : i32 to index
    %swap3A_375 = arith.constant 96 : index
    %swap3A_376 = tpu.vector_load %arg10[%swap3A_374, %swap3A_375] {strides = array<i32>} : memref<8x128xi32, #tpu.memory_space<vmem>>, vector<1x16xi32>,
    %swap3A_377 = vector.shape_cast %swap3A_376 : vector<1x16xi32> to vector<16xi32>
    %swap3A_378 = vector.shape_cast %add3A_372 : vector<16xi32> to vector<1x16xi32>
    tpu.vector_store %arg10[%swap3A_374, %swap3A_375], %swap3A_378 {strides = array<i32>} : memref<8x128xi32, #tpu.memory_space<vmem>>, vector<1x16xi32>,
    %get3A_379 = arith.constant 1 : i32
    %get3A_380 = arith.index_cast %get3A_379 : i32 to index
    %get3A_381 = arith.constant 112 : index
    %get3A_382 = tpu.vector_load %arg8[%get3A_380, %get3A_381] {strides = array<i32>} : memref<8x128xi32, #tpu.memory_space<vmem>>, vector<1x16xi32>,
    %get3A_383 = vector.shape_cast %get3A_382 : vector<1x16xi32> to vector<16xi32>
    %mul3A_384 = arith.constant 512 : i32
    %mul3A_385 = vector.broadcast %mul3A_384 : i32 to vector<16xi32>
    %mul3A_386 = arith.muli %get3A_383, %mul3A_385 : vector<16xi32>
    %get3A_387 = arith.constant 1 : i32
    %get3A_388 = arith.index_cast %get3A_387 : i32 to index
    %get3A_389 = arith.constant 112 : index
    %get3A_390 = tpu.vector_load %arg7[%get3A_388, %get3A_389] {strides = array<i32>} : memref<8x128xi32, #tpu.memory_space<vmem>>, vector<1x16xi32>,
    %get3A_391 = vector.shape_cast %get3A_390 : vector<1x16xi32> to vector<16xi32>
    %add3A_392 = arith.addi %mul3A_386, %get3A_391 : vector<16xi32>
    %swap3A_393 = arith.constant 1 : i32
    %swap3A_394 = arith.index_cast %swap3A_393 : i32 to index
    %swap3A_395 = arith.constant 112 : index
    %swap3A_396 = tpu.vector_load %arg10[%swap3A_394, %swap3A_395] {strides = array<i32>} : memref<8x128xi32, #tpu.memory_space<vmem>>, vector<1x16xi32>,
    %swap3A_397 = vector.shape_cast %swap3A_396 : vector<1x16xi32> to vector<16xi32>
    %swap3A_398 = vector.shape_cast %add3A_392 : vector<16xi32> to vector<1x16xi32>
    tpu.vector_store %arg10[%swap3A_394, %swap3A_395], %swap3A_398 {strides = array<i32>} : memref<8x128xi32, #tpu.memory_space<vmem>>, vector<1x16xi32>,
    %get3A_399 = arith.constant 2 : i32
    %get3A_400 = arith.index_cast %get3A_399 : i32 to index
    %get3A_401 = arith.constant 0 : index
    %get3A_402 = tpu.vector_load %arg8[%get3A_400, %get3A_401] {strides = array<i32>} : memref<8x128xi32, #tpu.memory_space<vmem>>, vector<1x16xi32>,
    %get3A_403 = vector.shape_cast %get3A_402 : vector<1x16xi32> to vector<16xi32>
    %mul3A_404 = arith.constant 512 : i32
    %mul3A_405 = vector.broadcast %mul3A_404 : i32 to vector<16xi32>
    %mul3A_406 = arith.muli %get3A_403, %mul3A_405 : vector<16xi32>
    %get3A_407 = arith.constant 2 : i32
    %get3A_408 = arith.index_cast %get3A_407 : i32 to index
    %get3A_409 = arith.constant 0 : index
    %get3A_410 = tpu.vector_load %arg7[%get3A_408, %get3A_409] {strides = array<i32>} : memref<8x128xi32, #tpu.memory_space<vmem>>, vector<1x16xi32>,
    %get3A_411 = vector.shape_cast %get3A_410 : vector<1x16xi32> to vector<16xi32>
    %add3A_412 = arith.addi %mul3A_406, %get3A_411 : vector<16xi32>
    %swap3A_413 = arith.constant 2 : i32
    %swap3A_414 = arith.index_cast %swap3A_413 : i32 to index
    %swap3A_415 = arith.constant 0 : index
    %swap3A_416 = tpu.vector_load %arg10[%swap3A_414, %swap3A_415] {strides = array<i32>} : memref<8x128xi32, #tpu.memory_space<vmem>>, vector<1x16xi32>,
    %swap3A_417 = vector.shape_cast %swap3A_416 : vector<1x16xi32> to vector<16xi32>
    %swap3A_418 = vector.shape_cast %add3A_412 : vector<16xi32> to vector<1x16xi32>
    tpu.vector_store %arg10[%swap3A_414, %swap3A_415], %swap3A_418 {strides = array<i32>} : memref<8x128xi32, #tpu.memory_space<vmem>>, vector<1x16xi32>,
    %get3A_419 = arith.constant 2 : i32
    %get3A_420 = arith.index_cast %get3A_419 : i32 to index
    %get3A_421 = arith.constant 16 : index
    %get3A_422 = tpu.vector_load %arg8[%get3A_420, %get3A_421] {strides = array<i32>} : memref<8x128xi32, #tpu.memory_space<vmem>>, vector<1x16xi32>,
    %get3A_423 = vector.shape_cast %get3A_422 : vector<1x16xi32> to vector<16xi32>
    %mul3A_424 = arith.constant 512 : i32
    %mul3A_425 = vector.broadcast %mul3A_424 : i32 to vector<16xi32>
    %mul3A_426 = arith.muli %get3A_423, %mul3A_425 : vector<16xi32>
    %get3A_427 = arith.constant 2 : i32
    %get3A_428 = arith.index_cast %get3A_427 : i32 to index
    %get3A_429 = arith.constant 16 : index
    %get3A_430 = tpu.vector_load %arg7[%get3A_428, %get3A_429] {strides = array<i32>} : memref<8x128xi32, #tpu.memory_space<vmem>>, vector<1x16xi32>,
    %get3A_431 = vector.shape_cast %get3A_430 : vector<1x16xi32> to vector<16xi32>
    %add3A_432 = arith.addi %mul3A_426, %get3A_431 : vector<16xi32>
    %swap3A_433 = arith.constant 2 : i32
    %swap3A_434 = arith.index_cast %swap3A_433 : i32 to index
    %swap3A_435 = arith.constant 16 : index
    %swap3A_436 = tpu.vector_load %arg10[%swap3A_434, %swap3A_435] {strides = array<i32>} : memref<8x128xi32, #tpu.memory_space<vmem>>, vector<1x16xi32>,
    %swap3A_437 = vector.shape_cast %swap3A_436 : vector<1x16xi32> to vector<16xi32>
    %swap3A_438 = vector.shape_cast %add3A_432 : vector<16xi32> to vector<1x16xi32>
    tpu.vector_store %arg10[%swap3A_434, %swap3A_435], %swap3A_438 {strides = array<i32>} : memref<8x128xi32, #tpu.memory_space<vmem>>, vector<1x16xi32>,
    %get3A_439 = arith.constant 2 : i32
    %get3A_440 = arith.index_cast %get3A_439 : i32 to index
    %get3A_441 = arith.constant 32 : index
    %get3A_442 = tpu.vector_load %arg8[%get3A_440, %get3A_441] {strides = array<i32>} : memref<8x128xi32, #tpu.memory_space<vmem>>, vector<1x16xi32>,
    %get3A_443 = vector.shape_cast %get3A_442 : vector<1x16xi32> to vector<16xi32>
    %mul3A_444 = arith.constant 512 : i32
    %mul3A_445 = vector.broadcast %mul3A_444 : i32 to vector<16xi32>
    %mul3A_446 = arith.muli %get3A_443, %mul3A_445 : vector<16xi32>
    %get3A_447 = arith.constant 2 : i32
    %get3A_448 = arith.index_cast %get3A_447 : i32 to index
    %get3A_449 = arith.constant 32 : index
    %get3A_450 = tpu.vector_load %arg7[%get3A_448, %get3A_449] {strides = array<i32>} : memref<8x128xi32, #tpu.memory_space<vmem>>, vector<1x16xi32>,
    %get3A_451 = vector.shape_cast %get3A_450 : vector<1x16xi32> to vector<16xi32>
    %add3A_452 = arith.addi %mul3A_446, %get3A_451 : vector<16xi32>
    %swap3A_453 = arith.constant 2 : i32
    %swap3A_454 = arith.index_cast %swap3A_453 : i32 to index
    %swap3A_455 = arith.constant 32 : index
    %swap3A_456 = tpu.vector_load %arg10[%swap3A_454, %swap3A_455] {strides = array<i32>} : memref<8x128xi32, #tpu.memory_space<vmem>>, vector<1x16xi32>,
    %swap3A_457 = vector.shape_cast %swap3A_456 : vector<1x16xi32> to vector<16xi32>
    %swap3A_458 = vector.shape_cast %add3A_452 : vector<16xi32> to vector<1x16xi32>
    tpu.vector_store %arg10[%swap3A_454, %swap3A_455], %swap3A_458 {strides = array<i32>} : memref<8x128xi32, #tpu.memory_space<vmem>>, vector<1x16xi32>,
    %get3A_459 = arith.constant 2 : i32
    %get3A_460 = arith.index_cast %get3A_459 : i32 to index
    %get3A_461 = arith.constant 48 : index
    %get3A_462 = tpu.vector_load %arg8[%get3A_460, %get3A_461] {strides = array<i32>} : memref<8x128xi32, #tpu.memory_space<vmem>>, vector<1x16xi32>,
    %get3A_463 = vector.shape_cast %get3A_462 : vector<1x16xi32> to vector<16xi32>
    %mul3A_464 = arith.constant 512 : i32
    %mul3A_465 = vector.broadcast %mul3A_464 : i32 to vector<16xi32>
    %mul3A_466 = arith.muli %get3A_463, %mul3A_465 : vector<16xi32>
    %get3A_467 = arith.constant 2 : i32
    %get3A_468 = arith.index_cast %get3A_467 : i32 to index
    %get3A_469 = arith.constant 48 : index
    %get3A_470 = tpu.vector_load %arg7[%get3A_468, %get3A_469] {strides = array<i32>} : memref<8x128xi32, #tpu.memory_space<vmem>>, vector<1x16xi32>,
    %get3A_471 = vector.shape_cast %get3A_470 : vector<1x16xi32> to vector<16xi32>
    %add3A_472 = arith.addi %mul3A_466, %get3A_471 : vector<16xi32>
    %swap3A_473 = arith.constant 2 : i32
    %swap3A_474 = arith.index_cast %swap3A_473 : i32 to index
    %swap3A_475 = arith.constant 48 : index
    %swap3A_476 = tpu.vector_load %arg10[%swap3A_474, %swap3A_475] {strides = array<i32>} : memref<8x128xi32, #tpu.memory_space<vmem>>, vector<1x16xi32>,
    %swap3A_477 = vector.shape_cast %swap3A_476 : vector<1x16xi32> to vector<16xi32>
    %swap3A_478 = vector.shape_cast %add3A_472 : vector<16xi32> to vector<1x16xi32>
    tpu.vector_store %arg10[%swap3A_474, %swap3A_475], %swap3A_478 {strides = array<i32>} : memref<8x128xi32, #tpu.memory_space<vmem>>, vector<1x16xi32>,
    %get3A_479 = arith.constant 2 : i32
    %get3A_480 = arith.index_cast %get3A_479 : i32 to index
    %get3A_481 = arith.constant 64 : index
    %get3A_482 = tpu.vector_load %arg8[%get3A_480, %get3A_481] {strides = array<i32>} : memref<8x128xi32, #tpu.memory_space<vmem>>, vector<1x16xi32>,
    %get3A_483 = vector.shape_cast %get3A_482 : vector<1x16xi32> to vector<16xi32>
    %mul3A_484 = arith.constant 512 : i32
    %mul3A_485 = vector.broadcast %mul3A_484 : i32 to vector<16xi32>
    %mul3A_486 = arith.muli %get3A_483, %mul3A_485 : vector<16xi32>
    %get3A_487 = arith.constant 2 : i32
    %get3A_488 = arith.index_cast %get3A_487 : i32 to index
    %get3A_489 = arith.constant 64 : index
    %get3A_490 = tpu.vector_load %arg7[%get3A_488, %get3A_489] {strides = array<i32>} : memref<8x128xi32, #tpu.memory_space<vmem>>, vector<1x16xi32>,
    %get3A_491 = vector.shape_cast %get3A_490 : vector<1x16xi32> to vector<16xi32>
    %add3A_492 = arith.addi %mul3A_486, %get3A_491 : vector<16xi32>
    %swap3A_493 = arith.constant 2 : i32
    %swap3A_494 = arith.index_cast %swap3A_493 : i32 to index
    %swap3A_495 = arith.constant 64 : index
    %swap3A_496 = tpu.vector_load %arg10[%swap3A_494, %swap3A_495] {strides = array<i32>} : memref<8x128xi32, #tpu.memory_space<vmem>>, vector<1x16xi32>,
    %swap3A_497 = vector.shape_cast %swap3A_496 : vector<1x16xi32> to vector<16xi32>
    %swap3A_498 = vector.shape_cast %add3A_492 : vector<16xi32> to vector<1x16xi32>
    tpu.vector_store %arg10[%swap3A_494, %swap3A_495], %swap3A_498 {strides = array<i32>} : memref<8x128xi32, #tpu.memory_space<vmem>>, vector<1x16xi32>,
    %get3A_499 = arith.constant 2 : i32
    %get3A_500 = arith.index_cast %get3A_499 : i32 to index
    %get3A_501 = arith.constant 80 : index
    %get3A_502 = tpu.vector_load %arg8[%get3A_500, %get3A_501] {strides = array<i32>} : memref<8x128xi32, #tpu.memory_space<vmem>>, vector<1x16xi32>,
    %get3A_503 = vector.shape_cast %get3A_502 : vector<1x16xi32> to vector<16xi32>
    %mul3A_504 = arith.constant 512 : i32
    %mul3A_505 = vector.broadcast %mul3A_504 : i32 to vector<16xi32>
    %mul3A_506 = arith.muli %get3A_503, %mul3A_505 : vector<16xi32>
    %get3A_507 = arith.constant 2 : i32
    %get3A_508 = arith.index_cast %get3A_507 : i32 to index
    %get3A_509 = arith.constant 80 : index
    %get3A_510 = tpu.vector_load %arg7[%get3A_508, %get3A_509] {strides = array<i32>} : memref<8x128xi32, #tpu.memory_space<vmem>>, vector<1x16xi32>,
    %get3A_511 = vector.shape_cast %get3A_510 : vector<1x16xi32> to vector<16xi32>
    %add3A_512 = arith.addi %mul3A_506, %get3A_511 : vector<16xi32>
    %swap3A_513 = arith.constant 2 : i32
    %swap3A_514 = arith.index_cast %swap3A_513 : i32 to index
    %swap3A_515 = arith.constant 80 : index
    %swap3A_516 = tpu.vector_load %arg10[%swap3A_514, %swap3A_515] {strides = array<i32>} : memref<8x128xi32, #tpu.memory_space<vmem>>, vector<1x16xi32>,
    %swap3A_517 = vector.shape_cast %swap3A_516 : vector<1x16xi32> to vector<16xi32>
    %swap3A_518 = vector.shape_cast %add3A_512 : vector<16xi32> to vector<1x16xi32>
    tpu.vector_store %arg10[%swap3A_514, %swap3A_515], %swap3A_518 {strides = array<i32>} : memref<8x128xi32, #tpu.memory_space<vmem>>, vector<1x16xi32>,
    %get3A_519 = arith.constant 2 : i32
    %get3A_520 = arith.index_cast %get3A_519 : i32 to index
    %get3A_521 = arith.constant 96 : index
    %get3A_522 = tpu.vector_load %arg8[%get3A_520, %get3A_521] {strides = array<i32>} : memref<8x128xi32, #tpu.memory_space<vmem>>, vector<1x16xi32>,
    %get3A_523 = vector.shape_cast %get3A_522 : vector<1x16xi32> to vector<16xi32>
    %mul3A_524 = arith.constant 512 : i32
    %mul3A_525 = vector.broadcast %mul3A_524 : i32 to vector<16xi32>
    %mul3A_526 = arith.muli %get3A_523, %mul3A_525 : vector<16xi32>
    %get3A_527 = arith.constant 2 : i32
    %get3A_528 = arith.index_cast %get3A_527 : i32 to index
    %get3A_529 = arith.constant 96 : index
    %get3A_530 = tpu.vector_load %arg7[%get3A_528, %get3A_529] {strides = array<i32>} : memref<8x128xi32, #tpu.memory_space<vmem>>, vector<1x16xi32>,
    %get3A_531 = vector.shape_cast %get3A_530 : vector<1x16xi32> to vector<16xi32>
    %add3A_532 = arith.addi %mul3A_526, %get3A_531 : vector<16xi32>
    %swap3A_533 = arith.constant 2 : i32
    %swap3A_534 = arith.index_cast %swap3A_533 : i32 to index
    %swap3A_535 = arith.constant 96 : index
    %swap3A_536 = tpu.vector_load %arg10[%swap3A_534, %swap3A_535] {strides = array<i32>} : memref<8x128xi32, #tpu.memory_space<vmem>>, vector<1x16xi32>,
    %swap3A_537 = vector.shape_cast %swap3A_536 : vector<1x16xi32> to vector<16xi32>
    %swap3A_538 = vector.shape_cast %add3A_532 : vector<16xi32> to vector<1x16xi32>
    tpu.vector_store %arg10[%swap3A_534, %swap3A_535], %swap3A_538 {strides = array<i32>} : memref<8x128xi32, #tpu.memory_space<vmem>>, vector<1x16xi32>,
    %get3A_539 = arith.constant 2 : i32
    %get3A_540 = arith.index_cast %get3A_539 : i32 to index
    %get3A_541 = arith.constant 112 : index
    %get3A_542 = tpu.vector_load %arg8[%get3A_540, %get3A_541] {strides = array<i32>} : memref<8x128xi32, #tpu.memory_space<vmem>>, vector<1x16xi32>,
    %get3A_543 = vector.shape_cast %get3A_542 : vector<1x16xi32> to vector<16xi32>
    %mul3A_544 = arith.constant 512 : i32
    %mul3A_545 = vector.broadcast %mul3A_544 : i32 to vector<16xi32>
    %mul3A_546 = arith.muli %get3A_543, %mul3A_545 : vector<16xi32>
    %get3A_547 = arith.constant 2 : i32
    %get3A_548 = arith.index_cast %get3A_547 : i32 to index
    %get3A_549 = arith.constant 112 : index
    %get3A_550 = tpu.vector_load %arg7[%get3A_548, %get3A_549] {strides = array<i32>} : memref<8x128xi32, #tpu.memory_space<vmem>>, vector<1x16xi32>,
    %get3A_551 = vector.shape_cast %get3A_550 : vector<1x16xi32> to vector<16xi32>
    %add3A_552 = arith.addi %mul3A_546, %get3A_551 : vector<16xi32>
    %swap3A_553 = arith.constant 2 : i32
    %swap3A_554 = arith.index_cast %swap3A_553 : i32 to index
    %swap3A_555 = arith.constant 112 : index
    %swap3A_556 = tpu.vector_load %arg10[%swap3A_554, %swap3A_555] {strides = array<i32>} : memref<8x128xi32, #tpu.memory_space<vmem>>, vector<1x16xi32>,
    %swap3A_557 = vector.shape_cast %swap3A_556 : vector<1x16xi32> to vector<16xi32>
    %swap3A_558 = vector.shape_cast %add3A_552 : vector<16xi32> to vector<1x16xi32>
    tpu.vector_store %arg10[%swap3A_554, %swap3A_555], %swap3A_558 {strides = array<i32>} : memref<8x128xi32, #tpu.memory_space<vmem>>, vector<1x16xi32>,
    %get3A_559 = arith.constant 3 : i32
    %get3A_560 = arith.index_cast %get3A_559 : i32 to index
    %get3A_561 = arith.constant 0 : index
    %get3A_562 = tpu.vector_load %arg8[%get3A_560, %get3A_561] {strides = array<i32>} : memref<8x128xi32, #tpu.memory_space<vmem>>, vector<1x16xi32>,
    %get3A_563 = vector.shape_cast %get3A_562 : vector<1x16xi32> to vector<16xi32>
    %mul3A_564 = arith.constant 512 : i32
    %mul3A_565 = vector.broadcast %mul3A_564 : i32 to vector<16xi32>
    %mul3A_566 = arith.muli %get3A_563, %mul3A_565 : vector<16xi32>
    %get3A_567 = arith.constant 3 : i32
    %get3A_568 = arith.index_cast %get3A_567 : i32 to index
    %get3A_569 = arith.constant 0 : index
    %get3A_570 = tpu.vector_load %arg7[%get3A_568, %get3A_569] {strides = array<i32>} : memref<8x128xi32, #tpu.memory_space<vmem>>, vector<1x16xi32>,
    %get3A_571 = vector.shape_cast %get3A_570 : vector<1x16xi32> to vector<16xi32>
    %add3A_572 = arith.addi %mul3A_566, %get3A_571 : vector<16xi32>
    %swap3A_573 = arith.constant 3 : i32
    %swap3A_574 = arith.index_cast %swap3A_573 : i32 to index
    %swap3A_575 = arith.constant 0 : index
    %swap3A_576 = tpu.vector_load %arg10[%swap3A_574, %swap3A_575] {strides = array<i32>} : memref<8x128xi32, #tpu.memory_space<vmem>>, vector<1x16xi32>,
    %swap3A_577 = vector.shape_cast %swap3A_576 : vector<1x16xi32> to vector<16xi32>
    %swap3A_578 = vector.shape_cast %add3A_572 : vector<16xi32> to vector<1x16xi32>
    tpu.vector_store %arg10[%swap3A_574, %swap3A_575], %swap3A_578 {strides = array<i32>} : memref<8x128xi32, #tpu.memory_space<vmem>>, vector<1x16xi32>,
    %get3A_579 = arith.constant 3 : i32
    %get3A_580 = arith.index_cast %get3A_579 : i32 to index
    %get3A_581 = arith.constant 16 : index
    %get3A_582 = tpu.vector_load %arg8[%get3A_580, %get3A_581] {strides = array<i32>} : memref<8x128xi32, #tpu.memory_space<vmem>>, vector<1x16xi32>,
    %get3A_583 = vector.shape_cast %get3A_582 : vector<1x16xi32> to vector<16xi32>
    %mul3A_584 = arith.constant 512 : i32
    %mul3A_585 = vector.broadcast %mul3A_584 : i32 to vector<16xi32>
    %mul3A_586 = arith.muli %get3A_583, %mul3A_585 : vector<16xi32>
    %get3A_587 = arith.constant 3 : i32
    %get3A_588 = arith.index_cast %get3A_587 : i32 to index
    %get3A_589 = arith.constant 16 : index
    %get3A_590 = tpu.vector_load %arg7[%get3A_588, %get3A_589] {strides = array<i32>} : memref<8x128xi32, #tpu.memory_space<vmem>>, vector<1x16xi32>,
    %get3A_591 = vector.shape_cast %get3A_590 : vector<1x16xi32> to vector<16xi32>
    %add3A_592 = arith.addi %mul3A_586, %get3A_591 : vector<16xi32>
    %swap3A_593 = arith.constant 3 : i32
    %swap3A_594 = arith.index_cast %swap3A_593 : i32 to index
    %swap3A_595 = arith.constant 16 : index
    %swap3A_596 = tpu.vector_load %arg10[%swap3A_594, %swap3A_595] {strides = array<i32>} : memref<8x128xi32, #tpu.memory_space<vmem>>, vector<1x16xi32>,
    %swap3A_597 = vector.shape_cast %swap3A_596 : vector<1x16xi32> to vector<16xi32>
    %swap3A_598 = vector.shape_cast %add3A_592 : vector<16xi32> to vector<1x16xi32>
    tpu.vector_store %arg10[%swap3A_594, %swap3A_595], %swap3A_598 {strides = array<i32>} : memref<8x128xi32, #tpu.memory_space<vmem>>, vector<1x16xi32>,
    %get3A_599 = arith.constant 3 : i32
    %get3A_600 = arith.index_cast %get3A_599 : i32 to index
    %get3A_601 = arith.constant 32 : index
    %get3A_602 = tpu.vector_load %arg8[%get3A_600, %get3A_601] {strides = array<i32>} : memref<8x128xi32, #tpu.memory_space<vmem>>, vector<1x16xi32>,
    %get3A_603 = vector.shape_cast %get3A_602 : vector<1x16xi32> to vector<16xi32>
    %mul3A_604 = arith.constant 512 : i32
    %mul3A_605 = vector.broadcast %mul3A_604 : i32 to vector<16xi32>
    %mul3A_606 = arith.muli %get3A_603, %mul3A_605 : vector<16xi32>
    %get3A_607 = arith.constant 3 : i32
    %get3A_608 = arith.index_cast %get3A_607 : i32 to index
    %get3A_609 = arith.constant 32 : index
    %get3A_610 = tpu.vector_load %arg7[%get3A_608, %get3A_609] {strides = array<i32>} : memref<8x128xi32, #tpu.memory_space<vmem>>, vector<1x16xi32>,
    %get3A_611 = vector.shape_cast %get3A_610 : vector<1x16xi32> to vector<16xi32>
    %add3A_612 = arith.addi %mul3A_606, %get3A_611 : vector<16xi32>
    %swap3A_613 = arith.constant 3 : i32
    %swap3A_614 = arith.index_cast %swap3A_613 : i32 to index
    %swap3A_615 = arith.constant 32 : index
    %swap3A_616 = tpu.vector_load %arg10[%swap3A_614, %swap3A_615] {strides = array<i32>} : memref<8x128xi32, #tpu.memory_space<vmem>>, vector<1x16xi32>,
    %swap3A_617 = vector.shape_cast %swap3A_616 : vector<1x16xi32> to vector<16xi32>
    %swap3A_618 = vector.shape_cast %add3A_612 : vector<16xi32> to vector<1x16xi32>
    tpu.vector_store %arg10[%swap3A_614, %swap3A_615], %swap3A_618 {strides = array<i32>} : memref<8x128xi32, #tpu.memory_space<vmem>>, vector<1x16xi32>,
    %get3A_619 = arith.constant 3 : i32
    %get3A_620 = arith.index_cast %get3A_619 : i32 to index
    %get3A_621 = arith.constant 48 : index
    %get3A_622 = tpu.vector_load %arg8[%get3A_620, %get3A_621] {strides = array<i32>} : memref<8x128xi32, #tpu.memory_space<vmem>>, vector<1x16xi32>,
    %get3A_623 = vector.shape_cast %get3A_622 : vector<1x16xi32> to vector<16xi32>
    %mul3A_624 = arith.constant 512 : i32
    %mul3A_625 = vector.broadcast %mul3A_624 : i32 to vector<16xi32>
    %mul3A_626 = arith.muli %get3A_623, %mul3A_625 : vector<16xi32>
    %get3A_627 = arith.constant 3 : i32
    %get3A_628 = arith.index_cast %get3A_627 : i32 to index
    %get3A_629 = arith.constant 48 : index
    %get3A_630 = tpu.vector_load %arg7[%get3A_628, %get3A_629] {strides = array<i32>} : memref<8x128xi32, #tpu.memory_space<vmem>>, vector<1x16xi32>,
    %get3A_631 = vector.shape_cast %get3A_630 : vector<1x16xi32> to vector<16xi32>
    %add3A_632 = arith.addi %mul3A_626, %get3A_631 : vector<16xi32>
    %swap3A_633 = arith.constant 3 : i32
    %swap3A_634 = arith.index_cast %swap3A_633 : i32 to index
    %swap3A_635 = arith.constant 48 : index
    %swap3A_636 = tpu.vector_load %arg10[%swap3A_634, %swap3A_635] {strides = array<i32>} : memref<8x128xi32, #tpu.memory_space<vmem>>, vector<1x16xi32>,
    %swap3A_637 = vector.shape_cast %swap3A_636 : vector<1x16xi32> to vector<16xi32>
    %swap3A_638 = vector.shape_cast %add3A_632 : vector<16xi32> to vector<1x16xi32>
    tpu.vector_store %arg10[%swap3A_634, %swap3A_635], %swap3A_638 {strides = array<i32>} : memref<8x128xi32, #tpu.memory_space<vmem>>, vector<1x16xi32>,
    %get3A_639 = arith.constant 3 : i32
    %get3A_640 = arith.index_cast %get3A_639 : i32 to index
    %get3A_641 = arith.constant 64 : index
    %get3A_642 = tpu.vector_load %arg8[%get3A_640, %get3A_641] {strides = array<i32>} : memref<8x128xi32, #tpu.memory_space<vmem>>, vector<1x16xi32>,
    %get3A_643 = vector.shape_cast %get3A_642 : vector<1x16xi32> to vector<16xi32>
    %mul3A_644 = arith.constant 512 : i32
    %mul3A_645 = vector.broadcast %mul3A_644 : i32 to vector<16xi32>
    %mul3A_646 = arith.muli %get3A_643, %mul3A_645 : vector<16xi32>
    %get3A_647 = arith.constant 3 : i32
    %get3A_648 = arith.index_cast %get3A_647 : i32 to index
    %get3A_649 = arith.constant 64 : index
    %get3A_650 = tpu.vector_load %arg7[%get3A_648, %get3A_649] {strides = array<i32>} : memref<8x128xi32, #tpu.memory_space<vmem>>, vector<1x16xi32>,
    %get3A_651 = vector.shape_cast %get3A_650 : vector<1x16xi32> to vector<16xi32>
    %add3A_652 = arith.addi %mul3A_646, %get3A_651 : vector<16xi32>
    %swap3A_653 = arith.constant 3 : i32
    %swap3A_654 = arith.index_cast %swap3A_653 : i32 to index
    %swap3A_655 = arith.constant 64 : index
    %swap3A_656 = tpu.vector_load %arg10[%swap3A_654, %swap3A_655] {strides = array<i32>} : memref<8x128xi32, #tpu.memory_space<vmem>>, vector<1x16xi32>,
    %swap3A_657 = vector.shape_cast %swap3A_656 : vector<1x16xi32> to vector<16xi32>
    %swap3A_658 = vector.shape_cast %add3A_652 : vector<16xi32> to vector<1x16xi32>
    tpu.vector_store %arg10[%swap3A_654, %swap3A_655], %swap3A_658 {strides = array<i32>} : memref<8x128xi32, #tpu.memory_space<vmem>>, vector<1x16xi32>,
    %get3A_659 = arith.constant 3 : i32
    %get3A_660 = arith.index_cast %get3A_659 : i32 to index
    %get3A_661 = arith.constant 80 : index
    %get3A_662 = tpu.vector_load %arg8[%get3A_660, %get3A_661] {strides = array<i32>} : memref<8x128xi32, #tpu.memory_space<vmem>>, vector<1x16xi32>,
    %get3A_663 = vector.shape_cast %get3A_662 : vector<1x16xi32> to vector<16xi32>
    %mul3A_664 = arith.constant 512 : i32
    %mul3A_665 = vector.broadcast %mul3A_664 : i32 to vector<16xi32>
    %mul3A_666 = arith.muli %get3A_663, %mul3A_665 : vector<16xi32>
    %get3A_667 = arith.constant 3 : i32
    %get3A_668 = arith.index_cast %get3A_667 : i32 to index
    %get3A_669 = arith.constant 80 : index
    %get3A_670 = tpu.vector_load %arg7[%get3A_668, %get3A_669] {strides = array<i32>} : memref<8x128xi32, #tpu.memory_space<vmem>>, vector<1x16xi32>,
    %get3A_671 = vector.shape_cast %get3A_670 : vector<1x16xi32> to vector<16xi32>
    %add3A_672 = arith.addi %mul3A_666, %get3A_671 : vector<16xi32>
    %swap3A_673 = arith.constant 3 : i32
    %swap3A_674 = arith.index_cast %swap3A_673 : i32 to index
    %swap3A_675 = arith.constant 80 : index
    %swap3A_676 = tpu.vector_load %arg10[%swap3A_674, %swap3A_675] {strides = array<i32>} : memref<8x128xi32, #tpu.memory_space<vmem>>, vector<1x16xi32>,
    %swap3A_677 = vector.shape_cast %swap3A_676 : vector<1x16xi32> to vector<16xi32>
    %swap3A_678 = vector.shape_cast %add3A_672 : vector<16xi32> to vector<1x16xi32>
    tpu.vector_store %arg10[%swap3A_674, %swap3A_675], %swap3A_678 {strides = array<i32>} : memref<8x128xi32, #tpu.memory_space<vmem>>, vector<1x16xi32>,
    %get3A_679 = arith.constant 3 : i32
    %get3A_680 = arith.index_cast %get3A_679 : i32 to index
    %get3A_681 = arith.constant 96 : index
    %get3A_682 = tpu.vector_load %arg8[%get3A_680, %get3A_681] {strides = array<i32>} : memref<8x128xi32, #tpu.memory_space<vmem>>, vector<1x16xi32>,
    %get3A_683 = vector.shape_cast %get3A_682 : vector<1x16xi32> to vector<16xi32>
    %mul3A_684 = arith.constant 512 : i32
    %mul3A_685 = vector.broadcast %mul3A_684 : i32 to vector<16xi32>
    %mul3A_686 = arith.muli %get3A_683, %mul3A_685 : vector<16xi32>
    %get3A_687 = arith.constant 3 : i32
    %get3A_688 = arith.index_cast %get3A_687 : i32 to index
    %get3A_689 = arith.constant 96 : index
    %get3A_690 = tpu.vector_load %arg7[%get3A_688, %get3A_689] {strides = array<i32>} : memref<8x128xi32, #tpu.memory_space<vmem>>, vector<1x16xi32>,
    %get3A_691 = vector.shape_cast %get3A_690 : vector<1x16xi32> to vector<16xi32>
    %add3A_692 = arith.addi %mul3A_686, %get3A_691 : vector<16xi32>
    %swap3A_693 = arith.constant 3 : i32
    %swap3A_694 = arith.index_cast %swap3A_693 : i32 to index
    %swap3A_695 = arith.constant 96 : index
    %swap3A_696 = tpu.vector_load %arg10[%swap3A_694, %swap3A_695] {strides = array<i32>} : memref<8x128xi32, #tpu.memory_space<vmem>>, vector<1x16xi32>,
    %swap3A_697 = vector.shape_cast %swap3A_696 : vector<1x16xi32> to vector<16xi32>
    %swap3A_698 = vector.shape_cast %add3A_692 : vector<16xi32> to vector<1x16xi32>
    tpu.vector_store %arg10[%swap3A_694, %swap3A_695], %swap3A_698 {strides = array<i32>} : memref<8x128xi32, #tpu.memory_space<vmem>>, vector<1x16xi32>,
    %get3A_699 = arith.constant 3 : i32
    %get3A_700 = arith.index_cast %get3A_699 : i32 to index
    %get3A_701 = arith.constant 112 : index
    %get3A_702 = tpu.vector_load %arg8[%get3A_700, %get3A_701] {strides = array<i32>} : memref<8x128xi32, #tpu.memory_space<vmem>>, vector<1x16xi32>,
    %get3A_703 = vector.shape_cast %get3A_702 : vector<1x16xi32> to vector<16xi32>
    %mul3A_704 = arith.constant 512 : i32
    %mul3A_705 = vector.broadcast %mul3A_704 : i32 to vector<16xi32>
    %mul3A_706 = arith.muli %get3A_703, %mul3A_705 : vector<16xi32>
    %get3A_707 = arith.constant 3 : i32
    %get3A_708 = arith.index_cast %get3A_707 : i32 to index
    %get3A_709 = arith.constant 112 : index
    %get3A_710 = tpu.vector_load %arg7[%get3A_708, %get3A_709] {strides = array<i32>} : memref<8x128xi32, #tpu.memory_space<vmem>>, vector<1x16xi32>,
    %get3A_711 = vector.shape_cast %get3A_710 : vector<1x16xi32> to vector<16xi32>
    %add3A_712 = arith.addi %mul3A_706, %get3A_711 : vector<16xi32>
    %swap3A_713 = arith.constant 3 : i32
    %swap3A_714 = arith.index_cast %swap3A_713 : i32 to index
    %swap3A_715 = arith.constant 112 : index
    %swap3A_716 = tpu.vector_load %arg10[%swap3A_714, %swap3A_715] {strides = array<i32>} : memref<8x128xi32, #tpu.memory_space<vmem>>, vector<1x16xi32>,
    %swap3A_717 = vector.shape_cast %swap3A_716 : vector<1x16xi32> to vector<16xi32>
    %swap3A_718 = vector.shape_cast %add3A_712 : vector<16xi32> to vector<1x16xi32>
    tpu.vector_store %arg10[%swap3A_714, %swap3A_715], %swap3A_718 {strides = array<i32>} : memref<8x128xi32, #tpu.memory_space<vmem>>, vector<1x16xi32>,
    %get3A_719 = arith.constant 4 : i32
    %get3A_720 = arith.index_cast %get3A_719 : i32 to index
    %get3A_721 = arith.constant 0 : index
    %get3A_722 = tpu.vector_load %arg8[%get3A_720, %get3A_721] {strides = array<i32>} : memref<8x128xi32, #tpu.memory_space<vmem>>, vector<1x16xi32>,
    %get3A_723 = vector.shape_cast %get3A_722 : vector<1x16xi32> to vector<16xi32>
    %mul3A_724 = arith.constant 512 : i32
    %mul3A_725 = vector.broadcast %mul3A_724 : i32 to vector<16xi32>
    %mul3A_726 = arith.muli %get3A_723, %mul3A_725 : vector<16xi32>
    %get3A_727 = arith.constant 4 : i32
    %get3A_728 = arith.index_cast %get3A_727 : i32 to index
    %get3A_729 = arith.constant 0 : index
    %get3A_730 = tpu.vector_load %arg7[%get3A_728, %get3A_729] {strides = array<i32>} : memref<8x128xi32, #tpu.memory_space<vmem>>, vector<1x16xi32>,
    %get3A_731 = vector.shape_cast %get3A_730 : vector<1x16xi32> to vector<16xi32>
    %add3A_732 = arith.addi %mul3A_726, %get3A_731 : vector<16xi32>
    %swap3A_733 = arith.constant 4 : i32
    %swap3A_734 = arith.index_cast %swap3A_733 : i32 to index
    %swap3A_735 = arith.constant 0 : index
    %swap3A_736 = tpu.vector_load %arg10[%swap3A_734, %swap3A_735] {strides = array<i32>} : memref<8x128xi32, #tpu.memory_space<vmem>>, vector<1x16xi32>,
    %swap3A_737 = vector.shape_cast %swap3A_736 : vector<1x16xi32> to vector<16xi32>
    %swap3A_738 = vector.shape_cast %add3A_732 : vector<16xi32> to vector<1x16xi32>
    tpu.vector_store %arg10[%swap3A_734, %swap3A_735], %swap3A_738 {strides = array<i32>} : memref<8x128xi32, #tpu.memory_space<vmem>>, vector<1x16xi32>,
    %get3A_739 = arith.constant 4 : i32
    %get3A_740 = arith.index_cast %get3A_739 : i32 to index
    %get3A_741 = arith.constant 16 : index
    %get3A_742 = tpu.vector_load %arg8[%get3A_740, %get3A_741] {strides = array<i32>} : memref<8x128xi32, #tpu.memory_space<vmem>>, vector<1x16xi32>,
    %get3A_743 = vector.shape_cast %get3A_742 : vector<1x16xi32> to vector<16xi32>
    %mul3A_744 = arith.constant 512 : i32
    %mul3A_745 = vector.broadcast %mul3A_744 : i32 to vector<16xi32>
    %mul3A_746 = arith.muli %get3A_743, %mul3A_745 : vector<16xi32>
    %get3A_747 = arith.constant 4 : i32
    %get3A_748 = arith.index_cast %get3A_747 : i32 to index
    %get3A_749 = arith.constant 16 : index
    %get3A_750 = tpu.vector_load %arg7[%get3A_748, %get3A_749] {strides = array<i32>} : memref<8x128xi32, #tpu.memory_space<vmem>>, vector<1x16xi32>,
    %get3A_751 = vector.shape_cast %get3A_750 : vector<1x16xi32> to vector<16xi32>
    %add3A_752 = arith.addi %mul3A_746, %get3A_751 : vector<16xi32>
    %swap3A_753 = arith.constant 4 : i32
    %swap3A_754 = arith.index_cast %swap3A_753 : i32 to index
    %swap3A_755 = arith.constant 16 : index
    %swap3A_756 = tpu.vector_load %arg10[%swap3A_754, %swap3A_755] {strides = array<i32>} : memref<8x128xi32, #tpu.memory_space<vmem>>, vector<1x16xi32>,
    %swap3A_757 = vector.shape_cast %swap3A_756 : vector<1x16xi32> to vector<16xi32>
    %swap3A_758 = vector.shape_cast %add3A_752 : vector<16xi32> to vector<1x16xi32>
    tpu.vector_store %arg10[%swap3A_754, %swap3A_755], %swap3A_758 {strides = array<i32>} : memref<8x128xi32, #tpu.memory_space<vmem>>, vector<1x16xi32>,
    %get3A_759 = arith.constant 4 : i32
    %get3A_760 = arith.index_cast %get3A_759 : i32 to index
    %get3A_761 = arith.constant 32 : index
    %get3A_762 = tpu.vector_load %arg8[%get3A_760, %get3A_761] {strides = array<i32>} : memref<8x128xi32, #tpu.memory_space<vmem>>, vector<1x16xi32>,
    %get3A_763 = vector.shape_cast %get3A_762 : vector<1x16xi32> to vector<16xi32>
    %mul3A_764 = arith.constant 512 : i32
    %mul3A_765 = vector.broadcast %mul3A_764 : i32 to vector<16xi32>
    %mul3A_766 = arith.muli %get3A_763, %mul3A_765 : vector<16xi32>
    %get3A_767 = arith.constant 4 : i32
    %get3A_768 = arith.index_cast %get3A_767 : i32 to index
    %get3A_769 = arith.constant 32 : index
    %get3A_770 = tpu.vector_load %arg7[%get3A_768, %get3A_769] {strides = array<i32>} : memref<8x128xi32, #tpu.memory_space<vmem>>, vector<1x16xi32>,
    %get3A_771 = vector.shape_cast %get3A_770 : vector<1x16xi32> to vector<16xi32>
    %add3A_772 = arith.addi %mul3A_766, %get3A_771 : vector<16xi32>
    %swap3A_773 = arith.constant 4 : i32
    %swap3A_774 = arith.index_cast %swap3A_773 : i32 to index
    %swap3A_775 = arith.constant 32 : index
    %swap3A_776 = tpu.vector_load %arg10[%swap3A_774, %swap3A_775] {strides = array<i32>} : memref<8x128xi32, #tpu.memory_space<vmem>>, vector<1x16xi32>,
    %swap3A_777 = vector.shape_cast %swap3A_776 : vector<1x16xi32> to vector<16xi32>
    %swap3A_778 = vector.shape_cast %add3A_772 : vector<16xi32> to vector<1x16xi32>
    tpu.vector_store %arg10[%swap3A_774, %swap3A_775], %swap3A_778 {strides = array<i32>} : memref<8x128xi32, #tpu.memory_space<vmem>>, vector<1x16xi32>,
    %get3A_779 = arith.constant 4 : i32
    %get3A_780 = arith.index_cast %get3A_779 : i32 to index
    %get3A_781 = arith.constant 48 : index
    %get3A_782 = tpu.vector_load %arg8[%get3A_780, %get3A_781] {strides = array<i32>} : memref<8x128xi32, #tpu.memory_space<vmem>>, vector<1x16xi32>,
    %get3A_783 = vector.shape_cast %get3A_782 : vector<1x16xi32> to vector<16xi32>
    %mul3A_784 = arith.constant 512 : i32
    %mul3A_785 = vector.broadcast %mul3A_784 : i32 to vector<16xi32>
    %mul3A_786 = arith.muli %get3A_783, %mul3A_785 : vector<16xi32>
    %get3A_787 = arith.constant 4 : i32
    %get3A_788 = arith.index_cast %get3A_787 : i32 to index
    %get3A_789 = arith.constant 48 : index
    %get3A_790 = tpu.vector_load %arg7[%get3A_788, %get3A_789] {strides = array<i32>} : memref<8x128xi32, #tpu.memory_space<vmem>>, vector<1x16xi32>,
    %get3A_791 = vector.shape_cast %get3A_790 : vector<1x16xi32> to vector<16xi32>
    %add3A_792 = arith.addi %mul3A_786, %get3A_791 : vector<16xi32>
    %swap3A_793 = arith.constant 4 : i32
    %swap3A_794 = arith.index_cast %swap3A_793 : i32 to index
    %swap3A_795 = arith.constant 48 : index
    %swap3A_796 = tpu.vector_load %arg10[%swap3A_794, %swap3A_795] {strides = array<i32>} : memref<8x128xi32, #tpu.memory_space<vmem>>, vector<1x16xi32>,
    %swap3A_797 = vector.shape_cast %swap3A_796 : vector<1x16xi32> to vector<16xi32>
    %swap3A_798 = vector.shape_cast %add3A_792 : vector<16xi32> to vector<1x16xi32>
    tpu.vector_store %arg10[%swap3A_794, %swap3A_795], %swap3A_798 {strides = array<i32>} : memref<8x128xi32, #tpu.memory_space<vmem>>, vector<1x16xi32>,
    %get3A_799 = arith.constant 4 : i32
    %get3A_800 = arith.index_cast %get3A_799 : i32 to index
    %get3A_801 = arith.constant 64 : index
    %get3A_802 = tpu.vector_load %arg8[%get3A_800, %get3A_801] {strides = array<i32>} : memref<8x128xi32, #tpu.memory_space<vmem>>, vector<1x16xi32>,
    %get3A_803 = vector.shape_cast %get3A_802 : vector<1x16xi32> to vector<16xi32>
    %mul3A_804 = arith.constant 512 : i32
    %mul3A_805 = vector.broadcast %mul3A_804 : i32 to vector<16xi32>
    %mul3A_806 = arith.muli %get3A_803, %mul3A_805 : vector<16xi32>
    %get3A_807 = arith.constant 4 : i32
    %get3A_808 = arith.index_cast %get3A_807 : i32 to index
    %get3A_809 = arith.constant 64 : index
    %get3A_810 = tpu.vector_load %arg7[%get3A_808, %get3A_809] {strides = array<i32>} : memref<8x128xi32, #tpu.memory_space<vmem>>, vector<1x16xi32>,
    %get3A_811 = vector.shape_cast %get3A_810 : vector<1x16xi32> to vector<16xi32>
    %add3A_812 = arith.addi %mul3A_806, %get3A_811 : vector<16xi32>
    %swap3A_813 = arith.constant 4 : i32
    %swap3A_814 = arith.index_cast %swap3A_813 : i32 to index
    %swap3A_815 = arith.constant 64 : index
    %swap3A_816 = tpu.vector_load %arg10[%swap3A_814, %swap3A_815] {strides = array<i32>} : memref<8x128xi32, #tpu.memory_space<vmem>>, vector<1x16xi32>,
    %swap3A_817 = vector.shape_cast %swap3A_816 : vector<1x16xi32> to vector<16xi32>
    %swap3A_818 = vector.shape_cast %add3A_812 : vector<16xi32> to vector<1x16xi32>
    tpu.vector_store %arg10[%swap3A_814, %swap3A_815], %swap3A_818 {strides = array<i32>} : memref<8x128xi32, #tpu.memory_space<vmem>>, vector<1x16xi32>,
    %get3A_819 = arith.constant 4 : i32
    %get3A_820 = arith.index_cast %get3A_819 : i32 to index
    %get3A_821 = arith.constant 80 : index
    %get3A_822 = tpu.vector_load %arg8[%get3A_820, %get3A_821] {strides = array<i32>} : memref<8x128xi32, #tpu.memory_space<vmem>>, vector<1x16xi32>,
    %get3A_823 = vector.shape_cast %get3A_822 : vector<1x16xi32> to vector<16xi32>
    %mul3A_824 = arith.constant 512 : i32
    %mul3A_825 = vector.broadcast %mul3A_824 : i32 to vector<16xi32>
    %mul3A_826 = arith.muli %get3A_823, %mul3A_825 : vector<16xi32>
    %get3A_827 = arith.constant 4 : i32
    %get3A_828 = arith.index_cast %get3A_827 : i32 to index
    %get3A_829 = arith.constant 80 : index
    %get3A_830 = tpu.vector_load %arg7[%get3A_828, %get3A_829] {strides = array<i32>} : memref<8x128xi32, #tpu.memory_space<vmem>>, vector<1x16xi32>,
    %get3A_831 = vector.shape_cast %get3A_830 : vector<1x16xi32> to vector<16xi32>
    %add3A_832 = arith.addi %mul3A_826, %get3A_831 : vector<16xi32>
    %swap3A_833 = arith.constant 4 : i32
    %swap3A_834 = arith.index_cast %swap3A_833 : i32 to index
    %swap3A_835 = arith.constant 80 : index
    %swap3A_836 = tpu.vector_load %arg10[%swap3A_834, %swap3A_835] {strides = array<i32>} : memref<8x128xi32, #tpu.memory_space<vmem>>, vector<1x16xi32>,
    %swap3A_837 = vector.shape_cast %swap3A_836 : vector<1x16xi32> to vector<16xi32>
    %swap3A_838 = vector.shape_cast %add3A_832 : vector<16xi32> to vector<1x16xi32>
    tpu.vector_store %arg10[%swap3A_834, %swap3A_835], %swap3A_838 {strides = array<i32>} : memref<8x128xi32, #tpu.memory_space<vmem>>, vector<1x16xi32>,
    %get3A_839 = arith.constant 4 : i32
    %get3A_840 = arith.index_cast %get3A_839 : i32 to index
    %get3A_841 = arith.constant 96 : index
    %get3A_842 = tpu.vector_load %arg8[%get3A_840, %get3A_841] {strides = array<i32>} : memref<8x128xi32, #tpu.memory_space<vmem>>, vector<1x16xi32>,
    %get3A_843 = vector.shape_cast %get3A_842 : vector<1x16xi32> to vector<16xi32>
    %mul3A_844 = arith.constant 512 : i32
    %mul3A_845 = vector.broadcast %mul3A_844 : i32 to vector<16xi32>
    %mul3A_846 = arith.muli %get3A_843, %mul3A_845 : vector<16xi32>
    %get3A_847 = arith.constant 4 : i32
    %get3A_848 = arith.index_cast %get3A_847 : i32 to index
    %get3A_849 = arith.constant 96 : index
    %get3A_850 = tpu.vector_load %arg7[%get3A_848, %get3A_849] {strides = array<i32>} : memref<8x128xi32, #tpu.memory_space<vmem>>, vector<1x16xi32>,
    %get3A_851 = vector.shape_cast %get3A_850 : vector<1x16xi32> to vector<16xi32>
    %add3A_852 = arith.addi %mul3A_846, %get3A_851 : vector<16xi32>
    %swap3A_853 = arith.constant 4 : i32
    %swap3A_854 = arith.index_cast %swap3A_853 : i32 to index
    %swap3A_855 = arith.constant 96 : index
    %swap3A_856 = tpu.vector_load %arg10[%swap3A_854, %swap3A_855] {strides = array<i32>} : memref<8x128xi32, #tpu.memory_space<vmem>>, vector<1x16xi32>,
    %swap3A_857 = vector.shape_cast %swap3A_856 : vector<1x16xi32> to vector<16xi32>
    %swap3A_858 = vector.shape_cast %add3A_852 : vector<16xi32> to vector<1x16xi32>
    tpu.vector_store %arg10[%swap3A_854, %swap3A_855], %swap3A_858 {strides = array<i32>} : memref<8x128xi32, #tpu.memory_space<vmem>>, vector<1x16xi32>,
    %get3A_859 = arith.constant 4 : i32
    %get3A_860 = arith.index_cast %get3A_859 : i32 to index
    %get3A_861 = arith.constant 112 : index
    %get3A_862 = tpu.vector_load %arg8[%get3A_860, %get3A_861] {strides = array<i32>} : memref<8x128xi32, #tpu.memory_space<vmem>>, vector<1x16xi32>,
    %get3A_863 = vector.shape_cast %get3A_862 : vector<1x16xi32> to vector<16xi32>
    %mul3A_864 = arith.constant 512 : i32
    %mul3A_865 = vector.broadcast %mul3A_864 : i32 to vector<16xi32>
    %mul3A_866 = arith.muli %get3A_863, %mul3A_865 : vector<16xi32>
    %get3A_867 = arith.constant 4 : i32
    %get3A_868 = arith.index_cast %get3A_867 : i32 to index
    %get3A_869 = arith.constant 112 : index
    %get3A_870 = tpu.vector_load %arg7[%get3A_868, %get3A_869] {strides = array<i32>} : memref<8x128xi32, #tpu.memory_space<vmem>>, vector<1x16xi32>,
    %get3A_871 = vector.shape_cast %get3A_870 : vector<1x16xi32> to vector<16xi32>
    %add3A_872 = arith.addi %mul3A_866, %get3A_871 : vector<16xi32>
    %swap3A_873 = arith.constant 4 : i32
    %swap3A_874 = arith.index_cast %swap3A_873 : i32 to index
    %swap3A_875 = arith.constant 112 : index
    %swap3A_876 = tpu.vector_load %arg10[%swap3A_874, %swap3A_875] {strides = array<i32>} : memref<8x128xi32, #tpu.memory_space<vmem>>, vector<1x16xi32>,
    %swap3A_877 = vector.shape_cast %swap3A_876 : vector<1x16xi32> to vector<16xi32>
    %swap3A_878 = vector.shape_cast %add3A_872 : vector<16xi32> to vector<1x16xi32>
    tpu.vector_store %arg10[%swap3A_874, %swap3A_875], %swap3A_878 {strides = array<i32>} : memref<8x128xi32, #tpu.memory_space<vmem>>, vector<1x16xi32>,
    %get3A_879 = arith.constant 5 : i32
    %get3A_880 = arith.index_cast %get3A_879 : i32 to index
    %get3A_881 = arith.constant 0 : index
    %get3A_882 = tpu.vector_load %arg8[%get3A_880, %get3A_881] {strides = array<i32>} : memref<8x128xi32, #tpu.memory_space<vmem>>, vector<1x16xi32>,
    %get3A_883 = vector.shape_cast %get3A_882 : vector<1x16xi32> to vector<16xi32>
    %mul3A_884 = arith.constant 512 : i32
    %mul3A_885 = vector.broadcast %mul3A_884 : i32 to vector<16xi32>
    %mul3A_886 = arith.muli %get3A_883, %mul3A_885 : vector<16xi32>
    %get3A_887 = arith.constant 5 : i32
    %get3A_888 = arith.index_cast %get3A_887 : i32 to index
    %get3A_889 = arith.constant 0 : index
    %get3A_890 = tpu.vector_load %arg7[%get3A_888, %get3A_889] {strides = array<i32>} : memref<8x128xi32, #tpu.memory_space<vmem>>, vector<1x16xi32>,
    %get3A_891 = vector.shape_cast %get3A_890 : vector<1x16xi32> to vector<16xi32>
    %add3A_892 = arith.addi %mul3A_886, %get3A_891 : vector<16xi32>
    %swap3A_893 = arith.constant 5 : i32
    %swap3A_894 = arith.index_cast %swap3A_893 : i32 to index
    %swap3A_895 = arith.constant 0 : index
    %swap3A_896 = tpu.vector_load %arg10[%swap3A_894, %swap3A_895] {strides = array<i32>} : memref<8x128xi32, #tpu.memory_space<vmem>>, vector<1x16xi32>,
    %swap3A_897 = vector.shape_cast %swap3A_896 : vector<1x16xi32> to vector<16xi32>
    %swap3A_898 = vector.shape_cast %add3A_892 : vector<16xi32> to vector<1x16xi32>
    tpu.vector_store %arg10[%swap3A_894, %swap3A_895], %swap3A_898 {strides = array<i32>} : memref<8x128xi32, #tpu.memory_space<vmem>>, vector<1x16xi32>,
    %get3A_899 = arith.constant 5 : i32
    %get3A_900 = arith.index_cast %get3A_899 : i32 to index
    %get3A_901 = arith.constant 16 : index
    %get3A_902 = tpu.vector_load %arg8[%get3A_900, %get3A_901] {strides = array<i32>} : memref<8x128xi32, #tpu.memory_space<vmem>>, vector<1x16xi32>,
    %get3A_903 = vector.shape_cast %get3A_902 : vector<1x16xi32> to vector<16xi32>
    %mul3A_904 = arith.constant 512 : i32
    %mul3A_905 = vector.broadcast %mul3A_904 : i32 to vector<16xi32>
    %mul3A_906 = arith.muli %get3A_903, %mul3A_905 : vector<16xi32>
    %get3A_907 = arith.constant 5 : i32
    %get3A_908 = arith.index_cast %get3A_907 : i32 to index
    %get3A_909 = arith.constant 16 : index
    %get3A_910 = tpu.vector_load %arg7[%get3A_908, %get3A_909] {strides = array<i32>} : memref<8x128xi32, #tpu.memory_space<vmem>>, vector<1x16xi32>,
    %get3A_911 = vector.shape_cast %get3A_910 : vector<1x16xi32> to vector<16xi32>
    %add3A_912 = arith.addi %mul3A_906, %get3A_911 : vector<16xi32>
    %swap3A_913 = arith.constant 5 : i32
    %swap3A_914 = arith.index_cast %swap3A_913 : i32 to index
    %swap3A_915 = arith.constant 16 : index
    %swap3A_916 = tpu.vector_load %arg10[%swap3A_914, %swap3A_915] {strides = array<i32>} : memref<8x128xi32, #tpu.memory_space<vmem>>, vector<1x16xi32>,
    %swap3A_917 = vector.shape_cast %swap3A_916 : vector<1x16xi32> to vector<16xi32>
    %swap3A_918 = vector.shape_cast %add3A_912 : vector<16xi32> to vector<1x16xi32>
    tpu.vector_store %arg10[%swap3A_914, %swap3A_915], %swap3A_918 {strides = array<i32>} : memref<8x128xi32, #tpu.memory_space<vmem>>, vector<1x16xi32>,
    %get3A_919 = arith.constant 5 : i32
    %get3A_920 = arith.index_cast %get3A_919 : i32 to index
    %get3A_921 = arith.constant 32 : index
    %get3A_922 = tpu.vector_load %arg8[%get3A_920, %get3A_921] {strides = array<i32>} : memref<8x128xi32, #tpu.memory_space<vmem>>, vector<1x16xi32>,
    %get3A_923 = vector.shape_cast %get3A_922 : vector<1x16xi32> to vector<16xi32>
    %mul3A_924 = arith.constant 512 : i32
    %mul3A_925 = vector.broadcast %mul3A_924 : i32 to vector<16xi32>
    %mul3A_926 = arith.muli %get3A_923, %mul3A_925 : vector<16xi32>
    %get3A_927 = arith.constant 5 : i32
    %get3A_928 = arith.index_cast %get3A_927 : i32 to index
    %get3A_929 = arith.constant 32 : index
    %get3A_930 = tpu.vector_load %arg7[%get3A_928, %get3A_929] {strides = array<i32>} : memref<8x128xi32, #tpu.memory_space<vmem>>, vector<1x16xi32>,
    %get3A_931 = vector.shape_cast %get3A_930 : vector<1x16xi32> to vector<16xi32>
    %add3A_932 = arith.addi %mul3A_926, %get3A_931 : vector<16xi32>
    %swap3A_933 = arith.constant 5 : i32
    %swap3A_934 = arith.index_cast %swap3A_933 : i32 to index
    %swap3A_935 = arith.constant 32 : index
    %swap3A_936 = tpu.vector_load %arg10[%swap3A_934, %swap3A_935] {strides = array<i32>} : memref<8x128xi32, #tpu.memory_space<vmem>>, vector<1x16xi32>,
    %swap3A_937 = vector.shape_cast %swap3A_936 : vector<1x16xi32> to vector<16xi32>
    %swap3A_938 = vector.shape_cast %add3A_932 : vector<16xi32> to vector<1x16xi32>
    tpu.vector_store %arg10[%swap3A_934, %swap3A_935], %swap3A_938 {strides = array<i32>} : memref<8x128xi32, #tpu.memory_space<vmem>>, vector<1x16xi32>,
    %get3A_939 = arith.constant 5 : i32
    %get3A_940 = arith.index_cast %get3A_939 : i32 to index
    %get3A_941 = arith.constant 48 : index
    %get3A_942 = tpu.vector_load %arg8[%get3A_940, %get3A_941] {strides = array<i32>} : memref<8x128xi32, #tpu.memory_space<vmem>>, vector<1x16xi32>,
    %get3A_943 = vector.shape_cast %get3A_942 : vector<1x16xi32> to vector<16xi32>
    %mul3A_944 = arith.constant 512 : i32
    %mul3A_945 = vector.broadcast %mul3A_944 : i32 to vector<16xi32>
    %mul3A_946 = arith.muli %get3A_943, %mul3A_945 : vector<16xi32>
    %get3A_947 = arith.constant 5 : i32
    %get3A_948 = arith.index_cast %get3A_947 : i32 to index
    %get3A_949 = arith.constant 48 : index
    %get3A_950 = tpu.vector_load %arg7[%get3A_948, %get3A_949] {strides = array<i32>} : memref<8x128xi32, #tpu.memory_space<vmem>>, vector<1x16xi32>,
    %get3A_951 = vector.shape_cast %get3A_950 : vector<1x16xi32> to vector<16xi32>
    %add3A_952 = arith.addi %mul3A_946, %get3A_951 : vector<16xi32>
    %swap3A_953 = arith.constant 5 : i32
    %swap3A_954 = arith.index_cast %swap3A_953 : i32 to index
    %swap3A_955 = arith.constant 48 : index
    %swap3A_956 = tpu.vector_load %arg10[%swap3A_954, %swap3A_955] {strides = array<i32>} : memref<8x128xi32, #tpu.memory_space<vmem>>, vector<1x16xi32>,
    %swap3A_957 = vector.shape_cast %swap3A_956 : vector<1x16xi32> to vector<16xi32>
    %swap3A_958 = vector.shape_cast %add3A_952 : vector<16xi32> to vector<1x16xi32>
    tpu.vector_store %arg10[%swap3A_954, %swap3A_955], %swap3A_958 {strides = array<i32>} : memref<8x128xi32, #tpu.memory_space<vmem>>, vector<1x16xi32>,
    %get3A_959 = arith.constant 5 : i32
    %get3A_960 = arith.index_cast %get3A_959 : i32 to index
    %get3A_961 = arith.constant 64 : index
    %get3A_962 = tpu.vector_load %arg8[%get3A_960, %get3A_961] {strides = array<i32>} : memref<8x128xi32, #tpu.memory_space<vmem>>, vector<1x16xi32>,
    %get3A_963 = vector.shape_cast %get3A_962 : vector<1x16xi32> to vector<16xi32>
    %mul3A_964 = arith.constant 512 : i32
    %mul3A_965 = vector.broadcast %mul3A_964 : i32 to vector<16xi32>
    %mul3A_966 = arith.muli %get3A_963, %mul3A_965 : vector<16xi32>
    %get3A_967 = arith.constant 5 : i32
    %get3A_968 = arith.index_cast %get3A_967 : i32 to index
    %get3A_969 = arith.constant 64 : index
    %get3A_970 = tpu.vector_load %arg7[%get3A_968, %get3A_969] {strides = array<i32>} : memref<8x128xi32, #tpu.memory_space<vmem>>, vector<1x16xi32>,
    %get3A_971 = vector.shape_cast %get3A_970 : vector<1x16xi32> to vector<16xi32>
    %add3A_972 = arith.addi %mul3A_966, %get3A_971 : vector<16xi32>
    %swap3A_973 = arith.constant 5 : i32
    %swap3A_974 = arith.index_cast %swap3A_973 : i32 to index
    %swap3A_975 = arith.constant 64 : index
    %swap3A_976 = tpu.vector_load %arg10[%swap3A_974, %swap3A_975] {strides = array<i32>} : memref<8x128xi32, #tpu.memory_space<vmem>>, vector<1x16xi32>,
    %swap3A_977 = vector.shape_cast %swap3A_976 : vector<1x16xi32> to vector<16xi32>
    %swap3A_978 = vector.shape_cast %add3A_972 : vector<16xi32> to vector<1x16xi32>
    tpu.vector_store %arg10[%swap3A_974, %swap3A_975], %swap3A_978 {strides = array<i32>} : memref<8x128xi32, #tpu.memory_space<vmem>>, vector<1x16xi32>,
    %get3A_979 = arith.constant 5 : i32
    %get3A_980 = arith.index_cast %get3A_979 : i32 to index
    %get3A_981 = arith.constant 80 : index
    %get3A_982 = tpu.vector_load %arg8[%get3A_980, %get3A_981] {strides = array<i32>} : memref<8x128xi32, #tpu.memory_space<vmem>>, vector<1x16xi32>,
    %get3A_983 = vector.shape_cast %get3A_982 : vector<1x16xi32> to vector<16xi32>
    %mul3A_984 = arith.constant 512 : i32
    %mul3A_985 = vector.broadcast %mul3A_984 : i32 to vector<16xi32>
    %mul3A_986 = arith.muli %get3A_983, %mul3A_985 : vector<16xi32>
    %get3A_987 = arith.constant 5 : i32
    %get3A_988 = arith.index_cast %get3A_987 : i32 to index
    %get3A_989 = arith.constant 80 : index
    %get3A_990 = tpu.vector_load %arg7[%get3A_988, %get3A_989] {strides = array<i32>} : memref<8x128xi32, #tpu.memory_space<vmem>>, vector<1x16xi32>,
    %get3A_991 = vector.shape_cast %get3A_990 : vector<1x16xi32> to vector<16xi32>
    %add3A_992 = arith.addi %mul3A_986, %get3A_991 : vector<16xi32>
    %swap3A_993 = arith.constant 5 : i32
    %swap3A_994 = arith.index_cast %swap3A_993 : i32 to index
    %swap3A_995 = arith.constant 80 : index
    %swap3A_996 = tpu.vector_load %arg10[%swap3A_994, %swap3A_995] {strides = array<i32>} : memref<8x128xi32, #tpu.memory_space<vmem>>, vector<1x16xi32>,
    %swap3A_997 = vector.shape_cast %swap3A_996 : vector<1x16xi32> to vector<16xi32>
    %swap3A_998 = vector.shape_cast %add3A_992 : vector<16xi32> to vector<1x16xi32>
    tpu.vector_store %arg10[%swap3A_994, %swap3A_995], %swap3A_998 {strides = array<i32>} : memref<8x128xi32, #tpu.memory_space<vmem>>, vector<1x16xi32>,
    %get3A_999 = arith.constant 5 : i32
    %get3A_1000 = arith.index_cast %get3A_999 : i32 to index
    %get3A_1001 = arith.constant 96 : index
    %get3A_1002 = tpu.vector_load %arg8[%get3A_1000, %get3A_1001] {strides = array<i32>} : memref<8x128xi32, #tpu.memory_space<vmem>>, vector<1x16xi32>,
    %get3A_1003 = vector.shape_cast %get3A_1002 : vector<1x16xi32> to vector<16xi32>
    %mul3A_1004 = arith.constant 512 : i32
    %mul3A_1005 = vector.broadcast %mul3A_1004 : i32 to vector<16xi32>
    %mul3A_1006 = arith.muli %get3A_1003, %mul3A_1005 : vector<16xi32>
    %get3A_1007 = arith.constant 5 : i32
    %get3A_1008 = arith.index_cast %get3A_1007 : i32 to index
    %get3A_1009 = arith.constant 96 : index
    %get3A_1010 = tpu.vector_load %arg7[%get3A_1008, %get3A_1009] {strides = array<i32>} : memref<8x128xi32, #tpu.memory_space<vmem>>, vector<1x16xi32>,
    %get3A_1011 = vector.shape_cast %get3A_1010 : vector<1x16xi32> to vector<16xi32>
    %add3A_1012 = arith.addi %mul3A_1006, %get3A_1011 : vector<16xi32>
    %swap3A_1013 = arith.constant 5 : i32
    %swap3A_1014 = arith.index_cast %swap3A_1013 : i32 to index
    %swap3A_1015 = arith.constant 96 : index
    %swap3A_1016 = tpu.vector_load %arg10[%swap3A_1014, %swap3A_1015] {strides = array<i32>} : memref<8x128xi32, #tpu.memory_space<vmem>>, vector<1x16xi32>,
    %swap3A_1017 = vector.shape_cast %swap3A_1016 : vector<1x16xi32> to vector<16xi32>
    %swap3A_1018 = vector.shape_cast %add3A_1012 : vector<16xi32> to vector<1x16xi32>
    tpu.vector_store %arg10[%swap3A_1014, %swap3A_1015], %swap3A_1018 {strides = array<i32>} : memref<8x128xi32, #tpu.memory_space<vmem>>, vector<1x16xi32>,
    %get3A_1019 = arith.constant 5 : i32
    %get3A_1020 = arith.index_cast %get3A_1019 : i32 to index
    %get3A_1021 = arith.constant 112 : index
    %get3A_1022 = tpu.vector_load %arg8[%get3A_1020, %get3A_1021] {strides = array<i32>} : memref<8x128xi32, #tpu.memory_space<vmem>>, vector<1x16xi32>,
    %get3A_1023 = vector.shape_cast %get3A_1022 : vector<1x16xi32> to vector<16xi32>
    %mul3A_1024 = arith.constant 512 : i32
    %mul3A_1025 = vector.broadcast %mul3A_1024 : i32 to vector<16xi32>
    %mul3A_1026 = arith.muli %get3A_1023, %mul3A_1025 : vector<16xi32>
    %get3A_1027 = arith.constant 5 : i32
    %get3A_1028 = arith.index_cast %get3A_1027 : i32 to index
    %get3A_1029 = arith.constant 112 : index
    %get3A_1030 = tpu.vector_load %arg7[%get3A_1028, %get3A_1029] {strides = array<i32>} : memref<8x128xi32, #tpu.memory_space<vmem>>, vector<1x16xi32>,
    %get3A_1031 = vector.shape_cast %get3A_1030 : vector<1x16xi32> to vector<16xi32>
    %add3A_1032 = arith.addi %mul3A_1026, %get3A_1031 : vector<16xi32>
    %swap3A_1033 = arith.constant 5 : i32
    %swap3A_1034 = arith.index_cast %swap3A_1033 : i32 to index
    %swap3A_1035 = arith.constant 112 : index
    %swap3A_1036 = tpu.vector_load %arg10[%swap3A_1034, %swap3A_1035] {strides = array<i32>} : memref<8x128xi32, #tpu.memory_space<vmem>>, vector<1x16xi32>,
    %swap3A_1037 = vector.shape_cast %swap3A_1036 : vector<1x16xi32> to vector<16xi32>
    %swap3A_1038 = vector.shape_cast %add3A_1032 : vector<16xi32> to vector<1x16xi32>
    tpu.vector_store %arg10[%swap3A_1034, %swap3A_1035], %swap3A_1038 {strides = array<i32>} : memref<8x128xi32, #tpu.memory_space<vmem>>, vector<1x16xi32>,
    %get3A_1039 = arith.constant 6 : i32
    %get3A_1040 = arith.index_cast %get3A_1039 : i32 to index
    %get3A_1041 = arith.constant 0 : index
    %get3A_1042 = tpu.vector_load %arg8[%get3A_1040, %get3A_1041] {strides = array<i32>} : memref<8x128xi32, #tpu.memory_space<vmem>>, vector<1x16xi32>,
    %get3A_1043 = vector.shape_cast %get3A_1042 : vector<1x16xi32> to vector<16xi32>
    %mul3A_1044 = arith.constant 512 : i32
    %mul3A_1045 = vector.broadcast %mul3A_1044 : i32 to vector<16xi32>
    %mul3A_1046 = arith.muli %get3A_1043, %mul3A_1045 : vector<16xi32>
    %get3A_1047 = arith.constant 6 : i32
    %get3A_1048 = arith.index_cast %get3A_1047 : i32 to index
    %get3A_1049 = arith.constant 0 : index
    %get3A_1050 = tpu.vector_load %arg7[%get3A_1048, %get3A_1049] {strides = array<i32>} : memref<8x128xi32, #tpu.memory_space<vmem>>, vector<1x16xi32>,
    %get3A_1051 = vector.shape_cast %get3A_1050 : vector<1x16xi32> to vector<16xi32>
    %add3A_1052 = arith.addi %mul3A_1046, %get3A_1051 : vector<16xi32>
    %swap3A_1053 = arith.constant 6 : i32
    %swap3A_1054 = arith.index_cast %swap3A_1053 : i32 to index
    %swap3A_1055 = arith.constant 0 : index
    %swap3A_1056 = tpu.vector_load %arg10[%swap3A_1054, %swap3A_1055] {strides = array<i32>} : memref<8x128xi32, #tpu.memory_space<vmem>>, vector<1x16xi32>,
    %swap3A_1057 = vector.shape_cast %swap3A_1056 : vector<1x16xi32> to vector<16xi32>
    %swap3A_1058 = vector.shape_cast %add3A_1052 : vector<16xi32> to vector<1x16xi32>
    tpu.vector_store %arg10[%swap3A_1054, %swap3A_1055], %swap3A_1058 {strides = array<i32>} : memref<8x128xi32, #tpu.memory_space<vmem>>, vector<1x16xi32>,
    %get3A_1059 = arith.constant 6 : i32
    %get3A_1060 = arith.index_cast %get3A_1059 : i32 to index
    %get3A_1061 = arith.constant 16 : index
    %get3A_1062 = tpu.vector_load %arg8[%get3A_1060, %get3A_1061] {strides = array<i32>} : memref<8x128xi32, #tpu.memory_space<vmem>>, vector<1x16xi32>,
    %get3A_1063 = vector.shape_cast %get3A_1062 : vector<1x16xi32> to vector<16xi32>
    %mul3A_1064 = arith.constant 512 : i32
    %mul3A_1065 = vector.broadcast %mul3A_1064 : i32 to vector<16xi32>
    %mul3A_1066 = arith.muli %get3A_1063, %mul3A_1065 : vector<16xi32>
    %get3A_1067 = arith.constant 6 : i32
    %get3A_1068 = arith.index_cast %get3A_1067 : i32 to index
    %get3A_1069 = arith.constant 16 : index
    %get3A_1070 = tpu.vector_load %arg7[%get3A_1068, %get3A_1069] {strides = array<i32>} : memref<8x128xi32, #tpu.memory_space<vmem>>, vector<1x16xi32>,
    %get3A_1071 = vector.shape_cast %get3A_1070 : vector<1x16xi32> to vector<16xi32>
    %add3A_1072 = arith.addi %mul3A_1066, %get3A_1071 : vector<16xi32>
    %swap3A_1073 = arith.constant 6 : i32
    %swap3A_1074 = arith.index_cast %swap3A_1073 : i32 to index
    %swap3A_1075 = arith.constant 16 : index
    %swap3A_1076 = tpu.vector_load %arg10[%swap3A_1074, %swap3A_1075] {strides = array<i32>} : memref<8x128xi32, #tpu.memory_space<vmem>>, vector<1x16xi32>,
    %swap3A_1077 = vector.shape_cast %swap3A_1076 : vector<1x16xi32> to vector<16xi32>
    %swap3A_1078 = vector.shape_cast %add3A_1072 : vector<16xi32> to vector<1x16xi32>
    tpu.vector_store %arg10[%swap3A_1074, %swap3A_1075], %swap3A_1078 {strides = array<i32>} : memref<8x128xi32, #tpu.memory_space<vmem>>, vector<1x16xi32>,
    %get3A_1079 = arith.constant 6 : i32
    %get3A_1080 = arith.index_cast %get3A_1079 : i32 to index
    %get3A_1081 = arith.constant 32 : index
    %get3A_1082 = tpu.vector_load %arg8[%get3A_1080, %get3A_1081] {strides = array<i32>} : memref<8x128xi32, #tpu.memory_space<vmem>>, vector<1x16xi32>,
    %get3A_1083 = vector.shape_cast %get3A_1082 : vector<1x16xi32> to vector<16xi32>
    %mul3A_1084 = arith.constant 512 : i32
    %mul3A_1085 = vector.broadcast %mul3A_1084 : i32 to vector<16xi32>
    %mul3A_1086 = arith.muli %get3A_1083, %mul3A_1085 : vector<16xi32>
    %get3A_1087 = arith.constant 6 : i32
    %get3A_1088 = arith.index_cast %get3A_1087 : i32 to index
    %get3A_1089 = arith.constant 32 : index
    %get3A_1090 = tpu.vector_load %arg7[%get3A_1088, %get3A_1089] {strides = array<i32>} : memref<8x128xi32, #tpu.memory_space<vmem>>, vector<1x16xi32>,
    %get3A_1091 = vector.shape_cast %get3A_1090 : vector<1x16xi32> to vector<16xi32>
    %add3A_1092 = arith.addi %mul3A_1086, %get3A_1091 : vector<16xi32>
    %swap3A_1093 = arith.constant 6 : i32
    %swap3A_1094 = arith.index_cast %swap3A_1093 : i32 to index
    %swap3A_1095 = arith.constant 32 : index
    %swap3A_1096 = tpu.vector_load %arg10[%swap3A_1094, %swap3A_1095] {strides = array<i32>} : memref<8x128xi32, #tpu.memory_space<vmem>>, vector<1x16xi32>,
    %swap3A_1097 = vector.shape_cast %swap3A_1096 : vector<1x16xi32> to vector<16xi32>
    %swap3A_1098 = vector.shape_cast %add3A_1092 : vector<16xi32> to vector<1x16xi32>
    tpu.vector_store %arg10[%swap3A_1094, %swap3A_1095], %swap3A_1098 {strides = array<i32>} : memref<8x128xi32, #tpu.memory_space<vmem>>, vector<1x16xi32>,
    %get3A_1099 = arith.constant 6 : i32
    %get3A_1100 = arith.index_cast %get3A_1099 : i32 to index
    %get3A_1101 = arith.constant 48 : index
    %get3A_1102 = tpu.vector_load %arg8[%get3A_1100, %get3A_1101] {strides = array<i32>} : memref<8x128xi32, #tpu.memory_space<vmem>>, vector<1x16xi32>,
    %get3A_1103 = vector.shape_cast %get3A_1102 : vector<1x16xi32> to vector<16xi32>
    %mul3A_1104 = arith.constant 512 : i32
    %mul3A_1105 = vector.broadcast %mul3A_1104 : i32 to vector<16xi32>
    %mul3A_1106 = arith.muli %get3A_1103, %mul3A_1105 : vector<16xi32>
    %get3A_1107 = arith.constant 6 : i32
    %get3A_1108 = arith.index_cast %get3A_1107 : i32 to index
    %get3A_1109 = arith.constant 48 : index
    %get3A_1110 = tpu.vector_load %arg7[%get3A_1108, %get3A_1109] {strides = array<i32>} : memref<8x128xi32, #tpu.memory_space<vmem>>, vector<1x16xi32>,
    %get3A_1111 = vector.shape_cast %get3A_1110 : vector<1x16xi32> to vector<16xi32>
    %add3A_1112 = arith.addi %mul3A_1106, %get3A_1111 : vector<16xi32>
    %swap3A_1113 = arith.constant 6 : i32
    %swap3A_1114 = arith.index_cast %swap3A_1113 : i32 to index
    %swap3A_1115 = arith.constant 48 : index
    %swap3A_1116 = tpu.vector_load %arg10[%swap3A_1114, %swap3A_1115] {strides = array<i32>} : memref<8x128xi32, #tpu.memory_space<vmem>>, vector<1x16xi32>,
    %swap3A_1117 = vector.shape_cast %swap3A_1116 : vector<1x16xi32> to vector<16xi32>
    %swap3A_1118 = vector.shape_cast %add3A_1112 : vector<16xi32> to vector<1x16xi32>
    tpu.vector_store %arg10[%swap3A_1114, %swap3A_1115], %swap3A_1118 {strides = array<i32>} : memref<8x128xi32, #tpu.memory_space<vmem>>, vector<1x16xi32>,
    %get3A_1119 = arith.constant 6 : i32
    %get3A_1120 = arith.index_cast %get3A_1119 : i32 to index
    %get3A_1121 = arith.constant 64 : index
    %get3A_1122 = tpu.vector_load %arg8[%get3A_1120, %get3A_1121] {strides = array<i32>} : memref<8x128xi32, #tpu.memory_space<vmem>>, vector<1x16xi32>,
    %get3A_1123 = vector.shape_cast %get3A_1122 : vector<1x16xi32> to vector<16xi32>
    %mul3A_1124 = arith.constant 512 : i32
    %mul3A_1125 = vector.broadcast %mul3A_1124 : i32 to vector<16xi32>
    %mul3A_1126 = arith.muli %get3A_1123, %mul3A_1125 : vector<16xi32>
    %get3A_1127 = arith.constant 6 : i32
    %get3A_1128 = arith.index_cast %get3A_1127 : i32 to index
    %get3A_1129 = arith.constant 64 : index
    %get3A_1130 = tpu.vector_load %arg7[%get3A_1128, %get3A_1129] {strides = array<i32>} : memref<8x128xi32, #tpu.memory_space<vmem>>, vector<1x16xi32>,
    %get3A_1131 = vector.shape_cast %get3A_1130 : vector<1x16xi32> to vector<16xi32>
    %add3A_1132 = arith.addi %mul3A_1126, %get3A_1131 : vector<16xi32>
    %swap3A_1133 = arith.constant 6 : i32
    %swap3A_1134 = arith.index_cast %swap3A_1133 : i32 to index
    %swap3A_1135 = arith.constant 64 : index
    %swap3A_1136 = tpu.vector_load %arg10[%swap3A_1134, %swap3A_1135] {strides = array<i32>} : memref<8x128xi32, #tpu.memory_space<vmem>>, vector<1x16xi32>,
    %swap3A_1137 = vector.shape_cast %swap3A_1136 : vector<1x16xi32> to vector<16xi32>
    %swap3A_1138 = vector.shape_cast %add3A_1132 : vector<16xi32> to vector<1x16xi32>
    tpu.vector_store %arg10[%swap3A_1134, %swap3A_1135], %swap3A_1138 {strides = array<i32>} : memref<8x128xi32, #tpu.memory_space<vmem>>, vector<1x16xi32>,
    %get3A_1139 = arith.constant 6 : i32
    %get3A_1140 = arith.index_cast %get3A_1139 : i32 to index
    %get3A_1141 = arith.constant 80 : index
    %get3A_1142 = tpu.vector_load %arg8[%get3A_1140, %get3A_1141] {strides = array<i32>} : memref<8x128xi32, #tpu.memory_space<vmem>>, vector<1x16xi32>,
    %get3A_1143 = vector.shape_cast %get3A_1142 : vector<1x16xi32> to vector<16xi32>
    %mul3A_1144 = arith.constant 512 : i32
    %mul3A_1145 = vector.broadcast %mul3A_1144 : i32 to vector<16xi32>
    %mul3A_1146 = arith.muli %get3A_1143, %mul3A_1145 : vector<16xi32>
    %get3A_1147 = arith.constant 6 : i32
    %get3A_1148 = arith.index_cast %get3A_1147 : i32 to index
    %get3A_1149 = arith.constant 80 : index
    %get3A_1150 = tpu.vector_load %arg7[%get3A_1148, %get3A_1149] {strides = array<i32>} : memref<8x128xi32, #tpu.memory_space<vmem>>, vector<1x16xi32>,
    %get3A_1151 = vector.shape_cast %get3A_1150 : vector<1x16xi32> to vector<16xi32>
    %add3A_1152 = arith.addi %mul3A_1146, %get3A_1151 : vector<16xi32>
    %swap3A_1153 = arith.constant 6 : i32
    %swap3A_1154 = arith.index_cast %swap3A_1153 : i32 to index
    %swap3A_1155 = arith.constant 80 : index
    %swap3A_1156 = tpu.vector_load %arg10[%swap3A_1154, %swap3A_1155] {strides = array<i32>} : memref<8x128xi32, #tpu.memory_space<vmem>>, vector<1x16xi32>,
    %swap3A_1157 = vector.shape_cast %swap3A_1156 : vector<1x16xi32> to vector<16xi32>
    %swap3A_1158 = vector.shape_cast %add3A_1152 : vector<16xi32> to vector<1x16xi32>
    tpu.vector_store %arg10[%swap3A_1154, %swap3A_1155], %swap3A_1158 {strides = array<i32>} : memref<8x128xi32, #tpu.memory_space<vmem>>, vector<1x16xi32>,
    %get3A_1159 = arith.constant 6 : i32
    %get3A_1160 = arith.index_cast %get3A_1159 : i32 to index
    %get3A_1161 = arith.constant 96 : index
    %get3A_1162 = tpu.vector_load %arg8[%get3A_1160, %get3A_1161] {strides = array<i32>} : memref<8x128xi32, #tpu.memory_space<vmem>>, vector<1x16xi32>,
    %get3A_1163 = vector.shape_cast %get3A_1162 : vector<1x16xi32> to vector<16xi32>
    %mul3A_1164 = arith.constant 512 : i32
    %mul3A_1165 = vector.broadcast %mul3A_1164 : i32 to vector<16xi32>
    %mul3A_1166 = arith.muli %get3A_1163, %mul3A_1165 : vector<16xi32>
    %get3A_1167 = arith.constant 6 : i32
    %get3A_1168 = arith.index_cast %get3A_1167 : i32 to index
    %get3A_1169 = arith.constant 96 : index
    %get3A_1170 = tpu.vector_load %arg7[%get3A_1168, %get3A_1169] {strides = array<i32>} : memref<8x128xi32, #tpu.memory_space<vmem>>, vector<1x16xi32>,
    %get3A_1171 = vector.shape_cast %get3A_1170 : vector<1x16xi32> to vector<16xi32>
    %add3A_1172 = arith.addi %mul3A_1166, %get3A_1171 : vector<16xi32>
    %swap3A_1173 = arith.constant 6 : i32
    %swap3A_1174 = arith.index_cast %swap3A_1173 : i32 to index
    %swap3A_1175 = arith.constant 96 : index
    %swap3A_1176 = tpu.vector_load %arg10[%swap3A_1174, %swap3A_1175] {strides = array<i32>} : memref<8x128xi32, #tpu.memory_space<vmem>>, vector<1x16xi32>,
    %swap3A_1177 = vector.shape_cast %swap3A_1176 : vector<1x16xi32> to vector<16xi32>
    %swap3A_1178 = vector.shape_cast %add3A_1172 : vector<16xi32> to vector<1x16xi32>
    tpu.vector_store %arg10[%swap3A_1174, %swap3A_1175], %swap3A_1178 {strides = array<i32>} : memref<8x128xi32, #tpu.memory_space<vmem>>, vector<1x16xi32>,
    %get3A_1179 = arith.constant 6 : i32
    %get3A_1180 = arith.index_cast %get3A_1179 : i32 to index
    %get3A_1181 = arith.constant 112 : index
    %get3A_1182 = tpu.vector_load %arg8[%get3A_1180, %get3A_1181] {strides = array<i32>} : memref<8x128xi32, #tpu.memory_space<vmem>>, vector<1x16xi32>,
    %get3A_1183 = vector.shape_cast %get3A_1182 : vector<1x16xi32> to vector<16xi32>
    %mul3A_1184 = arith.constant 512 : i32
    %mul3A_1185 = vector.broadcast %mul3A_1184 : i32 to vector<16xi32>
    %mul3A_1186 = arith.muli %get3A_1183, %mul3A_1185 : vector<16xi32>
    %get3A_1187 = arith.constant 6 : i32
    %get3A_1188 = arith.index_cast %get3A_1187 : i32 to index
    %get3A_1189 = arith.constant 112 : index
    %get3A_1190 = tpu.vector_load %arg7[%get3A_1188, %get3A_1189] {strides = array<i32>} : memref<8x128xi32, #tpu.memory_space<vmem>>, vector<1x16xi32>,
    %get3A_1191 = vector.shape_cast %get3A_1190 : vector<1x16xi32> to vector<16xi32>
    %add3A_1192 = arith.addi %mul3A_1186, %get3A_1191 : vector<16xi32>
    %swap3A_1193 = arith.constant 6 : i32
    %swap3A_1194 = arith.index_cast %swap3A_1193 : i32 to index
    %swap3A_1195 = arith.constant 112 : index
    %swap3A_1196 = tpu.vector_load %arg10[%swap3A_1194, %swap3A_1195] {strides = array<i32>} : memref<8x128xi32, #tpu.memory_space<vmem>>, vector<1x16xi32>,
    %swap3A_1197 = vector.shape_cast %swap3A_1196 : vector<1x16xi32> to vector<16xi32>
    %swap3A_1198 = vector.shape_cast %add3A_1192 : vector<16xi32> to vector<1x16xi32>
    tpu.vector_store %arg10[%swap3A_1194, %swap3A_1195], %swap3A_1198 {strides = array<i32>} : memref<8x128xi32, #tpu.memory_space<vmem>>, vector<1x16xi32>,
    %get3A_1199 = arith.constant 7 : i32
    %get3A_1200 = arith.index_cast %get3A_1199 : i32 to index
    %get3A_1201 = arith.constant 0 : index
    %get3A_1202 = tpu.vector_load %arg8[%get3A_1200, %get3A_1201] {strides = array<i32>} : memref<8x128xi32, #tpu.memory_space<vmem>>, vector<1x16xi32>,
    %get3A_1203 = vector.shape_cast %get3A_1202 : vector<1x16xi32> to vector<16xi32>
    %mul3A_1204 = arith.constant 512 : i32
    %mul3A_1205 = vector.broadcast %mul3A_1204 : i32 to vector<16xi32>
    %mul3A_1206 = arith.muli %get3A_1203, %mul3A_1205 : vector<16xi32>
    %get3A_1207 = arith.constant 7 : i32
    %get3A_1208 = arith.index_cast %get3A_1207 : i32 to index
    %get3A_1209 = arith.constant 0 : index
    %get3A_1210 = tpu.vector_load %arg7[%get3A_1208, %get3A_1209] {strides = array<i32>} : memref<8x128xi32, #tpu.memory_space<vmem>>, vector<1x16xi32>,
    %get3A_1211 = vector.shape_cast %get3A_1210 : vector<1x16xi32> to vector<16xi32>
    %add3A_1212 = arith.addi %mul3A_1206, %get3A_1211 : vector<16xi32>
    %swap3A_1213 = arith.constant 7 : i32
    %swap3A_1214 = arith.index_cast %swap3A_1213 : i32 to index
    %swap3A_1215 = arith.constant 0 : index
    %swap3A_1216 = tpu.vector_load %arg10[%swap3A_1214, %swap3A_1215] {strides = array<i32>} : memref<8x128xi32, #tpu.memory_space<vmem>>, vector<1x16xi32>,
    %swap3A_1217 = vector.shape_cast %swap3A_1216 : vector<1x16xi32> to vector<16xi32>
    %swap3A_1218 = vector.shape_cast %add3A_1212 : vector<16xi32> to vector<1x16xi32>
    tpu.vector_store %arg10[%swap3A_1214, %swap3A_1215], %swap3A_1218 {strides = array<i32>} : memref<8x128xi32, #tpu.memory_space<vmem>>, vector<1x16xi32>,
    %get3A_1219 = arith.constant 7 : i32
    %get3A_1220 = arith.index_cast %get3A_1219 : i32 to index
    %get3A_1221 = arith.constant 16 : index
    %get3A_1222 = tpu.vector_load %arg8[%get3A_1220, %get3A_1221] {strides = array<i32>} : memref<8x128xi32, #tpu.memory_space<vmem>>, vector<1x16xi32>,
    %get3A_1223 = vector.shape_cast %get3A_1222 : vector<1x16xi32> to vector<16xi32>
    %mul3A_1224 = arith.constant 512 : i32
    %mul3A_1225 = vector.broadcast %mul3A_1224 : i32 to vector<16xi32>
    %mul3A_1226 = arith.muli %get3A_1223, %mul3A_1225 : vector<16xi32>
    %get3A_1227 = arith.constant 7 : i32
    %get3A_1228 = arith.index_cast %get3A_1227 : i32 to index
    %get3A_1229 = arith.constant 16 : index
    %get3A_1230 = tpu.vector_load %arg7[%get3A_1228, %get3A_1229] {strides = array<i32>} : memref<8x128xi32, #tpu.memory_space<vmem>>, vector<1x16xi32>,
    %get3A_1231 = vector.shape_cast %get3A_1230 : vector<1x16xi32> to vector<16xi32>
    %add3A_1232 = arith.addi %mul3A_1226, %get3A_1231 : vector<16xi32>
    %swap3A_1233 = arith.constant 7 : i32
    %swap3A_1234 = arith.index_cast %swap3A_1233 : i32 to index
    %swap3A_1235 = arith.constant 16 : index
    %swap3A_1236 = tpu.vector_load %arg10[%swap3A_1234, %swap3A_1235] {strides = array<i32>} : memref<8x128xi32, #tpu.memory_space<vmem>>, vector<1x16xi32>,
    %swap3A_1237 = vector.shape_cast %swap3A_1236 : vector<1x16xi32> to vector<16xi32>
    %swap3A_1238 = vector.shape_cast %add3A_1232 : vector<16xi32> to vector<1x16xi32>
    tpu.vector_store %arg10[%swap3A_1234, %swap3A_1235], %swap3A_1238 {strides = array<i32>} : memref<8x128xi32, #tpu.memory_space<vmem>>, vector<1x16xi32>,
    %get3A_1239 = arith.constant 7 : i32
    %get3A_1240 = arith.index_cast %get3A_1239 : i32 to index
    %get3A_1241 = arith.constant 32 : index
    %get3A_1242 = tpu.vector_load %arg8[%get3A_1240, %get3A_1241] {strides = array<i32>} : memref<8x128xi32, #tpu.memory_space<vmem>>, vector<1x16xi32>,
    %get3A_1243 = vector.shape_cast %get3A_1242 : vector<1x16xi32> to vector<16xi32>
    %mul3A_1244 = arith.constant 512 : i32
    %mul3A_1245 = vector.broadcast %mul3A_1244 : i32 to vector<16xi32>
    %mul3A_1246 = arith.muli %get3A_1243, %mul3A_1245 : vector<16xi32>
    %get3A_1247 = arith.constant 7 : i32
    %get3A_1248 = arith.index_cast %get3A_1247 : i32 to index
    %get3A_1249 = arith.constant 32 : index
    %get3A_1250 = tpu.vector_load %arg7[%get3A_1248, %get3A_1249] {strides = array<i32>} : memref<8x128xi32, #tpu.memory_space<vmem>>, vector<1x16xi32>,
    %get3A_1251 = vector.shape_cast %get3A_1250 : vector<1x16xi32> to vector<16xi32>
    %add3A_1252 = arith.addi %mul3A_1246, %get3A_1251 : vector<16xi32>
    %swap3A_1253 = arith.constant 7 : i32
    %swap3A_1254 = arith.index_cast %swap3A_1253 : i32 to index
    %swap3A_1255 = arith.constant 32 : index
    %swap3A_1256 = tpu.vector_load %arg10[%swap3A_1254, %swap3A_1255] {strides = array<i32>} : memref<8x128xi32, #tpu.memory_space<vmem>>, vector<1x16xi32>,
    %swap3A_1257 = vector.shape_cast %swap3A_1256 : vector<1x16xi32> to vector<16xi32>
    %swap3A_1258 = vector.shape_cast %add3A_1252 : vector<16xi32> to vector<1x16xi32>
    tpu.vector_store %arg10[%swap3A_1254, %swap3A_1255], %swap3A_1258 {strides = array<i32>} : memref<8x128xi32, #tpu.memory_space<vmem>>, vector<1x16xi32>,
    %get3A_1259 = arith.constant 7 : i32
    %get3A_1260 = arith.index_cast %get3A_1259 : i32 to index
    %get3A_1261 = arith.constant 48 : index
    %get3A_1262 = tpu.vector_load %arg8[%get3A_1260, %get3A_1261] {strides = array<i32>} : memref<8x128xi32, #tpu.memory_space<vmem>>, vector<1x16xi32>,
    %get3A_1263 = vector.shape_cast %get3A_1262 : vector<1x16xi32> to vector<16xi32>
    %mul3A_1264 = arith.constant 512 : i32
    %mul3A_1265 = vector.broadcast %mul3A_1264 : i32 to vector<16xi32>
    %mul3A_1266 = arith.muli %get3A_1263, %mul3A_1265 : vector<16xi32>
    %get3A_1267 = arith.constant 7 : i32
    %get3A_1268 = arith.index_cast %get3A_1267 : i32 to index
    %get3A_1269 = arith.constant 48 : index
    %get3A_1270 = tpu.vector_load %arg7[%get3A_1268, %get3A_1269] {strides = array<i32>} : memref<8x128xi32, #tpu.memory_space<vmem>>, vector<1x16xi32>,
    %get3A_1271 = vector.shape_cast %get3A_1270 : vector<1x16xi32> to vector<16xi32>
    %add3A_1272 = arith.addi %mul3A_1266, %get3A_1271 : vector<16xi32>
    %swap3A_1273 = arith.constant 7 : i32
    %swap3A_1274 = arith.index_cast %swap3A_1273 : i32 to index
    %swap3A_1275 = arith.constant 48 : index
    %swap3A_1276 = tpu.vector_load %arg10[%swap3A_1274, %swap3A_1275] {strides = array<i32>} : memref<8x128xi32, #tpu.memory_space<vmem>>, vector<1x16xi32>,
    %swap3A_1277 = vector.shape_cast %swap3A_1276 : vector<1x16xi32> to vector<16xi32>
    %swap3A_1278 = vector.shape_cast %add3A_1272 : vector<16xi32> to vector<1x16xi32>
    tpu.vector_store %arg10[%swap3A_1274, %swap3A_1275], %swap3A_1278 {strides = array<i32>} : memref<8x128xi32, #tpu.memory_space<vmem>>, vector<1x16xi32>,
    %get3A_1279 = arith.constant 7 : i32
    %get3A_1280 = arith.index_cast %get3A_1279 : i32 to index
    %get3A_1281 = arith.constant 64 : index
    %get3A_1282 = tpu.vector_load %arg8[%get3A_1280, %get3A_1281] {strides = array<i32>} : memref<8x128xi32, #tpu.memory_space<vmem>>, vector<1x16xi32>,
    %get3A_1283 = vector.shape_cast %get3A_1282 : vector<1x16xi32> to vector<16xi32>
    %mul3A_1284 = arith.constant 512 : i32
    %mul3A_1285 = vector.broadcast %mul3A_1284 : i32 to vector<16xi32>
    %mul3A_1286 = arith.muli %get3A_1283, %mul3A_1285 : vector<16xi32>
    %get3A_1287 = arith.constant 7 : i32
    %get3A_1288 = arith.index_cast %get3A_1287 : i32 to index
    %get3A_1289 = arith.constant 64 : index
    %get3A_1290 = tpu.vector_load %arg7[%get3A_1288, %get3A_1289] {strides = array<i32>} : memref<8x128xi32, #tpu.memory_space<vmem>>, vector<1x16xi32>,
    %get3A_1291 = vector.shape_cast %get3A_1290 : vector<1x16xi32> to vector<16xi32>
    %add3A_1292 = arith.addi %mul3A_1286, %get3A_1291 : vector<16xi32>
    %swap3A_1293 = arith.constant 7 : i32
    %swap3A_1294 = arith.index_cast %swap3A_1293 : i32 to index
    %swap3A_1295 = arith.constant 64 : index
    %swap3A_1296 = tpu.vector_load %arg10[%swap3A_1294, %swap3A_1295] {strides = array<i32>} : memref<8x128xi32, #tpu.memory_space<vmem>>, vector<1x16xi32>,
    %swap3A_1297 = vector.shape_cast %swap3A_1296 : vector<1x16xi32> to vector<16xi32>
    %swap3A_1298 = vector.shape_cast %add3A_1292 : vector<16xi32> to vector<1x16xi32>
    tpu.vector_store %arg10[%swap3A_1294, %swap3A_1295], %swap3A_1298 {strides = array<i32>} : memref<8x128xi32, #tpu.memory_space<vmem>>, vector<1x16xi32>,
    %get3A_1299 = arith.constant 7 : i32
    %get3A_1300 = arith.index_cast %get3A_1299 : i32 to index
    %get3A_1301 = arith.constant 80 : index
    %get3A_1302 = tpu.vector_load %arg8[%get3A_1300, %get3A_1301] {strides = array<i32>} : memref<8x128xi32, #tpu.memory_space<vmem>>, vector<1x16xi32>,
    %get3A_1303 = vector.shape_cast %get3A_1302 : vector<1x16xi32> to vector<16xi32>
    %mul3A_1304 = arith.constant 512 : i32
    %mul3A_1305 = vector.broadcast %mul3A_1304 : i32 to vector<16xi32>
    %mul3A_1306 = arith.muli %get3A_1303, %mul3A_1305 : vector<16xi32>
    %get3A_1307 = arith.constant 7 : i32
    %get3A_1308 = arith.index_cast %get3A_1307 : i32 to index
    %get3A_1309 = arith.constant 80 : index
    %get3A_1310 = tpu.vector_load %arg7[%get3A_1308, %get3A_1309] {strides = array<i32>} : memref<8x128xi32, #tpu.memory_space<vmem>>, vector<1x16xi32>,
    %get3A_1311 = vector.shape_cast %get3A_1310 : vector<1x16xi32> to vector<16xi32>
    %add3A_1312 = arith.addi %mul3A_1306, %get3A_1311 : vector<16xi32>
    %swap3A_1313 = arith.constant 7 : i32
    %swap3A_1314 = arith.index_cast %swap3A_1313 : i32 to index
    %swap3A_1315 = arith.constant 80 : index
    %swap3A_1316 = tpu.vector_load %arg10[%swap3A_1314, %swap3A_1315] {strides = array<i32>} : memref<8x128xi32, #tpu.memory_space<vmem>>, vector<1x16xi32>,
    %swap3A_1317 = vector.shape_cast %swap3A_1316 : vector<1x16xi32> to vector<16xi32>
    %swap3A_1318 = vector.shape_cast %add3A_1312 : vector<16xi32> to vector<1x16xi32>
    tpu.vector_store %arg10[%swap3A_1314, %swap3A_1315], %swap3A_1318 {strides = array<i32>} : memref<8x128xi32, #tpu.memory_space<vmem>>, vector<1x16xi32>,
    %get3A_1319 = arith.constant 7 : i32
    %get3A_1320 = arith.index_cast %get3A_1319 : i32 to index
    %get3A_1321 = arith.constant 96 : index
    %get3A_1322 = tpu.vector_load %arg8[%get3A_1320, %get3A_1321] {strides = array<i32>} : memref<8x128xi32, #tpu.memory_space<vmem>>, vector<1x16xi32>,
    %get3A_1323 = vector.shape_cast %get3A_1322 : vector<1x16xi32> to vector<16xi32>
    %mul3A_1324 = arith.constant 512 : i32
    %mul3A_1325 = vector.broadcast %mul3A_1324 : i32 to vector<16xi32>
    %mul3A_1326 = arith.muli %get3A_1323, %mul3A_1325 : vector<16xi32>
    %get3A_1327 = arith.constant 7 : i32
    %get3A_1328 = arith.index_cast %get3A_1327 : i32 to index
    %get3A_1329 = arith.constant 96 : index
    %get3A_1330 = tpu.vector_load %arg7[%get3A_1328, %get3A_1329] {strides = array<i32>} : memref<8x128xi32, #tpu.memory_space<vmem>>, vector<1x16xi32>,
    %get3A_1331 = vector.shape_cast %get3A_1330 : vector<1x16xi32> to vector<16xi32>
    %add3A_1332 = arith.addi %mul3A_1326, %get3A_1331 : vector<16xi32>
    %swap3A_1333 = arith.constant 7 : i32
    %swap3A_1334 = arith.index_cast %swap3A_1333 : i32 to index
    %swap3A_1335 = arith.constant 96 : index
    %swap3A_1336 = tpu.vector_load %arg10[%swap3A_1334, %swap3A_1335] {strides = array<i32>} : memref<8x128xi32, #tpu.memory_space<vmem>>, vector<1x16xi32>,
    %swap3A_1337 = vector.shape_cast %swap3A_1336 : vector<1x16xi32> to vector<16xi32>
    %swap3A_1338 = vector.shape_cast %add3A_1332 : vector<16xi32> to vector<1x16xi32>
    tpu.vector_store %arg10[%swap3A_1334, %swap3A_1335], %swap3A_1338 {strides = array<i32>} : memref<8x128xi32, #tpu.memory_space<vmem>>, vector<1x16xi32>,
    %get3A_1339 = arith.constant 7 : i32
    %get3A_1340 = arith.index_cast %get3A_1339 : i32 to index
    %get3A_1341 = arith.constant 112 : index
    %get3A_1342 = tpu.vector_load %arg8[%get3A_1340, %get3A_1341] {strides = array<i32>} : memref<8x128xi32, #tpu.memory_space<vmem>>, vector<1x16xi32>,
    %get3A_1343 = vector.shape_cast %get3A_1342 : vector<1x16xi32> to vector<16xi32>
    %mul3A_1344 = arith.constant 512 : i32
    %mul3A_1345 = vector.broadcast %mul3A_1344 : i32 to vector<16xi32>
    %mul3A_1346 = arith.muli %get3A_1343, %mul3A_1345 : vector<16xi32>
    %get3A_1347 = arith.constant 7 : i32
    %get3A_1348 = arith.index_cast %get3A_1347 : i32 to index
    %get3A_1349 = arith.constant 112 : index
    %get3A_1350 = tpu.vector_load %arg7[%get3A_1348, %get3A_1349] {strides = array<i32>} : memref<8x128xi32, #tpu.memory_space<vmem>>, vector<1x16xi32>,
    %get3A_1351 = vector.shape_cast %get3A_1350 : vector<1x16xi32> to vector<16xi32>
    %add3A_1352 = arith.addi %mul3A_1346, %get3A_1351 : vector<16xi32>
    %swap3A_1353 = arith.constant 7 : i32
    %swap3A_1354 = arith.index_cast %swap3A_1353 : i32 to index
    %swap3A_1355 = arith.constant 112 : index
    %swap3A_1356 = tpu.vector_load %arg10[%swap3A_1354, %swap3A_1355] {strides = array<i32>} : memref<8x128xi32, #tpu.memory_space<vmem>>, vector<1x16xi32>,
    %swap3A_1357 = vector.shape_cast %swap3A_1356 : vector<1x16xi32> to vector<16xi32>
    %swap3A_1358 = vector.shape_cast %add3A_1352 : vector<16xi32> to vector<1x16xi32>
    tpu.vector_store %arg10[%swap3A_1354, %swap3A_1355], %swap3A_1358 {strides = array<i32>} : memref<8x128xi32, #tpu.memory_space<vmem>>, vector<1x16xi32>,
    %dma_wait3A_1359 = tpu.memref_slice %arg12[%add3A_23] : memref<262144xf32, #tpu.memory_space<vmem_shared>> -> memref<2048xf32, #tpu.memory_space<vmem_shared>>
    %dma_wait3A_1360 = tpu.memref_slice %arg12[%add3A_23] : memref<262144xf32, #tpu.memory_space<vmem_shared>> -> memref<2048xf32, #tpu.memory_space<vmem_shared>>
    tpu.wait_dma2 semaphore(%arg14 : memref<!tpu.dma_semaphore, #tpu.memory_space<semaphore_mem>>) src(%arg11 : memref<2048xf32, #tpu.memory_space<vmem>>) dst(%dma_wait3A_1360 : memref<2048xf32, #tpu.memory_space<vmem_shared>>)
    %dma_wait3A_1361 = tpu.memref_slice %arg12[%add3A_29] : memref<262144xf32, #tpu.memory_space<vmem_shared>> -> memref<2048xf32, #tpu.memory_space<vmem_shared>>
    %dma_wait3A_1362 = tpu.memref_slice %arg12[%add3A_29] : memref<262144xf32, #tpu.memory_space<vmem_shared>> -> memref<2048xf32, #tpu.memory_space<vmem_shared>>
    tpu.wait_dma2 semaphore(%arg14 : memref<!tpu.dma_semaphore, #tpu.memory_space<semaphore_mem>>) src(%arg11 : memref<2048xf32, #tpu.memory_space<vmem>>) dst(%dma_wait3A_1362 : memref<2048xf32, #tpu.memory_space<vmem_shared>>)
    %dma_wait3A_1363 = tpu.memref_slice %arg12[%add3A_35] : memref<262144xf32, #tpu.memory_space<vmem_shared>> -> memref<2048xf32, #tpu.memory_space<vmem_shared>>
    %dma_wait3A_1364 = tpu.memref_slice %arg12[%add3A_35] : memref<262144xf32, #tpu.memory_space<vmem_shared>> -> memref<2048xf32, #tpu.memory_space<vmem_shared>>
    tpu.wait_dma2 semaphore(%arg14 : memref<!tpu.dma_semaphore, #tpu.memory_space<semaphore_mem>>) src(%arg11 : memref<2048xf32, #tpu.memory_space<vmem>>) dst(%dma_wait3A_1364 : memref<2048xf32, #tpu.memory_space<vmem_shared>>)
    %dma_wait3A_1365 = tpu.memref_slice %arg12[%add3A_41] : memref<262144xf32, #tpu.memory_space<vmem_shared>> -> memref<2048xf32, #tpu.memory_space<vmem_shared>>
    %dma_wait3A_1366 = tpu.memref_slice %arg12[%add3A_41] : memref<262144xf32, #tpu.memory_space<vmem_shared>> -> memref<2048xf32, #tpu.memory_space<vmem_shared>>
    tpu.wait_dma2 semaphore(%arg14 : memref<!tpu.dma_semaphore, #tpu.memory_space<semaphore_mem>>) src(%arg11 : memref<2048xf32, #tpu.memory_space<vmem>>) dst(%dma_wait3A_1366 : memref<2048xf32, #tpu.memory_space<vmem_shared>>)
    %dma_wait3A_1367 = tpu.memref_slice %arg12[%add3A_47] : memref<262144xf32, #tpu.memory_space<vmem_shared>> -> memref<2048xf32, #tpu.memory_space<vmem_shared>>
    %dma_wait3A_1368 = tpu.memref_slice %arg12[%add3A_47] : memref<262144xf32, #tpu.memory_space<vmem_shared>> -> memref<2048xf32, #tpu.memory_space<vmem_shared>>
    tpu.wait_dma2 semaphore(%arg14 : memref<!tpu.dma_semaphore, #tpu.memory_space<semaphore_mem>>) src(%arg11 : memref<2048xf32, #tpu.memory_space<vmem>>) dst(%dma_wait3A_1368 : memref<2048xf32, #tpu.memory_space<vmem_shared>>)
    %dma_wait3A_1369 = tpu.memref_slice %arg12[%add3A_53] : memref<262144xf32, #tpu.memory_space<vmem_shared>> -> memref<2048xf32, #tpu.memory_space<vmem_shared>>
    %dma_wait3A_1370 = tpu.memref_slice %arg12[%add3A_53] : memref<262144xf32, #tpu.memory_space<vmem_shared>> -> memref<2048xf32, #tpu.memory_space<vmem_shared>>
    tpu.wait_dma2 semaphore(%arg14 : memref<!tpu.dma_semaphore, #tpu.memory_space<semaphore_mem>>) src(%arg11 : memref<2048xf32, #tpu.memory_space<vmem>>) dst(%dma_wait3A_1370 : memref<2048xf32, #tpu.memory_space<vmem_shared>>)
    %dma_wait3A_1371 = tpu.memref_slice %arg12[%add3A_59] : memref<262144xf32, #tpu.memory_space<vmem_shared>> -> memref<2048xf32, #tpu.memory_space<vmem_shared>>
    %dma_wait3A_1372 = tpu.memref_slice %arg12[%add3A_59] : memref<262144xf32, #tpu.memory_space<vmem_shared>> -> memref<2048xf32, #tpu.memory_space<vmem_shared>>
    tpu.wait_dma2 semaphore(%arg14 : memref<!tpu.dma_semaphore, #tpu.memory_space<semaphore_mem>>) src(%arg11 : memref<2048xf32, #tpu.memory_space<vmem>>) dst(%dma_wait3A_1372 : memref<2048xf32, #tpu.memory_space<vmem_shared>>)
    %dma_wait3A_1373 = tpu.memref_slice %arg12[%add3A_65] : memref<262144xf32, #tpu.memory_space<vmem_shared>> -> memref<2048xf32, #tpu.memory_space<vmem_shared>>
    %dma_wait3A_1374 = tpu.memref_slice %arg12[%add3A_65] : memref<262144xf32, #tpu.memory_space<vmem_shared>> -> memref<2048xf32, #tpu.memory_space<vmem_shared>>
    tpu.wait_dma2 semaphore(%arg14 : memref<!tpu.dma_semaphore, #tpu.memory_space<semaphore_mem>>) src(%arg11 : memref<2048xf32, #tpu.memory_space<vmem>>) dst(%dma_wait3A_1374 : memref<2048xf32, #tpu.memory_space<vmem_shared>>)
    %barrier3A = arith.constant 0 : index
    tpu.barrier barrier_id(%barrier3A)
    %dma_start3A_1375 = arith.constant 0 : i32
    %dma_start3A_1376 = arith.constant 0 : i32
    %dma_start3A_1377 = arith.constant 0 : i32
    %dma_start3A_1378 = tpu.memref_slice %arg9[%dma_start3A_1375, %dma_start3A_1377] : memref<8x128xf32, #tpu.memory_space<vmem>> -> memref<1x128xf32, #tpu.memory_space<vmem>>
    %dma_start3A_1379 = tpu.memref_squeeze %dma_start3A_1378 : memref<1x128xf32, #tpu.memory_space<vmem>> -> memref<128xf32, #tpu.memory_space<vmem>>
    %dma_start3A_1380 = arith.constant 0 : i32
    %dma_start3A_1381 = tpu.memref_slice %arg10[%dma_start3A_1376, %dma_start3A_1380] : memref<8x128xi32, #tpu.memory_space<vmem>> -> memref<1x128xi32, #tpu.memory_space<vmem>>
    %dma_start3A_1382 = tpu.memref_squeeze %dma_start3A_1381 : memref<1x128xi32, #tpu.memory_space<vmem>> -> memref<128xi32, #tpu.memory_space<vmem>>
    %dma_start3A_1383 = arith.constant 0 : i32
    %dma_start3A_1384 = tpu.memref_slice %arg12[%dma_start3A_1383] : memref<262144xf32, #tpu.memory_space<vmem_shared>> -> memref<262144xf32, #tpu.memory_space<vmem_shared>>
    tpu.enqueue_indirect_dma source(%dma_start3A_1379 : memref<128xf32, #tpu.memory_space<vmem>>) target(%dma_start3A_1384 : memref<262144xf32, #tpu.memory_space<vmem_shared>>) offsets(%dma_start3A_1382 : memref<128xi32, #tpu.memory_space<vmem>>) semaphore(%arg14 : memref<!tpu.dma_semaphore, #tpu.memory_space<semaphore_mem>>) {add = true}
    %dma_start3A_1385 = arith.constant 1 : i32
    %dma_start3A_1386 = arith.constant 1 : i32
    %dma_start3A_1387 = arith.constant 0 : i32
    %dma_start3A_1388 = tpu.memref_slice %arg9[%dma_start3A_1385, %dma_start3A_1387] : memref<8x128xf32, #tpu.memory_space<vmem>> -> memref<1x128xf32, #tpu.memory_space<vmem>>
    %dma_start3A_1389 = tpu.memref_squeeze %dma_start3A_1388 : memref<1x128xf32, #tpu.memory_space<vmem>> -> memref<128xf32, #tpu.memory_space<vmem>>
    %dma_start3A_1390 = arith.constant 0 : i32
    %dma_start3A_1391 = tpu.memref_slice %arg10[%dma_start3A_1386, %dma_start3A_1390] : memref<8x128xi32, #tpu.memory_space<vmem>> -> memref<1x128xi32, #tpu.memory_space<vmem>>
    %dma_start3A_1392 = tpu.memref_squeeze %dma_start3A_1391 : memref<1x128xi32, #tpu.memory_space<vmem>> -> memref<128xi32, #tpu.memory_space<vmem>>
    %dma_start3A_1393 = arith.constant 0 : i32
    %dma_start3A_1394 = tpu.memref_slice %arg12[%dma_start3A_1393] : memref<262144xf32, #tpu.memory_space<vmem_shared>> -> memref<262144xf32, #tpu.memory_space<vmem_shared>>
    tpu.enqueue_indirect_dma source(%dma_start3A_1389 : memref<128xf32, #tpu.memory_space<vmem>>) target(%dma_start3A_1394 : memref<262144xf32, #tpu.memory_space<vmem_shared>>) offsets(%dma_start3A_1392 : memref<128xi32, #tpu.memory_space<vmem>>) semaphore(%arg14 : memref<!tpu.dma_semaphore, #tpu.memory_space<semaphore_mem>>) {add = true}
    %dma_start3A_1395 = arith.constant 2 : i32
    %dma_start3A_1396 = arith.constant 2 : i32
    %dma_start3A_1397 = arith.constant 0 : i32
    %dma_start3A_1398 = tpu.memref_slice %arg9[%dma_start3A_1395, %dma_start3A_1397] : memref<8x128xf32, #tpu.memory_space<vmem>> -> memref<1x128xf32, #tpu.memory_space<vmem>>
    %dma_start3A_1399 = tpu.memref_squeeze %dma_start3A_1398 : memref<1x128xf32, #tpu.memory_space<vmem>> -> memref<128xf32, #tpu.memory_space<vmem>>
    %dma_start3A_1400 = arith.constant 0 : i32
    %dma_start3A_1401 = tpu.memref_slice %arg10[%dma_start3A_1396, %dma_start3A_1400] : memref<8x128xi32, #tpu.memory_space<vmem>> -> memref<1x128xi32, #tpu.memory_space<vmem>>
    %dma_start3A_1402 = tpu.memref_squeeze %dma_start3A_1401 : memref<1x128xi32, #tpu.memory_space<vmem>> -> memref<128xi32, #tpu.memory_space<vmem>>
    %dma_start3A_1403 = arith.constant 0 : i32
    %dma_start3A_1404 = tpu.memref_slice %arg12[%dma_start3A_1403] : memref<262144xf32, #tpu.memory_space<vmem_shared>> -> memref<262144xf32, #tpu.memory_space<vmem_shared>>
    tpu.enqueue_indirect_dma source(%dma_start3A_1399 : memref<128xf32, #tpu.memory_space<vmem>>) target(%dma_start3A_1404 : memref<262144xf32, #tpu.memory_space<vmem_shared>>) offsets(%dma_start3A_1402 : memref<128xi32, #tpu.memory_space<vmem>>) semaphore(%arg14 : memref<!tpu.dma_semaphore, #tpu.memory_space<semaphore_mem>>) {add = true}
    %dma_start3A_1405 = arith.constant 3 : i32
    %dma_start3A_1406 = arith.constant 3 : i32
    %dma_start3A_1407 = arith.constant 0 : i32
    %dma_start3A_1408 = tpu.memref_slice %arg9[%dma_start3A_1405, %dma_start3A_1407] : memref<8x128xf32, #tpu.memory_space<vmem>> -> memref<1x128xf32, #tpu.memory_space<vmem>>
    %dma_start3A_1409 = tpu.memref_squeeze %dma_start3A_1408 : memref<1x128xf32, #tpu.memory_space<vmem>> -> memref<128xf32, #tpu.memory_space<vmem>>
    %dma_start3A_1410 = arith.constant 0 : i32
    %dma_start3A_1411 = tpu.memref_slice %arg10[%dma_start3A_1406, %dma_start3A_1410] : memref<8x128xi32, #tpu.memory_space<vmem>> -> memref<1x128xi32, #tpu.memory_space<vmem>>
    %dma_start3A_1412 = tpu.memref_squeeze %dma_start3A_1411 : memref<1x128xi32, #tpu.memory_space<vmem>> -> memref<128xi32, #tpu.memory_space<vmem>>
    %dma_start3A_1413 = arith.constant 0 : i32
    %dma_start3A_1414 = tpu.memref_slice %arg12[%dma_start3A_1413] : memref<262144xf32, #tpu.memory_space<vmem_shared>> -> memref<262144xf32, #tpu.memory_space<vmem_shared>>
    tpu.enqueue_indirect_dma source(%dma_start3A_1409 : memref<128xf32, #tpu.memory_space<vmem>>) target(%dma_start3A_1414 : memref<262144xf32, #tpu.memory_space<vmem_shared>>) offsets(%dma_start3A_1412 : memref<128xi32, #tpu.memory_space<vmem>>) semaphore(%arg14 : memref<!tpu.dma_semaphore, #tpu.memory_space<semaphore_mem>>) {add = true}
    %dma_start3A_1415 = arith.constant 4 : i32
    %dma_start3A_1416 = arith.constant 4 : i32
    %dma_start3A_1417 = arith.constant 0 : i32
    %dma_start3A_1418 = tpu.memref_slice %arg9[%dma_start3A_1415, %dma_start3A_1417] : memref<8x128xf32, #tpu.memory_space<vmem>> -> memref<1x128xf32, #tpu.memory_space<vmem>>
    %dma_start3A_1419 = tpu.memref_squeeze %dma_start3A_1418 : memref<1x128xf32, #tpu.memory_space<vmem>> -> memref<128xf32, #tpu.memory_space<vmem>>
    %dma_start3A_1420 = arith.constant 0 : i32
    %dma_start3A_1421 = tpu.memref_slice %arg10[%dma_start3A_1416, %dma_start3A_1420] : memref<8x128xi32, #tpu.memory_space<vmem>> -> memref<1x128xi32, #tpu.memory_space<vmem>>
    %dma_start3A_1422 = tpu.memref_squeeze %dma_start3A_1421 : memref<1x128xi32, #tpu.memory_space<vmem>> -> memref<128xi32, #tpu.memory_space<vmem>>
    %dma_start3A_1423 = arith.constant 0 : i32
    %dma_start3A_1424 = tpu.memref_slice %arg12[%dma_start3A_1423] : memref<262144xf32, #tpu.memory_space<vmem_shared>> -> memref<262144xf32, #tpu.memory_space<vmem_shared>>
    tpu.enqueue_indirect_dma source(%dma_start3A_1419 : memref<128xf32, #tpu.memory_space<vmem>>) target(%dma_start3A_1424 : memref<262144xf32, #tpu.memory_space<vmem_shared>>) offsets(%dma_start3A_1422 : memref<128xi32, #tpu.memory_space<vmem>>) semaphore(%arg14 : memref<!tpu.dma_semaphore, #tpu.memory_space<semaphore_mem>>) {add = true}
    %dma_start3A_1425 = arith.constant 5 : i32
    %dma_start3A_1426 = arith.constant 5 : i32
    %dma_start3A_1427 = arith.constant 0 : i32
    %dma_start3A_1428 = tpu.memref_slice %arg9[%dma_start3A_1425, %dma_start3A_1427] : memref<8x128xf32, #tpu.memory_space<vmem>> -> memref<1x128xf32, #tpu.memory_space<vmem>>
    %dma_start3A_1429 = tpu.memref_squeeze %dma_start3A_1428 : memref<1x128xf32, #tpu.memory_space<vmem>> -> memref<128xf32, #tpu.memory_space<vmem>>
    %dma_start3A_1430 = arith.constant 0 : i32
    %dma_start3A_1431 = tpu.memref_slice %arg10[%dma_start3A_1426, %dma_start3A_1430] : memref<8x128xi32, #tpu.memory_space<vmem>> -> memref<1x128xi32, #tpu.memory_space<vmem>>
    %dma_start3A_1432 = tpu.memref_squeeze %dma_start3A_1431 : memref<1x128xi32, #tpu.memory_space<vmem>> -> memref<128xi32, #tpu.memory_space<vmem>>
    %dma_start3A_1433 = arith.constant 0 : i32
    %dma_start3A_1434 = tpu.memref_slice %arg12[%dma_start3A_1433] : memref<262144xf32, #tpu.memory_space<vmem_shared>> -> memref<262144xf32, #tpu.memory_space<vmem_shared>>
    tpu.enqueue_indirect_dma source(%dma_start3A_1429 : memref<128xf32, #tpu.memory_space<vmem>>) target(%dma_start3A_1434 : memref<262144xf32, #tpu.memory_space<vmem_shared>>) offsets(%dma_start3A_1432 : memref<128xi32, #tpu.memory_space<vmem>>) semaphore(%arg14 : memref<!tpu.dma_semaphore, #tpu.memory_space<semaphore_mem>>) {add = true}
    %dma_start3A_1435 = arith.constant 6 : i32
    %dma_start3A_1436 = arith.constant 6 : i32
    %dma_start3A_1437 = arith.constant 0 : i32
    %dma_start3A_1438 = tpu.memref_slice %arg9[%dma_start3A_1435, %dma_start3A_1437] : memref<8x128xf32, #tpu.memory_space<vmem>> -> memref<1x128xf32, #tpu.memory_space<vmem>>
    %dma_start3A_1439 = tpu.memref_squeeze %dma_start3A_1438 : memref<1x128xf32, #tpu.memory_space<vmem>> -> memref<128xf32, #tpu.memory_space<vmem>>
    %dma_start3A_1440 = arith.constant 0 : i32
    %dma_start3A_1441 = tpu.memref_slice %arg10[%dma_start3A_1436, %dma_start3A_1440] : memref<8x128xi32, #tpu.memory_space<vmem>> -> memref<1x128xi32, #tpu.memory_space<vmem>>
    %dma_start3A_1442 = tpu.memref_squeeze %dma_start3A_1441 : memref<1x128xi32, #tpu.memory_space<vmem>> -> memref<128xi32, #tpu.memory_space<vmem>>
    %dma_start3A_1443 = arith.constant 0 : i32
    %dma_start3A_1444 = tpu.memref_slice %arg12[%dma_start3A_1443] : memref<262144xf32, #tpu.memory_space<vmem_shared>> -> memref<262144xf32, #tpu.memory_space<vmem_shared>>
    tpu.enqueue_indirect_dma source(%dma_start3A_1439 : memref<128xf32, #tpu.memory_space<vmem>>) target(%dma_start3A_1444 : memref<262144xf32, #tpu.memory_space<vmem_shared>>) offsets(%dma_start3A_1442 : memref<128xi32, #tpu.memory_space<vmem>>) semaphore(%arg14 : memref<!tpu.dma_semaphore, #tpu.memory_space<semaphore_mem>>) {add = true}
    %dma_start3A_1445 = arith.constant 7 : i32
    %dma_start3A_1446 = arith.constant 7 : i32
    %dma_start3A_1447 = arith.constant 0 : i32
    %dma_start3A_1448 = tpu.memref_slice %arg9[%dma_start3A_1445, %dma_start3A_1447] : memref<8x128xf32, #tpu.memory_space<vmem>> -> memref<1x128xf32, #tpu.memory_space<vmem>>
    %dma_start3A_1449 = tpu.memref_squeeze %dma_start3A_1448 : memref<1x128xf32, #tpu.memory_space<vmem>> -> memref<128xf32, #tpu.memory_space<vmem>>
    %dma_start3A_1450 = arith.constant 0 : i32
    %dma_start3A_1451 = tpu.memref_slice %arg10[%dma_start3A_1446, %dma_start3A_1450] : memref<8x128xi32, #tpu.memory_space<vmem>> -> memref<1x128xi32, #tpu.memory_space<vmem>>
    %dma_start3A_1452 = tpu.memref_squeeze %dma_start3A_1451 : memref<1x128xi32, #tpu.memory_space<vmem>> -> memref<128xi32, #tpu.memory_space<vmem>>
    %dma_start3A_1453 = arith.constant 0 : i32
    %dma_start3A_1454 = tpu.memref_slice %arg12[%dma_start3A_1453] : memref<262144xf32, #tpu.memory_space<vmem_shared>> -> memref<262144xf32, #tpu.memory_space<vmem_shared>>
    tpu.enqueue_indirect_dma source(%dma_start3A_1449 : memref<128xf32, #tpu.memory_space<vmem>>) target(%dma_start3A_1454 : memref<262144xf32, #tpu.memory_space<vmem_shared>>) offsets(%dma_start3A_1452 : memref<128xi32, #tpu.memory_space<vmem>>) semaphore(%arg14 : memref<!tpu.dma_semaphore, #tpu.memory_space<semaphore_mem>>) {add = true}
    %dma_wait3A_1455 = arith.constant 0 : i32
    %dma_wait3A_1456 = arith.constant 0 : i32
    %dma_wait3A_1457 = arith.constant 0 : i32
    %dma_wait3A_1458 = tpu.memref_slice %arg9[%dma_wait3A_1455, %dma_wait3A_1457] : memref<8x128xf32, #tpu.memory_space<vmem>> -> memref<1x128xf32, #tpu.memory_space<vmem>>
    %dma_wait3A_1459 = tpu.memref_squeeze %dma_wait3A_1458 : memref<1x128xf32, #tpu.memory_space<vmem>> -> memref<128xf32, #tpu.memory_space<vmem>>
    %dma_wait3A_1460 = arith.constant 0 : i32
    %dma_wait3A_1461 = tpu.memref_slice %arg10[%dma_wait3A_1456, %dma_wait3A_1460] : memref<8x128xi32, #tpu.memory_space<vmem>> -> memref<1x128xi32, #tpu.memory_space<vmem>>
    %dma_wait3A_1462 = tpu.memref_squeeze %dma_wait3A_1461 : memref<1x128xi32, #tpu.memory_space<vmem>> -> memref<128xi32, #tpu.memory_space<vmem>>
    %dma_wait3A_1463 = arith.constant 0 : i32
    %dma_wait3A_1464 = tpu.memref_slice %arg12[%dma_wait3A_1463] : memref<262144xf32, #tpu.memory_space<vmem_shared>> -> memref<262144xf32, #tpu.memory_space<vmem_shared>>
    tpu.wait_indirect_dma semaphore(%arg14 : memref<!tpu.dma_semaphore, #tpu.memory_space<semaphore_mem>>) src(%dma_wait3A_1459 : memref<128xf32, #tpu.memory_space<vmem>>) dst(%dma_wait3A_1464 : memref<262144xf32, #tpu.memory_space<vmem_shared>>)
    %dma_wait3A_1465 = arith.constant 1 : i32
    %dma_wait3A_1466 = arith.constant 1 : i32
    %dma_wait3A_1467 = arith.constant 0 : i32
    %dma_wait3A_1468 = tpu.memref_slice %arg9[%dma_wait3A_1465, %dma_wait3A_1467] : memref<8x128xf32, #tpu.memory_space<vmem>> -> memref<1x128xf32, #tpu.memory_space<vmem>>
    %dma_wait3A_1469 = tpu.memref_squeeze %dma_wait3A_1468 : memref<1x128xf32, #tpu.memory_space<vmem>> -> memref<128xf32, #tpu.memory_space<vmem>>
    %dma_wait3A_1470 = arith.constant 0 : i32
    %dma_wait3A_1471 = tpu.memref_slice %arg10[%dma_wait3A_1466, %dma_wait3A_1470] : memref<8x128xi32, #tpu.memory_space<vmem>> -> memref<1x128xi32, #tpu.memory_space<vmem>>
    %dma_wait3A_1472 = tpu.memref_squeeze %dma_wait3A_1471 : memref<1x128xi32, #tpu.memory_space<vmem>> -> memref<128xi32, #tpu.memory_space<vmem>>
    %dma_wait3A_1473 = arith.constant 0 : i32
    %dma_wait3A_1474 = tpu.memref_slice %arg12[%dma_wait3A_1473] : memref<262144xf32, #tpu.memory_space<vmem_shared>> -> memref<262144xf32, #tpu.memory_space<vmem_shared>>
    tpu.wait_indirect_dma semaphore(%arg14 : memref<!tpu.dma_semaphore, #tpu.memory_space<semaphore_mem>>) src(%dma_wait3A_1469 : memref<128xf32, #tpu.memory_space<vmem>>) dst(%dma_wait3A_1474 : memref<262144xf32, #tpu.memory_space<vmem_shared>>)
    %dma_wait3A_1475 = arith.constant 2 : i32
    %dma_wait3A_1476 = arith.constant 2 : i32
    %dma_wait3A_1477 = arith.constant 0 : i32
    %dma_wait3A_1478 = tpu.memref_slice %arg9[%dma_wait3A_1475, %dma_wait3A_1477] : memref<8x128xf32, #tpu.memory_space<vmem>> -> memref<1x128xf32, #tpu.memory_space<vmem>>
    %dma_wait3A_1479 = tpu.memref_squeeze %dma_wait3A_1478 : memref<1x128xf32, #tpu.memory_space<vmem>> -> memref<128xf32, #tpu.memory_space<vmem>>
    %dma_wait3A_1480 = arith.constant 0 : i32
    %dma_wait3A_1481 = tpu.memref_slice %arg10[%dma_wait3A_1476, %dma_wait3A_1480] : memref<8x128xi32, #tpu.memory_space<vmem>> -> memref<1x128xi32, #tpu.memory_space<vmem>>
    %dma_wait3A_1482 = tpu.memref_squeeze %dma_wait3A_1481 : memref<1x128xi32, #tpu.memory_space<vmem>> -> memref<128xi32, #tpu.memory_space<vmem>>
    %dma_wait3A_1483 = arith.constant 0 : i32
    %dma_wait3A_1484 = tpu.memref_slice %arg12[%dma_wait3A_1483] : memref<262144xf32, #tpu.memory_space<vmem_shared>> -> memref<262144xf32, #tpu.memory_space<vmem_shared>>
    tpu.wait_indirect_dma semaphore(%arg14 : memref<!tpu.dma_semaphore, #tpu.memory_space<semaphore_mem>>) src(%dma_wait3A_1479 : memref<128xf32, #tpu.memory_space<vmem>>) dst(%dma_wait3A_1484 : memref<262144xf32, #tpu.memory_space<vmem_shared>>)
    %dma_wait3A_1485 = arith.constant 3 : i32
    %dma_wait3A_1486 = arith.constant 3 : i32
    %dma_wait3A_1487 = arith.constant 0 : i32
    %dma_wait3A_1488 = tpu.memref_slice %arg9[%dma_wait3A_1485, %dma_wait3A_1487] : memref<8x128xf32, #tpu.memory_space<vmem>> -> memref<1x128xf32, #tpu.memory_space<vmem>>
    %dma_wait3A_1489 = tpu.memref_squeeze %dma_wait3A_1488 : memref<1x128xf32, #tpu.memory_space<vmem>> -> memref<128xf32, #tpu.memory_space<vmem>>
    %dma_wait3A_1490 = arith.constant 0 : i32
    %dma_wait3A_1491 = tpu.memref_slice %arg10[%dma_wait3A_1486, %dma_wait3A_1490] : memref<8x128xi32, #tpu.memory_space<vmem>> -> memref<1x128xi32, #tpu.memory_space<vmem>>
    %dma_wait3A_1492 = tpu.memref_squeeze %dma_wait3A_1491 : memref<1x128xi32, #tpu.memory_space<vmem>> -> memref<128xi32, #tpu.memory_space<vmem>>
    %dma_wait3A_1493 = arith.constant 0 : i32
    %dma_wait3A_1494 = tpu.memref_slice %arg12[%dma_wait3A_1493] : memref<262144xf32, #tpu.memory_space<vmem_shared>> -> memref<262144xf32, #tpu.memory_space<vmem_shared>>
    tpu.wait_indirect_dma semaphore(%arg14 : memref<!tpu.dma_semaphore, #tpu.memory_space<semaphore_mem>>) src(%dma_wait3A_1489 : memref<128xf32, #tpu.memory_space<vmem>>) dst(%dma_wait3A_1494 : memref<262144xf32, #tpu.memory_space<vmem_shared>>)
    %dma_wait3A_1495 = arith.constant 4 : i32
    %dma_wait3A_1496 = arith.constant 4 : i32
    %dma_wait3A_1497 = arith.constant 0 : i32
    %dma_wait3A_1498 = tpu.memref_slice %arg9[%dma_wait3A_1495, %dma_wait3A_1497] : memref<8x128xf32, #tpu.memory_space<vmem>> -> memref<1x128xf32, #tpu.memory_space<vmem>>
    %dma_wait3A_1499 = tpu.memref_squeeze %dma_wait3A_1498 : memref<1x128xf32, #tpu.memory_space<vmem>> -> memref<128xf32, #tpu.memory_space<vmem>>
    %dma_wait3A_1500 = arith.constant 0 : i32
    %dma_wait3A_1501 = tpu.memref_slice %arg10[%dma_wait3A_1496, %dma_wait3A_1500] : memref<8x128xi32, #tpu.memory_space<vmem>> -> memref<1x128xi32, #tpu.memory_space<vmem>>
    %dma_wait3A_1502 = tpu.memref_squeeze %dma_wait3A_1501 : memref<1x128xi32, #tpu.memory_space<vmem>> -> memref<128xi32, #tpu.memory_space<vmem>>
    %dma_wait3A_1503 = arith.constant 0 : i32
    %dma_wait3A_1504 = tpu.memref_slice %arg12[%dma_wait3A_1503] : memref<262144xf32, #tpu.memory_space<vmem_shared>> -> memref<262144xf32, #tpu.memory_space<vmem_shared>>
    tpu.wait_indirect_dma semaphore(%arg14 : memref<!tpu.dma_semaphore, #tpu.memory_space<semaphore_mem>>) src(%dma_wait3A_1499 : memref<128xf32, #tpu.memory_space<vmem>>) dst(%dma_wait3A_1504 : memref<262144xf32, #tpu.memory_space<vmem_shared>>)
    %dma_wait3A_1505 = arith.constant 5 : i32
    %dma_wait3A_1506 = arith.constant 5 : i32
    %dma_wait3A_1507 = arith.constant 0 : i32
    %dma_wait3A_1508 = tpu.memref_slice %arg9[%dma_wait3A_1505, %dma_wait3A_1507] : memref<8x128xf32, #tpu.memory_space<vmem>> -> memref<1x128xf32, #tpu.memory_space<vmem>>
    %dma_wait3A_1509 = tpu.memref_squeeze %dma_wait3A_1508 : memref<1x128xf32, #tpu.memory_space<vmem>> -> memref<128xf32, #tpu.memory_space<vmem>>
    %dma_wait3A_1510 = arith.constant 0 : i32
    %dma_wait3A_1511 = tpu.memref_slice %arg10[%dma_wait3A_1506, %dma_wait3A_1510] : memref<8x128xi32, #tpu.memory_space<vmem>> -> memref<1x128xi32, #tpu.memory_space<vmem>>
    %dma_wait3A_1512 = tpu.memref_squeeze %dma_wait3A_1511 : memref<1x128xi32, #tpu.memory_space<vmem>> -> memref<128xi32, #tpu.memory_space<vmem>>
    %dma_wait3A_1513 = arith.constant 0 : i32
    %dma_wait3A_1514 = tpu.memref_slice %arg12[%dma_wait3A_1513] : memref<262144xf32, #tpu.memory_space<vmem_shared>> -> memref<262144xf32, #tpu.memory_space<vmem_shared>>
    tpu.wait_indirect_dma semaphore(%arg14 : memref<!tpu.dma_semaphore, #tpu.memory_space<semaphore_mem>>) src(%dma_wait3A_1509 : memref<128xf32, #tpu.memory_space<vmem>>) dst(%dma_wait3A_1514 : memref<262144xf32, #tpu.memory_space<vmem_shared>>)
    %dma_wait3A_1515 = arith.constant 6 : i32
    %dma_wait3A_1516 = arith.constant 6 : i32
    %dma_wait3A_1517 = arith.constant 0 : i32
    %dma_wait3A_1518 = tpu.memref_slice %arg9[%dma_wait3A_1515, %dma_wait3A_1517] : memref<8x128xf32, #tpu.memory_space<vmem>> -> memref<1x128xf32, #tpu.memory_space<vmem>>
    %dma_wait3A_1519 = tpu.memref_squeeze %dma_wait3A_1518 : memref<1x128xf32, #tpu.memory_space<vmem>> -> memref<128xf32, #tpu.memory_space<vmem>>
    %dma_wait3A_1520 = arith.constant 0 : i32
    %dma_wait3A_1521 = tpu.memref_slice %arg10[%dma_wait3A_1516, %dma_wait3A_1520] : memref<8x128xi32, #tpu.memory_space<vmem>> -> memref<1x128xi32, #tpu.memory_space<vmem>>
    %dma_wait3A_1522 = tpu.memref_squeeze %dma_wait3A_1521 : memref<1x128xi32, #tpu.memory_space<vmem>> -> memref<128xi32, #tpu.memory_space<vmem>>
    %dma_wait3A_1523 = arith.constant 0 : i32
    %dma_wait3A_1524 = tpu.memref_slice %arg12[%dma_wait3A_1523] : memref<262144xf32, #tpu.memory_space<vmem_shared>> -> memref<262144xf32, #tpu.memory_space<vmem_shared>>
    tpu.wait_indirect_dma semaphore(%arg14 : memref<!tpu.dma_semaphore, #tpu.memory_space<semaphore_mem>>) src(%dma_wait3A_1519 : memref<128xf32, #tpu.memory_space<vmem>>) dst(%dma_wait3A_1524 : memref<262144xf32, #tpu.memory_space<vmem_shared>>)
    %dma_wait3A_1525 = arith.constant 7 : i32
    %dma_wait3A_1526 = arith.constant 7 : i32
    %dma_wait3A_1527 = arith.constant 0 : i32
    %dma_wait3A_1528 = tpu.memref_slice %arg9[%dma_wait3A_1525, %dma_wait3A_1527] : memref<8x128xf32, #tpu.memory_space<vmem>> -> memref<1x128xf32, #tpu.memory_space<vmem>>
    %dma_wait3A_1529 = tpu.memref_squeeze %dma_wait3A_1528 : memref<1x128xf32, #tpu.memory_space<vmem>> -> memref<128xf32, #tpu.memory_space<vmem>>
    %dma_wait3A_1530 = arith.constant 0 : i32
    %dma_wait3A_1531 = tpu.memref_slice %arg10[%dma_wait3A_1526, %dma_wait3A_1530] : memref<8x128xi32, #tpu.memory_space<vmem>> -> memref<1x128xi32, #tpu.memory_space<vmem>>
    %dma_wait3A_1532 = tpu.memref_squeeze %dma_wait3A_1531 : memref<1x128xi32, #tpu.memory_space<vmem>> -> memref<128xi32, #tpu.memory_space<vmem>>
    %dma_wait3A_1533 = arith.constant 0 : i32
    %dma_wait3A_1534 = tpu.memref_slice %arg12[%dma_wait3A_1533] : memref<262144xf32, #tpu.memory_space<vmem_shared>> -> memref<262144xf32, #tpu.memory_space<vmem_shared>>
    tpu.wait_indirect_dma semaphore(%arg14 : memref<!tpu.dma_semaphore, #tpu.memory_space<semaphore_mem>>) src(%dma_wait3A_1529 : memref<128xf32, #tpu.memory_space<vmem>>) dst(%dma_wait3A_1534 : memref<262144xf32, #tpu.memory_space<vmem_shared>>)
    %barrier3A_1535 = arith.constant 0 : index
    tpu.barrier barrier_id(%barrier3A_1535)
    %eq3A_1536 = arith.constant 0 : i32
    %eq3A_1537 = arith.cmpi eq, %arg0, %eq3A_1536 : i32
    %convert_element_type3A_1538 = arith.extui %eq3A_1537 : i1 to i32
    %cond3A_1539 = arith.constant 0 : i32
    %cond3A_1540 = arith.cmpi ne, %convert_element_type3A_1538, %cond3A_1539 : i32
    scf.if %cond3A_1540 {
      %mul3A_1546 = arith.constant 16384 : i32
      %mul3A_1547 = arith.muli %arg1, %mul3A_1546 : i32
      %mul3A_1548 = arith.constant 16384 : i32
      %mul3A_1549 = arith.muli %arg1, %mul3A_1548 : i32
      "tpu.region"() ({
        %run_scoped3A = tpu.sem_alloc : memref<!tpu.dma_semaphore, #tpu.memory_space<semaphore_mem>>
        %dma_start3A_1550 = tpu.memref_slice %arg5[%mul3A_1549] : memref<262144xf32, #tpu.memory_space<hbm>> -> memref<16384xf32, #tpu.memory_space<hbm>>
        %dma_start3A_1551 = tpu.memref_slice %arg12[%mul3A_1547] : memref<262144xf32, #tpu.memory_space<vmem_shared>> -> memref<16384xf32, #tpu.memory_space<vmem_shared>>
        tpu.enqueue_dma source(%dma_start3A_1551 : memref<16384xf32, #tpu.memory_space<vmem_shared>>) target(%dma_start3A_1550 : memref<16384xf32, #tpu.memory_space<hbm>>) target_semaphore(%run_scoped3A : memref<!tpu.dma_semaphore, #tpu.memory_space<semaphore_mem>>)
        %dma_wait3A_1552 = tpu.memref_slice %arg5[%mul3A_1549] : memref<262144xf32, #tpu.memory_space<hbm>> -> memref<16384xf32, #tpu.memory_space<hbm>>
        %dma_wait3A_1553 = tpu.memref_slice %arg12[%mul3A_1547] : memref<262144xf32, #tpu.memory_space<vmem_shared>> -> memref<16384xf32, #tpu.memory_space<vmem_shared>>
        tpu.wait_dma2 semaphore(%run_scoped3A : memref<!tpu.dma_semaphore, #tpu.memory_space<semaphore_mem>>) src(%dma_wait3A_1553 : memref<16384xf32, #tpu.memory_space<vmem_shared>>) dst(%dma_wait3A_1552 : memref<16384xf32, #tpu.memory_space<hbm>>)
        tpu.yield
      }) : () -> ()
    } else {
    }
    %eq3A_1541 = arith.constant 1 : i32
    %eq3A_1542 = arith.cmpi eq, %arg0, %eq3A_1541 : i32
    %convert_element_type3A_1543 = arith.extui %eq3A_1542 : i1 to i32
    %cond3A_1544 = arith.constant 0 : i32
    %cond3A_1545 = arith.cmpi ne, %convert_element_type3A_1543, %cond3A_1544 : i32
    scf.if %cond3A_1545 {
      %mul3A_1546 = arith.constant 16384 : i32
      %mul3A_1547 = arith.muli %arg1, %mul3A_1546 : i32
      %mul3A_1548 = arith.constant 16384 : i32
      %mul3A_1549 = arith.muli %arg1, %mul3A_1548 : i32
      "tpu.region"() ({
        %run_scoped3A = tpu.sem_alloc : memref<!tpu.dma_semaphore, #tpu.memory_space<semaphore_mem>>
        %dma_start3A_1550 = tpu.memref_slice %arg6[%mul3A_1549] : memref<262144xf32, #tpu.memory_space<hbm>> -> memref<16384xf32, #tpu.memory_space<hbm>>
        %dma_start3A_1551 = tpu.memref_slice %arg12[%mul3A_1547] : memref<262144xf32, #tpu.memory_space<vmem_shared>> -> memref<16384xf32, #tpu.memory_space<vmem_shared>>
        tpu.enqueue_dma source(%dma_start3A_1551 : memref<16384xf32, #tpu.memory_space<vmem_shared>>) target(%dma_start3A_1550 : memref<16384xf32, #tpu.memory_space<hbm>>) target_semaphore(%run_scoped3A : memref<!tpu.dma_semaphore, #tpu.memory_space<semaphore_mem>>)
        %dma_wait3A_1552 = tpu.memref_slice %arg6[%mul3A_1549] : memref<262144xf32, #tpu.memory_space<hbm>> -> memref<16384xf32, #tpu.memory_space<hbm>>
        %dma_wait3A_1553 = tpu.memref_slice %arg12[%mul3A_1547] : memref<262144xf32, #tpu.memory_space<vmem_shared>> -> memref<16384xf32, #tpu.memory_space<vmem_shared>>
        tpu.wait_dma2 semaphore(%run_scoped3A : memref<!tpu.dma_semaphore, #tpu.memory_space<semaphore_mem>>) src(%dma_wait3A_1553 : memref<16384xf32, #tpu.memory_space<vmem_shared>>) dst(%dma_wait3A_1552 : memref<16384xf32, #tpu.memory_space<hbm>>)
        tpu.yield
      }) : () -> ()
    } else {
    }
    return
  }
}

module attributes {stable_mosaic.version = 14 : i64} {
  func.func @_dense_body(%arg0: memref<512x512xf32, #tpu.memory_space<vmem>>, %arg1: memref<512x512xf32, #tpu.memory_space<vmem>>, %arg2: memref<12x512x64xf32, #tpu.memory_space<vmem>>, %arg3: memref<64x128xf32, #tpu.memory_space<vmem>>, %arg4: memref<256x128xf32, #tpu.memory_space<vmem>>, %arg5: memref<1x128xf32, #tpu.memory_space<vmem>>, %arg6: memref<1x128xf32, #tpu.memory_space<vmem>>, %arg7: memref<64x128xf32, #tpu.memory_space<vmem>>, %arg8: memref<256x128xf32, #tpu.memory_space<vmem>>, %arg9: memref<1x128xf32, #tpu.memory_space<vmem>>, %arg10: memref<1x128xf32, #tpu.memory_space<vmem>>, %arg11: memref<128x128xf32, #tpu.memory_space<vmem>>, %arg12: memref<1x128xf32, #tpu.memory_space<vmem>>, %arg13: memref<3x128x128xf32, #tpu.memory_space<vmem>>, %arg14: memref<1x128xf32, #tpu.memory_space<vmem>>, %arg15: memref<128x128xf32, #tpu.memory_space<vmem>>, %arg16: memref<128x128xf32, #tpu.memory_space<vmem>>, %arg17: memref<128x128xf32, #tpu.memory_space<vmem>>, %arg18: memref<128x128xf32, #tpu.memory_space<vmem>>, %arg19: memref<1x128xf32, #tpu.memory_space<vmem>>, %arg20: memref<1x128xf32, #tpu.memory_space<vmem>>, %arg21: memref<1x128xf32, #tpu.memory_space<vmem>>, %arg22: memref<1x128xf32, #tpu.memory_space<vmem>>, %arg23: memref<1x128xf32, #tpu.memory_space<vmem>>, %arg24: memref<1x128xf32, #tpu.memory_space<vmem>>, %arg25: memref<128x128xf32, #tpu.memory_space<vmem>>, %arg26: memref<128x128xf32, #tpu.memory_space<vmem>>, %arg27: memref<128x128xf32, #tpu.memory_space<vmem>>, %arg28: memref<128x128xf32, #tpu.memory_space<vmem>>, %arg29: memref<1x128xf32, #tpu.memory_space<vmem>>, %arg30: memref<1x128xf32, #tpu.memory_space<vmem>>, %arg31: memref<1x128xf32, #tpu.memory_space<vmem>>, %arg32: memref<1x128xf32, #tpu.memory_space<vmem>>, %arg33: memref<1x128xf32, #tpu.memory_space<vmem>>, %arg34: memref<1x128xf32, #tpu.memory_space<vmem>>, %arg35: memref<128x128xf32, #tpu.memory_space<vmem>>, %arg36: memref<1x128xf32, #tpu.memory_space<vmem>>, %arg37: memref<256x64xf32, #tpu.memory_space<vmem>>, %arg38: memref<1x64xf32, #tpu.memory_space<vmem>>, %arg39: memref<512x128xf32, #tpu.memory_space<vmem>>, %arg40: memref<128x1xf32, #tpu.memory_space<vmem>>, %arg41: memref<512x64xf32, #tpu.memory_space<vmem>>, %arg42: memref<8x128x64xbf16, #tpu.memory_space<vmem>>, %arg43: memref<128x512xbf16, #tpu.memory_space<vmem>>) attributes {dimension_semantics = [], scalar_prefetch = 0 : i64, scratch_operands = 0 : i64, tpu.core_type = #tpu.core_type<tc>} {
    %get3A = arith.constant 0 : index
    %get3A_0 = arith.constant 0 : index
    %get3A_1 = vector.load %arg0[%get3A, %get3A_0] : memref<512x512xf32, #tpu.memory_space<vmem>>, vector<512x512xf32>
    %get3A_2 = arith.constant 0 : index
    %get3A_3 = arith.constant 0 : index
    %get3A_4 = vector.load %arg1[%get3A_2, %get3A_3] : memref<512x512xf32, #tpu.memory_space<vmem>>, vector<512x512xf32>
    %get3A_5 = arith.constant 0 : index
    %get3A_6 = arith.constant 0 : index
    %get3A_7 = arith.constant 0 : index
    %get3A_8 = vector.load %arg2[%get3A_5, %get3A_6, %get3A_7] : memref<12x512x64xf32, #tpu.memory_space<vmem>>, vector<12x512x64xf32>
    %get3A_9 = arith.constant 0 : index
    %get3A_10 = arith.constant 0 : index
    %get3A_11 = vector.load %arg3[%get3A_9, %get3A_10] : memref<64x128xf32, #tpu.memory_space<vmem>>, vector<64x128xf32>
    %get3A_12 = arith.constant 0 : index
    %get3A_13 = arith.constant 0 : index
    %get3A_14 = vector.load %arg4[%get3A_12, %get3A_13] : memref<256x128xf32, #tpu.memory_space<vmem>>, vector<256x128xf32>
    %get3A_15 = arith.constant 0 : index
    %get3A_16 = arith.constant 0 : index
    %get3A_17 = vector.load %arg5[%get3A_15, %get3A_16] : memref<1x128xf32, #tpu.memory_space<vmem>>, vector<1x128xf32>
    %get3A_18 = arith.constant 0 : index
    %get3A_19 = arith.constant 0 : index
    %get3A_20 = vector.load %arg6[%get3A_18, %get3A_19] : memref<1x128xf32, #tpu.memory_space<vmem>>, vector<1x128xf32>
    %get3A_21 = arith.constant 0 : index
    %get3A_22 = arith.constant 0 : index
    %get3A_23 = vector.load %arg7[%get3A_21, %get3A_22] : memref<64x128xf32, #tpu.memory_space<vmem>>, vector<64x128xf32>
    %get3A_24 = arith.constant 0 : index
    %get3A_25 = arith.constant 0 : index
    %get3A_26 = vector.load %arg8[%get3A_24, %get3A_25] : memref<256x128xf32, #tpu.memory_space<vmem>>, vector<256x128xf32>
    %get3A_27 = arith.constant 0 : index
    %get3A_28 = arith.constant 0 : index
    %get3A_29 = vector.load %arg9[%get3A_27, %get3A_28] : memref<1x128xf32, #tpu.memory_space<vmem>>, vector<1x128xf32>
    %get3A_30 = arith.constant 0 : index
    %get3A_31 = arith.constant 0 : index
    %get3A_32 = vector.load %arg10[%get3A_30, %get3A_31] : memref<1x128xf32, #tpu.memory_space<vmem>>, vector<1x128xf32>
    %get3A_33 = arith.constant 0 : index
    %get3A_34 = arith.constant 0 : index
    %get3A_35 = vector.load %arg11[%get3A_33, %get3A_34] : memref<128x128xf32, #tpu.memory_space<vmem>>, vector<128x128xf32>
    %get3A_36 = arith.constant 0 : index
    %get3A_37 = arith.constant 0 : index
    %get3A_38 = vector.load %arg12[%get3A_36, %get3A_37] : memref<1x128xf32, #tpu.memory_space<vmem>>, vector<1x128xf32>
    %get3A_39 = arith.constant 0 : index
    %get3A_40 = arith.constant 0 : index
    %get3A_41 = arith.constant 0 : index
    %get3A_42 = vector.load %arg13[%get3A_39, %get3A_40, %get3A_41] : memref<3x128x128xf32, #tpu.memory_space<vmem>>, vector<3x128x128xf32>
    %get3A_43 = arith.constant 0 : index
    %get3A_44 = arith.constant 0 : index
    %get3A_45 = vector.load %arg14[%get3A_43, %get3A_44] : memref<1x128xf32, #tpu.memory_space<vmem>>, vector<1x128xf32>
    %get3A_46 = arith.constant 0 : index
    %get3A_47 = arith.constant 0 : index
    %get3A_48 = vector.load %arg15[%get3A_46, %get3A_47] : memref<128x128xf32, #tpu.memory_space<vmem>>, vector<128x128xf32>
    %get3A_49 = arith.constant 0 : index
    %get3A_50 = arith.constant 0 : index
    %get3A_51 = vector.load %arg16[%get3A_49, %get3A_50] : memref<128x128xf32, #tpu.memory_space<vmem>>, vector<128x128xf32>
    %get3A_52 = arith.constant 0 : index
    %get3A_53 = arith.constant 0 : index
    %get3A_54 = vector.load %arg17[%get3A_52, %get3A_53] : memref<128x128xf32, #tpu.memory_space<vmem>>, vector<128x128xf32>
    %get3A_55 = arith.constant 0 : index
    %get3A_56 = arith.constant 0 : index
    %get3A_57 = vector.load %arg18[%get3A_55, %get3A_56] : memref<128x128xf32, #tpu.memory_space<vmem>>, vector<128x128xf32>
    %get3A_58 = arith.constant 0 : index
    %get3A_59 = arith.constant 0 : index
    %get3A_60 = vector.load %arg19[%get3A_58, %get3A_59] : memref<1x128xf32, #tpu.memory_space<vmem>>, vector<1x128xf32>
    %get3A_61 = arith.constant 0 : index
    %get3A_62 = arith.constant 0 : index
    %get3A_63 = vector.load %arg20[%get3A_61, %get3A_62] : memref<1x128xf32, #tpu.memory_space<vmem>>, vector<1x128xf32>
    %get3A_64 = arith.constant 0 : index
    %get3A_65 = arith.constant 0 : index
    %get3A_66 = vector.load %arg21[%get3A_64, %get3A_65] : memref<1x128xf32, #tpu.memory_space<vmem>>, vector<1x128xf32>
    %get3A_67 = arith.constant 0 : index
    %get3A_68 = arith.constant 0 : index
    %get3A_69 = vector.load %arg22[%get3A_67, %get3A_68] : memref<1x128xf32, #tpu.memory_space<vmem>>, vector<1x128xf32>
    %get3A_70 = arith.constant 0 : index
    %get3A_71 = arith.constant 0 : index
    %get3A_72 = vector.load %arg23[%get3A_70, %get3A_71] : memref<1x128xf32, #tpu.memory_space<vmem>>, vector<1x128xf32>
    %get3A_73 = arith.constant 0 : index
    %get3A_74 = arith.constant 0 : index
    %get3A_75 = vector.load %arg24[%get3A_73, %get3A_74] : memref<1x128xf32, #tpu.memory_space<vmem>>, vector<1x128xf32>
    %get3A_76 = arith.constant 0 : index
    %get3A_77 = arith.constant 0 : index
    %get3A_78 = vector.load %arg25[%get3A_76, %get3A_77] : memref<128x128xf32, #tpu.memory_space<vmem>>, vector<128x128xf32>
    %get3A_79 = arith.constant 0 : index
    %get3A_80 = arith.constant 0 : index
    %get3A_81 = vector.load %arg26[%get3A_79, %get3A_80] : memref<128x128xf32, #tpu.memory_space<vmem>>, vector<128x128xf32>
    %get3A_82 = arith.constant 0 : index
    %get3A_83 = arith.constant 0 : index
    %get3A_84 = vector.load %arg27[%get3A_82, %get3A_83] : memref<128x128xf32, #tpu.memory_space<vmem>>, vector<128x128xf32>
    %get3A_85 = arith.constant 0 : index
    %get3A_86 = arith.constant 0 : index
    %get3A_87 = vector.load %arg28[%get3A_85, %get3A_86] : memref<128x128xf32, #tpu.memory_space<vmem>>, vector<128x128xf32>
    %get3A_88 = arith.constant 0 : index
    %get3A_89 = arith.constant 0 : index
    %get3A_90 = vector.load %arg29[%get3A_88, %get3A_89] : memref<1x128xf32, #tpu.memory_space<vmem>>, vector<1x128xf32>
    %get3A_91 = arith.constant 0 : index
    %get3A_92 = arith.constant 0 : index
    %get3A_93 = vector.load %arg30[%get3A_91, %get3A_92] : memref<1x128xf32, #tpu.memory_space<vmem>>, vector<1x128xf32>
    %get3A_94 = arith.constant 0 : index
    %get3A_95 = arith.constant 0 : index
    %get3A_96 = vector.load %arg31[%get3A_94, %get3A_95] : memref<1x128xf32, #tpu.memory_space<vmem>>, vector<1x128xf32>
    %get3A_97 = arith.constant 0 : index
    %get3A_98 = arith.constant 0 : index
    %get3A_99 = vector.load %arg32[%get3A_97, %get3A_98] : memref<1x128xf32, #tpu.memory_space<vmem>>, vector<1x128xf32>
    %get3A_100 = arith.constant 0 : index
    %get3A_101 = arith.constant 0 : index
    %get3A_102 = vector.load %arg33[%get3A_100, %get3A_101] : memref<1x128xf32, #tpu.memory_space<vmem>>, vector<1x128xf32>
    %get3A_103 = arith.constant 0 : index
    %get3A_104 = arith.constant 0 : index
    %get3A_105 = vector.load %arg34[%get3A_103, %get3A_104] : memref<1x128xf32, #tpu.memory_space<vmem>>, vector<1x128xf32>
    %get3A_106 = arith.constant 0 : index
    %get3A_107 = arith.constant 0 : index
    %get3A_108 = vector.load %arg35[%get3A_106, %get3A_107] : memref<128x128xf32, #tpu.memory_space<vmem>>, vector<128x128xf32>
    %get3A_109 = arith.constant 0 : index
    %get3A_110 = arith.constant 0 : index
    %get3A_111 = vector.load %arg36[%get3A_109, %get3A_110] : memref<1x128xf32, #tpu.memory_space<vmem>>, vector<1x128xf32>
    %get3A_112 = arith.constant 0 : index
    %get3A_113 = arith.constant 0 : index
    %get3A_114 = vector.load %arg37[%get3A_112, %get3A_113] : memref<256x64xf32, #tpu.memory_space<vmem>>, vector<256x64xf32>
    %get3A_115 = arith.constant 0 : index
    %get3A_116 = arith.constant 0 : index
    %get3A_117 = vector.load %arg38[%get3A_115, %get3A_116] : memref<1x64xf32, #tpu.memory_space<vmem>>, vector<1x64xf32>
    %get3A_118 = arith.constant 0 : index
    %get3A_119 = arith.constant 0 : index
    %get3A_120 = vector.load %arg39[%get3A_118, %get3A_119] : memref<512x128xf32, #tpu.memory_space<vmem>>, vector<512x128xf32>
    %get3A_121 = arith.constant 0 : index
    %get3A_122 = arith.constant 0 : index
    %get3A_123 = vector.load %arg40[%get3A_121, %get3A_122] : memref<128x1xf32, #tpu.memory_space<vmem>>, vector<128x1xf32>
    %reduce_sum3A = arith.constant dense<0.000000e+00> : vector<512xf32>
    %reduce_sum3A_124 = vector.multi_reduction <add>, %get3A_1, %reduce_sum3A [1] : vector<512x512xf32> to vector<512xf32>
    %broadcast_in_dim3A = vector.shape_cast %reduce_sum3A_124 : vector<512xf32> to vector<512x1xf32>
    %add3A = arith.constant 1.000000e+00 : f32
    %add3A_125 = vector.broadcast %add3A : f32 to vector<512x1xf32>
    %add3A_126 = arith.addf %broadcast_in_dim3A, %add3A_125 : vector<512x1xf32>
    %rsqrt3A = math.rsqrt %add3A_126 : vector<512x1xf32>
    %slice3A = vector.extract_strided_slice %get3A_8 {offsets = [0, 0, 0], sizes = [1, 512, 64], strides = [1, 1, 1]} : vector<12x512x64xf32> to vector<1x512x64xf32>
    %squeeze3A = vector.shape_cast %slice3A : vector<1x512x64xf32> to vector<512x64xf32>
    %slice3A_127 = vector.extract_strided_slice %get3A_8 {offsets = [1, 0, 0], sizes = [1, 512, 64], strides = [1, 1, 1]} : vector<12x512x64xf32> to vector<1x512x64xf32>
    %squeeze3A_128 = vector.shape_cast %slice3A_127 : vector<1x512x64xf32> to vector<512x64xf32>
    %slice3A_129 = vector.extract_strided_slice %get3A_8 {offsets = [2, 0, 0], sizes = [1, 512, 64], strides = [1, 1, 1]} : vector<12x512x64xf32> to vector<1x512x64xf32>
    %squeeze3A_130 = vector.shape_cast %slice3A_129 : vector<1x512x64xf32> to vector<512x64xf32>
    %slice3A_131 = vector.extract_strided_slice %get3A_8 {offsets = [3, 0, 0], sizes = [1, 512, 64], strides = [1, 1, 1]} : vector<12x512x64xf32> to vector<1x512x64xf32>
    %squeeze3A_132 = vector.shape_cast %slice3A_131 : vector<1x512x64xf32> to vector<512x64xf32>
    %slice3A_133 = vector.extract_strided_slice %get3A_8 {offsets = [4, 0, 0], sizes = [1, 512, 64], strides = [1, 1, 1]} : vector<12x512x64xf32> to vector<1x512x64xf32>
    %squeeze3A_134 = vector.shape_cast %slice3A_133 : vector<1x512x64xf32> to vector<512x64xf32>
    %slice3A_135 = vector.extract_strided_slice %get3A_8 {offsets = [5, 0, 0], sizes = [1, 512, 64], strides = [1, 1, 1]} : vector<12x512x64xf32> to vector<1x512x64xf32>
    %squeeze3A_136 = vector.shape_cast %slice3A_135 : vector<1x512x64xf32> to vector<512x64xf32>
    %slice3A_137 = vector.extract_strided_slice %get3A_8 {offsets = [6, 0, 0], sizes = [1, 512, 64], strides = [1, 1, 1]} : vector<12x512x64xf32> to vector<1x512x64xf32>
    %squeeze3A_138 = vector.shape_cast %slice3A_137 : vector<1x512x64xf32> to vector<512x64xf32>
    %slice3A_139 = vector.extract_strided_slice %get3A_8 {offsets = [7, 0, 0], sizes = [1, 512, 64], strides = [1, 1, 1]} : vector<12x512x64xf32> to vector<1x512x64xf32>
    %squeeze3A_140 = vector.shape_cast %slice3A_139 : vector<1x512x64xf32> to vector<512x64xf32>
    %slice3A_141 = vector.extract_strided_slice %get3A_8 {offsets = [8, 0, 0], sizes = [1, 512, 64], strides = [1, 1, 1]} : vector<12x512x64xf32> to vector<1x512x64xf32>
    %squeeze3A_142 = vector.shape_cast %slice3A_141 : vector<1x512x64xf32> to vector<512x64xf32>
    %slice3A_143 = vector.extract_strided_slice %get3A_8 {offsets = [9, 0, 0], sizes = [1, 512, 64], strides = [1, 1, 1]} : vector<12x512x64xf32> to vector<1x512x64xf32>
    %squeeze3A_144 = vector.shape_cast %slice3A_143 : vector<1x512x64xf32> to vector<512x64xf32>
    %slice3A_145 = vector.extract_strided_slice %get3A_8 {offsets = [10, 0, 0], sizes = [1, 512, 64], strides = [1, 1, 1]} : vector<12x512x64xf32> to vector<1x512x64xf32>
    %squeeze3A_146 = vector.shape_cast %slice3A_145 : vector<1x512x64xf32> to vector<512x64xf32>
    %slice3A_147 = vector.extract_strided_slice %get3A_8 {offsets = [11, 0, 0], sizes = [1, 512, 64], strides = [1, 1, 1]} : vector<12x512x64xf32> to vector<1x512x64xf32>
    %squeeze3A_148 = vector.shape_cast %slice3A_147 : vector<1x512x64xf32> to vector<512x64xf32>
    %concatenate3A = tpu.concatenate %squeeze3A, %squeeze3A_128, %squeeze3A_130, %squeeze3A_132, %squeeze3A_134, %squeeze3A_136, %squeeze3A_138, %squeeze3A_140, %squeeze3A_142, %squeeze3A_144, %squeeze3A_146, %squeeze3A_148 in 1 : vector<512x64xf32>, vector<512x64xf32>, vector<512x64xf32>, vector<512x64xf32>, vector<512x64xf32>, vector<512x64xf32>, vector<512x64xf32>, vector<512x64xf32>, vector<512x64xf32>, vector<512x64xf32>, vector<512x64xf32>, vector<512x64xf32> -> vector<512x768xf32>
    %concatenate3A_149 = tpu.concatenate %get3A_48, %get3A_51, %get3A_54, %get3A_57 in 1 : vector<128x128xf32>, vector<128x128xf32>, vector<128x128xf32>, vector<128x128xf32> -> vector<128x512xf32>
    %concatenate3A_150 = tpu.concatenate %get3A_78, %get3A_81, %get3A_84, %get3A_87 in 1 : vector<128x128xf32>, vector<128x128xf32>, vector<128x128xf32>, vector<128x128xf32> -> vector<128x512xf32>
    %concatenate3A_151 = tpu.concatenate %get3A_60, %get3A_63, %get3A_66, %get3A_69 in 1 : vector<1x128xf32>, vector<1x128xf32>, vector<1x128xf32>, vector<1x128xf32> -> vector<1x512xf32>
    %concatenate3A_152 = tpu.concatenate %get3A_90, %get3A_93, %get3A_96, %get3A_99 in 1 : vector<1x128xf32>, vector<1x128xf32>, vector<1x128xf32>, vector<1x128xf32> -> vector<1x512xf32>
    %mul3A = vector.broadcast %rsqrt3A : vector<512x1xf32> to vector<512x768xf32>
    %mul3A_153 = arith.mulf %concatenate3A, %mul3A : vector<512x768xf32>
    %dot_general3A = arith.constant dense<0.000000e+00> : vector<512x768xf32>
    %dot_general3A_154 = tpu.matmul %get3A_1, %mul3A_153, %dot_general3A {dimension_numbers = #tpu.dot_dimension_numbers<[1], [0], [0], [1], [0, 0, 1, 1], [], []>, transpose_lhs_hint = false} : vector<512x512xf32>, vector<512x768xf32>, vector<512x768xf32> -> vector<512x768xf32>
    %add3A_155 = arith.addf %dot_general3A_154, %mul3A_153 : vector<512x768xf32>
    %mul3A_156 = vector.broadcast %rsqrt3A : vector<512x1xf32> to vector<512x768xf32>
    %mul3A_157 = arith.mulf %add3A_155, %mul3A_156 : vector<512x768xf32>
    %slice3A_158 = vector.extract_strided_slice %get3A_14 {offsets = [0, 0], sizes = [128, 128], strides = [1, 1]} : vector<256x128xf32> to vector<128x128xf32>
    %dot_general3A_159 = arith.constant dense<0.000000e+00> : vector<64x128xf32>
    %dot_general3A_160 = tpu.matmul %get3A_11, %slice3A_158, %dot_general3A_159 {dimension_numbers = #tpu.dot_dimension_numbers<[1], [0], [0], [1], [0, 0, 1, 1], [], []>, transpose_lhs_hint = false} : vector<64x128xf32>, vector<128x128xf32>, vector<64x128xf32> -> vector<64x128xf32>
    %slice3A_161 = vector.extract_strided_slice %get3A_26 {offsets = [0, 0], sizes = [128, 128], strides = [1, 1]} : vector<256x128xf32> to vector<128x128xf32>
    %dot_general3A_162 = arith.constant dense<0.000000e+00> : vector<64x128xf32>
    %dot_general3A_163 = tpu.matmul %get3A_23, %slice3A_161, %dot_general3A_162 {dimension_numbers = #tpu.dot_dimension_numbers<[1], [0], [0], [1], [0, 0, 1, 1], [], []>, transpose_lhs_hint = false} : vector<64x128xf32>, vector<128x128xf32>, vector<64x128xf32> -> vector<64x128xf32>
    %concatenate3A_164 = tpu.concatenate %dot_general3A_160, %dot_general3A_163 in 1 : vector<64x128xf32>, vector<64x128xf32> -> vector<64x256xf32>
    %slice3A_165 = vector.extract_strided_slice %get3A_14 {offsets = [0, 0], sizes = [128, 128], strides = [1, 1]} : vector<256x128xf32> to vector<128x128xf32>
    %dot_general3A_166 = arith.constant dense<0.000000e+00> : vector<1x128xf32>
    %dot_general3A_167 = tpu.matmul %get3A_17, %slice3A_165, %dot_general3A_166 {dimension_numbers = #tpu.dot_dimension_numbers<[1], [0], [0], [1], [0, 0, 1, 1], [], []>, transpose_lhs_hint = false} : vector<1x128xf32>, vector<128x128xf32>, vector<1x128xf32> -> vector<1x128xf32>
    %add3A_168 = arith.addf %dot_general3A_167, %get3A_20 : vector<1x128xf32>
    %slice3A_169 = vector.extract_strided_slice %get3A_26 {offsets = [0, 0], sizes = [128, 128], strides = [1, 1]} : vector<256x128xf32> to vector<128x128xf32>
    %dot_general3A_170 = arith.constant dense<0.000000e+00> : vector<1x128xf32>
    %dot_general3A_171 = tpu.matmul %get3A_29, %slice3A_169, %dot_general3A_170 {dimension_numbers = #tpu.dot_dimension_numbers<[1], [0], [0], [1], [0, 0, 1, 1], [], []>, transpose_lhs_hint = false} : vector<1x128xf32>, vector<128x128xf32>, vector<1x128xf32> -> vector<1x128xf32>
    %add3A_172 = arith.addf %dot_general3A_171, %get3A_32 : vector<1x128xf32>
    %concatenate3A_173 = tpu.concatenate %add3A_168, %add3A_172 in 1 : vector<1x128xf32>, vector<1x128xf32> -> vector<1x256xf32>
    %broadcast_in_dim3A_174 = arith.constant 0.000000e+00 : f32
    %broadcast_in_dim3A_175 = vector.broadcast %broadcast_in_dim3A_174 : f32 to vector<512x128xf32>
    %slice3A_176 = vector.extract_strided_slice %mul3A_157 {offsets = [0, 0], sizes = [512, 64], strides = [1, 1]} : vector<512x768xf32> to vector<512x64xf32>
    %dot_general3A_177 = arith.constant dense<0.000000e+00> : vector<512x256xf32>
    %dot_general3A_178 = tpu.matmul %slice3A_176, %concatenate3A_164, %dot_general3A_177 {dimension_numbers = #tpu.dot_dimension_numbers<[1], [0], [0], [1], [0, 0, 1, 1], [], []>, transpose_lhs_hint = false} : vector<512x64xf32>, vector<64x256xf32>, vector<512x256xf32> -> vector<512x256xf32>
    %add3A_179 = vector.broadcast %concatenate3A_173 : vector<1x256xf32> to vector<512x256xf32>
    %add3A_180 = arith.addf %dot_general3A_178, %add3A_179 : vector<512x256xf32>
    %slice3A_181 = vector.extract_strided_slice %add3A_180 {offsets = [0, 0], sizes = [512, 128], strides = [1, 1]} : vector<512x256xf32> to vector<512x128xf32>
    %logistic3A = arith.negf %slice3A_181 : vector<512x128xf32>
    %logistic3A_182 = math.exp %logistic3A : vector<512x128xf32>
    %logistic3A_183 = arith.constant 1.000000e+00 : f32
    %logistic3A_184 = vector.broadcast %logistic3A_183 : f32 to vector<512x128xf32>
    %logistic3A_185 = arith.addf %logistic3A_184, %logistic3A_182 : vector<512x128xf32>
    %logistic3A_186 = arith.divf %logistic3A_184, %logistic3A_185 : vector<512x128xf32>
    %slice3A_187 = vector.extract_strided_slice %add3A_180 {offsets = [0, 128], sizes = [512, 128], strides = [1, 1]} : vector<512x256xf32> to vector<512x128xf32>
    %tanh3A = math.tanh %slice3A_187 : vector<512x128xf32>
    %sub3A = arith.constant 1.000000e+00 : f32
    %sub3A_188 = vector.broadcast %sub3A : f32 to vector<512x128xf32>
    %sub3A_189 = arith.subf %sub3A_188, %logistic3A_186 : vector<512x128xf32>
    %mul3A_190 = arith.mulf %sub3A_189, %tanh3A : vector<512x128xf32>
    %add3A_191 = arith.addf %broadcast_in_dim3A_175, %mul3A_190 : vector<512x128xf32>
    %slice3A_192 = vector.extract_strided_slice %mul3A_157 {offsets = [0, 64], sizes = [512, 64], strides = [1, 1]} : vector<512x768xf32> to vector<512x64xf32>
    %dot_general3A_193 = arith.constant dense<0.000000e+00> : vector<512x256xf32>
    %dot_general3A_194 = tpu.matmul %slice3A_192, %concatenate3A_164, %dot_general3A_193 {dimension_numbers = #tpu.dot_dimension_numbers<[1], [0], [0], [1], [0, 0, 1, 1], [], []>, transpose_lhs_hint = false} : vector<512x64xf32>, vector<64x256xf32>, vector<512x256xf32> -> vector<512x256xf32>
    %add3A_195 = vector.broadcast %concatenate3A_173 : vector<1x256xf32> to vector<512x256xf32>
    %add3A_196 = arith.addf %dot_general3A_194, %add3A_195 : vector<512x256xf32>
    %slice3A_197 = vector.extract_strided_slice %add3A_196 {offsets = [0, 0], sizes = [512, 128], strides = [1, 1]} : vector<512x256xf32> to vector<512x128xf32>
    %logistic3A_198 = arith.negf %slice3A_197 : vector<512x128xf32>
    %logistic3A_199 = math.exp %logistic3A_198 : vector<512x128xf32>
    %logistic3A_200 = arith.constant 1.000000e+00 : f32
    %logistic3A_201 = vector.broadcast %logistic3A_200 : f32 to vector<512x128xf32>
    %logistic3A_202 = arith.addf %logistic3A_201, %logistic3A_199 : vector<512x128xf32>
    %logistic3A_203 = arith.divf %logistic3A_201, %logistic3A_202 : vector<512x128xf32>
    %slice3A_204 = vector.extract_strided_slice %add3A_196 {offsets = [0, 128], sizes = [512, 128], strides = [1, 1]} : vector<512x256xf32> to vector<512x128xf32>
    %tanh3A_205 = math.tanh %slice3A_204 : vector<512x128xf32>
    %sub3A_206 = arith.constant 1.000000e+00 : f32
    %sub3A_207 = vector.broadcast %sub3A_206 : f32 to vector<512x128xf32>
    %sub3A_208 = arith.subf %sub3A_207, %logistic3A_203 : vector<512x128xf32>
    %mul3A_209 = arith.mulf %sub3A_208, %tanh3A_205 : vector<512x128xf32>
    %add3A_210 = arith.addf %add3A_191, %mul3A_209 : vector<512x128xf32>
    %slice3A_211 = vector.extract_strided_slice %mul3A_157 {offsets = [0, 128], sizes = [512, 64], strides = [1, 1]} : vector<512x768xf32> to vector<512x64xf32>
    %dot_general3A_212 = arith.constant dense<0.000000e+00> : vector<512x256xf32>
    %dot_general3A_213 = tpu.matmul %slice3A_211, %concatenate3A_164, %dot_general3A_212 {dimension_numbers = #tpu.dot_dimension_numbers<[1], [0], [0], [1], [0, 0, 1, 1], [], []>, transpose_lhs_hint = false} : vector<512x64xf32>, vector<64x256xf32>, vector<512x256xf32> -> vector<512x256xf32>
    %add3A_214 = vector.broadcast %concatenate3A_173 : vector<1x256xf32> to vector<512x256xf32>
    %add3A_215 = arith.addf %dot_general3A_213, %add3A_214 : vector<512x256xf32>
    %slice3A_216 = vector.extract_strided_slice %add3A_215 {offsets = [0, 0], sizes = [512, 128], strides = [1, 1]} : vector<512x256xf32> to vector<512x128xf32>
    %logistic3A_217 = arith.negf %slice3A_216 : vector<512x128xf32>
    %logistic3A_218 = math.exp %logistic3A_217 : vector<512x128xf32>
    %logistic3A_219 = arith.constant 1.000000e+00 : f32
    %logistic3A_220 = vector.broadcast %logistic3A_219 : f32 to vector<512x128xf32>
    %logistic3A_221 = arith.addf %logistic3A_220, %logistic3A_218 : vector<512x128xf32>
    %logistic3A_222 = arith.divf %logistic3A_220, %logistic3A_221 : vector<512x128xf32>
    %slice3A_223 = vector.extract_strided_slice %add3A_215 {offsets = [0, 128], sizes = [512, 128], strides = [1, 1]} : vector<512x256xf32> to vector<512x128xf32>
    %tanh3A_224 = math.tanh %slice3A_223 : vector<512x128xf32>
    %sub3A_225 = arith.constant 1.000000e+00 : f32
    %sub3A_226 = vector.broadcast %sub3A_225 : f32 to vector<512x128xf32>
    %sub3A_227 = arith.subf %sub3A_226, %logistic3A_222 : vector<512x128xf32>
    %mul3A_228 = arith.mulf %sub3A_227, %tanh3A_224 : vector<512x128xf32>
    %add3A_229 = arith.addf %add3A_210, %mul3A_228 : vector<512x128xf32>
    %slice3A_230 = vector.extract_strided_slice %mul3A_157 {offsets = [0, 192], sizes = [512, 64], strides = [1, 1]} : vector<512x768xf32> to vector<512x64xf32>
    %dot_general3A_231 = arith.constant dense<0.000000e+00> : vector<512x256xf32>
    %dot_general3A_232 = tpu.matmul %slice3A_230, %concatenate3A_164, %dot_general3A_231 {dimension_numbers = #tpu.dot_dimension_numbers<[1], [0], [0], [1], [0, 0, 1, 1], [], []>, transpose_lhs_hint = false} : vector<512x64xf32>, vector<64x256xf32>, vector<512x256xf32> -> vector<512x256xf32>
    %add3A_233 = vector.broadcast %concatenate3A_173 : vector<1x256xf32> to vector<512x256xf32>
    %add3A_234 = arith.addf %dot_general3A_232, %add3A_233 : vector<512x256xf32>
    %slice3A_235 = vector.extract_strided_slice %add3A_234 {offsets = [0, 0], sizes = [512, 128], strides = [1, 1]} : vector<512x256xf32> to vector<512x128xf32>
    %logistic3A_236 = arith.negf %slice3A_235 : vector<512x128xf32>
    %logistic3A_237 = math.exp %logistic3A_236 : vector<512x128xf32>
    %logistic3A_238 = arith.constant 1.000000e+00 : f32
    %logistic3A_239 = vector.broadcast %logistic3A_238 : f32 to vector<512x128xf32>
    %logistic3A_240 = arith.addf %logistic3A_239, %logistic3A_237 : vector<512x128xf32>
    %logistic3A_241 = arith.divf %logistic3A_239, %logistic3A_240 : vector<512x128xf32>
    %slice3A_242 = vector.extract_strided_slice %add3A_234 {offsets = [0, 128], sizes = [512, 128], strides = [1, 1]} : vector<512x256xf32> to vector<512x128xf32>
    %tanh3A_243 = math.tanh %slice3A_242 : vector<512x128xf32>
    %sub3A_244 = arith.constant 1.000000e+00 : f32
    %sub3A_245 = vector.broadcast %sub3A_244 : f32 to vector<512x128xf32>
    %sub3A_246 = arith.subf %sub3A_245, %logistic3A_241 : vector<512x128xf32>
    %mul3A_247 = arith.mulf %sub3A_246, %tanh3A_243 : vector<512x128xf32>
    %add3A_248 = arith.addf %add3A_229, %mul3A_247 : vector<512x128xf32>
    %slice3A_249 = vector.extract_strided_slice %mul3A_157 {offsets = [0, 256], sizes = [512, 64], strides = [1, 1]} : vector<512x768xf32> to vector<512x64xf32>
    %dot_general3A_250 = arith.constant dense<0.000000e+00> : vector<512x256xf32>
    %dot_general3A_251 = tpu.matmul %slice3A_249, %concatenate3A_164, %dot_general3A_250 {dimension_numbers = #tpu.dot_dimension_numbers<[1], [0], [0], [1], [0, 0, 1, 1], [], []>, transpose_lhs_hint = false} : vector<512x64xf32>, vector<64x256xf32>, vector<512x256xf32> -> vector<512x256xf32>
    %add3A_252 = vector.broadcast %concatenate3A_173 : vector<1x256xf32> to vector<512x256xf32>
    %add3A_253 = arith.addf %dot_general3A_251, %add3A_252 : vector<512x256xf32>
    %slice3A_254 = vector.extract_strided_slice %add3A_253 {offsets = [0, 0], sizes = [512, 128], strides = [1, 1]} : vector<512x256xf32> to vector<512x128xf32>
    %logistic3A_255 = arith.negf %slice3A_254 : vector<512x128xf32>
    %logistic3A_256 = math.exp %logistic3A_255 : vector<512x128xf32>
    %logistic3A_257 = arith.constant 1.000000e+00 : f32
    %logistic3A_258 = vector.broadcast %logistic3A_257 : f32 to vector<512x128xf32>
    %logistic3A_259 = arith.addf %logistic3A_258, %logistic3A_256 : vector<512x128xf32>
    %logistic3A_260 = arith.divf %logistic3A_258, %logistic3A_259 : vector<512x128xf32>
    %slice3A_261 = vector.extract_strided_slice %add3A_253 {offsets = [0, 128], sizes = [512, 128], strides = [1, 1]} : vector<512x256xf32> to vector<512x128xf32>
    %tanh3A_262 = math.tanh %slice3A_261 : vector<512x128xf32>
    %sub3A_263 = arith.constant 1.000000e+00 : f32
    %sub3A_264 = vector.broadcast %sub3A_263 : f32 to vector<512x128xf32>
    %sub3A_265 = arith.subf %sub3A_264, %logistic3A_260 : vector<512x128xf32>
    %mul3A_266 = arith.mulf %sub3A_265, %tanh3A_262 : vector<512x128xf32>
    %add3A_267 = arith.addf %add3A_248, %mul3A_266 : vector<512x128xf32>
    %slice3A_268 = vector.extract_strided_slice %mul3A_157 {offsets = [0, 320], sizes = [512, 64], strides = [1, 1]} : vector<512x768xf32> to vector<512x64xf32>
    %dot_general3A_269 = arith.constant dense<0.000000e+00> : vector<512x256xf32>
    %dot_general3A_270 = tpu.matmul %slice3A_268, %concatenate3A_164, %dot_general3A_269 {dimension_numbers = #tpu.dot_dimension_numbers<[1], [0], [0], [1], [0, 0, 1, 1], [], []>, transpose_lhs_hint = false} : vector<512x64xf32>, vector<64x256xf32>, vector<512x256xf32> -> vector<512x256xf32>
    %add3A_271 = vector.broadcast %concatenate3A_173 : vector<1x256xf32> to vector<512x256xf32>
    %add3A_272 = arith.addf %dot_general3A_270, %add3A_271 : vector<512x256xf32>
    %slice3A_273 = vector.extract_strided_slice %add3A_272 {offsets = [0, 0], sizes = [512, 128], strides = [1, 1]} : vector<512x256xf32> to vector<512x128xf32>
    %logistic3A_274 = arith.negf %slice3A_273 : vector<512x128xf32>
    %logistic3A_275 = math.exp %logistic3A_274 : vector<512x128xf32>
    %logistic3A_276 = arith.constant 1.000000e+00 : f32
    %logistic3A_277 = vector.broadcast %logistic3A_276 : f32 to vector<512x128xf32>
    %logistic3A_278 = arith.addf %logistic3A_277, %logistic3A_275 : vector<512x128xf32>
    %logistic3A_279 = arith.divf %logistic3A_277, %logistic3A_278 : vector<512x128xf32>
    %slice3A_280 = vector.extract_strided_slice %add3A_272 {offsets = [0, 128], sizes = [512, 128], strides = [1, 1]} : vector<512x256xf32> to vector<512x128xf32>
    %tanh3A_281 = math.tanh %slice3A_280 : vector<512x128xf32>
    %sub3A_282 = arith.constant 1.000000e+00 : f32
    %sub3A_283 = vector.broadcast %sub3A_282 : f32 to vector<512x128xf32>
    %sub3A_284 = arith.subf %sub3A_283, %logistic3A_279 : vector<512x128xf32>
    %mul3A_285 = arith.mulf %sub3A_284, %tanh3A_281 : vector<512x128xf32>
    %add3A_286 = arith.addf %add3A_267, %mul3A_285 : vector<512x128xf32>
    %slice3A_287 = vector.extract_strided_slice %mul3A_157 {offsets = [0, 384], sizes = [512, 64], strides = [1, 1]} : vector<512x768xf32> to vector<512x64xf32>
    %dot_general3A_288 = arith.constant dense<0.000000e+00> : vector<512x256xf32>
    %dot_general3A_289 = tpu.matmul %slice3A_287, %concatenate3A_164, %dot_general3A_288 {dimension_numbers = #tpu.dot_dimension_numbers<[1], [0], [0], [1], [0, 0, 1, 1], [], []>, transpose_lhs_hint = false} : vector<512x64xf32>, vector<64x256xf32>, vector<512x256xf32> -> vector<512x256xf32>
    %add3A_290 = vector.broadcast %concatenate3A_173 : vector<1x256xf32> to vector<512x256xf32>
    %add3A_291 = arith.addf %dot_general3A_289, %add3A_290 : vector<512x256xf32>
    %slice3A_292 = vector.extract_strided_slice %add3A_291 {offsets = [0, 0], sizes = [512, 128], strides = [1, 1]} : vector<512x256xf32> to vector<512x128xf32>
    %logistic3A_293 = arith.negf %slice3A_292 : vector<512x128xf32>
    %logistic3A_294 = math.exp %logistic3A_293 : vector<512x128xf32>
    %logistic3A_295 = arith.constant 1.000000e+00 : f32
    %logistic3A_296 = vector.broadcast %logistic3A_295 : f32 to vector<512x128xf32>
    %logistic3A_297 = arith.addf %logistic3A_296, %logistic3A_294 : vector<512x128xf32>
    %logistic3A_298 = arith.divf %logistic3A_296, %logistic3A_297 : vector<512x128xf32>
    %slice3A_299 = vector.extract_strided_slice %add3A_291 {offsets = [0, 128], sizes = [512, 128], strides = [1, 1]} : vector<512x256xf32> to vector<512x128xf32>
    %tanh3A_300 = math.tanh %slice3A_299 : vector<512x128xf32>
    %sub3A_301 = arith.constant 1.000000e+00 : f32
    %sub3A_302 = vector.broadcast %sub3A_301 : f32 to vector<512x128xf32>
    %sub3A_303 = arith.subf %sub3A_302, %logistic3A_298 : vector<512x128xf32>
    %mul3A_304 = arith.mulf %sub3A_303, %tanh3A_300 : vector<512x128xf32>
    %add3A_305 = arith.addf %add3A_286, %mul3A_304 : vector<512x128xf32>
    %slice3A_306 = vector.extract_strided_slice %mul3A_157 {offsets = [0, 448], sizes = [512, 64], strides = [1, 1]} : vector<512x768xf32> to vector<512x64xf32>
    %dot_general3A_307 = arith.constant dense<0.000000e+00> : vector<512x256xf32>
    %dot_general3A_308 = tpu.matmul %slice3A_306, %concatenate3A_164, %dot_general3A_307 {dimension_numbers = #tpu.dot_dimension_numbers<[1], [0], [0], [1], [0, 0, 1, 1], [], []>, transpose_lhs_hint = false} : vector<512x64xf32>, vector<64x256xf32>, vector<512x256xf32> -> vector<512x256xf32>
    %add3A_309 = vector.broadcast %concatenate3A_173 : vector<1x256xf32> to vector<512x256xf32>
    %add3A_310 = arith.addf %dot_general3A_308, %add3A_309 : vector<512x256xf32>
    %slice3A_311 = vector.extract_strided_slice %add3A_310 {offsets = [0, 0], sizes = [512, 128], strides = [1, 1]} : vector<512x256xf32> to vector<512x128xf32>
    %logistic3A_312 = arith.negf %slice3A_311 : vector<512x128xf32>
    %logistic3A_313 = math.exp %logistic3A_312 : vector<512x128xf32>
    %logistic3A_314 = arith.constant 1.000000e+00 : f32
    %logistic3A_315 = vector.broadcast %logistic3A_314 : f32 to vector<512x128xf32>
    %logistic3A_316 = arith.addf %logistic3A_315, %logistic3A_313 : vector<512x128xf32>
    %logistic3A_317 = arith.divf %logistic3A_315, %logistic3A_316 : vector<512x128xf32>
    %slice3A_318 = vector.extract_strided_slice %add3A_310 {offsets = [0, 128], sizes = [512, 128], strides = [1, 1]} : vector<512x256xf32> to vector<512x128xf32>
    %tanh3A_319 = math.tanh %slice3A_318 : vector<512x128xf32>
    %sub3A_320 = arith.constant 1.000000e+00 : f32
    %sub3A_321 = vector.broadcast %sub3A_320 : f32 to vector<512x128xf32>
    %sub3A_322 = arith.subf %sub3A_321, %logistic3A_317 : vector<512x128xf32>
    %mul3A_323 = arith.mulf %sub3A_322, %tanh3A_319 : vector<512x128xf32>
    %add3A_324 = arith.addf %add3A_305, %mul3A_323 : vector<512x128xf32>
    %slice3A_325 = vector.extract_strided_slice %mul3A_157 {offsets = [0, 512], sizes = [512, 64], strides = [1, 1]} : vector<512x768xf32> to vector<512x64xf32>
    %dot_general3A_326 = arith.constant dense<0.000000e+00> : vector<512x256xf32>
    %dot_general3A_327 = tpu.matmul %slice3A_325, %concatenate3A_164, %dot_general3A_326 {dimension_numbers = #tpu.dot_dimension_numbers<[1], [0], [0], [1], [0, 0, 1, 1], [], []>, transpose_lhs_hint = false} : vector<512x64xf32>, vector<64x256xf32>, vector<512x256xf32> -> vector<512x256xf32>
    %add3A_328 = vector.broadcast %concatenate3A_173 : vector<1x256xf32> to vector<512x256xf32>
    %add3A_329 = arith.addf %dot_general3A_327, %add3A_328 : vector<512x256xf32>
    %slice3A_330 = vector.extract_strided_slice %add3A_329 {offsets = [0, 0], sizes = [512, 128], strides = [1, 1]} : vector<512x256xf32> to vector<512x128xf32>
    %logistic3A_331 = arith.negf %slice3A_330 : vector<512x128xf32>
    %logistic3A_332 = math.exp %logistic3A_331 : vector<512x128xf32>
    %logistic3A_333 = arith.constant 1.000000e+00 : f32
    %logistic3A_334 = vector.broadcast %logistic3A_333 : f32 to vector<512x128xf32>
    %logistic3A_335 = arith.addf %logistic3A_334, %logistic3A_332 : vector<512x128xf32>
    %logistic3A_336 = arith.divf %logistic3A_334, %logistic3A_335 : vector<512x128xf32>
    %slice3A_337 = vector.extract_strided_slice %add3A_329 {offsets = [0, 128], sizes = [512, 128], strides = [1, 1]} : vector<512x256xf32> to vector<512x128xf32>
    %tanh3A_338 = math.tanh %slice3A_337 : vector<512x128xf32>
    %sub3A_339 = arith.constant 1.000000e+00 : f32
    %sub3A_340 = vector.broadcast %sub3A_339 : f32 to vector<512x128xf32>
    %sub3A_341 = arith.subf %sub3A_340, %logistic3A_336 : vector<512x128xf32>
    %mul3A_342 = arith.mulf %sub3A_341, %tanh3A_338 : vector<512x128xf32>
    %add3A_343 = arith.addf %add3A_324, %mul3A_342 : vector<512x128xf32>
    %slice3A_344 = vector.extract_strided_slice %mul3A_157 {offsets = [0, 576], sizes = [512, 64], strides = [1, 1]} : vector<512x768xf32> to vector<512x64xf32>
    %dot_general3A_345 = arith.constant dense<0.000000e+00> : vector<512x256xf32>
    %dot_general3A_346 = tpu.matmul %slice3A_344, %concatenate3A_164, %dot_general3A_345 {dimension_numbers = #tpu.dot_dimension_numbers<[1], [0], [0], [1], [0, 0, 1, 1], [], []>, transpose_lhs_hint = false} : vector<512x64xf32>, vector<64x256xf32>, vector<512x256xf32> -> vector<512x256xf32>
    %add3A_347 = vector.broadcast %concatenate3A_173 : vector<1x256xf32> to vector<512x256xf32>
    %add3A_348 = arith.addf %dot_general3A_346, %add3A_347 : vector<512x256xf32>
    %slice3A_349 = vector.extract_strided_slice %add3A_348 {offsets = [0, 0], sizes = [512, 128], strides = [1, 1]} : vector<512x256xf32> to vector<512x128xf32>
    %logistic3A_350 = arith.negf %slice3A_349 : vector<512x128xf32>
    %logistic3A_351 = math.exp %logistic3A_350 : vector<512x128xf32>
    %logistic3A_352 = arith.constant 1.000000e+00 : f32
    %logistic3A_353 = vector.broadcast %logistic3A_352 : f32 to vector<512x128xf32>
    %logistic3A_354 = arith.addf %logistic3A_353, %logistic3A_351 : vector<512x128xf32>
    %logistic3A_355 = arith.divf %logistic3A_353, %logistic3A_354 : vector<512x128xf32>
    %slice3A_356 = vector.extract_strided_slice %add3A_348 {offsets = [0, 128], sizes = [512, 128], strides = [1, 1]} : vector<512x256xf32> to vector<512x128xf32>
    %tanh3A_357 = math.tanh %slice3A_356 : vector<512x128xf32>
    %sub3A_358 = arith.constant 1.000000e+00 : f32
    %sub3A_359 = vector.broadcast %sub3A_358 : f32 to vector<512x128xf32>
    %sub3A_360 = arith.subf %sub3A_359, %logistic3A_355 : vector<512x128xf32>
    %mul3A_361 = arith.mulf %sub3A_360, %tanh3A_357 : vector<512x128xf32>
    %add3A_362 = arith.addf %add3A_343, %mul3A_361 : vector<512x128xf32>
    %slice3A_363 = vector.extract_strided_slice %mul3A_157 {offsets = [0, 640], sizes = [512, 64], strides = [1, 1]} : vector<512x768xf32> to vector<512x64xf32>
    %dot_general3A_364 = arith.constant dense<0.000000e+00> : vector<512x256xf32>
    %dot_general3A_365 = tpu.matmul %slice3A_363, %concatenate3A_164, %dot_general3A_364 {dimension_numbers = #tpu.dot_dimension_numbers<[1], [0], [0], [1], [0, 0, 1, 1], [], []>, transpose_lhs_hint = false} : vector<512x64xf32>, vector<64x256xf32>, vector<512x256xf32> -> vector<512x256xf32>
    %add3A_366 = vector.broadcast %concatenate3A_173 : vector<1x256xf32> to vector<512x256xf32>
    %add3A_367 = arith.addf %dot_general3A_365, %add3A_366 : vector<512x256xf32>
    %slice3A_368 = vector.extract_strided_slice %add3A_367 {offsets = [0, 0], sizes = [512, 128], strides = [1, 1]} : vector<512x256xf32> to vector<512x128xf32>
    %logistic3A_369 = arith.negf %slice3A_368 : vector<512x128xf32>
    %logistic3A_370 = math.exp %logistic3A_369 : vector<512x128xf32>
    %logistic3A_371 = arith.constant 1.000000e+00 : f32
    %logistic3A_372 = vector.broadcast %logistic3A_371 : f32 to vector<512x128xf32>
    %logistic3A_373 = arith.addf %logistic3A_372, %logistic3A_370 : vector<512x128xf32>
    %logistic3A_374 = arith.divf %logistic3A_372, %logistic3A_373 : vector<512x128xf32>
    %slice3A_375 = vector.extract_strided_slice %add3A_367 {offsets = [0, 128], sizes = [512, 128], strides = [1, 1]} : vector<512x256xf32> to vector<512x128xf32>
    %tanh3A_376 = math.tanh %slice3A_375 : vector<512x128xf32>
    %sub3A_377 = arith.constant 1.000000e+00 : f32
    %sub3A_378 = vector.broadcast %sub3A_377 : f32 to vector<512x128xf32>
    %sub3A_379 = arith.subf %sub3A_378, %logistic3A_374 : vector<512x128xf32>
    %mul3A_380 = arith.mulf %sub3A_379, %tanh3A_376 : vector<512x128xf32>
    %add3A_381 = arith.addf %add3A_362, %mul3A_380 : vector<512x128xf32>
    %slice3A_382 = vector.extract_strided_slice %mul3A_157 {offsets = [0, 704], sizes = [512, 64], strides = [1, 1]} : vector<512x768xf32> to vector<512x64xf32>
    %dot_general3A_383 = arith.constant dense<0.000000e+00> : vector<512x256xf32>
    %dot_general3A_384 = tpu.matmul %slice3A_382, %concatenate3A_164, %dot_general3A_383 {dimension_numbers = #tpu.dot_dimension_numbers<[1], [0], [0], [1], [0, 0, 1, 1], [], []>, transpose_lhs_hint = false} : vector<512x64xf32>, vector<64x256xf32>, vector<512x256xf32> -> vector<512x256xf32>
    %add3A_385 = vector.broadcast %concatenate3A_173 : vector<1x256xf32> to vector<512x256xf32>
    %add3A_386 = arith.addf %dot_general3A_384, %add3A_385 : vector<512x256xf32>
    %slice3A_387 = vector.extract_strided_slice %add3A_386 {offsets = [0, 0], sizes = [512, 128], strides = [1, 1]} : vector<512x256xf32> to vector<512x128xf32>
    %logistic3A_388 = arith.negf %slice3A_387 : vector<512x128xf32>
    %logistic3A_389 = math.exp %logistic3A_388 : vector<512x128xf32>
    %logistic3A_390 = arith.constant 1.000000e+00 : f32
    %logistic3A_391 = vector.broadcast %logistic3A_390 : f32 to vector<512x128xf32>
    %logistic3A_392 = arith.addf %logistic3A_391, %logistic3A_389 : vector<512x128xf32>
    %logistic3A_393 = arith.divf %logistic3A_391, %logistic3A_392 : vector<512x128xf32>
    %slice3A_394 = vector.extract_strided_slice %add3A_386 {offsets = [0, 128], sizes = [512, 128], strides = [1, 1]} : vector<512x256xf32> to vector<512x128xf32>
    %tanh3A_395 = math.tanh %slice3A_394 : vector<512x128xf32>
    %sub3A_396 = arith.constant 1.000000e+00 : f32
    %sub3A_397 = vector.broadcast %sub3A_396 : f32 to vector<512x128xf32>
    %sub3A_398 = arith.subf %sub3A_397, %logistic3A_393 : vector<512x128xf32>
    %mul3A_399 = arith.mulf %sub3A_398, %tanh3A_395 : vector<512x128xf32>
    %add3A_400 = arith.addf %add3A_381, %mul3A_399 : vector<512x128xf32>
    %concatenate3A_401 = tpu.concatenate %add3A_400, %mul3A_190, %mul3A_399 in 0 : vector<512x128xf32>, vector<512x128xf32>, vector<512x128xf32> -> vector<1536x128xf32>
    %dot_general3A_402 = arith.constant dense<0.000000e+00> : vector<1536x128xf32>
    %dot_general3A_403 = tpu.matmul %concatenate3A_401, %get3A_35, %dot_general3A_402 {dimension_numbers = #tpu.dot_dimension_numbers<[1], [0], [0], [1], [0, 0, 1, 1], [], []>, transpose_lhs_hint = false} : vector<1536x128xf32>, vector<128x128xf32>, vector<1536x128xf32> -> vector<1536x128xf32>
    %slice3A_404 = vector.extract_strided_slice %dot_general3A_403 {offsets = [0, 0], sizes = [512, 128], strides = [1, 1]} : vector<1536x128xf32> to vector<512x128xf32>
    %mul3A_405 = arith.constant 1.200000e+01 : f32
    %mul3A_406 = vector.broadcast %mul3A_405 : f32 to vector<1x128xf32>
    %mul3A_407 = arith.mulf %mul3A_406, %get3A_38 : vector<1x128xf32>
    %add3A_408 = vector.broadcast %mul3A_407 : vector<1x128xf32> to vector<512x128xf32>
    %add3A_409 = arith.addf %slice3A_404, %add3A_408 : vector<512x128xf32>
    %slice3A_410 = vector.extract_strided_slice %dot_general3A_403 {offsets = [512, 0], sizes = [512, 128], strides = [1, 1]} : vector<1536x128xf32> to vector<512x128xf32>
    %add3A_411 = vector.broadcast %get3A_38 : vector<1x128xf32> to vector<512x128xf32>
    %add3A_412 = arith.addf %slice3A_410, %add3A_411 : vector<512x128xf32>
    %slice3A_413 = vector.extract_strided_slice %dot_general3A_403 {offsets = [1024, 0], sizes = [512, 128], strides = [1, 1]} : vector<1536x128xf32> to vector<512x128xf32>
    %add3A_414 = vector.broadcast %get3A_38 : vector<1x128xf32> to vector<512x128xf32>
    %add3A_415 = arith.addf %slice3A_413, %add3A_414 : vector<512x128xf32>
    %sub3A_416 = arith.subf %add3A_409, %add3A_415 : vector<512x128xf32>
    %sub3A_417 = arith.subf %add3A_409, %add3A_412 : vector<512x128xf32>
    %concatenate3A_418 = tpu.concatenate %sub3A_416, %add3A_409, %sub3A_417 in 1 : vector<512x128xf32>, vector<512x128xf32>, vector<512x128xf32> -> vector<512x384xf32>
    %reshape3A = vector.shape_cast %get3A_42 : vector<3x128x128xf32> to vector<384x128xf32>
    %dot_general3A_419 = arith.constant dense<0.000000e+00> : vector<512x128xf32>
    %dot_general3A_420 = tpu.matmul %concatenate3A_418, %reshape3A, %dot_general3A_419 {dimension_numbers = #tpu.dot_dimension_numbers<[1], [0], [0], [1], [0, 0, 1, 1], [], []>, transpose_lhs_hint = false} : vector<512x384xf32>, vector<384x128xf32>, vector<512x128xf32> -> vector<512x128xf32>
    %mul3A_421 = arith.constant 0.0833333358 : f32
    %mul3A_422 = vector.broadcast %mul3A_421 : f32 to vector<512x128xf32>
    %mul3A_423 = arith.mulf %dot_general3A_420, %mul3A_422 : vector<512x128xf32>
    %add3A_424 = vector.broadcast %get3A_45 : vector<1x128xf32> to vector<512x128xf32>
    %add3A_425 = arith.addf %mul3A_423, %add3A_424 : vector<512x128xf32>
    %mul3A_426 = arith.constant 0.0833333358 : f32
    %mul3A_427 = vector.broadcast %mul3A_426 : f32 to vector<512x128xf32>
    %mul3A_428 = arith.mulf %add3A_400, %mul3A_427 : vector<512x128xf32>
    %dot_general3A_429 = arith.constant dense<0.000000e+00> : vector<512x512xf32>
    %dot_general3A_430 = tpu.matmul %mul3A_428, %concatenate3A_149, %dot_general3A_429 {dimension_numbers = #tpu.dot_dimension_numbers<[1], [0], [0], [1], [0, 0, 1, 1], [], []>, transpose_lhs_hint = false} : vector<512x128xf32>, vector<128x512xf32>, vector<512x512xf32> -> vector<512x512xf32>
    %add3A_431 = vector.broadcast %concatenate3A_151 : vector<1x512xf32> to vector<512x512xf32>
    %add3A_432 = arith.addf %dot_general3A_430, %add3A_431 : vector<512x512xf32>
    %slice3A_433 = vector.extract_strided_slice %add3A_432 {offsets = [0, 0], sizes = [512, 128], strides = [1, 1]} : vector<512x512xf32> to vector<512x128xf32>
    %slice3A_434 = vector.extract_strided_slice %add3A_432 {offsets = [0, 128], sizes = [512, 128], strides = [1, 1]} : vector<512x512xf32> to vector<512x128xf32>
    %slice3A_435 = vector.extract_strided_slice %add3A_432 {offsets = [0, 256], sizes = [512, 128], strides = [1, 1]} : vector<512x512xf32> to vector<512x128xf32>
    %slice3A_436 = vector.extract_strided_slice %add3A_432 {offsets = [0, 384], sizes = [512, 128], strides = [1, 1]} : vector<512x512xf32> to vector<512x128xf32>
    %dot_general3A_437 = arith.constant dense<0.000000e+00> : vector<512x512xf32>
    %dot_general3A_438 = tpu.matmul %slice3A_433, %slice3A_434, %dot_general3A_437 {dimension_numbers = #tpu.dot_dimension_numbers<[1], [1], [0], [0], [0, 0, 1, 0], [], []>, transpose_lhs_hint = false} : vector<512x128xf32>, vector<512x128xf32>, vector<512x512xf32> -> vector<512x512xf32>
    %mul3A_439 = arith.constant 0.0883883461 : f32
    %mul3A_440 = vector.broadcast %mul3A_439 : f32 to vector<512x512xf32>
    %mul3A_441 = arith.mulf %dot_general3A_438, %mul3A_440 : vector<512x512xf32>
    %gt3A = arith.constant 0.000000e+00 : f32
    %gt3A_442 = vector.broadcast %gt3A : f32 to vector<512x512xf32>
    %gt3A_443 = arith.cmpf ogt, %get3A_4, %gt3A_442 : vector<512x512xf32>
    %jit3A = arith.constant -1.000000e+30 : f32
    %broadcast_in_dim3A_444 = vector.broadcast %jit3A : f32 to vector<512x512xf32>
    %select_n3A = arith.select %gt3A_443, %mul3A_441, %broadcast_in_dim3A_444 : vector<512x512xi1>, vector<512x512xf32>
    %reduce_max3A = arith.constant dense<0xFF800000> : vector<512xf32>
    %reduce_max3A_445 = vector.multi_reduction <maximumf>, %select_n3A, %reduce_max3A [1] : vector<512x512xf32> to vector<512xf32>
    %broadcast_in_dim3A_446 = vector.shape_cast %reduce_max3A_445 : vector<512xf32> to vector<512x1xf32>
    %gt3A_447 = arith.constant -1.000000e+29 : f32
    %gt3A_448 = vector.broadcast %gt3A_447 : f32 to vector<512x1xf32>
    %gt3A_449 = arith.cmpf ogt, %broadcast_in_dim3A_446, %gt3A_448 : vector<512x1xf32>
    %jit3A_450 = arith.constant 0.000000e+00 : f32
    %broadcast_in_dim3A_451 = vector.broadcast %jit3A_450 : f32 to vector<512x1xf32>
    %select_n3A_452 = arith.select %gt3A_449, %broadcast_in_dim3A_446, %broadcast_in_dim3A_451 : vector<512x1xi1>, vector<512x1xf32>
    %sub3A_453 = vector.broadcast %select_n3A_452 : vector<512x1xf32> to vector<512x512xf32>
    %sub3A_454 = arith.subf %mul3A_441, %sub3A_453 : vector<512x512xf32>
    %min3A = arith.constant 0.000000e+00 : f32
    %min3A_455 = vector.broadcast %min3A : f32 to vector<512x512xf32>
    %min3A_456 = arith.minimumf %sub3A_454, %min3A_455 : vector<512x512xf32>
    %exp3A = math.exp %min3A_456 : vector<512x512xf32>
    %mul3A_457 = arith.mulf %get3A_4, %exp3A : vector<512x512xf32>
    %reduce_sum3A_458 = arith.constant dense<0.000000e+00> : vector<512xf32>
    %reduce_sum3A_459 = vector.multi_reduction <add>, %mul3A_457, %reduce_sum3A_458 [1] : vector<512x512xf32> to vector<512xf32>
    %broadcast_in_dim3A_460 = vector.shape_cast %reduce_sum3A_459 : vector<512xf32> to vector<512x1xf32>
    %dot_general3A_461 = arith.constant dense<0.000000e+00> : vector<512x128xf32>
    %dot_general3A_462 = tpu.matmul %mul3A_457, %slice3A_435, %dot_general3A_461 {dimension_numbers = #tpu.dot_dimension_numbers<[1], [0], [0], [1], [0, 0, 1, 1], [], []>, transpose_lhs_hint = false} : vector<512x512xf32>, vector<512x128xf32>, vector<512x128xf32> -> vector<512x128xf32>
    %add3A_463 = arith.constant 1.000000e-16 : f32
    %add3A_464 = vector.broadcast %add3A_463 : f32 to vector<512x1xf32>
    %add3A_465 = arith.addf %broadcast_in_dim3A_460, %add3A_464 : vector<512x1xf32>
    %div3A = vector.broadcast %add3A_465 : vector<512x1xf32> to vector<512x128xf32>
    %div3A_466 = arith.divf %dot_general3A_462, %div3A : vector<512x128xf32>
    %add3A_467 = arith.addf %div3A_466, %slice3A_436 : vector<512x128xf32>
    %reduce_sum3A_468 = arith.constant dense<0.000000e+00> : vector<512xf32>
    %reduce_sum3A_469 = vector.multi_reduction <add>, %add3A_467, %reduce_sum3A_468 [1] : vector<512x128xf32> to vector<512xf32>
    %broadcast_in_dim3A_470 = vector.shape_cast %reduce_sum3A_469 : vector<512xf32> to vector<512x1xf32>
    %div3A_471 = arith.constant 1.280000e+02 : f32
    %div3A_472 = vector.broadcast %div3A_471 : f32 to vector<512x1xf32>
    %div3A_473 = arith.divf %broadcast_in_dim3A_470, %div3A_472 : vector<512x1xf32>
    %jit3A_474 = arith.constant 0 : i32
    %reduce_sum3A_475 = arith.constant dense<0.000000e+00> : vector<512xf32>
    %reduce_sum3A_476 = vector.multi_reduction <add>, %add3A_467, %reduce_sum3A_475 [1] : vector<512x128xf32> to vector<512xf32>
    %broadcast_in_dim3A_477 = vector.shape_cast %reduce_sum3A_476 : vector<512xf32> to vector<512x1xf32>
    %div3A_478 = arith.constant 1.280000e+02 : f32
    %div3A_479 = vector.broadcast %div3A_478 : f32 to vector<512x1xf32>
    %div3A_480 = arith.divf %broadcast_in_dim3A_477, %div3A_479 : vector<512x1xf32>
    %sub3A_481 = vector.broadcast %div3A_480 : vector<512x1xf32> to vector<512x128xf32>
    %sub3A_482 = arith.subf %add3A_467, %sub3A_481 : vector<512x128xf32>
    %square3A = arith.mulf %sub3A_482, %sub3A_482 : vector<512x128xf32>
    %convert_element_type3A = arith.sitofp %jit3A_474 : i32 to f32
    %sub3A_483 = arith.constant 1.280000e+02 : f32
    %sub3A_484 = arith.subf %sub3A_483, %convert_element_type3A : f32
    %reduce_sum3A_485 = arith.constant dense<0.000000e+00> : vector<512xf32>
    %reduce_sum3A_486 = vector.multi_reduction <add>, %square3A, %reduce_sum3A_485 [1] : vector<512x128xf32> to vector<512xf32>
    %broadcast_in_dim3A_487 = vector.shape_cast %reduce_sum3A_486 : vector<512xf32> to vector<512x1xf32>
    %div3A_488 = vector.broadcast %sub3A_484 : f32 to vector<512x1xf32>
    %div3A_489 = arith.divf %broadcast_in_dim3A_487, %div3A_488 : vector<512x1xf32>
    %gt3A_490 = arith.constant 0.000000e+00 : f32
    %gt3A_491 = arith.cmpf ogt, %sub3A_484, %gt3A_490 : f32
    %jit3A_492 = arith.constant 0x7FC00000 : f32
    %broadcast_in_dim3A_493 = vector.broadcast %jit3A_492 : f32 to vector<512x1xf32>
    %select_n3A_494 = arith.select %gt3A_491, %div3A_489, %broadcast_in_dim3A_493 : vector<512x1xf32>
    %sub3A_495 = vector.broadcast %div3A_473 : vector<512x1xf32> to vector<512x128xf32>
    %sub3A_496 = arith.subf %add3A_467, %sub3A_495 : vector<512x128xf32>
    %add3A_497 = arith.constant 9.99999974E-6 : f32
    %add3A_498 = vector.broadcast %add3A_497 : f32 to vector<512x1xf32>
    %add3A_499 = arith.addf %select_n3A_494, %add3A_498 : vector<512x1xf32>
    %sqrt3A = math.sqrt %add3A_499 : vector<512x1xf32>
    %div3A_500 = vector.broadcast %sqrt3A : vector<512x1xf32> to vector<512x128xf32>
    %div3A_501 = arith.divf %sub3A_496, %div3A_500 : vector<512x128xf32>
    %mul3A_502 = vector.broadcast %get3A_72 : vector<1x128xf32> to vector<512x128xf32>
    %mul3A_503 = arith.mulf %div3A_501, %mul3A_502 : vector<512x128xf32>
    %add3A_504 = vector.broadcast %get3A_75 : vector<1x128xf32> to vector<512x128xf32>
    %add3A_505 = arith.addf %mul3A_503, %add3A_504 : vector<512x128xf32>
    %max3A = arith.constant 0.000000e+00 : f32
    %max3A_506 = vector.broadcast %max3A : f32 to vector<512x128xf32>
    %max3A_507 = arith.maximumf %add3A_505, %max3A_506 : vector<512x128xf32>
    %dot_general3A_508 = arith.constant dense<0.000000e+00> : vector<512x512xf32>
    %dot_general3A_509 = tpu.matmul %max3A_507, %concatenate3A_150, %dot_general3A_508 {dimension_numbers = #tpu.dot_dimension_numbers<[1], [0], [0], [1], [0, 0, 1, 1], [], []>, transpose_lhs_hint = false} : vector<512x128xf32>, vector<128x512xf32>, vector<512x512xf32> -> vector<512x512xf32>
    %add3A_510 = vector.broadcast %concatenate3A_152 : vector<1x512xf32> to vector<512x512xf32>
    %add3A_511 = arith.addf %dot_general3A_509, %add3A_510 : vector<512x512xf32>
    %slice3A_512 = vector.extract_strided_slice %add3A_511 {offsets = [0, 0], sizes = [512, 128], strides = [1, 1]} : vector<512x512xf32> to vector<512x128xf32>
    %slice3A_513 = vector.extract_strided_slice %add3A_511 {offsets = [0, 128], sizes = [512, 128], strides = [1, 1]} : vector<512x512xf32> to vector<512x128xf32>
    %slice3A_514 = vector.extract_strided_slice %add3A_511 {offsets = [0, 256], sizes = [512, 128], strides = [1, 1]} : vector<512x512xf32> to vector<512x128xf32>
    %slice3A_515 = vector.extract_strided_slice %add3A_511 {offsets = [0, 384], sizes = [512, 128], strides = [1, 1]} : vector<512x512xf32> to vector<512x128xf32>
    %dot_general3A_516 = arith.constant dense<0.000000e+00> : vector<512x512xf32>
    %dot_general3A_517 = tpu.matmul %slice3A_512, %slice3A_513, %dot_general3A_516 {dimension_numbers = #tpu.dot_dimension_numbers<[1], [1], [0], [0], [0, 0, 1, 0], [], []>, transpose_lhs_hint = false} : vector<512x128xf32>, vector<512x128xf32>, vector<512x512xf32> -> vector<512x512xf32>
    %mul3A_518 = arith.constant 0.0883883461 : f32
    %mul3A_519 = vector.broadcast %mul3A_518 : f32 to vector<512x512xf32>
    %mul3A_520 = arith.mulf %dot_general3A_517, %mul3A_519 : vector<512x512xf32>
    %gt3A_521 = arith.constant 0.000000e+00 : f32
    %gt3A_522 = vector.broadcast %gt3A_521 : f32 to vector<512x512xf32>
    %gt3A_523 = arith.cmpf ogt, %get3A_4, %gt3A_522 : vector<512x512xf32>
    %jit3A_524 = arith.constant -1.000000e+30 : f32
    %broadcast_in_dim3A_525 = vector.broadcast %jit3A_524 : f32 to vector<512x512xf32>
    %select_n3A_526 = arith.select %gt3A_523, %mul3A_520, %broadcast_in_dim3A_525 : vector<512x512xi1>, vector<512x512xf32>
    %reduce_max3A_527 = arith.constant dense<0xFF800000> : vector<512xf32>
    %reduce_max3A_528 = vector.multi_reduction <maximumf>, %select_n3A_526, %reduce_max3A_527 [1] : vector<512x512xf32> to vector<512xf32>
    %broadcast_in_dim3A_529 = vector.shape_cast %reduce_max3A_528 : vector<512xf32> to vector<512x1xf32>
    %gt3A_530 = arith.constant -1.000000e+29 : f32
    %gt3A_531 = vector.broadcast %gt3A_530 : f32 to vector<512x1xf32>
    %gt3A_532 = arith.cmpf ogt, %broadcast_in_dim3A_529, %gt3A_531 : vector<512x1xf32>
    %jit3A_533 = arith.constant 0.000000e+00 : f32
    %broadcast_in_dim3A_534 = vector.broadcast %jit3A_533 : f32 to vector<512x1xf32>
    %select_n3A_535 = arith.select %gt3A_532, %broadcast_in_dim3A_529, %broadcast_in_dim3A_534 : vector<512x1xi1>, vector<512x1xf32>
    %sub3A_536 = vector.broadcast %select_n3A_535 : vector<512x1xf32> to vector<512x512xf32>
    %sub3A_537 = arith.subf %mul3A_520, %sub3A_536 : vector<512x512xf32>
    %min3A_538 = arith.constant 0.000000e+00 : f32
    %min3A_539 = vector.broadcast %min3A_538 : f32 to vector<512x512xf32>
    %min3A_540 = arith.minimumf %sub3A_537, %min3A_539 : vector<512x512xf32>
    %exp3A_541 = math.exp %min3A_540 : vector<512x512xf32>
    %mul3A_542 = arith.mulf %get3A_4, %exp3A_541 : vector<512x512xf32>
    %reduce_sum3A_543 = arith.constant dense<0.000000e+00> : vector<512xf32>
    %reduce_sum3A_544 = vector.multi_reduction <add>, %mul3A_542, %reduce_sum3A_543 [1] : vector<512x512xf32> to vector<512xf32>
    %broadcast_in_dim3A_545 = vector.shape_cast %reduce_sum3A_544 : vector<512xf32> to vector<512x1xf32>
    %dot_general3A_546 = arith.constant dense<0.000000e+00> : vector<512x128xf32>
    %dot_general3A_547 = tpu.matmul %mul3A_542, %slice3A_514, %dot_general3A_546 {dimension_numbers = #tpu.dot_dimension_numbers<[1], [0], [0], [1], [0, 0, 1, 1], [], []>, transpose_lhs_hint = false} : vector<512x512xf32>, vector<512x128xf32>, vector<512x128xf32> -> vector<512x128xf32>
    %add3A_548 = arith.constant 1.000000e-16 : f32
    %add3A_549 = vector.broadcast %add3A_548 : f32 to vector<512x1xf32>
    %add3A_550 = arith.addf %broadcast_in_dim3A_545, %add3A_549 : vector<512x1xf32>
    %div3A_551 = vector.broadcast %add3A_550 : vector<512x1xf32> to vector<512x128xf32>
    %div3A_552 = arith.divf %dot_general3A_547, %div3A_551 : vector<512x128xf32>
    %add3A_553 = arith.addf %div3A_552, %slice3A_515 : vector<512x128xf32>
    %reduce_sum3A_554 = arith.constant dense<0.000000e+00> : vector<512xf32>
    %reduce_sum3A_555 = vector.multi_reduction <add>, %add3A_553, %reduce_sum3A_554 [1] : vector<512x128xf32> to vector<512xf32>
    %broadcast_in_dim3A_556 = vector.shape_cast %reduce_sum3A_555 : vector<512xf32> to vector<512x1xf32>
    %div3A_557 = arith.constant 1.280000e+02 : f32
    %div3A_558 = vector.broadcast %div3A_557 : f32 to vector<512x1xf32>
    %div3A_559 = arith.divf %broadcast_in_dim3A_556, %div3A_558 : vector<512x1xf32>
    %jit3A_560 = arith.constant 0 : i32
    %reduce_sum3A_561 = arith.constant dense<0.000000e+00> : vector<512xf32>
    %reduce_sum3A_562 = vector.multi_reduction <add>, %add3A_553, %reduce_sum3A_561 [1] : vector<512x128xf32> to vector<512xf32>
    %broadcast_in_dim3A_563 = vector.shape_cast %reduce_sum3A_562 : vector<512xf32> to vector<512x1xf32>
    %div3A_564 = arith.constant 1.280000e+02 : f32
    %div3A_565 = vector.broadcast %div3A_564 : f32 to vector<512x1xf32>
    %div3A_566 = arith.divf %broadcast_in_dim3A_563, %div3A_565 : vector<512x1xf32>
    %sub3A_567 = vector.broadcast %div3A_566 : vector<512x1xf32> to vector<512x128xf32>
    %sub3A_568 = arith.subf %add3A_553, %sub3A_567 : vector<512x128xf32>
    %square3A_569 = arith.mulf %sub3A_568, %sub3A_568 : vector<512x128xf32>
    %convert_element_type3A_570 = arith.sitofp %jit3A_560 : i32 to f32
    %sub3A_571 = arith.constant 1.280000e+02 : f32
    %sub3A_572 = arith.subf %sub3A_571, %convert_element_type3A_570 : f32
    %reduce_sum3A_573 = arith.constant dense<0.000000e+00> : vector<512xf32>
    %reduce_sum3A_574 = vector.multi_reduction <add>, %square3A_569, %reduce_sum3A_573 [1] : vector<512x128xf32> to vector<512xf32>
    %broadcast_in_dim3A_575 = vector.shape_cast %reduce_sum3A_574 : vector<512xf32> to vector<512x1xf32>
    %div3A_576 = vector.broadcast %sub3A_572 : f32 to vector<512x1xf32>
    %div3A_577 = arith.divf %broadcast_in_dim3A_575, %div3A_576 : vector<512x1xf32>
    %gt3A_578 = arith.constant 0.000000e+00 : f32
    %gt3A_579 = arith.cmpf ogt, %sub3A_572, %gt3A_578 : f32
    %jit3A_580 = arith.constant 0x7FC00000 : f32
    %broadcast_in_dim3A_581 = vector.broadcast %jit3A_580 : f32 to vector<512x1xf32>
    %select_n3A_582 = arith.select %gt3A_579, %div3A_577, %broadcast_in_dim3A_581 : vector<512x1xf32>
    %sub3A_583 = vector.broadcast %div3A_559 : vector<512x1xf32> to vector<512x128xf32>
    %sub3A_584 = arith.subf %add3A_553, %sub3A_583 : vector<512x128xf32>
    %add3A_585 = arith.constant 9.99999974E-6 : f32
    %add3A_586 = vector.broadcast %add3A_585 : f32 to vector<512x1xf32>
    %add3A_587 = arith.addf %select_n3A_582, %add3A_586 : vector<512x1xf32>
    %sqrt3A_588 = math.sqrt %add3A_587 : vector<512x1xf32>
    %div3A_589 = vector.broadcast %sqrt3A_588 : vector<512x1xf32> to vector<512x128xf32>
    %div3A_590 = arith.divf %sub3A_584, %div3A_589 : vector<512x128xf32>
    %mul3A_591 = vector.broadcast %get3A_102 : vector<1x128xf32> to vector<512x128xf32>
    %mul3A_592 = arith.mulf %div3A_590, %mul3A_591 : vector<512x128xf32>
    %add3A_593 = vector.broadcast %get3A_105 : vector<1x128xf32> to vector<512x128xf32>
    %add3A_594 = arith.addf %mul3A_592, %add3A_593 : vector<512x128xf32>
    %max3A_595 = arith.constant 0.000000e+00 : f32
    %max3A_596 = vector.broadcast %max3A_595 : f32 to vector<512x128xf32>
    %max3A_597 = arith.maximumf %add3A_594, %max3A_596 : vector<512x128xf32>
    %dot_general3A_598 = arith.constant dense<0.000000e+00> : vector<512x128xf32>
    %dot_general3A_599 = tpu.matmul %max3A_597, %get3A_108, %dot_general3A_598 {dimension_numbers = #tpu.dot_dimension_numbers<[1], [0], [0], [1], [0, 0, 1, 1], [], []>, transpose_lhs_hint = false} : vector<512x128xf32>, vector<128x128xf32>, vector<512x128xf32> -> vector<512x128xf32>
    %add3A_600 = arith.addf %max3A_597, %dot_general3A_599 : vector<512x128xf32>
    %add3A_601 = vector.broadcast %get3A_111 : vector<1x128xf32> to vector<512x128xf32>
    %add3A_602 = arith.addf %add3A_600, %add3A_601 : vector<512x128xf32>
    %concatenate3A_603 = tpu.concatenate %add3A_425, %add3A_602 in 1 : vector<512x128xf32>, vector<512x128xf32> -> vector<512x256xf32>
    %dot_general3A_604 = arith.constant dense<0.000000e+00> : vector<512x64xf32>
    %dot_general3A_605 = tpu.matmul %concatenate3A_603, %get3A_114, %dot_general3A_604 {dimension_numbers = #tpu.dot_dimension_numbers<[1], [0], [0], [1], [0, 0, 1, 1], [], []>, transpose_lhs_hint = false} : vector<512x256xf32>, vector<256x64xf32>, vector<512x64xf32> -> vector<512x64xf32>
    %add3A_606 = vector.broadcast %get3A_117 : vector<1x64xf32> to vector<512x64xf32>
    %add3A_607 = arith.addf %dot_general3A_605, %add3A_606 : vector<512x64xf32>
    %swap3A = arith.constant 0 : index
    %swap3A_608 = arith.constant 0 : index
    %swap3A_609 = vector.load %arg41[%swap3A, %swap3A_608] : memref<512x64xf32, #tpu.memory_space<vmem>>, vector<512x64xf32>
    tpu.vector_store %arg41[%swap3A, %swap3A_608], %add3A_607 {strides = array<i32>} : memref<512x64xf32, #tpu.memory_space<vmem>>, vector<512x64xf32>,
    %slice3A_610 = vector.extract_strided_slice %get3A_120 {offsets = [0, 0], sizes = [256, 128], strides = [1, 1]} : vector<512x128xf32> to vector<256x128xf32>
    %slice3A_611 = vector.extract_strided_slice %concatenate3A_603 {offsets = [0, 0], sizes = [64, 256], strides = [1, 1]} : vector<512x256xf32> to vector<64x256xf32>
    %dot_general3A_612 = arith.constant dense<0.000000e+00> : vector<128x64xf32>
    %dot_general3A_613 = tpu.matmul %slice3A_610, %slice3A_611, %dot_general3A_612 {dimension_numbers = #tpu.dot_dimension_numbers<[0], [1], [1], [0], [0, 1, 1, 0], [], []>, transpose_lhs_hint = false} : vector<256x128xf32>, vector<64x256xf32>, vector<128x64xf32> -> vector<128x64xf32>
    %add3A_614 = vector.broadcast %get3A_123 : vector<128x1xf32> to vector<128x64xf32>
    %add3A_615 = arith.addf %dot_general3A_613, %add3A_614 : vector<128x64xf32>
    %convert_element_type3A_616 = arith.truncf %add3A_615 : vector<128x64xf32> to vector<128x64xbf16>
    %swap3A_617 = arith.constant 0 : index
    %swap3A_618 = arith.constant 0 : index
    %swap3A_619 = arith.constant 0 : index
    %swap3A_620 = vector.load %arg42[%swap3A_617, %swap3A_618, %swap3A_619] : memref<8x128x64xbf16, #tpu.memory_space<vmem>>, vector<1x128x64xbf16>
    %swap3A_621 = vector.shape_cast %swap3A_620 : vector<1x128x64xbf16> to vector<128x64xbf16>
    %swap3A_622 = vector.shape_cast %convert_element_type3A_616 : vector<128x64xbf16> to vector<1x128x64xbf16>
    tpu.vector_store %arg42[%swap3A_617, %swap3A_618, %swap3A_619], %swap3A_622 {strides = array<i32>} : memref<8x128x64xbf16, #tpu.memory_space<vmem>>, vector<1x128x64xbf16>,
    %slice3A_623 = vector.extract_strided_slice %get3A_120 {offsets = [0, 0], sizes = [256, 128], strides = [1, 1]} : vector<512x128xf32> to vector<256x128xf32>
    %slice3A_624 = vector.extract_strided_slice %concatenate3A_603 {offsets = [64, 0], sizes = [64, 256], strides = [1, 1]} : vector<512x256xf32> to vector<64x256xf32>
    %dot_general3A_625 = arith.constant dense<0.000000e+00> : vector<128x64xf32>
    %dot_general3A_626 = tpu.matmul %slice3A_623, %slice3A_624, %dot_general3A_625 {dimension_numbers = #tpu.dot_dimension_numbers<[0], [1], [1], [0], [0, 1, 1, 0], [], []>, transpose_lhs_hint = false} : vector<256x128xf32>, vector<64x256xf32>, vector<128x64xf32> -> vector<128x64xf32>
    %add3A_627 = vector.broadcast %get3A_123 : vector<128x1xf32> to vector<128x64xf32>
    %add3A_628 = arith.addf %dot_general3A_626, %add3A_627 : vector<128x64xf32>
    %convert_element_type3A_629 = arith.truncf %add3A_628 : vector<128x64xf32> to vector<128x64xbf16>
    %swap3A_630 = arith.constant 1 : index
    %swap3A_631 = arith.constant 0 : index
    %swap3A_632 = arith.constant 0 : index
    %swap3A_633 = vector.load %arg42[%swap3A_630, %swap3A_631, %swap3A_632] : memref<8x128x64xbf16, #tpu.memory_space<vmem>>, vector<1x128x64xbf16>
    %swap3A_634 = vector.shape_cast %swap3A_633 : vector<1x128x64xbf16> to vector<128x64xbf16>
    %swap3A_635 = vector.shape_cast %convert_element_type3A_629 : vector<128x64xbf16> to vector<1x128x64xbf16>
    tpu.vector_store %arg42[%swap3A_630, %swap3A_631, %swap3A_632], %swap3A_635 {strides = array<i32>} : memref<8x128x64xbf16, #tpu.memory_space<vmem>>, vector<1x128x64xbf16>,
    %slice3A_636 = vector.extract_strided_slice %get3A_120 {offsets = [0, 0], sizes = [256, 128], strides = [1, 1]} : vector<512x128xf32> to vector<256x128xf32>
    %slice3A_637 = vector.extract_strided_slice %concatenate3A_603 {offsets = [128, 0], sizes = [64, 256], strides = [1, 1]} : vector<512x256xf32> to vector<64x256xf32>
    %dot_general3A_638 = arith.constant dense<0.000000e+00> : vector<128x64xf32>
    %dot_general3A_639 = tpu.matmul %slice3A_636, %slice3A_637, %dot_general3A_638 {dimension_numbers = #tpu.dot_dimension_numbers<[0], [1], [1], [0], [0, 1, 1, 0], [], []>, transpose_lhs_hint = false} : vector<256x128xf32>, vector<64x256xf32>, vector<128x64xf32> -> vector<128x64xf32>
    %add3A_640 = vector.broadcast %get3A_123 : vector<128x1xf32> to vector<128x64xf32>
    %add3A_641 = arith.addf %dot_general3A_639, %add3A_640 : vector<128x64xf32>
    %convert_element_type3A_642 = arith.truncf %add3A_641 : vector<128x64xf32> to vector<128x64xbf16>
    %swap3A_643 = arith.constant 2 : index
    %swap3A_644 = arith.constant 0 : index
    %swap3A_645 = arith.constant 0 : index
    %swap3A_646 = vector.load %arg42[%swap3A_643, %swap3A_644, %swap3A_645] : memref<8x128x64xbf16, #tpu.memory_space<vmem>>, vector<1x128x64xbf16>
    %swap3A_647 = vector.shape_cast %swap3A_646 : vector<1x128x64xbf16> to vector<128x64xbf16>
    %swap3A_648 = vector.shape_cast %convert_element_type3A_642 : vector<128x64xbf16> to vector<1x128x64xbf16>
    tpu.vector_store %arg42[%swap3A_643, %swap3A_644, %swap3A_645], %swap3A_648 {strides = array<i32>} : memref<8x128x64xbf16, #tpu.memory_space<vmem>>, vector<1x128x64xbf16>,
    %slice3A_649 = vector.extract_strided_slice %get3A_120 {offsets = [0, 0], sizes = [256, 128], strides = [1, 1]} : vector<512x128xf32> to vector<256x128xf32>
    %slice3A_650 = vector.extract_strided_slice %concatenate3A_603 {offsets = [192, 0], sizes = [64, 256], strides = [1, 1]} : vector<512x256xf32> to vector<64x256xf32>
    %dot_general3A_651 = arith.constant dense<0.000000e+00> : vector<128x64xf32>
    %dot_general3A_652 = tpu.matmul %slice3A_649, %slice3A_650, %dot_general3A_651 {dimension_numbers = #tpu.dot_dimension_numbers<[0], [1], [1], [0], [0, 1, 1, 0], [], []>, transpose_lhs_hint = false} : vector<256x128xf32>, vector<64x256xf32>, vector<128x64xf32> -> vector<128x64xf32>
    %add3A_653 = vector.broadcast %get3A_123 : vector<128x1xf32> to vector<128x64xf32>
    %add3A_654 = arith.addf %dot_general3A_652, %add3A_653 : vector<128x64xf32>
    %convert_element_type3A_655 = arith.truncf %add3A_654 : vector<128x64xf32> to vector<128x64xbf16>
    %swap3A_656 = arith.constant 3 : index
    %swap3A_657 = arith.constant 0 : index
    %swap3A_658 = arith.constant 0 : index
    %swap3A_659 = vector.load %arg42[%swap3A_656, %swap3A_657, %swap3A_658] : memref<8x128x64xbf16, #tpu.memory_space<vmem>>, vector<1x128x64xbf16>
    %swap3A_660 = vector.shape_cast %swap3A_659 : vector<1x128x64xbf16> to vector<128x64xbf16>
    %swap3A_661 = vector.shape_cast %convert_element_type3A_655 : vector<128x64xbf16> to vector<1x128x64xbf16>
    tpu.vector_store %arg42[%swap3A_656, %swap3A_657, %swap3A_658], %swap3A_661 {strides = array<i32>} : memref<8x128x64xbf16, #tpu.memory_space<vmem>>, vector<1x128x64xbf16>,
    %slice3A_662 = vector.extract_strided_slice %get3A_120 {offsets = [0, 0], sizes = [256, 128], strides = [1, 1]} : vector<512x128xf32> to vector<256x128xf32>
    %slice3A_663 = vector.extract_strided_slice %concatenate3A_603 {offsets = [256, 0], sizes = [64, 256], strides = [1, 1]} : vector<512x256xf32> to vector<64x256xf32>
    %dot_general3A_664 = arith.constant dense<0.000000e+00> : vector<128x64xf32>
    %dot_general3A_665 = tpu.matmul %slice3A_662, %slice3A_663, %dot_general3A_664 {dimension_numbers = #tpu.dot_dimension_numbers<[0], [1], [1], [0], [0, 1, 1, 0], [], []>, transpose_lhs_hint = false} : vector<256x128xf32>, vector<64x256xf32>, vector<128x64xf32> -> vector<128x64xf32>
    %add3A_666 = vector.broadcast %get3A_123 : vector<128x1xf32> to vector<128x64xf32>
    %add3A_667 = arith.addf %dot_general3A_665, %add3A_666 : vector<128x64xf32>
    %convert_element_type3A_668 = arith.truncf %add3A_667 : vector<128x64xf32> to vector<128x64xbf16>
    %swap3A_669 = arith.constant 4 : index
    %swap3A_670 = arith.constant 0 : index
    %swap3A_671 = arith.constant 0 : index
    %swap3A_672 = vector.load %arg42[%swap3A_669, %swap3A_670, %swap3A_671] : memref<8x128x64xbf16, #tpu.memory_space<vmem>>, vector<1x128x64xbf16>
    %swap3A_673 = vector.shape_cast %swap3A_672 : vector<1x128x64xbf16> to vector<128x64xbf16>
    %swap3A_674 = vector.shape_cast %convert_element_type3A_668 : vector<128x64xbf16> to vector<1x128x64xbf16>
    tpu.vector_store %arg42[%swap3A_669, %swap3A_670, %swap3A_671], %swap3A_674 {strides = array<i32>} : memref<8x128x64xbf16, #tpu.memory_space<vmem>>, vector<1x128x64xbf16>,
    %slice3A_675 = vector.extract_strided_slice %get3A_120 {offsets = [0, 0], sizes = [256, 128], strides = [1, 1]} : vector<512x128xf32> to vector<256x128xf32>
    %slice3A_676 = vector.extract_strided_slice %concatenate3A_603 {offsets = [320, 0], sizes = [64, 256], strides = [1, 1]} : vector<512x256xf32> to vector<64x256xf32>
    %dot_general3A_677 = arith.constant dense<0.000000e+00> : vector<128x64xf32>
    %dot_general3A_678 = tpu.matmul %slice3A_675, %slice3A_676, %dot_general3A_677 {dimension_numbers = #tpu.dot_dimension_numbers<[0], [1], [1], [0], [0, 1, 1, 0], [], []>, transpose_lhs_hint = false} : vector<256x128xf32>, vector<64x256xf32>, vector<128x64xf32> -> vector<128x64xf32>
    %add3A_679 = vector.broadcast %get3A_123 : vector<128x1xf32> to vector<128x64xf32>
    %add3A_680 = arith.addf %dot_general3A_678, %add3A_679 : vector<128x64xf32>
    %convert_element_type3A_681 = arith.truncf %add3A_680 : vector<128x64xf32> to vector<128x64xbf16>
    %swap3A_682 = arith.constant 5 : index
    %swap3A_683 = arith.constant 0 : index
    %swap3A_684 = arith.constant 0 : index
    %swap3A_685 = vector.load %arg42[%swap3A_682, %swap3A_683, %swap3A_684] : memref<8x128x64xbf16, #tpu.memory_space<vmem>>, vector<1x128x64xbf16>
    %swap3A_686 = vector.shape_cast %swap3A_685 : vector<1x128x64xbf16> to vector<128x64xbf16>
    %swap3A_687 = vector.shape_cast %convert_element_type3A_681 : vector<128x64xbf16> to vector<1x128x64xbf16>
    tpu.vector_store %arg42[%swap3A_682, %swap3A_683, %swap3A_684], %swap3A_687 {strides = array<i32>} : memref<8x128x64xbf16, #tpu.memory_space<vmem>>, vector<1x128x64xbf16>,
    %slice3A_688 = vector.extract_strided_slice %get3A_120 {offsets = [0, 0], sizes = [256, 128], strides = [1, 1]} : vector<512x128xf32> to vector<256x128xf32>
    %slice3A_689 = vector.extract_strided_slice %concatenate3A_603 {offsets = [384, 0], sizes = [64, 256], strides = [1, 1]} : vector<512x256xf32> to vector<64x256xf32>
    %dot_general3A_690 = arith.constant dense<0.000000e+00> : vector<128x64xf32>
    %dot_general3A_691 = tpu.matmul %slice3A_688, %slice3A_689, %dot_general3A_690 {dimension_numbers = #tpu.dot_dimension_numbers<[0], [1], [1], [0], [0, 1, 1, 0], [], []>, transpose_lhs_hint = false} : vector<256x128xf32>, vector<64x256xf32>, vector<128x64xf32> -> vector<128x64xf32>
    %add3A_692 = vector.broadcast %get3A_123 : vector<128x1xf32> to vector<128x64xf32>
    %add3A_693 = arith.addf %dot_general3A_691, %add3A_692 : vector<128x64xf32>
    %convert_element_type3A_694 = arith.truncf %add3A_693 : vector<128x64xf32> to vector<128x64xbf16>
    %swap3A_695 = arith.constant 6 : index
    %swap3A_696 = arith.constant 0 : index
    %swap3A_697 = arith.constant 0 : index
    %swap3A_698 = vector.load %arg42[%swap3A_695, %swap3A_696, %swap3A_697] : memref<8x128x64xbf16, #tpu.memory_space<vmem>>, vector<1x128x64xbf16>
    %swap3A_699 = vector.shape_cast %swap3A_698 : vector<1x128x64xbf16> to vector<128x64xbf16>
    %swap3A_700 = vector.shape_cast %convert_element_type3A_694 : vector<128x64xbf16> to vector<1x128x64xbf16>
    tpu.vector_store %arg42[%swap3A_695, %swap3A_696, %swap3A_697], %swap3A_700 {strides = array<i32>} : memref<8x128x64xbf16, #tpu.memory_space<vmem>>, vector<1x128x64xbf16>,
    %slice3A_701 = vector.extract_strided_slice %get3A_120 {offsets = [0, 0], sizes = [256, 128], strides = [1, 1]} : vector<512x128xf32> to vector<256x128xf32>
    %slice3A_702 = vector.extract_strided_slice %concatenate3A_603 {offsets = [448, 0], sizes = [64, 256], strides = [1, 1]} : vector<512x256xf32> to vector<64x256xf32>
    %dot_general3A_703 = arith.constant dense<0.000000e+00> : vector<128x64xf32>
    %dot_general3A_704 = tpu.matmul %slice3A_701, %slice3A_702, %dot_general3A_703 {dimension_numbers = #tpu.dot_dimension_numbers<[0], [1], [1], [0], [0, 1, 1, 0], [], []>, transpose_lhs_hint = false} : vector<256x128xf32>, vector<64x256xf32>, vector<128x64xf32> -> vector<128x64xf32>
    %add3A_705 = vector.broadcast %get3A_123 : vector<128x1xf32> to vector<128x64xf32>
    %add3A_706 = arith.addf %dot_general3A_704, %add3A_705 : vector<128x64xf32>
    %convert_element_type3A_707 = arith.truncf %add3A_706 : vector<128x64xf32> to vector<128x64xbf16>
    %swap3A_708 = arith.constant 7 : index
    %swap3A_709 = arith.constant 0 : index
    %swap3A_710 = arith.constant 0 : index
    %swap3A_711 = vector.load %arg42[%swap3A_708, %swap3A_709, %swap3A_710] : memref<8x128x64xbf16, #tpu.memory_space<vmem>>, vector<1x128x64xbf16>
    %swap3A_712 = vector.shape_cast %swap3A_711 : vector<1x128x64xbf16> to vector<128x64xbf16>
    %swap3A_713 = vector.shape_cast %convert_element_type3A_707 : vector<128x64xbf16> to vector<1x128x64xbf16>
    tpu.vector_store %arg42[%swap3A_708, %swap3A_709, %swap3A_710], %swap3A_713 {strides = array<i32>} : memref<8x128x64xbf16, #tpu.memory_space<vmem>>, vector<1x128x64xbf16>,
    %slice3A_714 = vector.extract_strided_slice %get3A_120 {offsets = [256, 0], sizes = [256, 128], strides = [1, 1]} : vector<512x128xf32> to vector<256x128xf32>
    %dot_general3A_715 = arith.constant dense<0.000000e+00> : vector<128x512xf32>
    %dot_general3A_716 = tpu.matmul %slice3A_714, %concatenate3A_603, %dot_general3A_715 {dimension_numbers = #tpu.dot_dimension_numbers<[0], [1], [1], [0], [0, 1, 1, 0], [], []>, transpose_lhs_hint = false} : vector<256x128xf32>, vector<512x256xf32>, vector<128x512xf32> -> vector<128x512xf32>
    %convert_element_type3A_717 = arith.truncf %dot_general3A_716 : vector<128x512xf32> to vector<128x512xbf16>
    %swap3A_718 = arith.constant 0 : index
    %swap3A_719 = arith.constant 0 : index
    %swap3A_720 = vector.load %arg43[%swap3A_718, %swap3A_719] : memref<128x512xbf16, #tpu.memory_space<vmem>>, vector<128x512xbf16>
    tpu.vector_store %arg43[%swap3A_718, %swap3A_719], %convert_element_type3A_717 {strides = array<i32>} : memref<128x512xbf16, #tpu.memory_space<vmem>>, vector<128x512xbf16>,
    return
  }
}

module attributes {stable_mosaic.version = 14 : i64} {
  func.func @_pair_body(%arg0: i32, %arg1: memref<1x128x64xbf16, #tpu.memory_space<vmem>>, %arg2: memref<128x512xbf16, #tpu.memory_space<vmem>>, %arg3: memref<128x64xf32, #tpu.memory_space<vmem>>, %arg4: memref<64x1xf32, #tpu.memory_space<vmem>>, %arg5: memref<64x1xf32, #tpu.memory_space<vmem>>, %arg6: memref<1x1xf32, #tpu.memory_space<vmem>>, %arg7: memref<64x512xf32, #tpu.memory_space<vmem>>) attributes {dimension_semantics = [#tpu.dimension_semantics<arbitrary>], iteration_bounds = array<i64: 8>, scalar_prefetch = 0 : i64, scratch_operands = 0 : i64, tpu.core_type = #tpu.core_type<tc>, window_params = [{transform_indices = @transform_0, window_bounds = array<i64: 1, 128, 64>}, {pipeline_mode = #tpu.pipeline_mode<synchronous>, transform_indices = @transform_1, window_bounds = array<i64: 128, 512>}, {pipeline_mode = #tpu.pipeline_mode<synchronous>, transform_indices = @transform_2, window_bounds = array<i64: 128, 64>}, {pipeline_mode = #tpu.pipeline_mode<synchronous>, transform_indices = @transform_3, window_bounds = array<i64: 64, 1>}, {pipeline_mode = #tpu.pipeline_mode<synchronous>, transform_indices = @transform_4, window_bounds = array<i64: 64, 1>}, {pipeline_mode = #tpu.pipeline_mode<synchronous>, transform_indices = @transform_5, window_bounds = array<i64: 1, 1>}, {transform_indices = @transform_6, window_bounds = array<i64: 64, 512>}]} {
    %get3A = arith.constant 0 : index
    %get3A_0 = arith.constant 0 : index
    %get3A_1 = arith.constant 0 : index
    %get3A_2 = vector.load %arg1[%get3A, %get3A_0, %get3A_1] : memref<1x128x64xbf16, #tpu.memory_space<vmem>>, vector<1x128x64xbf16>
    %get3A_3 = vector.shape_cast %get3A_2 : vector<1x128x64xbf16> to vector<128x64xbf16>
    %get3A_4 = arith.constant 0 : index
    %get3A_5 = arith.constant 0 : index
    %get3A_6 = vector.load %arg2[%get3A_4, %get3A_5] : memref<128x512xbf16, #tpu.memory_space<vmem>>, vector<128x512xbf16>
    %get3A_7 = arith.constant 0 : index
    %get3A_8 = arith.constant 0 : index
    %get3A_9 = vector.load %arg3[%get3A_7, %get3A_8] : memref<128x64xf32, #tpu.memory_space<vmem>>, vector<128x64xf32>
    %get3A_10 = arith.constant 0 : index
    %get3A_11 = arith.constant 0 : index
    %get3A_12 = vector.load %arg4[%get3A_10, %get3A_11] : memref<64x1xf32, #tpu.memory_space<vmem>>, vector<64x1xf32>
    %get3A_13 = arith.constant 0 : index
    %get3A_14 = arith.constant 0 : index
    %get3A_15 = vector.load %arg5[%get3A_13, %get3A_14] : memref<64x1xf32, #tpu.memory_space<vmem>>, vector<64x1xf32>
    %get3A_16 = arith.constant 0 : index
    %get3A_17 = arith.constant 0 : index
    %get3A_18 = vector.load %arg6[%get3A_16, %get3A_17] : memref<1x1xf32, #tpu.memory_space<vmem>>, vector<1x1xf32>
    %get3A_19 = vector.extract %get3A_18[0, 0] : f32 from vector<1x1xf32>
    %convert_element_type3A = arith.truncf %get3A_9 : vector<128x64xf32> to vector<128x64xbf16>
    %slice3A = vector.extract_strided_slice %get3A_3 {offsets = [0, 0], sizes = [128, 1], strides = [1, 1]} : vector<128x64xbf16> to vector<128x1xbf16>
    %add3A = vector.broadcast %slice3A : vector<128x1xbf16> to vector<128x512xbf16>
    %add3A_20 = arith.addf %add3A, %get3A_6 : vector<128x512xbf16>
    %max3A = arith.constant 0.000000e+00 : bf16
    %max3A_21 = vector.broadcast %max3A : bf16 to vector<128x512xbf16>
    %max3A_22 = arith.maximumf %add3A_20, %max3A_21 : vector<128x512xbf16>
    %slice3A_23 = vector.extract_strided_slice %get3A_3 {offsets = [0, 1], sizes = [128, 1], strides = [1, 1]} : vector<128x64xbf16> to vector<128x1xbf16>
    %add3A_24 = vector.broadcast %slice3A_23 : vector<128x1xbf16> to vector<128x512xbf16>
    %add3A_25 = arith.addf %add3A_24, %get3A_6 : vector<128x512xbf16>
    %max3A_26 = arith.constant 0.000000e+00 : bf16
    %max3A_27 = vector.broadcast %max3A_26 : bf16 to vector<128x512xbf16>
    %max3A_28 = arith.maximumf %add3A_25, %max3A_27 : vector<128x512xbf16>
    %slice3A_29 = vector.extract_strided_slice %get3A_3 {offsets = [0, 2], sizes = [128, 1], strides = [1, 1]} : vector<128x64xbf16> to vector<128x1xbf16>
    %add3A_30 = vector.broadcast %slice3A_29 : vector<128x1xbf16> to vector<128x512xbf16>
    %add3A_31 = arith.addf %add3A_30, %get3A_6 : vector<128x512xbf16>
    %max3A_32 = arith.constant 0.000000e+00 : bf16
    %max3A_33 = vector.broadcast %max3A_32 : bf16 to vector<128x512xbf16>
    %max3A_34 = arith.maximumf %add3A_31, %max3A_33 : vector<128x512xbf16>
    %slice3A_35 = vector.extract_strided_slice %get3A_3 {offsets = [0, 3], sizes = [128, 1], strides = [1, 1]} : vector<128x64xbf16> to vector<128x1xbf16>
    %add3A_36 = vector.broadcast %slice3A_35 : vector<128x1xbf16> to vector<128x512xbf16>
    %add3A_37 = arith.addf %add3A_36, %get3A_6 : vector<128x512xbf16>
    %max3A_38 = arith.constant 0.000000e+00 : bf16
    %max3A_39 = vector.broadcast %max3A_38 : bf16 to vector<128x512xbf16>
    %max3A_40 = arith.maximumf %add3A_37, %max3A_39 : vector<128x512xbf16>
    %slice3A_41 = vector.extract_strided_slice %get3A_3 {offsets = [0, 4], sizes = [128, 1], strides = [1, 1]} : vector<128x64xbf16> to vector<128x1xbf16>
    %add3A_42 = vector.broadcast %slice3A_41 : vector<128x1xbf16> to vector<128x512xbf16>
    %add3A_43 = arith.addf %add3A_42, %get3A_6 : vector<128x512xbf16>
    %max3A_44 = arith.constant 0.000000e+00 : bf16
    %max3A_45 = vector.broadcast %max3A_44 : bf16 to vector<128x512xbf16>
    %max3A_46 = arith.maximumf %add3A_43, %max3A_45 : vector<128x512xbf16>
    %slice3A_47 = vector.extract_strided_slice %get3A_3 {offsets = [0, 5], sizes = [128, 1], strides = [1, 1]} : vector<128x64xbf16> to vector<128x1xbf16>
    %add3A_48 = vector.broadcast %slice3A_47 : vector<128x1xbf16> to vector<128x512xbf16>
    %add3A_49 = arith.addf %add3A_48, %get3A_6 : vector<128x512xbf16>
    %max3A_50 = arith.constant 0.000000e+00 : bf16
    %max3A_51 = vector.broadcast %max3A_50 : bf16 to vector<128x512xbf16>
    %max3A_52 = arith.maximumf %add3A_49, %max3A_51 : vector<128x512xbf16>
    %slice3A_53 = vector.extract_strided_slice %get3A_3 {offsets = [0, 6], sizes = [128, 1], strides = [1, 1]} : vector<128x64xbf16> to vector<128x1xbf16>
    %add3A_54 = vector.broadcast %slice3A_53 : vector<128x1xbf16> to vector<128x512xbf16>
    %add3A_55 = arith.addf %add3A_54, %get3A_6 : vector<128x512xbf16>
    %max3A_56 = arith.constant 0.000000e+00 : bf16
    %max3A_57 = vector.broadcast %max3A_56 : bf16 to vector<128x512xbf16>
    %max3A_58 = arith.maximumf %add3A_55, %max3A_57 : vector<128x512xbf16>
    %slice3A_59 = vector.extract_strided_slice %get3A_3 {offsets = [0, 7], sizes = [128, 1], strides = [1, 1]} : vector<128x64xbf16> to vector<128x1xbf16>
    %add3A_60 = vector.broadcast %slice3A_59 : vector<128x1xbf16> to vector<128x512xbf16>
    %add3A_61 = arith.addf %add3A_60, %get3A_6 : vector<128x512xbf16>
    %max3A_62 = arith.constant 0.000000e+00 : bf16
    %max3A_63 = vector.broadcast %max3A_62 : bf16 to vector<128x512xbf16>
    %max3A_64 = arith.maximumf %add3A_61, %max3A_63 : vector<128x512xbf16>
    %concatenate3A = tpu.concatenate %max3A_22, %max3A_28, %max3A_34, %max3A_40, %max3A_46, %max3A_52, %max3A_58, %max3A_64 in 1 : vector<128x512xbf16>, vector<128x512xbf16>, vector<128x512xbf16>, vector<128x512xbf16>, vector<128x512xbf16>, vector<128x512xbf16>, vector<128x512xbf16>, vector<128x512xbf16> -> vector<128x4096xbf16>
    %dot_general3A = arith.constant dense<0.000000e+00> : vector<64x4096xf32>
    %dot_general3A_65 = tpu.matmul %convert_element_type3A, %concatenate3A, %dot_general3A {dimension_numbers = #tpu.dot_dimension_numbers<[0], [0], [1], [1], [0, 1, 1, 1], [], []>, transpose_lhs_hint = false} : vector<128x64xbf16>, vector<128x4096xbf16>, vector<64x4096xf32> -> vector<64x4096xf32>
    %add3A_66 = vector.broadcast %get3A_12 : vector<64x1xf32> to vector<64x4096xf32>
    %add3A_67 = arith.addf %dot_general3A_65, %add3A_66 : vector<64x4096xf32>
    %max3A_68 = arith.constant 0.000000e+00 : f32
    %max3A_69 = vector.broadcast %max3A_68 : f32 to vector<64x4096xf32>
    %max3A_70 = arith.maximumf %add3A_67, %max3A_69 : vector<64x4096xf32>
    %dot_general3A_71 = arith.constant dense<0.000000e+00> : vector<1x4096xf32>
    %dot_general3A_72 = tpu.matmul %get3A_15, %max3A_70, %dot_general3A_71 {dimension_numbers = #tpu.dot_dimension_numbers<[0], [0], [1], [1], [0, 1, 1, 1], [], []>, transpose_lhs_hint = false} : vector<64x1xf32>, vector<64x4096xf32>, vector<1x4096xf32> -> vector<1x4096xf32>
    %slice3A_73 = vector.extract_strided_slice %dot_general3A_72 {offsets = [0, 0], sizes = [1, 512], strides = [1, 1]} : vector<1x4096xf32> to vector<1x512xf32>
    %slice3A_74 = vector.extract_strided_slice %dot_general3A_72 {offsets = [0, 512], sizes = [1, 512], strides = [1, 1]} : vector<1x4096xf32> to vector<1x512xf32>
    %slice3A_75 = vector.extract_strided_slice %dot_general3A_72 {offsets = [0, 1024], sizes = [1, 512], strides = [1, 1]} : vector<1x4096xf32> to vector<1x512xf32>
    %slice3A_76 = vector.extract_strided_slice %dot_general3A_72 {offsets = [0, 1536], sizes = [1, 512], strides = [1, 1]} : vector<1x4096xf32> to vector<1x512xf32>
    %slice3A_77 = vector.extract_strided_slice %dot_general3A_72 {offsets = [0, 2048], sizes = [1, 512], strides = [1, 1]} : vector<1x4096xf32> to vector<1x512xf32>
    %slice3A_78 = vector.extract_strided_slice %dot_general3A_72 {offsets = [0, 2560], sizes = [1, 512], strides = [1, 1]} : vector<1x4096xf32> to vector<1x512xf32>
    %slice3A_79 = vector.extract_strided_slice %dot_general3A_72 {offsets = [0, 3072], sizes = [1, 512], strides = [1, 1]} : vector<1x4096xf32> to vector<1x512xf32>
    %slice3A_80 = vector.extract_strided_slice %dot_general3A_72 {offsets = [0, 3584], sizes = [1, 512], strides = [1, 1]} : vector<1x4096xf32> to vector<1x512xf32>
    %slice3A_81 = vector.extract_strided_slice %get3A_3 {offsets = [0, 8], sizes = [128, 1], strides = [1, 1]} : vector<128x64xbf16> to vector<128x1xbf16>
    %add3A_82 = vector.broadcast %slice3A_81 : vector<128x1xbf16> to vector<128x512xbf16>
    %add3A_83 = arith.addf %add3A_82, %get3A_6 : vector<128x512xbf16>
    %max3A_84 = arith.constant 0.000000e+00 : bf16
    %max3A_85 = vector.broadcast %max3A_84 : bf16 to vector<128x512xbf16>
    %max3A_86 = arith.maximumf %add3A_83, %max3A_85 : vector<128x512xbf16>
    %slice3A_87 = vector.extract_strided_slice %get3A_3 {offsets = [0, 9], sizes = [128, 1], strides = [1, 1]} : vector<128x64xbf16> to vector<128x1xbf16>
    %add3A_88 = vector.broadcast %slice3A_87 : vector<128x1xbf16> to vector<128x512xbf16>
    %add3A_89 = arith.addf %add3A_88, %get3A_6 : vector<128x512xbf16>
    %max3A_90 = arith.constant 0.000000e+00 : bf16
    %max3A_91 = vector.broadcast %max3A_90 : bf16 to vector<128x512xbf16>
    %max3A_92 = arith.maximumf %add3A_89, %max3A_91 : vector<128x512xbf16>
    %slice3A_93 = vector.extract_strided_slice %get3A_3 {offsets = [0, 10], sizes = [128, 1], strides = [1, 1]} : vector<128x64xbf16> to vector<128x1xbf16>
    %add3A_94 = vector.broadcast %slice3A_93 : vector<128x1xbf16> to vector<128x512xbf16>
    %add3A_95 = arith.addf %add3A_94, %get3A_6 : vector<128x512xbf16>
    %max3A_96 = arith.constant 0.000000e+00 : bf16
    %max3A_97 = vector.broadcast %max3A_96 : bf16 to vector<128x512xbf16>
    %max3A_98 = arith.maximumf %add3A_95, %max3A_97 : vector<128x512xbf16>
    %slice3A_99 = vector.extract_strided_slice %get3A_3 {offsets = [0, 11], sizes = [128, 1], strides = [1, 1]} : vector<128x64xbf16> to vector<128x1xbf16>
    %add3A_100 = vector.broadcast %slice3A_99 : vector<128x1xbf16> to vector<128x512xbf16>
    %add3A_101 = arith.addf %add3A_100, %get3A_6 : vector<128x512xbf16>
    %max3A_102 = arith.constant 0.000000e+00 : bf16
    %max3A_103 = vector.broadcast %max3A_102 : bf16 to vector<128x512xbf16>
    %max3A_104 = arith.maximumf %add3A_101, %max3A_103 : vector<128x512xbf16>
    %slice3A_105 = vector.extract_strided_slice %get3A_3 {offsets = [0, 12], sizes = [128, 1], strides = [1, 1]} : vector<128x64xbf16> to vector<128x1xbf16>
    %add3A_106 = vector.broadcast %slice3A_105 : vector<128x1xbf16> to vector<128x512xbf16>
    %add3A_107 = arith.addf %add3A_106, %get3A_6 : vector<128x512xbf16>
    %max3A_108 = arith.constant 0.000000e+00 : bf16
    %max3A_109 = vector.broadcast %max3A_108 : bf16 to vector<128x512xbf16>
    %max3A_110 = arith.maximumf %add3A_107, %max3A_109 : vector<128x512xbf16>
    %slice3A_111 = vector.extract_strided_slice %get3A_3 {offsets = [0, 13], sizes = [128, 1], strides = [1, 1]} : vector<128x64xbf16> to vector<128x1xbf16>
    %add3A_112 = vector.broadcast %slice3A_111 : vector<128x1xbf16> to vector<128x512xbf16>
    %add3A_113 = arith.addf %add3A_112, %get3A_6 : vector<128x512xbf16>
    %max3A_114 = arith.constant 0.000000e+00 : bf16
    %max3A_115 = vector.broadcast %max3A_114 : bf16 to vector<128x512xbf16>
    %max3A_116 = arith.maximumf %add3A_113, %max3A_115 : vector<128x512xbf16>
    %slice3A_117 = vector.extract_strided_slice %get3A_3 {offsets = [0, 14], sizes = [128, 1], strides = [1, 1]} : vector<128x64xbf16> to vector<128x1xbf16>
    %add3A_118 = vector.broadcast %slice3A_117 : vector<128x1xbf16> to vector<128x512xbf16>
    %add3A_119 = arith.addf %add3A_118, %get3A_6 : vector<128x512xbf16>
    %max3A_120 = arith.constant 0.000000e+00 : bf16
    %max3A_121 = vector.broadcast %max3A_120 : bf16 to vector<128x512xbf16>
    %max3A_122 = arith.maximumf %add3A_119, %max3A_121 : vector<128x512xbf16>
    %slice3A_123 = vector.extract_strided_slice %get3A_3 {offsets = [0, 15], sizes = [128, 1], strides = [1, 1]} : vector<128x64xbf16> to vector<128x1xbf16>
    %add3A_124 = vector.broadcast %slice3A_123 : vector<128x1xbf16> to vector<128x512xbf16>
    %add3A_125 = arith.addf %add3A_124, %get3A_6 : vector<128x512xbf16>
    %max3A_126 = arith.constant 0.000000e+00 : bf16
    %max3A_127 = vector.broadcast %max3A_126 : bf16 to vector<128x512xbf16>
    %max3A_128 = arith.maximumf %add3A_125, %max3A_127 : vector<128x512xbf16>
    %concatenate3A_129 = tpu.concatenate %max3A_86, %max3A_92, %max3A_98, %max3A_104, %max3A_110, %max3A_116, %max3A_122, %max3A_128 in 1 : vector<128x512xbf16>, vector<128x512xbf16>, vector<128x512xbf16>, vector<128x512xbf16>, vector<128x512xbf16>, vector<128x512xbf16>, vector<128x512xbf16>, vector<128x512xbf16> -> vector<128x4096xbf16>
    %dot_general3A_130 = arith.constant dense<0.000000e+00> : vector<64x4096xf32>
    %dot_general3A_131 = tpu.matmul %convert_element_type3A, %concatenate3A_129, %dot_general3A_130 {dimension_numbers = #tpu.dot_dimension_numbers<[0], [0], [1], [1], [0, 1, 1, 1], [], []>, transpose_lhs_hint = false} : vector<128x64xbf16>, vector<128x4096xbf16>, vector<64x4096xf32> -> vector<64x4096xf32>
    %add3A_132 = vector.broadcast %get3A_12 : vector<64x1xf32> to vector<64x4096xf32>
    %add3A_133 = arith.addf %dot_general3A_131, %add3A_132 : vector<64x4096xf32>
    %max3A_134 = arith.constant 0.000000e+00 : f32
    %max3A_135 = vector.broadcast %max3A_134 : f32 to vector<64x4096xf32>
    %max3A_136 = arith.maximumf %add3A_133, %max3A_135 : vector<64x4096xf32>
    %dot_general3A_137 = arith.constant dense<0.000000e+00> : vector<1x4096xf32>
    %dot_general3A_138 = tpu.matmul %get3A_15, %max3A_136, %dot_general3A_137 {dimension_numbers = #tpu.dot_dimension_numbers<[0], [0], [1], [1], [0, 1, 1, 1], [], []>, transpose_lhs_hint = false} : vector<64x1xf32>, vector<64x4096xf32>, vector<1x4096xf32> -> vector<1x4096xf32>
    %slice3A_139 = vector.extract_strided_slice %dot_general3A_138 {offsets = [0, 0], sizes = [1, 512], strides = [1, 1]} : vector<1x4096xf32> to vector<1x512xf32>
    %slice3A_140 = vector.extract_strided_slice %dot_general3A_138 {offsets = [0, 512], sizes = [1, 512], strides = [1, 1]} : vector<1x4096xf32> to vector<1x512xf32>
    %slice3A_141 = vector.extract_strided_slice %dot_general3A_138 {offsets = [0, 1024], sizes = [1, 512], strides = [1, 1]} : vector<1x4096xf32> to vector<1x512xf32>
    %slice3A_142 = vector.extract_strided_slice %dot_general3A_138 {offsets = [0, 1536], sizes = [1, 512], strides = [1, 1]} : vector<1x4096xf32> to vector<1x512xf32>
    %slice3A_143 = vector.extract_strided_slice %dot_general3A_138 {offsets = [0, 2048], sizes = [1, 512], strides = [1, 1]} : vector<1x4096xf32> to vector<1x512xf32>
    %slice3A_144 = vector.extract_strided_slice %dot_general3A_138 {offsets = [0, 2560], sizes = [1, 512], strides = [1, 1]} : vector<1x4096xf32> to vector<1x512xf32>
    %slice3A_145 = vector.extract_strided_slice %dot_general3A_138 {offsets = [0, 3072], sizes = [1, 512], strides = [1, 1]} : vector<1x4096xf32> to vector<1x512xf32>
    %slice3A_146 = vector.extract_strided_slice %dot_general3A_138 {offsets = [0, 3584], sizes = [1, 512], strides = [1, 1]} : vector<1x4096xf32> to vector<1x512xf32>
    %slice3A_147 = vector.extract_strided_slice %get3A_3 {offsets = [0, 16], sizes = [128, 1], strides = [1, 1]} : vector<128x64xbf16> to vector<128x1xbf16>
    %add3A_148 = vector.broadcast %slice3A_147 : vector<128x1xbf16> to vector<128x512xbf16>
    %add3A_149 = arith.addf %add3A_148, %get3A_6 : vector<128x512xbf16>
    %max3A_150 = arith.constant 0.000000e+00 : bf16
    %max3A_151 = vector.broadcast %max3A_150 : bf16 to vector<128x512xbf16>
    %max3A_152 = arith.maximumf %add3A_149, %max3A_151 : vector<128x512xbf16>
    %slice3A_153 = vector.extract_strided_slice %get3A_3 {offsets = [0, 17], sizes = [128, 1], strides = [1, 1]} : vector<128x64xbf16> to vector<128x1xbf16>
    %add3A_154 = vector.broadcast %slice3A_153 : vector<128x1xbf16> to vector<128x512xbf16>
    %add3A_155 = arith.addf %add3A_154, %get3A_6 : vector<128x512xbf16>
    %max3A_156 = arith.constant 0.000000e+00 : bf16
    %max3A_157 = vector.broadcast %max3A_156 : bf16 to vector<128x512xbf16>
    %max3A_158 = arith.maximumf %add3A_155, %max3A_157 : vector<128x512xbf16>
    %slice3A_159 = vector.extract_strided_slice %get3A_3 {offsets = [0, 18], sizes = [128, 1], strides = [1, 1]} : vector<128x64xbf16> to vector<128x1xbf16>
    %add3A_160 = vector.broadcast %slice3A_159 : vector<128x1xbf16> to vector<128x512xbf16>
    %add3A_161 = arith.addf %add3A_160, %get3A_6 : vector<128x512xbf16>
    %max3A_162 = arith.constant 0.000000e+00 : bf16
    %max3A_163 = vector.broadcast %max3A_162 : bf16 to vector<128x512xbf16>
    %max3A_164 = arith.maximumf %add3A_161, %max3A_163 : vector<128x512xbf16>
    %slice3A_165 = vector.extract_strided_slice %get3A_3 {offsets = [0, 19], sizes = [128, 1], strides = [1, 1]} : vector<128x64xbf16> to vector<128x1xbf16>
    %add3A_166 = vector.broadcast %slice3A_165 : vector<128x1xbf16> to vector<128x512xbf16>
    %add3A_167 = arith.addf %add3A_166, %get3A_6 : vector<128x512xbf16>
    %max3A_168 = arith.constant 0.000000e+00 : bf16
    %max3A_169 = vector.broadcast %max3A_168 : bf16 to vector<128x512xbf16>
    %max3A_170 = arith.maximumf %add3A_167, %max3A_169 : vector<128x512xbf16>
    %slice3A_171 = vector.extract_strided_slice %get3A_3 {offsets = [0, 20], sizes = [128, 1], strides = [1, 1]} : vector<128x64xbf16> to vector<128x1xbf16>
    %add3A_172 = vector.broadcast %slice3A_171 : vector<128x1xbf16> to vector<128x512xbf16>
    %add3A_173 = arith.addf %add3A_172, %get3A_6 : vector<128x512xbf16>
    %max3A_174 = arith.constant 0.000000e+00 : bf16
    %max3A_175 = vector.broadcast %max3A_174 : bf16 to vector<128x512xbf16>
    %max3A_176 = arith.maximumf %add3A_173, %max3A_175 : vector<128x512xbf16>
    %slice3A_177 = vector.extract_strided_slice %get3A_3 {offsets = [0, 21], sizes = [128, 1], strides = [1, 1]} : vector<128x64xbf16> to vector<128x1xbf16>
    %add3A_178 = vector.broadcast %slice3A_177 : vector<128x1xbf16> to vector<128x512xbf16>
    %add3A_179 = arith.addf %add3A_178, %get3A_6 : vector<128x512xbf16>
    %max3A_180 = arith.constant 0.000000e+00 : bf16
    %max3A_181 = vector.broadcast %max3A_180 : bf16 to vector<128x512xbf16>
    %max3A_182 = arith.maximumf %add3A_179, %max3A_181 : vector<128x512xbf16>
    %slice3A_183 = vector.extract_strided_slice %get3A_3 {offsets = [0, 22], sizes = [128, 1], strides = [1, 1]} : vector<128x64xbf16> to vector<128x1xbf16>
    %add3A_184 = vector.broadcast %slice3A_183 : vector<128x1xbf16> to vector<128x512xbf16>
    %add3A_185 = arith.addf %add3A_184, %get3A_6 : vector<128x512xbf16>
    %max3A_186 = arith.constant 0.000000e+00 : bf16
    %max3A_187 = vector.broadcast %max3A_186 : bf16 to vector<128x512xbf16>
    %max3A_188 = arith.maximumf %add3A_185, %max3A_187 : vector<128x512xbf16>
    %slice3A_189 = vector.extract_strided_slice %get3A_3 {offsets = [0, 23], sizes = [128, 1], strides = [1, 1]} : vector<128x64xbf16> to vector<128x1xbf16>
    %add3A_190 = vector.broadcast %slice3A_189 : vector<128x1xbf16> to vector<128x512xbf16>
    %add3A_191 = arith.addf %add3A_190, %get3A_6 : vector<128x512xbf16>
    %max3A_192 = arith.constant 0.000000e+00 : bf16
    %max3A_193 = vector.broadcast %max3A_192 : bf16 to vector<128x512xbf16>
    %max3A_194 = arith.maximumf %add3A_191, %max3A_193 : vector<128x512xbf16>
    %concatenate3A_195 = tpu.concatenate %max3A_152, %max3A_158, %max3A_164, %max3A_170, %max3A_176, %max3A_182, %max3A_188, %max3A_194 in 1 : vector<128x512xbf16>, vector<128x512xbf16>, vector<128x512xbf16>, vector<128x512xbf16>, vector<128x512xbf16>, vector<128x512xbf16>, vector<128x512xbf16>, vector<128x512xbf16> -> vector<128x4096xbf16>
    %dot_general3A_196 = arith.constant dense<0.000000e+00> : vector<64x4096xf32>
    %dot_general3A_197 = tpu.matmul %convert_element_type3A, %concatenate3A_195, %dot_general3A_196 {dimension_numbers = #tpu.dot_dimension_numbers<[0], [0], [1], [1], [0, 1, 1, 1], [], []>, transpose_lhs_hint = false} : vector<128x64xbf16>, vector<128x4096xbf16>, vector<64x4096xf32> -> vector<64x4096xf32>
    %add3A_198 = vector.broadcast %get3A_12 : vector<64x1xf32> to vector<64x4096xf32>
    %add3A_199 = arith.addf %dot_general3A_197, %add3A_198 : vector<64x4096xf32>
    %max3A_200 = arith.constant 0.000000e+00 : f32
    %max3A_201 = vector.broadcast %max3A_200 : f32 to vector<64x4096xf32>
    %max3A_202 = arith.maximumf %add3A_199, %max3A_201 : vector<64x4096xf32>
    %dot_general3A_203 = arith.constant dense<0.000000e+00> : vector<1x4096xf32>
    %dot_general3A_204 = tpu.matmul %get3A_15, %max3A_202, %dot_general3A_203 {dimension_numbers = #tpu.dot_dimension_numbers<[0], [0], [1], [1], [0, 1, 1, 1], [], []>, transpose_lhs_hint = false} : vector<64x1xf32>, vector<64x4096xf32>, vector<1x4096xf32> -> vector<1x4096xf32>
    %slice3A_205 = vector.extract_strided_slice %dot_general3A_204 {offsets = [0, 0], sizes = [1, 512], strides = [1, 1]} : vector<1x4096xf32> to vector<1x512xf32>
    %slice3A_206 = vector.extract_strided_slice %dot_general3A_204 {offsets = [0, 512], sizes = [1, 512], strides = [1, 1]} : vector<1x4096xf32> to vector<1x512xf32>
    %slice3A_207 = vector.extract_strided_slice %dot_general3A_204 {offsets = [0, 1024], sizes = [1, 512], strides = [1, 1]} : vector<1x4096xf32> to vector<1x512xf32>
    %slice3A_208 = vector.extract_strided_slice %dot_general3A_204 {offsets = [0, 1536], sizes = [1, 512], strides = [1, 1]} : vector<1x4096xf32> to vector<1x512xf32>
    %slice3A_209 = vector.extract_strided_slice %dot_general3A_204 {offsets = [0, 2048], sizes = [1, 512], strides = [1, 1]} : vector<1x4096xf32> to vector<1x512xf32>
    %slice3A_210 = vector.extract_strided_slice %dot_general3A_204 {offsets = [0, 2560], sizes = [1, 512], strides = [1, 1]} : vector<1x4096xf32> to vector<1x512xf32>
    %slice3A_211 = vector.extract_strided_slice %dot_general3A_204 {offsets = [0, 3072], sizes = [1, 512], strides = [1, 1]} : vector<1x4096xf32> to vector<1x512xf32>
    %slice3A_212 = vector.extract_strided_slice %dot_general3A_204 {offsets = [0, 3584], sizes = [1, 512], strides = [1, 1]} : vector<1x4096xf32> to vector<1x512xf32>
    %slice3A_213 = vector.extract_strided_slice %get3A_3 {offsets = [0, 24], sizes = [128, 1], strides = [1, 1]} : vector<128x64xbf16> to vector<128x1xbf16>
    %add3A_214 = vector.broadcast %slice3A_213 : vector<128x1xbf16> to vector<128x512xbf16>
    %add3A_215 = arith.addf %add3A_214, %get3A_6 : vector<128x512xbf16>
    %max3A_216 = arith.constant 0.000000e+00 : bf16
    %max3A_217 = vector.broadcast %max3A_216 : bf16 to vector<128x512xbf16>
    %max3A_218 = arith.maximumf %add3A_215, %max3A_217 : vector<128x512xbf16>
    %slice3A_219 = vector.extract_strided_slice %get3A_3 {offsets = [0, 25], sizes = [128, 1], strides = [1, 1]} : vector<128x64xbf16> to vector<128x1xbf16>
    %add3A_220 = vector.broadcast %slice3A_219 : vector<128x1xbf16> to vector<128x512xbf16>
    %add3A_221 = arith.addf %add3A_220, %get3A_6 : vector<128x512xbf16>
    %max3A_222 = arith.constant 0.000000e+00 : bf16
    %max3A_223 = vector.broadcast %max3A_222 : bf16 to vector<128x512xbf16>
    %max3A_224 = arith.maximumf %add3A_221, %max3A_223 : vector<128x512xbf16>
    %slice3A_225 = vector.extract_strided_slice %get3A_3 {offsets = [0, 26], sizes = [128, 1], strides = [1, 1]} : vector<128x64xbf16> to vector<128x1xbf16>
    %add3A_226 = vector.broadcast %slice3A_225 : vector<128x1xbf16> to vector<128x512xbf16>
    %add3A_227 = arith.addf %add3A_226, %get3A_6 : vector<128x512xbf16>
    %max3A_228 = arith.constant 0.000000e+00 : bf16
    %max3A_229 = vector.broadcast %max3A_228 : bf16 to vector<128x512xbf16>
    %max3A_230 = arith.maximumf %add3A_227, %max3A_229 : vector<128x512xbf16>
    %slice3A_231 = vector.extract_strided_slice %get3A_3 {offsets = [0, 27], sizes = [128, 1], strides = [1, 1]} : vector<128x64xbf16> to vector<128x1xbf16>
    %add3A_232 = vector.broadcast %slice3A_231 : vector<128x1xbf16> to vector<128x512xbf16>
    %add3A_233 = arith.addf %add3A_232, %get3A_6 : vector<128x512xbf16>
    %max3A_234 = arith.constant 0.000000e+00 : bf16
    %max3A_235 = vector.broadcast %max3A_234 : bf16 to vector<128x512xbf16>
    %max3A_236 = arith.maximumf %add3A_233, %max3A_235 : vector<128x512xbf16>
    %slice3A_237 = vector.extract_strided_slice %get3A_3 {offsets = [0, 28], sizes = [128, 1], strides = [1, 1]} : vector<128x64xbf16> to vector<128x1xbf16>
    %add3A_238 = vector.broadcast %slice3A_237 : vector<128x1xbf16> to vector<128x512xbf16>
    %add3A_239 = arith.addf %add3A_238, %get3A_6 : vector<128x512xbf16>
    %max3A_240 = arith.constant 0.000000e+00 : bf16
    %max3A_241 = vector.broadcast %max3A_240 : bf16 to vector<128x512xbf16>
    %max3A_242 = arith.maximumf %add3A_239, %max3A_241 : vector<128x512xbf16>
    %slice3A_243 = vector.extract_strided_slice %get3A_3 {offsets = [0, 29], sizes = [128, 1], strides = [1, 1]} : vector<128x64xbf16> to vector<128x1xbf16>
    %add3A_244 = vector.broadcast %slice3A_243 : vector<128x1xbf16> to vector<128x512xbf16>
    %add3A_245 = arith.addf %add3A_244, %get3A_6 : vector<128x512xbf16>
    %max3A_246 = arith.constant 0.000000e+00 : bf16
    %max3A_247 = vector.broadcast %max3A_246 : bf16 to vector<128x512xbf16>
    %max3A_248 = arith.maximumf %add3A_245, %max3A_247 : vector<128x512xbf16>
    %slice3A_249 = vector.extract_strided_slice %get3A_3 {offsets = [0, 30], sizes = [128, 1], strides = [1, 1]} : vector<128x64xbf16> to vector<128x1xbf16>
    %add3A_250 = vector.broadcast %slice3A_249 : vector<128x1xbf16> to vector<128x512xbf16>
    %add3A_251 = arith.addf %add3A_250, %get3A_6 : vector<128x512xbf16>
    %max3A_252 = arith.constant 0.000000e+00 : bf16
    %max3A_253 = vector.broadcast %max3A_252 : bf16 to vector<128x512xbf16>
    %max3A_254 = arith.maximumf %add3A_251, %max3A_253 : vector<128x512xbf16>
    %slice3A_255 = vector.extract_strided_slice %get3A_3 {offsets = [0, 31], sizes = [128, 1], strides = [1, 1]} : vector<128x64xbf16> to vector<128x1xbf16>
    %add3A_256 = vector.broadcast %slice3A_255 : vector<128x1xbf16> to vector<128x512xbf16>
    %add3A_257 = arith.addf %add3A_256, %get3A_6 : vector<128x512xbf16>
    %max3A_258 = arith.constant 0.000000e+00 : bf16
    %max3A_259 = vector.broadcast %max3A_258 : bf16 to vector<128x512xbf16>
    %max3A_260 = arith.maximumf %add3A_257, %max3A_259 : vector<128x512xbf16>
    %concatenate3A_261 = tpu.concatenate %max3A_218, %max3A_224, %max3A_230, %max3A_236, %max3A_242, %max3A_248, %max3A_254, %max3A_260 in 1 : vector<128x512xbf16>, vector<128x512xbf16>, vector<128x512xbf16>, vector<128x512xbf16>, vector<128x512xbf16>, vector<128x512xbf16>, vector<128x512xbf16>, vector<128x512xbf16> -> vector<128x4096xbf16>
    %dot_general3A_262 = arith.constant dense<0.000000e+00> : vector<64x4096xf32>
    %dot_general3A_263 = tpu.matmul %convert_element_type3A, %concatenate3A_261, %dot_general3A_262 {dimension_numbers = #tpu.dot_dimension_numbers<[0], [0], [1], [1], [0, 1, 1, 1], [], []>, transpose_lhs_hint = false} : vector<128x64xbf16>, vector<128x4096xbf16>, vector<64x4096xf32> -> vector<64x4096xf32>
    %add3A_264 = vector.broadcast %get3A_12 : vector<64x1xf32> to vector<64x4096xf32>
    %add3A_265 = arith.addf %dot_general3A_263, %add3A_264 : vector<64x4096xf32>
    %max3A_266 = arith.constant 0.000000e+00 : f32
    %max3A_267 = vector.broadcast %max3A_266 : f32 to vector<64x4096xf32>
    %max3A_268 = arith.maximumf %add3A_265, %max3A_267 : vector<64x4096xf32>
    %dot_general3A_269 = arith.constant dense<0.000000e+00> : vector<1x4096xf32>
    %dot_general3A_270 = tpu.matmul %get3A_15, %max3A_268, %dot_general3A_269 {dimension_numbers = #tpu.dot_dimension_numbers<[0], [0], [1], [1], [0, 1, 1, 1], [], []>, transpose_lhs_hint = false} : vector<64x1xf32>, vector<64x4096xf32>, vector<1x4096xf32> -> vector<1x4096xf32>
    %slice3A_271 = vector.extract_strided_slice %dot_general3A_270 {offsets = [0, 0], sizes = [1, 512], strides = [1, 1]} : vector<1x4096xf32> to vector<1x512xf32>
    %slice3A_272 = vector.extract_strided_slice %dot_general3A_270 {offsets = [0, 512], sizes = [1, 512], strides = [1, 1]} : vector<1x4096xf32> to vector<1x512xf32>
    %slice3A_273 = vector.extract_strided_slice %dot_general3A_270 {offsets = [0, 1024], sizes = [1, 512], strides = [1, 1]} : vector<1x4096xf32> to vector<1x512xf32>
    %slice3A_274 = vector.extract_strided_slice %dot_general3A_270 {offsets = [0, 1536], sizes = [1, 512], strides = [1, 1]} : vector<1x4096xf32> to vector<1x512xf32>
    %slice3A_275 = vector.extract_strided_slice %dot_general3A_270 {offsets = [0, 2048], sizes = [1, 512], strides = [1, 1]} : vector<1x4096xf32> to vector<1x512xf32>
    %slice3A_276 = vector.extract_strided_slice %dot_general3A_270 {offsets = [0, 2560], sizes = [1, 512], strides = [1, 1]} : vector<1x4096xf32> to vector<1x512xf32>
    %slice3A_277 = vector.extract_strided_slice %dot_general3A_270 {offsets = [0, 3072], sizes = [1, 512], strides = [1, 1]} : vector<1x4096xf32> to vector<1x512xf32>
    %slice3A_278 = vector.extract_strided_slice %dot_general3A_270 {offsets = [0, 3584], sizes = [1, 512], strides = [1, 1]} : vector<1x4096xf32> to vector<1x512xf32>
    %slice3A_279 = vector.extract_strided_slice %get3A_3 {offsets = [0, 32], sizes = [128, 1], strides = [1, 1]} : vector<128x64xbf16> to vector<128x1xbf16>
    %add3A_280 = vector.broadcast %slice3A_279 : vector<128x1xbf16> to vector<128x512xbf16>
    %add3A_281 = arith.addf %add3A_280, %get3A_6 : vector<128x512xbf16>
    %max3A_282 = arith.constant 0.000000e+00 : bf16
    %max3A_283 = vector.broadcast %max3A_282 : bf16 to vector<128x512xbf16>
    %max3A_284 = arith.maximumf %add3A_281, %max3A_283 : vector<128x512xbf16>
    %slice3A_285 = vector.extract_strided_slice %get3A_3 {offsets = [0, 33], sizes = [128, 1], strides = [1, 1]} : vector<128x64xbf16> to vector<128x1xbf16>
    %add3A_286 = vector.broadcast %slice3A_285 : vector<128x1xbf16> to vector<128x512xbf16>
    %add3A_287 = arith.addf %add3A_286, %get3A_6 : vector<128x512xbf16>
    %max3A_288 = arith.constant 0.000000e+00 : bf16
    %max3A_289 = vector.broadcast %max3A_288 : bf16 to vector<128x512xbf16>
    %max3A_290 = arith.maximumf %add3A_287, %max3A_289 : vector<128x512xbf16>
    %slice3A_291 = vector.extract_strided_slice %get3A_3 {offsets = [0, 34], sizes = [128, 1], strides = [1, 1]} : vector<128x64xbf16> to vector<128x1xbf16>
    %add3A_292 = vector.broadcast %slice3A_291 : vector<128x1xbf16> to vector<128x512xbf16>
    %add3A_293 = arith.addf %add3A_292, %get3A_6 : vector<128x512xbf16>
    %max3A_294 = arith.constant 0.000000e+00 : bf16
    %max3A_295 = vector.broadcast %max3A_294 : bf16 to vector<128x512xbf16>
    %max3A_296 = arith.maximumf %add3A_293, %max3A_295 : vector<128x512xbf16>
    %slice3A_297 = vector.extract_strided_slice %get3A_3 {offsets = [0, 35], sizes = [128, 1], strides = [1, 1]} : vector<128x64xbf16> to vector<128x1xbf16>
    %add3A_298 = vector.broadcast %slice3A_297 : vector<128x1xbf16> to vector<128x512xbf16>
    %add3A_299 = arith.addf %add3A_298, %get3A_6 : vector<128x512xbf16>
    %max3A_300 = arith.constant 0.000000e+00 : bf16
    %max3A_301 = vector.broadcast %max3A_300 : bf16 to vector<128x512xbf16>
    %max3A_302 = arith.maximumf %add3A_299, %max3A_301 : vector<128x512xbf16>
    %slice3A_303 = vector.extract_strided_slice %get3A_3 {offsets = [0, 36], sizes = [128, 1], strides = [1, 1]} : vector<128x64xbf16> to vector<128x1xbf16>
    %add3A_304 = vector.broadcast %slice3A_303 : vector<128x1xbf16> to vector<128x512xbf16>
    %add3A_305 = arith.addf %add3A_304, %get3A_6 : vector<128x512xbf16>
    %max3A_306 = arith.constant 0.000000e+00 : bf16
    %max3A_307 = vector.broadcast %max3A_306 : bf16 to vector<128x512xbf16>
    %max3A_308 = arith.maximumf %add3A_305, %max3A_307 : vector<128x512xbf16>
    %slice3A_309 = vector.extract_strided_slice %get3A_3 {offsets = [0, 37], sizes = [128, 1], strides = [1, 1]} : vector<128x64xbf16> to vector<128x1xbf16>
    %add3A_310 = vector.broadcast %slice3A_309 : vector<128x1xbf16> to vector<128x512xbf16>
    %add3A_311 = arith.addf %add3A_310, %get3A_6 : vector<128x512xbf16>
    %max3A_312 = arith.constant 0.000000e+00 : bf16
    %max3A_313 = vector.broadcast %max3A_312 : bf16 to vector<128x512xbf16>
    %max3A_314 = arith.maximumf %add3A_311, %max3A_313 : vector<128x512xbf16>
    %slice3A_315 = vector.extract_strided_slice %get3A_3 {offsets = [0, 38], sizes = [128, 1], strides = [1, 1]} : vector<128x64xbf16> to vector<128x1xbf16>
    %add3A_316 = vector.broadcast %slice3A_315 : vector<128x1xbf16> to vector<128x512xbf16>
    %add3A_317 = arith.addf %add3A_316, %get3A_6 : vector<128x512xbf16>
    %max3A_318 = arith.constant 0.000000e+00 : bf16
    %max3A_319 = vector.broadcast %max3A_318 : bf16 to vector<128x512xbf16>
    %max3A_320 = arith.maximumf %add3A_317, %max3A_319 : vector<128x512xbf16>
    %slice3A_321 = vector.extract_strided_slice %get3A_3 {offsets = [0, 39], sizes = [128, 1], strides = [1, 1]} : vector<128x64xbf16> to vector<128x1xbf16>
    %add3A_322 = vector.broadcast %slice3A_321 : vector<128x1xbf16> to vector<128x512xbf16>
    %add3A_323 = arith.addf %add3A_322, %get3A_6 : vector<128x512xbf16>
    %max3A_324 = arith.constant 0.000000e+00 : bf16
    %max3A_325 = vector.broadcast %max3A_324 : bf16 to vector<128x512xbf16>
    %max3A_326 = arith.maximumf %add3A_323, %max3A_325 : vector<128x512xbf16>
    %concatenate3A_327 = tpu.concatenate %max3A_284, %max3A_290, %max3A_296, %max3A_302, %max3A_308, %max3A_314, %max3A_320, %max3A_326 in 1 : vector<128x512xbf16>, vector<128x512xbf16>, vector<128x512xbf16>, vector<128x512xbf16>, vector<128x512xbf16>, vector<128x512xbf16>, vector<128x512xbf16>, vector<128x512xbf16> -> vector<128x4096xbf16>
    %dot_general3A_328 = arith.constant dense<0.000000e+00> : vector<64x4096xf32>
    %dot_general3A_329 = tpu.matmul %convert_element_type3A, %concatenate3A_327, %dot_general3A_328 {dimension_numbers = #tpu.dot_dimension_numbers<[0], [0], [1], [1], [0, 1, 1, 1], [], []>, transpose_lhs_hint = false} : vector<128x64xbf16>, vector<128x4096xbf16>, vector<64x4096xf32> -> vector<64x4096xf32>
    %add3A_330 = vector.broadcast %get3A_12 : vector<64x1xf32> to vector<64x4096xf32>
    %add3A_331 = arith.addf %dot_general3A_329, %add3A_330 : vector<64x4096xf32>
    %max3A_332 = arith.constant 0.000000e+00 : f32
    %max3A_333 = vector.broadcast %max3A_332 : f32 to vector<64x4096xf32>
    %max3A_334 = arith.maximumf %add3A_331, %max3A_333 : vector<64x4096xf32>
    %dot_general3A_335 = arith.constant dense<0.000000e+00> : vector<1x4096xf32>
    %dot_general3A_336 = tpu.matmul %get3A_15, %max3A_334, %dot_general3A_335 {dimension_numbers = #tpu.dot_dimension_numbers<[0], [0], [1], [1], [0, 1, 1, 1], [], []>, transpose_lhs_hint = false} : vector<64x1xf32>, vector<64x4096xf32>, vector<1x4096xf32> -> vector<1x4096xf32>
    %slice3A_337 = vector.extract_strided_slice %dot_general3A_336 {offsets = [0, 0], sizes = [1, 512], strides = [1, 1]} : vector<1x4096xf32> to vector<1x512xf32>
    %slice3A_338 = vector.extract_strided_slice %dot_general3A_336 {offsets = [0, 512], sizes = [1, 512], strides = [1, 1]} : vector<1x4096xf32> to vector<1x512xf32>
    %slice3A_339 = vector.extract_strided_slice %dot_general3A_336 {offsets = [0, 1024], sizes = [1, 512], strides = [1, 1]} : vector<1x4096xf32> to vector<1x512xf32>
    %slice3A_340 = vector.extract_strided_slice %dot_general3A_336 {offsets = [0, 1536], sizes = [1, 512], strides = [1, 1]} : vector<1x4096xf32> to vector<1x512xf32>
    %slice3A_341 = vector.extract_strided_slice %dot_general3A_336 {offsets = [0, 2048], sizes = [1, 512], strides = [1, 1]} : vector<1x4096xf32> to vector<1x512xf32>
    %slice3A_342 = vector.extract_strided_slice %dot_general3A_336 {offsets = [0, 2560], sizes = [1, 512], strides = [1, 1]} : vector<1x4096xf32> to vector<1x512xf32>
    %slice3A_343 = vector.extract_strided_slice %dot_general3A_336 {offsets = [0, 3072], sizes = [1, 512], strides = [1, 1]} : vector<1x4096xf32> to vector<1x512xf32>
    %slice3A_344 = vector.extract_strided_slice %dot_general3A_336 {offsets = [0, 3584], sizes = [1, 512], strides = [1, 1]} : vector<1x4096xf32> to vector<1x512xf32>
    %slice3A_345 = vector.extract_strided_slice %get3A_3 {offsets = [0, 40], sizes = [128, 1], strides = [1, 1]} : vector<128x64xbf16> to vector<128x1xbf16>
    %add3A_346 = vector.broadcast %slice3A_345 : vector<128x1xbf16> to vector<128x512xbf16>
    %add3A_347 = arith.addf %add3A_346, %get3A_6 : vector<128x512xbf16>
    %max3A_348 = arith.constant 0.000000e+00 : bf16
    %max3A_349 = vector.broadcast %max3A_348 : bf16 to vector<128x512xbf16>
    %max3A_350 = arith.maximumf %add3A_347, %max3A_349 : vector<128x512xbf16>
    %slice3A_351 = vector.extract_strided_slice %get3A_3 {offsets = [0, 41], sizes = [128, 1], strides = [1, 1]} : vector<128x64xbf16> to vector<128x1xbf16>
    %add3A_352 = vector.broadcast %slice3A_351 : vector<128x1xbf16> to vector<128x512xbf16>
    %add3A_353 = arith.addf %add3A_352, %get3A_6 : vector<128x512xbf16>
    %max3A_354 = arith.constant 0.000000e+00 : bf16
    %max3A_355 = vector.broadcast %max3A_354 : bf16 to vector<128x512xbf16>
    %max3A_356 = arith.maximumf %add3A_353, %max3A_355 : vector<128x512xbf16>
    %slice3A_357 = vector.extract_strided_slice %get3A_3 {offsets = [0, 42], sizes = [128, 1], strides = [1, 1]} : vector<128x64xbf16> to vector<128x1xbf16>
    %add3A_358 = vector.broadcast %slice3A_357 : vector<128x1xbf16> to vector<128x512xbf16>
    %add3A_359 = arith.addf %add3A_358, %get3A_6 : vector<128x512xbf16>
    %max3A_360 = arith.constant 0.000000e+00 : bf16
    %max3A_361 = vector.broadcast %max3A_360 : bf16 to vector<128x512xbf16>
    %max3A_362 = arith.maximumf %add3A_359, %max3A_361 : vector<128x512xbf16>
    %slice3A_363 = vector.extract_strided_slice %get3A_3 {offsets = [0, 43], sizes = [128, 1], strides = [1, 1]} : vector<128x64xbf16> to vector<128x1xbf16>
    %add3A_364 = vector.broadcast %slice3A_363 : vector<128x1xbf16> to vector<128x512xbf16>
    %add3A_365 = arith.addf %add3A_364, %get3A_6 : vector<128x512xbf16>
    %max3A_366 = arith.constant 0.000000e+00 : bf16
    %max3A_367 = vector.broadcast %max3A_366 : bf16 to vector<128x512xbf16>
    %max3A_368 = arith.maximumf %add3A_365, %max3A_367 : vector<128x512xbf16>
    %slice3A_369 = vector.extract_strided_slice %get3A_3 {offsets = [0, 44], sizes = [128, 1], strides = [1, 1]} : vector<128x64xbf16> to vector<128x1xbf16>
    %add3A_370 = vector.broadcast %slice3A_369 : vector<128x1xbf16> to vector<128x512xbf16>
    %add3A_371 = arith.addf %add3A_370, %get3A_6 : vector<128x512xbf16>
    %max3A_372 = arith.constant 0.000000e+00 : bf16
    %max3A_373 = vector.broadcast %max3A_372 : bf16 to vector<128x512xbf16>
    %max3A_374 = arith.maximumf %add3A_371, %max3A_373 : vector<128x512xbf16>
    %slice3A_375 = vector.extract_strided_slice %get3A_3 {offsets = [0, 45], sizes = [128, 1], strides = [1, 1]} : vector<128x64xbf16> to vector<128x1xbf16>
    %add3A_376 = vector.broadcast %slice3A_375 : vector<128x1xbf16> to vector<128x512xbf16>
    %add3A_377 = arith.addf %add3A_376, %get3A_6 : vector<128x512xbf16>
    %max3A_378 = arith.constant 0.000000e+00 : bf16
    %max3A_379 = vector.broadcast %max3A_378 : bf16 to vector<128x512xbf16>
    %max3A_380 = arith.maximumf %add3A_377, %max3A_379 : vector<128x512xbf16>
    %slice3A_381 = vector.extract_strided_slice %get3A_3 {offsets = [0, 46], sizes = [128, 1], strides = [1, 1]} : vector<128x64xbf16> to vector<128x1xbf16>
    %add3A_382 = vector.broadcast %slice3A_381 : vector<128x1xbf16> to vector<128x512xbf16>
    %add3A_383 = arith.addf %add3A_382, %get3A_6 : vector<128x512xbf16>
    %max3A_384 = arith.constant 0.000000e+00 : bf16
    %max3A_385 = vector.broadcast %max3A_384 : bf16 to vector<128x512xbf16>
    %max3A_386 = arith.maximumf %add3A_383, %max3A_385 : vector<128x512xbf16>
    %slice3A_387 = vector.extract_strided_slice %get3A_3 {offsets = [0, 47], sizes = [128, 1], strides = [1, 1]} : vector<128x64xbf16> to vector<128x1xbf16>
    %add3A_388 = vector.broadcast %slice3A_387 : vector<128x1xbf16> to vector<128x512xbf16>
    %add3A_389 = arith.addf %add3A_388, %get3A_6 : vector<128x512xbf16>
    %max3A_390 = arith.constant 0.000000e+00 : bf16
    %max3A_391 = vector.broadcast %max3A_390 : bf16 to vector<128x512xbf16>
    %max3A_392 = arith.maximumf %add3A_389, %max3A_391 : vector<128x512xbf16>
    %concatenate3A_393 = tpu.concatenate %max3A_350, %max3A_356, %max3A_362, %max3A_368, %max3A_374, %max3A_380, %max3A_386, %max3A_392 in 1 : vector<128x512xbf16>, vector<128x512xbf16>, vector<128x512xbf16>, vector<128x512xbf16>, vector<128x512xbf16>, vector<128x512xbf16>, vector<128x512xbf16>, vector<128x512xbf16> -> vector<128x4096xbf16>
    %dot_general3A_394 = arith.constant dense<0.000000e+00> : vector<64x4096xf32>
    %dot_general3A_395 = tpu.matmul %convert_element_type3A, %concatenate3A_393, %dot_general3A_394 {dimension_numbers = #tpu.dot_dimension_numbers<[0], [0], [1], [1], [0, 1, 1, 1], [], []>, transpose_lhs_hint = false} : vector<128x64xbf16>, vector<128x4096xbf16>, vector<64x4096xf32> -> vector<64x4096xf32>
    %add3A_396 = vector.broadcast %get3A_12 : vector<64x1xf32> to vector<64x4096xf32>
    %add3A_397 = arith.addf %dot_general3A_395, %add3A_396 : vector<64x4096xf32>
    %max3A_398 = arith.constant 0.000000e+00 : f32
    %max3A_399 = vector.broadcast %max3A_398 : f32 to vector<64x4096xf32>
    %max3A_400 = arith.maximumf %add3A_397, %max3A_399 : vector<64x4096xf32>
    %dot_general3A_401 = arith.constant dense<0.000000e+00> : vector<1x4096xf32>
    %dot_general3A_402 = tpu.matmul %get3A_15, %max3A_400, %dot_general3A_401 {dimension_numbers = #tpu.dot_dimension_numbers<[0], [0], [1], [1], [0, 1, 1, 1], [], []>, transpose_lhs_hint = false} : vector<64x1xf32>, vector<64x4096xf32>, vector<1x4096xf32> -> vector<1x4096xf32>
    %slice3A_403 = vector.extract_strided_slice %dot_general3A_402 {offsets = [0, 0], sizes = [1, 512], strides = [1, 1]} : vector<1x4096xf32> to vector<1x512xf32>
    %slice3A_404 = vector.extract_strided_slice %dot_general3A_402 {offsets = [0, 512], sizes = [1, 512], strides = [1, 1]} : vector<1x4096xf32> to vector<1x512xf32>
    %slice3A_405 = vector.extract_strided_slice %dot_general3A_402 {offsets = [0, 1024], sizes = [1, 512], strides = [1, 1]} : vector<1x4096xf32> to vector<1x512xf32>
    %slice3A_406 = vector.extract_strided_slice %dot_general3A_402 {offsets = [0, 1536], sizes = [1, 512], strides = [1, 1]} : vector<1x4096xf32> to vector<1x512xf32>
    %slice3A_407 = vector.extract_strided_slice %dot_general3A_402 {offsets = [0, 2048], sizes = [1, 512], strides = [1, 1]} : vector<1x4096xf32> to vector<1x512xf32>
    %slice3A_408 = vector.extract_strided_slice %dot_general3A_402 {offsets = [0, 2560], sizes = [1, 512], strides = [1, 1]} : vector<1x4096xf32> to vector<1x512xf32>
    %slice3A_409 = vector.extract_strided_slice %dot_general3A_402 {offsets = [0, 3072], sizes = [1, 512], strides = [1, 1]} : vector<1x4096xf32> to vector<1x512xf32>
    %slice3A_410 = vector.extract_strided_slice %dot_general3A_402 {offsets = [0, 3584], sizes = [1, 512], strides = [1, 1]} : vector<1x4096xf32> to vector<1x512xf32>
    %slice3A_411 = vector.extract_strided_slice %get3A_3 {offsets = [0, 48], sizes = [128, 1], strides = [1, 1]} : vector<128x64xbf16> to vector<128x1xbf16>
    %add3A_412 = vector.broadcast %slice3A_411 : vector<128x1xbf16> to vector<128x512xbf16>
    %add3A_413 = arith.addf %add3A_412, %get3A_6 : vector<128x512xbf16>
    %max3A_414 = arith.constant 0.000000e+00 : bf16
    %max3A_415 = vector.broadcast %max3A_414 : bf16 to vector<128x512xbf16>
    %max3A_416 = arith.maximumf %add3A_413, %max3A_415 : vector<128x512xbf16>
    %slice3A_417 = vector.extract_strided_slice %get3A_3 {offsets = [0, 49], sizes = [128, 1], strides = [1, 1]} : vector<128x64xbf16> to vector<128x1xbf16>
    %add3A_418 = vector.broadcast %slice3A_417 : vector<128x1xbf16> to vector<128x512xbf16>
    %add3A_419 = arith.addf %add3A_418, %get3A_6 : vector<128x512xbf16>
    %max3A_420 = arith.constant 0.000000e+00 : bf16
    %max3A_421 = vector.broadcast %max3A_420 : bf16 to vector<128x512xbf16>
    %max3A_422 = arith.maximumf %add3A_419, %max3A_421 : vector<128x512xbf16>
    %slice3A_423 = vector.extract_strided_slice %get3A_3 {offsets = [0, 50], sizes = [128, 1], strides = [1, 1]} : vector<128x64xbf16> to vector<128x1xbf16>
    %add3A_424 = vector.broadcast %slice3A_423 : vector<128x1xbf16> to vector<128x512xbf16>
    %add3A_425 = arith.addf %add3A_424, %get3A_6 : vector<128x512xbf16>
    %max3A_426 = arith.constant 0.000000e+00 : bf16
    %max3A_427 = vector.broadcast %max3A_426 : bf16 to vector<128x512xbf16>
    %max3A_428 = arith.maximumf %add3A_425, %max3A_427 : vector<128x512xbf16>
    %slice3A_429 = vector.extract_strided_slice %get3A_3 {offsets = [0, 51], sizes = [128, 1], strides = [1, 1]} : vector<128x64xbf16> to vector<128x1xbf16>
    %add3A_430 = vector.broadcast %slice3A_429 : vector<128x1xbf16> to vector<128x512xbf16>
    %add3A_431 = arith.addf %add3A_430, %get3A_6 : vector<128x512xbf16>
    %max3A_432 = arith.constant 0.000000e+00 : bf16
    %max3A_433 = vector.broadcast %max3A_432 : bf16 to vector<128x512xbf16>
    %max3A_434 = arith.maximumf %add3A_431, %max3A_433 : vector<128x512xbf16>
    %slice3A_435 = vector.extract_strided_slice %get3A_3 {offsets = [0, 52], sizes = [128, 1], strides = [1, 1]} : vector<128x64xbf16> to vector<128x1xbf16>
    %add3A_436 = vector.broadcast %slice3A_435 : vector<128x1xbf16> to vector<128x512xbf16>
    %add3A_437 = arith.addf %add3A_436, %get3A_6 : vector<128x512xbf16>
    %max3A_438 = arith.constant 0.000000e+00 : bf16
    %max3A_439 = vector.broadcast %max3A_438 : bf16 to vector<128x512xbf16>
    %max3A_440 = arith.maximumf %add3A_437, %max3A_439 : vector<128x512xbf16>
    %slice3A_441 = vector.extract_strided_slice %get3A_3 {offsets = [0, 53], sizes = [128, 1], strides = [1, 1]} : vector<128x64xbf16> to vector<128x1xbf16>
    %add3A_442 = vector.broadcast %slice3A_441 : vector<128x1xbf16> to vector<128x512xbf16>
    %add3A_443 = arith.addf %add3A_442, %get3A_6 : vector<128x512xbf16>
    %max3A_444 = arith.constant 0.000000e+00 : bf16
    %max3A_445 = vector.broadcast %max3A_444 : bf16 to vector<128x512xbf16>
    %max3A_446 = arith.maximumf %add3A_443, %max3A_445 : vector<128x512xbf16>
    %slice3A_447 = vector.extract_strided_slice %get3A_3 {offsets = [0, 54], sizes = [128, 1], strides = [1, 1]} : vector<128x64xbf16> to vector<128x1xbf16>
    %add3A_448 = vector.broadcast %slice3A_447 : vector<128x1xbf16> to vector<128x512xbf16>
    %add3A_449 = arith.addf %add3A_448, %get3A_6 : vector<128x512xbf16>
    %max3A_450 = arith.constant 0.000000e+00 : bf16
    %max3A_451 = vector.broadcast %max3A_450 : bf16 to vector<128x512xbf16>
    %max3A_452 = arith.maximumf %add3A_449, %max3A_451 : vector<128x512xbf16>
    %slice3A_453 = vector.extract_strided_slice %get3A_3 {offsets = [0, 55], sizes = [128, 1], strides = [1, 1]} : vector<128x64xbf16> to vector<128x1xbf16>
    %add3A_454 = vector.broadcast %slice3A_453 : vector<128x1xbf16> to vector<128x512xbf16>
    %add3A_455 = arith.addf %add3A_454, %get3A_6 : vector<128x512xbf16>
    %max3A_456 = arith.constant 0.000000e+00 : bf16
    %max3A_457 = vector.broadcast %max3A_456 : bf16 to vector<128x512xbf16>
    %max3A_458 = arith.maximumf %add3A_455, %max3A_457 : vector<128x512xbf16>
    %concatenate3A_459 = tpu.concatenate %max3A_416, %max3A_422, %max3A_428, %max3A_434, %max3A_440, %max3A_446, %max3A_452, %max3A_458 in 1 : vector<128x512xbf16>, vector<128x512xbf16>, vector<128x512xbf16>, vector<128x512xbf16>, vector<128x512xbf16>, vector<128x512xbf16>, vector<128x512xbf16>, vector<128x512xbf16> -> vector<128x4096xbf16>
    %dot_general3A_460 = arith.constant dense<0.000000e+00> : vector<64x4096xf32>
    %dot_general3A_461 = tpu.matmul %convert_element_type3A, %concatenate3A_459, %dot_general3A_460 {dimension_numbers = #tpu.dot_dimension_numbers<[0], [0], [1], [1], [0, 1, 1, 1], [], []>, transpose_lhs_hint = false} : vector<128x64xbf16>, vector<128x4096xbf16>, vector<64x4096xf32> -> vector<64x4096xf32>
    %add3A_462 = vector.broadcast %get3A_12 : vector<64x1xf32> to vector<64x4096xf32>
    %add3A_463 = arith.addf %dot_general3A_461, %add3A_462 : vector<64x4096xf32>
    %max3A_464 = arith.constant 0.000000e+00 : f32
    %max3A_465 = vector.broadcast %max3A_464 : f32 to vector<64x4096xf32>
    %max3A_466 = arith.maximumf %add3A_463, %max3A_465 : vector<64x4096xf32>
    %dot_general3A_467 = arith.constant dense<0.000000e+00> : vector<1x4096xf32>
    %dot_general3A_468 = tpu.matmul %get3A_15, %max3A_466, %dot_general3A_467 {dimension_numbers = #tpu.dot_dimension_numbers<[0], [0], [1], [1], [0, 1, 1, 1], [], []>, transpose_lhs_hint = false} : vector<64x1xf32>, vector<64x4096xf32>, vector<1x4096xf32> -> vector<1x4096xf32>
    %slice3A_469 = vector.extract_strided_slice %dot_general3A_468 {offsets = [0, 0], sizes = [1, 512], strides = [1, 1]} : vector<1x4096xf32> to vector<1x512xf32>
    %slice3A_470 = vector.extract_strided_slice %dot_general3A_468 {offsets = [0, 512], sizes = [1, 512], strides = [1, 1]} : vector<1x4096xf32> to vector<1x512xf32>
    %slice3A_471 = vector.extract_strided_slice %dot_general3A_468 {offsets = [0, 1024], sizes = [1, 512], strides = [1, 1]} : vector<1x4096xf32> to vector<1x512xf32>
    %slice3A_472 = vector.extract_strided_slice %dot_general3A_468 {offsets = [0, 1536], sizes = [1, 512], strides = [1, 1]} : vector<1x4096xf32> to vector<1x512xf32>
    %slice3A_473 = vector.extract_strided_slice %dot_general3A_468 {offsets = [0, 2048], sizes = [1, 512], strides = [1, 1]} : vector<1x4096xf32> to vector<1x512xf32>
    %slice3A_474 = vector.extract_strided_slice %dot_general3A_468 {offsets = [0, 2560], sizes = [1, 512], strides = [1, 1]} : vector<1x4096xf32> to vector<1x512xf32>
    %slice3A_475 = vector.extract_strided_slice %dot_general3A_468 {offsets = [0, 3072], sizes = [1, 512], strides = [1, 1]} : vector<1x4096xf32> to vector<1x512xf32>
    %slice3A_476 = vector.extract_strided_slice %dot_general3A_468 {offsets = [0, 3584], sizes = [1, 512], strides = [1, 1]} : vector<1x4096xf32> to vector<1x512xf32>
    %slice3A_477 = vector.extract_strided_slice %get3A_3 {offsets = [0, 56], sizes = [128, 1], strides = [1, 1]} : vector<128x64xbf16> to vector<128x1xbf16>
    %add3A_478 = vector.broadcast %slice3A_477 : vector<128x1xbf16> to vector<128x512xbf16>
    %add3A_479 = arith.addf %add3A_478, %get3A_6 : vector<128x512xbf16>
    %max3A_480 = arith.constant 0.000000e+00 : bf16
    %max3A_481 = vector.broadcast %max3A_480 : bf16 to vector<128x512xbf16>
    %max3A_482 = arith.maximumf %add3A_479, %max3A_481 : vector<128x512xbf16>
    %slice3A_483 = vector.extract_strided_slice %get3A_3 {offsets = [0, 57], sizes = [128, 1], strides = [1, 1]} : vector<128x64xbf16> to vector<128x1xbf16>
    %add3A_484 = vector.broadcast %slice3A_483 : vector<128x1xbf16> to vector<128x512xbf16>
    %add3A_485 = arith.addf %add3A_484, %get3A_6 : vector<128x512xbf16>
    %max3A_486 = arith.constant 0.000000e+00 : bf16
    %max3A_487 = vector.broadcast %max3A_486 : bf16 to vector<128x512xbf16>
    %max3A_488 = arith.maximumf %add3A_485, %max3A_487 : vector<128x512xbf16>
    %slice3A_489 = vector.extract_strided_slice %get3A_3 {offsets = [0, 58], sizes = [128, 1], strides = [1, 1]} : vector<128x64xbf16> to vector<128x1xbf16>
    %add3A_490 = vector.broadcast %slice3A_489 : vector<128x1xbf16> to vector<128x512xbf16>
    %add3A_491 = arith.addf %add3A_490, %get3A_6 : vector<128x512xbf16>
    %max3A_492 = arith.constant 0.000000e+00 : bf16
    %max3A_493 = vector.broadcast %max3A_492 : bf16 to vector<128x512xbf16>
    %max3A_494 = arith.maximumf %add3A_491, %max3A_493 : vector<128x512xbf16>
    %slice3A_495 = vector.extract_strided_slice %get3A_3 {offsets = [0, 59], sizes = [128, 1], strides = [1, 1]} : vector<128x64xbf16> to vector<128x1xbf16>
    %add3A_496 = vector.broadcast %slice3A_495 : vector<128x1xbf16> to vector<128x512xbf16>
    %add3A_497 = arith.addf %add3A_496, %get3A_6 : vector<128x512xbf16>
    %max3A_498 = arith.constant 0.000000e+00 : bf16
    %max3A_499 = vector.broadcast %max3A_498 : bf16 to vector<128x512xbf16>
    %max3A_500 = arith.maximumf %add3A_497, %max3A_499 : vector<128x512xbf16>
    %slice3A_501 = vector.extract_strided_slice %get3A_3 {offsets = [0, 60], sizes = [128, 1], strides = [1, 1]} : vector<128x64xbf16> to vector<128x1xbf16>
    %add3A_502 = vector.broadcast %slice3A_501 : vector<128x1xbf16> to vector<128x512xbf16>
    %add3A_503 = arith.addf %add3A_502, %get3A_6 : vector<128x512xbf16>
    %max3A_504 = arith.constant 0.000000e+00 : bf16
    %max3A_505 = vector.broadcast %max3A_504 : bf16 to vector<128x512xbf16>
    %max3A_506 = arith.maximumf %add3A_503, %max3A_505 : vector<128x512xbf16>
    %slice3A_507 = vector.extract_strided_slice %get3A_3 {offsets = [0, 61], sizes = [128, 1], strides = [1, 1]} : vector<128x64xbf16> to vector<128x1xbf16>
    %add3A_508 = vector.broadcast %slice3A_507 : vector<128x1xbf16> to vector<128x512xbf16>
    %add3A_509 = arith.addf %add3A_508, %get3A_6 : vector<128x512xbf16>
    %max3A_510 = arith.constant 0.000000e+00 : bf16
    %max3A_511 = vector.broadcast %max3A_510 : bf16 to vector<128x512xbf16>
    %max3A_512 = arith.maximumf %add3A_509, %max3A_511 : vector<128x512xbf16>
    %slice3A_513 = vector.extract_strided_slice %get3A_3 {offsets = [0, 62], sizes = [128, 1], strides = [1, 1]} : vector<128x64xbf16> to vector<128x1xbf16>
    %add3A_514 = vector.broadcast %slice3A_513 : vector<128x1xbf16> to vector<128x512xbf16>
    %add3A_515 = arith.addf %add3A_514, %get3A_6 : vector<128x512xbf16>
    %max3A_516 = arith.constant 0.000000e+00 : bf16
    %max3A_517 = vector.broadcast %max3A_516 : bf16 to vector<128x512xbf16>
    %max3A_518 = arith.maximumf %add3A_515, %max3A_517 : vector<128x512xbf16>
    %slice3A_519 = vector.extract_strided_slice %get3A_3 {offsets = [0, 63], sizes = [128, 1], strides = [1, 1]} : vector<128x64xbf16> to vector<128x1xbf16>
    %add3A_520 = vector.broadcast %slice3A_519 : vector<128x1xbf16> to vector<128x512xbf16>
    %add3A_521 = arith.addf %add3A_520, %get3A_6 : vector<128x512xbf16>
    %max3A_522 = arith.constant 0.000000e+00 : bf16
    %max3A_523 = vector.broadcast %max3A_522 : bf16 to vector<128x512xbf16>
    %max3A_524 = arith.maximumf %add3A_521, %max3A_523 : vector<128x512xbf16>
    %concatenate3A_525 = tpu.concatenate %max3A_482, %max3A_488, %max3A_494, %max3A_500, %max3A_506, %max3A_512, %max3A_518, %max3A_524 in 1 : vector<128x512xbf16>, vector<128x512xbf16>, vector<128x512xbf16>, vector<128x512xbf16>, vector<128x512xbf16>, vector<128x512xbf16>, vector<128x512xbf16>, vector<128x512xbf16> -> vector<128x4096xbf16>
    %dot_general3A_526 = arith.constant dense<0.000000e+00> : vector<64x4096xf32>
    %dot_general3A_527 = tpu.matmul %convert_element_type3A, %concatenate3A_525, %dot_general3A_526 {dimension_numbers = #tpu.dot_dimension_numbers<[0], [0], [1], [1], [0, 1, 1, 1], [], []>, transpose_lhs_hint = false} : vector<128x64xbf16>, vector<128x4096xbf16>, vector<64x4096xf32> -> vector<64x4096xf32>
    %add3A_528 = vector.broadcast %get3A_12 : vector<64x1xf32> to vector<64x4096xf32>
    %add3A_529 = arith.addf %dot_general3A_527, %add3A_528 : vector<64x4096xf32>
    %max3A_530 = arith.constant 0.000000e+00 : f32
    %max3A_531 = vector.broadcast %max3A_530 : f32 to vector<64x4096xf32>
    %max3A_532 = arith.maximumf %add3A_529, %max3A_531 : vector<64x4096xf32>
    %dot_general3A_533 = arith.constant dense<0.000000e+00> : vector<1x4096xf32>
    %dot_general3A_534 = tpu.matmul %get3A_15, %max3A_532, %dot_general3A_533 {dimension_numbers = #tpu.dot_dimension_numbers<[0], [0], [1], [1], [0, 1, 1, 1], [], []>, transpose_lhs_hint = false} : vector<64x1xf32>, vector<64x4096xf32>, vector<1x4096xf32> -> vector<1x4096xf32>
    %slice3A_535 = vector.extract_strided_slice %dot_general3A_534 {offsets = [0, 0], sizes = [1, 512], strides = [1, 1]} : vector<1x4096xf32> to vector<1x512xf32>
    %slice3A_536 = vector.extract_strided_slice %dot_general3A_534 {offsets = [0, 512], sizes = [1, 512], strides = [1, 1]} : vector<1x4096xf32> to vector<1x512xf32>
    %slice3A_537 = vector.extract_strided_slice %dot_general3A_534 {offsets = [0, 1024], sizes = [1, 512], strides = [1, 1]} : vector<1x4096xf32> to vector<1x512xf32>
    %slice3A_538 = vector.extract_strided_slice %dot_general3A_534 {offsets = [0, 1536], sizes = [1, 512], strides = [1, 1]} : vector<1x4096xf32> to vector<1x512xf32>
    %slice3A_539 = vector.extract_strided_slice %dot_general3A_534 {offsets = [0, 2048], sizes = [1, 512], strides = [1, 1]} : vector<1x4096xf32> to vector<1x512xf32>
    %slice3A_540 = vector.extract_strided_slice %dot_general3A_534 {offsets = [0, 2560], sizes = [1, 512], strides = [1, 1]} : vector<1x4096xf32> to vector<1x512xf32>
    %slice3A_541 = vector.extract_strided_slice %dot_general3A_534 {offsets = [0, 3072], sizes = [1, 512], strides = [1, 1]} : vector<1x4096xf32> to vector<1x512xf32>
    %slice3A_542 = vector.extract_strided_slice %dot_general3A_534 {offsets = [0, 3584], sizes = [1, 512], strides = [1, 1]} : vector<1x4096xf32> to vector<1x512xf32>
    %concatenate3A_543 = tpu.concatenate %slice3A_73, %slice3A_74, %slice3A_75, %slice3A_76, %slice3A_77, %slice3A_78, %slice3A_79, %slice3A_80, %slice3A_139, %slice3A_140, %slice3A_141, %slice3A_142, %slice3A_143, %slice3A_144, %slice3A_145, %slice3A_146, %slice3A_205, %slice3A_206, %slice3A_207, %slice3A_208, %slice3A_209, %slice3A_210, %slice3A_211, %slice3A_212, %slice3A_271, %slice3A_272, %slice3A_273, %slice3A_274, %slice3A_275, %slice3A_276, %slice3A_277, %slice3A_278, %slice3A_337, %slice3A_338, %slice3A_339, %slice3A_340, %slice3A_341, %slice3A_342, %slice3A_343, %slice3A_344, %slice3A_403, %slice3A_404, %slice3A_405, %slice3A_406, %slice3A_407, %slice3A_408, %slice3A_409, %slice3A_410, %slice3A_469, %slice3A_470, %slice3A_471, %slice3A_472, %slice3A_473, %slice3A_474, %slice3A_475, %slice3A_476, %slice3A_535, %slice3A_536, %slice3A_537, %slice3A_538, %slice3A_539, %slice3A_540, %slice3A_541, %slice3A_542 in 0 : vector<1x512xf32>, vector<1x512xf32>, vector<1x512xf32>, vector<1x512xf32>, vector<1x512xf32>, vector<1x512xf32>, vector<1x512xf32>, vector<1x512xf32>, vector<1x512xf32>, vector<1x512xf32>, vector<1x512xf32>, vector<1x512xf32>, vector<1x512xf32>, vector<1x512xf32>, vector<1x512xf32>, vector<1x512xf32>, vector<1x512xf32>, vector<1x512xf32>, vector<1x512xf32>, vector<1x512xf32>, vector<1x512xf32>, vector<1x512xf32>, vector<1x512xf32>, vector<1x512xf32>, vector<1x512xf32>, vector<1x512xf32>, vector<1x512xf32>, vector<1x512xf32>, vector<1x512xf32>, vector<1x512xf32>, vector<1x512xf32>, vector<1x512xf32>, vector<1x512xf32>, vector<1x512xf32>, vector<1x512xf32>, vector<1x512xf32>, vector<1x512xf32>, vector<1x512xf32>, vector<1x512xf32>, vector<1x512xf32>, vector<1x512xf32>, vector<1x512xf32>, vector<1x512xf32>, vector<1x512xf32>, vector<1x512xf32>, vector<1x512xf32>, vector<1x512xf32>, vector<1x512xf32>, vector<1x512xf32>, vector<1x512xf32>, vector<1x512xf32>, vector<1x512xf32>, vector<1x512xf32>, vector<1x512xf32>, vector<1x512xf32>, vector<1x512xf32>, vector<1x512xf32>, vector<1x512xf32>, vector<1x512xf32>, vector<1x512xf32>, vector<1x512xf32>, vector<1x512xf32>, vector<1x512xf32>, vector<1x512xf32> -> vector<64x512xf32>
    %add3A_544 = vector.broadcast %get3A_19 : f32 to vector<64x512xf32>
    %add3A_545 = arith.addf %concatenate3A_543, %add3A_544 : vector<64x512xf32>
    %logistic3A = arith.negf %add3A_545 : vector<64x512xf32>
    %logistic3A_546 = math.exp %logistic3A : vector<64x512xf32>
    %logistic3A_547 = arith.constant 1.000000e+00 : f32
    %logistic3A_548 = vector.broadcast %logistic3A_547 : f32 to vector<64x512xf32>
    %logistic3A_549 = arith.addf %logistic3A_548, %logistic3A_546 : vector<64x512xf32>
    %logistic3A_550 = arith.divf %logistic3A_548, %logistic3A_549 : vector<64x512xf32>
    %swap3A = arith.constant 0 : index
    %swap3A_551 = arith.constant 0 : index
    %swap3A_552 = vector.load %arg7[%swap3A, %swap3A_551] : memref<64x512xf32, #tpu.memory_space<vmem>>, vector<64x512xf32>
    tpu.vector_store %arg7[%swap3A, %swap3A_551], %logistic3A_550 {strides = array<i32>} : memref<64x512xf32, #tpu.memory_space<vmem>>, vector<64x512xf32>,
    return
  }
  func.func @transform_0(%arg0: i32) -> (i32, i32, i32) {
    %c0_i32 = arith.constant 0 : i32
    %c0_i32_0 = arith.constant 0 : i32
    %c0_i32_1 = arith.constant 0 : i32
    return %arg0, %c0_i32, %c0_i32_0 : i32, i32, i32
  }
  func.func @transform_1(%arg0: i32) -> (i32, i32) {
    %c0_i32 = arith.constant 0 : i32
    %c0_i32_0 = arith.constant 0 : i32
    %c0_i32_1 = arith.constant 0 : i32
    return %c0_i32, %c0_i32_0 : i32, i32
  }
  func.func @transform_2(%arg0: i32) -> (i32, i32) {
    %c0_i32 = arith.constant 0 : i32
    %c0_i32_0 = arith.constant 0 : i32
    %c0_i32_1 = arith.constant 0 : i32
    return %c0_i32, %c0_i32_0 : i32, i32
  }
  func.func @transform_3(%arg0: i32) -> (i32, i32) {
    %c0_i32 = arith.constant 0 : i32
    %c0_i32_0 = arith.constant 0 : i32
    %c0_i32_1 = arith.constant 0 : i32
    return %c0_i32, %c0_i32_0 : i32, i32
  }
  func.func @transform_4(%arg0: i32) -> (i32, i32) {
    %c0_i32 = arith.constant 0 : i32
    %c0_i32_0 = arith.constant 0 : i32
    %c0_i32_1 = arith.constant 0 : i32
    return %c0_i32, %c0_i32_0 : i32, i32
  }
  func.func @transform_5(%arg0: i32) -> (i32, i32) {
    %c0_i32 = arith.constant 0 : i32
    %c0_i32_0 = arith.constant 0 : i32
    %c0_i32_1 = arith.constant 0 : i32
    return %c0_i32, %c0_i32_0 : i32, i32
  }
  func.func @transform_6(%arg0: i32) -> (i32, i32) {
    %c0_i32 = arith.constant 0 : i32
    %c0_i32_0 = arith.constant 0 : i32
    return %arg0, %c0_i32 : i32, i32
  }
}

</mosaic_0001>

<sc_bundles>
// kernel: kernel.5.cloned.1.call-start
scs
__scs_entry_jumppad:
0x0: {  	(pc) =	sbr.rel $0x88, $3  }
0x1: {  	(tag) =	ssettag $0x0;
	lr =	simm.s32 $0x1  }
0x2: {  	[smem:$0x3F74] =	sst lr;
	_ =	strace $0xD0000000  }
0x3: {  	_ = 	snop  }
0x4: {  	_ = 	snop  }
0x5: {  	_ = 	snop  }
0x6: {  	_ = 	snop  }
0x7: {  	_ = 	snop  }
__scs_overlays_trampoline_lowered:
0x8: {  	[smem:$0x3F83] =	sst s0  }
0x9: {  	[smem:$0x3F84] =	sst s1  }
0xa: {  	[smem:$0x3F85] =	sst s2  }
0xb: {  	[smem:$0x3F86] =	sst s3  }
0xc: {  	[smem:$0x3F87] =	sst s4  }
0xd: {  	[smem:$0x3F88] =	sst s5  }
0xe: {  	[smem:$0x3F89] =	sst s6  }
0xf: {  	[smem:$0x3F8A] =	sst s7  }
0x10: {  	[smem:$0x3F8B] =	sst s8  }
0x11: {  	[smem:$0x3F8C] =	sst s9;
	s0 =	simm.s32 @!p0 $0x0  }
0x12: {  	s1 =	sld [smem:$0x3F72];
	s0 =	simm.s32 @p0 $0x1  }
0x13: {  	[smem:$0x3F8D] =	sst s0;
	s0 =	simm.s32 @!p1 $0x0  }
0x14: {  	s2 =	sld [smem:$0x3F71];
	s0 =	simm.s32 @p1 $0x1  }
0x15: {  	[smem:$0x3F8E] =	sst s0;
	s0 =	simm.s32 @!p2 $0x0  }
0x16: {  	s3 =	sld [smem:$0x3FDB];
	s0 =	simm.s32 @p2 $0x1  }
0x17: {  	s4 =	simm.s32 $0x1BF5;
	[smem:$0x3F90] =	sst s0  }
0x18: {  	s0 =	sld [smem:$0x3F73];
	_ =	swait.ge [sflag:s4], $0x0  }
0x19: {  	s7 =	sld [smem:$0x3F74]  }
0x1a: {  	s8 =	sadd.s32 $0xFFFFE003, lr  }
0x1b: {  	s9 =	sadd.s32 $0xFFFFFEF7, lr;
	s5 =	simm.s32 $0xFFFFFFFF;
	p2 =	slt.u32 s8, $0xFFFFF086  }
0x1c: {  	p1 =	slt.u32 s9, $0xF7A;
	s5 =	simm.s32 @!p2 $0x0  }
0x1d: {  	s5 =	simm.s32 @p1 $0x1;
	p0 =	seq.s32 s7, s2  }
0x1e: {  	s7 =	smul.u32 @!p0 $0xF7A, s2;
	p2 =	seq.s32 @!p0 s5, $0x0  }
0x1f: {  	s9 =	smul.u32 $0xF7A, s1;
	s8 =	simm.s32 @!p0 $0x1BF5;
	p2 =	por !p2, p0  }
0x20: {  	[sflag:s8] =	ssyncset.s32 @!p0 $0xFFFFF086;
	s6 =	sadd.s32 @!p0 s3, s7;
	s7 =	simm.s32 @!p0 $0x108  }
0x21: {  	s3 =	sadd.s32 s3, s9;
	s6 =	sadd.s32 @!p0 $0x88, s6;
	s7 =	simm.s32 @p2 $0x1082  }
0x22: {  	[simem:s7], [sflag:s8] =	dma.local @!p0 [hbm:s6], $0xF7A  }
0x23: {  	s9 =	sor.u32 $0xD0000000, s2;
	s6 =	simm.s32 $0x108;
	_ =	swait.ge @!p0 [sflag:s8], $0x0  }
0x24: {  	s3 =	sadd.s32 $0x88, s3;
	s6 =	simm.s32 @!p1 $0x1082;
	[sflag:s4] =	ssyncset.s32 $0xFFFFF086  }
0x25: {  	[simem:s6], [sflag:s4] =	dma.local [hbm:s3], $0xF7A  }
0x26: {  	[smem:$0x3F74] =	sst s1;
	(tag) =	ssettag s2;
	_ =	strace s9  }
0x27: {  	s1 =	sld [smem:$0x3F84]  }
0x28: {  	s2 =	sld [smem:$0x3F85]  }
0x29: {  	s4 =	sld [smem:$0x3F87]  }
0x2a: {  	p0 =	seq.s32 s5, $0x0;
	s5 =	sld [smem:$0x3F88]  }
0x2b: {  	s6 =	sld [smem:$0x3F89]  }
0x2c: {  	s7 =	sld [smem:$0x3F8A]  }
0x2d: {  	s3 =	simm.s32 $0x108;
	s8 =	sld [smem:$0x3F8B]  }
0x2e: {  	s3 =	simm.s32 @!p0 $0x1082;
	s9 =	sld [smem:$0x3F8C]  }
0x2f: {  	lr =	sadd.s32 s0, s3;
	s0 =	sld [smem:$0x3F83]  }
0x30: {  	s3 =	sld [smem:$0x3F86]  }
0x31: {  	[smem:$0x3F8F] =	sst s10  }
0x32: {  	s10 =	sld [smem:$0x3F8D];
	_ =	sdelay $0x3  }
0x33: {  	p0 =	seq.s32 s10, $0x1;
	s10 =	sld [smem:$0x3F8F];
	_ =	sdelay $0x3  }
0x34: {  	[smem:$0x3F8F] =	sst s10  }
0x35: {  	s10 =	sld [smem:$0x3F8E];
	_ =	sdelay $0x3  }
0x36: {  	p1 =	seq.s32 s10, $0x1;
	s10 =	sld [smem:$0x3F8F];
	_ =	sdelay $0x3  }
0x37: {  	[smem:$0x3F8F] =	sst s10  }
0x38: {  	s10 =	sld [smem:$0x3F90]  }
0x39: {  	_ = 	snop;
	(pc) =	sbr.ind lr, $3  }
0x3a: {  	_ = 	snop  }
0x3b: {  	_ = 	snop  }
0x3c: {  	p2 =	seq.s32 s10, $0x1;
	s10 =	sld [smem:$0x3F8F]  }
0x3d: {  	_ =	shalt  }
0x3e: {  	_ =	shalt  }
0x3f: {  	_ =	shalt  }
0x40: {  	_ =	shalt  }
0x41: {  	_ =	shalt  }
0x42: {  	_ =	shalt  }
0x43: {  	_ =	shalt  }
0x44: {  	_ =	shalt  }
0x45: {  	_ =	shalt  }
0x46: {  	_ =	shalt  }
0x47: {  	_ =	shalt  }
0x48: {  	_ =	shalt  }
0x49: {  	_ =	shalt  }
0x4a: {  	_ =	shalt  }
0x4b: {  	_ =	shalt  }
0x4c: {  	_ =	shalt  }
0x4d: {  	_ =	shalt  }
0x4e: {  	_ =	shalt  }
0x4f: {  	_ =	shalt  }
0x50: {  	_ =	shalt  }
0x51: {  	_ =	shalt  }
0x52: {  	_ =	shalt  }
0x53: {  	_ =	shalt  }
0x54: {  	_ =	shalt  }
0x55: {  	_ =	shalt  }
0x56: {  	_ =	shalt  }
0x57: {  	_ =	shalt  }
0x58: {  	_ =	shalt  }
0x59: {  	_ =	shalt  }
0x5a: {  	_ =	shalt  }
0x5b: {  	_ =	shalt  }
0x5c: {  	_ =	shalt  }
0x5d: {  	_ =	shalt  }
0x5e: {  	_ =	shalt  }
0x5f: {  	_ =	shalt  }
0x60: {  	_ =	shalt  }
0x61: {  	_ =	shalt  }
0x62: {  	_ =	shalt  }
0x63: {  	_ =	shalt  }
0x64: {  	_ =	shalt  }
0x65: {  	_ =	shalt  }
0x66: {  	_ =	shalt  }
0x67: {  	_ =	shalt  }
0x68: {  	_ =	shalt  }
0x69: {  	_ =	shalt  }
0x6a: {  	_ =	shalt  }
0x6b: {  	_ =	shalt  }
0x6c: {  	_ =	shalt  }
0x6d: {  	_ =	shalt  }
0x6e: {  	_ =	shalt  }
0x6f: {  	_ =	shalt  }
0x70: {  	_ =	shalt  }
0x71: {  	_ =	shalt  }
0x72: {  	_ =	shalt  }
0x73: {  	_ =	shalt  }
0x74: {  	_ =	shalt  }
0x75: {  	_ =	shalt  }
0x76: {  	_ =	shalt  }
0x77: {  	_ =	shalt  }
0x78: {  	_ =	shalt  }
0x79: {  	_ =	shalt  }
0x7a: {  	_ =	shalt  }
0x7b: {  	_ =	shalt  }
0x7c: {  	_ =	shalt  }
0x7d: {  	_ =	shalt  }
0x7e: {  	_ =	shalt  }
0x7f: {  	_ =	shalt  }
0x80: {  	_ =	shalt  }
0x81: {  	_ =	shalt  }
0x82: {  	_ =	shalt  }
0x83: {  	_ =	shalt  }
0x84: {  	_ =	shalt  }
0x85: {  	_ =	shalt  }
0x86: {  	_ =	shalt  }
0x87: {  	_ =	shalt  }
.Lfunc_end0:
.L_simem_size_0:
called_computation_lowered:
.L_overlay_start_0:
0x88: {  	s2 =	sld [smem:$0x3FD9]  }
0x89: {  	s3 =	sld [smem:$0x3FFE];
	_ =	sdelay $0x1  }
0x8a: {  	s1 =	srdreg.scid  }
0x8b: {  	s0 =	sand.u32 $0x1, s1  }
0x8c: {  	s14 =	sshll.u32 s0, $0xA;
	s2 =	sadd.s32 s3, s2  }
0x8d: {  	s2 =	sadd.s32 s2, s14  }
0x8e: {  	[smem:$0x3F9B] =	sst s2  }
0x8f: {  	_ = 	snop  }
0x90: {  	s2 =	sld [smem:$0x3FD0];
	_ =	sdelay $0x2  }
0x91: {  	s4 =	simm.s32 $0xA;
	s5 =	simm.s32 $0x10;
	s15 =	sld [smem:$0x3FC7]  }
0x92: {  	[smem:s5], [sflag:s4] =	dma.local [hbm:s2], $0x1  }
0x93: {  	_ =	swait.eq [sflag:s4], $0x1  }
0x94: {  	[sflag:s4] =	ssyncset.done $0x0  }
0x95: {  	s16 =	sld [smem:$0x10];
	[sflag:s4] =	ssyncadd.s32 $0xFFFFFFFF  }
0x96: {  	s17 =	sld [smem:$0x11];
	(tm) =	ssettm $0x1  }
0x97: {  	s18 =	sld [smem:$0x3FFB];
	_ =	sdelay $0x3  }
0x98: {  	_ =	strace s18  }
0x99: {  	s5 =	sld [smem:$0x3FFC];
	_ =	sdelay $0x3  }
0x9a: {  	_ =	strace s5  }
0x9b: {  	s5 =	sld [smem:$0x3FFD];
	_ =	sdelay $0x3  }
0x9c: {  	_ =	strace s5  }
0x9d: {  	_ =	strace $0x8FFFFFFF  }
0x9e: {  	s19 =	sld [smem:$0x3FDB];
	_ =	sdelay $0x1  }
0x9f: {  	s6 =	simm.s32 $_scs_section_size  }
0xa0: {  	s7 =	simm.s32 $_size__tile_overlayer_lowered;
	s8 =	simm.s32 $_tile_overlayer_lowered  }
0xa1: {  	s22 =	simm.s32 $0x1BFF;
	s21 =	sshll.u32 s8, $0x1;
	s5 =	sadd.s32 s6, s19  }
0xa2: {  	s9 =	simm.s32 $0x0;
	s20 =	sshll.u32 s7, $0x1;
	s7 =	sadd.s32 s21, s5  }
0xa3: {  	[timem:s9], [sflag:s22] =	dma.local [hbm:s7], s20  }
0xa4: {  	_ =	swait.ge [sflag:s22], s20  }
0xa5: {  	s6 =	ssub.s32 $0x0, s20;
	[sflag:s22] =	ssyncset.done $0x0  }
0xa6: {  	[sflag:s22] =	ssyncadd.s32 s6;
	_ =	sdelay $0x1  }
0xa7: {  	s23 =	simm.s32 $0x1B8B  }
0xa8: {  	_ =	swait.ge [sflag:s23], $0x1  }
0xa9: {  	[sflag:s23] =	ssyncset.done $0x0  }
0xaa: {  	s25 =	simm.s32 $0x1B8E;
	s24 =	sld [smem:$0x3FFE];
	[sflag:s23] =	ssyncadd.s32 $0xFFFFFFFF  }
0xab: {  	s26 =	simm.s32 $execute0_lowered;
	[smem:$0x3FD2] =	sst s25  }
0xac: {  	s7 =	sshll.u32 s26, $0x1;
	_ =	strace $0x80000046;
	[dreg:$0x1] =	wrdreg $0xFFFFFFFF  }
0xad: {  	s28 =	simm.s32 $_size_execute0_lowered;
	s5 =	sadd.s32 s5, s7;
	[dreg:$0x0] =	wrdreg $0x0  }
0xae: {  	s7 =	sshll.u32 s28, $0x1;
	[dreg:$0x2] =	wrdreg s5  }
0xaf: {  	[dreg:$0x3] =	wrdreg s7  }
0xb0: {  	[dreg:$0x4] =	wrdreg $0xC0  }
0xb1: {  	_ =	task [dreg:s9], $0x5FFFF  }
0xb2: {  	[dreg:$0x1] =	wrdreg $0xFFFFFFFF  }
0xb3: {  	[dreg:$0x0] =	wrdreg $0x60  }
0xb4: {  	[dreg:$0x2] =	wrdreg s24  }
0xb5: {  	[dreg:$0x3] =	wrdreg s16  }
0xb6: {  	[dreg:$0x4] =	wrdreg s15  }
0xb7: {  	[dreg:$0x5] =	wrdreg s17  }
0xb8: {  	[dreg:$0x6] =	wrdreg $0x18000  }
0xb9: {  	[dreg:$0x7] =	wrdreg $0x9  }
0xba: {  	_ =	task.clear_ibuf [dreg:s9], $0x8FFFF;
	_ =	strace $0x90000046  }
0xbb: {  	s29 =	simm.s32 $0x9;
	_ =	strace $0x80000048  }
0xbc: {  	_ =	swait.ge [sflag:s29], $0x1  }
0xbd: {  	[sflag:s29] =	ssyncadd.s32 $0xFFFFFFFF  }
0xbe: {  	_ =	strace $0x90000048  }
0xbf: {  	_ =	sfence  }
0xc0: {  	s30 =	sld [smem:$0x0];
	_ =	sdelay $0x2  }
0xc1: {  	s31 =	sshll.u32 s1, $0xD;
	s1 =	sshrl.u32 s1, $0x2  }
0xc2: {  	s3 =	sand.u32 $0x4000, s31;
	s1 =	sadd.s32 s1, s30  }
0xc3: {  	s0 =	sor.u32 s3, s0;
	s1 =	sshll.u32 s1, $0x11  }
0xc4: {  	s0 =	sor.u32 s1, s0  }
0xc5: {  	s0 =	sadd.s32 $0x8F2B, s0  }
0xc6: {  	[sflag:s0] =	ssyncadd.remote.s32 $0x1  }
0xc7: {  	_ =	sfence.sel $0xFFFF  }
0xc8: {  	[dreg:$0x0] =	wrdreg $0xFFFFFFFF;
	(pc) =	sbr.abs _section_cstart, $3  }
0xc9: {  	[dreg:$0x1] =	wrdreg $0xFFFFFFFF  }
0xca: {  	_ =	task.clear_ibuf [dreg:s9], $0x2FFFF;
	_ =	strace $0x9FFFFFFF  }
0xcb: {  	(tm) =	ssettm $0x7FFFFFFF  }
tec
execute0_lowered:
.L_overlay_start_1:
0x0: {  	(tag) =	ssettag $0x1  }
0x1: {  	s0 =	rddreg [dreg:$0x0]  }
0x2: {  	s1 =	rddreg [dreg:$0x1]  }
0x3: {  	s5 =	rddreg [dreg:$0x2]  }
0x4: {  	s2 =	rddreg [dreg:$0x4];
	s4 =	simm.s32 $0x0;
	s6 =	srdreg.scid  }
0x5: {  	s3 =	stileid.u32;
	s20 =	simm.s32 $0x800;
	s21 =	simm.s32 $0x1000  }
0x6: {  	s22 =	simm.s32 $0x1;
	s23 =	simm.s32 $0x2;
	s24 =	simm.s32 $0x80  }
0x7: {  	s25 =	simm.s32 $0xA80;
	s28 =	simm.s32 $0xB00;
	s29 =	simm.s32 $0xF80  }
0x8: {  	s30 =	simm.s32 $0xB80;
	s31 =	simm.s32 $0x3;
	[smem:$0x7FF] =	sst s4  }
0x9: {  	s19 =	sand.u32 $0x1, s6;
	s8 =	sshll.u32 s3, $0x7;
	s9 =	sshll.u32 s3, $0xE  }
0xa: {  	s17 =	sshll.u32 s3, $0xB;
	_ =	strace $0x80000047;
	s6 =	ssub.s32 $0x2, s19  }
0xb: {  	s7 =	sadd.s32 s8, s0;
	s0 =	sadd.s32 $0x6400, s0;
	s9 =	sadd.s32 s9, s2  }
0xc: {  	p0 =	seq.s32 s19, $0x0;
	[dreg:$0x6] =	wrdreg s0;
	s26 =	sshrl.u32 s6, $0x1  }
.Ltmp0:
0xd: {  	s10 =	sadd.s32 $0x800, s9;
	s11 =	sadd.s32 $0x1000, s9;
	(pc) =	sbr.rel .LBB2_1-.Ltmp0, $4  }
0xe: {  	s12 =	sadd.s32 $0x1800, s9;
	s13 =	sadd.s32 $0x2000, s9;
	s14 =	sadd.s32 $0x2800, s9  }
0xf: {  	s15 =	sadd.s32 $0x3000, s9;
	s16 =	sadd.s32 $0x3800, s9;
	s0 =	ssub.s32 s6, s26  }
0x10: {  	s6 =	sadd.s32 $0x5C00, s7;
	s7 =	sadd.s32 s1, s8;
	s8 =	sadd.s32 s5, s8  }
0x11: {  	v0 =	vimm.f32 $0.0e+00;
	v12 =	vimm.f32 $1.000000000e+00;
	s26 =	simm.s32 $0xF00;
	s18 =	smax.u32 s0, $0x1;
	s0 =	simm.s32 $0x0  }
.LBB2_5:
0x12: {  	v3 =	vld [tilespmem:$0x400]  }
0x13: {  	v4 =	vld [tilespmem:$0x0]  }
0x14: {  	v9 =	vld [tilespmem:$0x410]  }
0x15: {  	v10 =	vld [tilespmem:$0x10]  }
0x16: {  	v13 =	vld [tilespmem:$0x420]  }
0x17: {  	v14 =	vld [tilespmem:$0x20]  }
0x18: {  	v15 =	vld [tilespmem:$0x430]  }
0x19: {  	v16 =	vld [tilespmem:$0x30]  }
0x1a: {  	v17 =	vld [tilespmem:$0x440]  }
0x1b: {  	v18 =	vld [tilespmem:$0x40]  }
0x1c: {  	v19 =	vld [tilespmem:$0x450]  }
0x1d: {  	v20 =	vld [tilespmem:$0x50]  }
0x1e: {  	v21 =	vld [tilespmem:$0x460]  }
0x1f: {  	v22 =	vld [tilespmem:$0x60]  }
0x20: {  	v23 =	vld [tilespmem:$0x470]  }
0x21: {  	v24 =	vld [tilespmem:$0x70]  }
0x22: {  	v25 =	vld [tilespmem:$0x480]  }
0x23: {  	v26 =	vld [tilespmem:$0x80]  }
0x24: {  	v27 =	vld [tilespmem:$0x490]  }
0x25: {  	v28 =	vld [tilespmem:$0x90]  }
0x26: {  	v1 =	vld [tilespmem:$0x1E0]  }
0x27: {  	v29 =	vld [tilespmem:$0x4A0]  }
0x28: {  	v30 =	vld [tilespmem:$0xA0]  }
0x29: {  	v31 =	vld [tilespmem:$0x4B0]  }
0x2a: {  	v32 =	vld [tilespmem:$0xB0]  }
0x2b: {  	[tilespmem:$0x1FF90] =	vst v1;
	v1 =	vld [tilespmem:$0x5F0]  }
0x2c: {  	v33 =	vld [tilespmem:$0x4C0]  }
0x2d: {  	v34 =	vld [tilespmem:$0xC0]  }
0x2e: {  	v35 =	vld [tilespmem:$0x4D0]  }
0x2f: {  	v36 =	vld [tilespmem:$0xD0]  }
0x30: {  	[tilespmem:$0x1FFA0] =	vst v1;
	v1 =	vld [tilespmem:$0x1F0]  }
0x31: {  	v37 =	vld [tilespmem:$0x4E0]  }
0x32: {  	v38 =	vld [tilespmem:$0xE0]  }
0x33: {  	v39 =	vld [tilespmem:$0x4F0]  }
0x34: {  	v40 =	vld [tilespmem:$0xF0]  }
0x35: {  	[tilespmem:$0x1FFB0] =	vst v1;
	v1 =	vld [tilespmem:$0x600]  }
0x36: {  	v41 =	vld [tilespmem:$0x500]  }
0x37: {  	v42 =	vld [tilespmem:$0x100]  }
0x38: {  	v43 =	vld [tilespmem:$0x510]  }
0x39: {  	v44 =	vld [tilespmem:$0x110]  }
0x3a: {  	[tilespmem:$0x1FFC0] =	vst v1;
	v1 =	vld [tilespmem:$0x200]  }
0x3b: {  	v45 =	vld [tilespmem:$0x520]  }
0x3c: {  	v46 =	vld [tilespmem:$0x120]  }
0x3d: {  	v47 =	vld [tilespmem:$0x530]  }
0x3e: {  	v48 =	vld [tilespmem:$0x130]  }
0x3f: {  	[tilespmem:$0x1FFD0] =	vst v1;
	v1 =	vld [tilespmem:$0x610]  }
0x40: {  	v49 =	vld [tilespmem:$0x540]  }
0x41: {  	v50 =	vld [tilespmem:$0x140]  }
0x42: {  	v51 =	vld [tilespmem:$0x550]  }
0x43: {  	v52 =	vld [tilespmem:$0x150]  }
0x44: {  	[tilespmem:$0x1FFE0] =	vst v1;
	v1 =	vld [tilespmem:$0x210]  }
0x45: {  	v53 =	vld [tilespmem:$0x560]  }
0x46: {  	v54 =	vld [tilespmem:$0x160]  }
0x47: {  	v55 =	vld [tilespmem:$0x570]  }
0x48: {  	v56 =	vld [tilespmem:$0x170]  }
0x49: {  	v57 =	vld [tilespmem:$0x580];
	[tilespmem:$0x1FFF0] =	vst v1;
	v1 =	vshll.u32 v3, $0x9  }
0x4a: {  	v58 =	vld [tilespmem:$0x180];
	v9 =	vshll.u32 v9, $0x9;
	v1 =	vadd.s32 v4, v1  }
0x4b: {  	v59 =	vld [tilespmem:$0x590];
	[tilespmem:$0xC00] =	vst v1;
	v1 =	vadd.s32 v10, v9;
	v10 =	vshll.u32 v13, $0x9  }
0x4c: {  	v60 =	vld [tilespmem:$0x190];
	v13 =	vshll.u32 v15, $0x9;
	[tilespmem:$0xC10] =	vst v1;
	v1 =	vadd.s32 v14, v10  }
0x4d: {  	v61 =	vld [tilespmem:$0x5A0];
	[tilespmem:$0xC20] =	vst v1;
	v1 =	vadd.s32 v16, v13;
	v13 =	vshll.u32 v17, $0x9  }
0x4e: {  	v62 =	vld [tilespmem:$0x1A0];
	[tilespmem:$0xC30] =	vst v1;
	v1 =	vadd.s32 v18, v13;
	v13 =	vshll.u32 v19, $0x9  }
0x4f: {  	v63 =	vld [tilespmem:$0x5B0];
	[tilespmem:$0xC40] =	vst v1;
	v1 =	vadd.s32 v20, v13;
	v13 =	vshll.u32 v21, $0x9  }
0x50: {  	v2 =	vld [tilespmem:$0x1B0];
	[tilespmem:$0xC50] =	vst v1;
	v1 =	vadd.s32 v22, v13;
	v13 =	vshll.u32 v23, $0x9  }
0x51: {  	v5 =	vld [tilespmem:$0x5C0];
	[tilespmem:$0xC60] =	vst v1;
	v1 =	vadd.s32 v24, v13;
	v13 =	vshll.u32 v25, $0x9  }
0x52: {  	v6 =	vld [tilespmem:$0x1C0];
	[tilespmem:$0xC70] =	vst v1;
	v1 =	vadd.s32 v26, v13;
	v13 =	vshll.u32 v27, $0x9  }
0x53: {  	v7 =	vld [tilespmem:$0x5D0];
	[tilespmem:$0xC80] =	vst v1;
	v1 =	vadd.s32 v28, v13;
	v13 =	vshll.u32 v29, $0x9  }
0x54: {  	v8 =	vld [tilespmem:$0x1D0];
	[tilespmem:$0xC90] =	vst v1;
	v1 =	vadd.s32 v30, v13;
	v13 =	vshll.u32 v31, $0x9  }
0x55: {  	v11 =	vld [tilespmem:$0x5E0];
	[tilespmem:$0xCA0] =	vst v1;
	v1 =	vadd.s32 v32, v13;
	v13 =	vshll.u32 v33, $0x9  }
0x56: {  	v3 =	vld [tilespmem:$0x620];
	[tilespmem:$0xCB0] =	vst v1;
	v1 =	vadd.s32 v34, v13;
	v13 =	vshll.u32 v35, $0x9  }
0x57: {  	v4 =	vld [tilespmem:$0x220];
	[tilespmem:$0xCC0] =	vst v1;
	v1 =	vadd.s32 v36, v13;
	v13 =	vshll.u32 v37, $0x9  }
0x58: {  	v9 =	vld [tilespmem:$0x630];
	[tilespmem:$0xCD0] =	vst v1;
	v1 =	vadd.s32 v38, v13;
	v13 =	vshll.u32 v39, $0x9  }
0x59: {  	v15 =	vld [tilespmem:$0x240];
	[tilespmem:$0xCE0] =	vst v1;
	v1 =	vadd.s32 v40, v13;
	v13 =	vshll.u32 v41, $0x9  }
0x5a: {  	v10 =	vld [tilespmem:$0x230];
	[tilespmem:$0xCF0] =	vst v1;
	v1 =	vadd.s32 v42, v13;
	v13 =	vshll.u32 v43, $0x9  }
0x5b: {  	v14 =	vld [tilespmem:$0x640];
	[tilespmem:$0xD00] =	vst v1;
	v1 =	vadd.s32 v44, v13;
	v13 =	vshll.u32 v45, $0x9  }
0x5c: {  	v16 =	vld [tilespmem:$0x650];
	[tilespmem:$0xD10] =	vst v1;
	v1 =	vadd.s32 v46, v13;
	v13 =	vshll.u32 v47, $0x9  }
0x5d: {  	v17 =	vld [tilespmem:$0x250];
	[tilespmem:$0xD20] =	vst v1;
	v1 =	vadd.s32 v48, v13;
	v13 =	vshll.u32 v49, $0x9  }
0x5e: {  	v18 =	vld [tilespmem:$0x660];
	[tilespmem:$0xD30] =	vst v1;
	v1 =	vadd.s32 v50, v13;
	v13 =	vshll.u32 v51, $0x9  }
0x5f: {  	v19 =	vld [tilespmem:$0x260];
	[tilespmem:$0xD40] =	vst v1;
	v1 =	vadd.s32 v52, v13;
	v13 =	vshll.u32 v53, $0x9  }
0x60: {  	v20 =	vld [tilespmem:$0x670];
	[tilespmem:$0xD50] =	vst v1;
	v1 =	vadd.s32 v54, v13;
	v13 =	vshll.u32 v55, $0x9  }
0x61: {  	v21 =	vld [tilespmem:$0x270];
	[tilespmem:$0xD60] =	vst v1;
	v1 =	vadd.s32 v56, v13;
	v13 =	vshll.u32 v57, $0x9  }
0x62: {  	v22 =	vld [tilespmem:$0x680];
	[tilespmem:$0xD70] =	vst v1;
	v1 =	vadd.s32 v58, v13;
	v13 =	vshll.u32 v59, $0x9  }
0x63: {  	v23 =	vld [tilespmem:$0x280];
	[tilespmem:$0xD80] =	vst v1;
	v1 =	vadd.s32 v60, v13;
	v13 =	vshll.u32 v61, $0x9  }
0x64: {  	v24 =	vld [tilespmem:$0x690];
	[tilespmem:$0xD90] =	vst v1;
	v1 =	vadd.s32 v62, v13;
	v13 =	vshll.u32 v63, $0x9  }
0x65: {  	v25 =	vld [tilespmem:$0x290];
	[tilespmem:$0xDA0] =	vst v1;
	v1 =	vadd.s32 v2, v13;
	v2 =	vshll.u32 v5, $0x9  }
0x66: {  	v26 =	vld [tilespmem:$0x6A0];
	[tilespmem:$0xDB0] =	vst v1;
	v1 =	vadd.s32 v6, v2;
	v2 =	vshll.u32 v7, $0x9  }
0x67: {  	v27 =	vld [tilespmem:$0x2A0];
	[tilespmem:$0xDC0] =	vst v1;
	v1 =	vadd.s32 v8, v2  }
0x68: {  	[tilespmem:$0xDD0] =	vst v1;
	v1 =	vld [tilespmem:$0x1FF90]  }
0x69: {  	v28 =	vld [tilespmem:$0x6B0]  }
0x6a: {  	v29 =	vld [tilespmem:$0x2B0]  }
0x6b: {  	v30 =	vld [tilespmem:$0x6C0]  }
0x6c: {  	v38 =	vld [tilespmem:$0x700];
	v2 =	vshll.u32 v11, $0x9  }
0x6d: {  	v1 =	vadd.s32 v1, v2;
	v2 =	vld [tilespmem:$0x1FFA0]  }
0x6e: {  	[tilespmem:$0xDE0] =	vst v1;
	v1 =	vld [tilespmem:$0x1FFB0]  }
0x6f: {  	v39 =	vld [tilespmem:$0x300]  }
0x70: {  	v40 =	vld [tilespmem:$0x710]  }
0x71: {  	v41 =	vld [tilespmem:$0x310]  }
0x72: {  	v42 =	vld [tilespmem:$0x720];
	v2 =	vshll.u32 v2, $0x9  }
0x73: {  	v1 =	vadd.s32 v1, v2;
	v2 =	vld [tilespmem:$0x1FFC0]  }
0x74: {  	[tilespmem:$0xDF0] =	vst v1;
	v1 =	vld [tilespmem:$0x1FFD0]  }
0x75: {  	v43 =	vld [tilespmem:$0x330]  }
0x76: {  	v44 =	vld [tilespmem:$0x740]  }
0x77: {  	v45 =	vld [tilespmem:$0x340]  }
0x78: {  	v46 =	vld [tilespmem:$0x760];
	v2 =	vshll.u32 v2, $0x9  }
0x79: {  	v1 =	vadd.s32 v1, v2;
	v2 =	vld [tilespmem:$0x1FFE0]  }
0x7a: {  	[tilespmem:$0xE00] =	vst v1;
	v1 =	vld [tilespmem:$0x1FFF0]  }
0x7b: {  	v47 =	vld [tilespmem:$0x360]  }
0x7c: {  	v48 =	vld [tilespmem:$0x770]  }
0x7d: {  	v49 =	vld [tilespmem:$0x370]  }
0x7e: {  	v51 =	vld [tilespmem:$0x2C0];
	v2 =	vshll.u32 v2, $0x9  }
0x7f: {  	v50 =	vld [tilespmem:$0x780];
	v1 =	vadd.s32 v1, v2;
	v2 =	vshll.u32 v3, $0x9  }
0x80: {  	v53 =	vld [tilespmem:$0x6D0];
	[tilespmem:$0xE10] =	vst v1;
	v1 =	vadd.s32 v4, v2;
	v2 =	vshll.u32 v9, $0x9  }
0x81: {  	v52 =	vld [tilespmem:$0x790];
	[tilespmem:$0xE20] =	vst v1;
	v1 =	vadd.s32 v10, v2;
	v2 =	vshll.u32 v14, $0x9  }
0x82: {  	v55 =	vld [tilespmem:$0x2D0];
	[tilespmem:$0xE30] =	vst v1;
	v1 =	vadd.s32 v15, v2;
	v2 =	vshll.u32 v16, $0x9  }
0x83: {  	v54 =	vld [tilespmem:$0x7A0];
	[tilespmem:$0xE40] =	vst v1;
	v1 =	vadd.s32 v17, v2;
	v2 =	vshll.u32 v18, $0x9  }
0x84: {  	v57 =	vld [tilespmem:$0x6E0];
	[tilespmem:$0xE50] =	vst v1;
	v1 =	vadd.s32 v19, v2;
	v2 =	vshll.u32 v20, $0x9  }
0x85: {  	v56 =	vld [tilespmem:$0x7B0];
	[tilespmem:$0xE60] =	vst v1;
	v1 =	vadd.s32 v21, v2;
	v2 =	vshll.u32 v22, $0x9  }
0x86: {  	v59 =	vld [tilespmem:$0x2E0];
	[tilespmem:$0xE70] =	vst v1;
	v1 =	vadd.s32 v23, v2;
	v2 =	vshll.u32 v24, $0x9  }
0x87: {  	v61 =	vld [tilespmem:$0x6F0];
	[tilespmem:$0xE80] =	vst v1;
	v1 =	vadd.s32 v25, v2;
	v2 =	vshll.u32 v26, $0x9  }
0x88: {  	v63 =	vld [tilespmem:$0x2F0];
	[tilespmem:$0xE90] =	vst v1;
	v1 =	vadd.s32 v27, v2;
	v2 =	vshll.u32 v28, $0x9  }
0x89: {  	v58 =	vld [tilespmem:$0x3C0];
	[tilespmem:$0xEA0] =	vst v1;
	v1 =	vadd.s32 v29, v2;
	v2 =	vshll.u32 v30, $0x9  }
0x8a: {  	v13 =	vld [tilespmem:$0x320];
	[tilespmem:$0xEB0] =	vst v1;
	v1 =	vadd.s32 v51, v2;
	v2 =	vshll.u32 v53, $0x9  }
0x8b: {  	v3 =	vld [tilespmem:$0x730];
	[tilespmem:$0xEC0] =	vst v1;
	v1 =	vadd.s32 v55, v2;
	v2 =	vshll.u32 v57, $0x9  }
0x8c: {  	v60 =	vld [tilespmem:$0x3D0];
	[tilespmem:$0xED0] =	vst v1;
	v1 =	vadd.s32 v59, v2;
	v2 =	vshll.u32 v61, $0x9  }
0x8d: {  	v14 =	vld [tilespmem:$0x750];
	[tilespmem:$0xEE0] =	vst v1;
	v1 =	vadd.s32 v63, v2;
	v2 =	vshll.u32 v38, $0x9  }
0x8e: {  	v15 =	vld [tilespmem:$0x350];
	[tilespmem:$0xEF0] =	vst v1;
	v1 =	vadd.s32 v39, v2;
	v2 =	vshll.u32 v40, $0x9  }
0x8f: {  	v62 =	vld [tilespmem:$0x7F0];
	[tilespmem:$0xF00] =	vst v1;
	v1 =	vadd.s32 v41, v2;
	v2 =	vshll.u32 v42, $0x9  }
0x90: {  	v51 =	vld [tilespmem:$0x380];
	[tilespmem:$0xF10] =	vst v1;
	v1 =	vadd.s32 v13, v2;
	v2 =	vshll.u32 v3, $0x9  }
0x91: {  	v53 =	vld [tilespmem:$0x390];
	[tilespmem:$0xF20] =	vst v1;
	v1 =	vadd.s32 v43, v2;
	v2 =	vshll.u32 v44, $0x9  }
0x92: {  	v55 =	vld [tilespmem:$0x3A0];
	[tilespmem:$0xF30] =	vst v1;
	v1 =	vadd.s32 v45, v2;
	v2 =	vshll.u32 v14, $0x9  }
0x93: {  	v57 =	vld [tilespmem:$0x7C0];
	[tilespmem:$0xF40] =	vst v1;
	v1 =	vadd.s32 v15, v2;
	v2 =	vshll.u32 v46, $0x9  }
0x94: {  	v3 =	vld [tilespmem:$0x3B0];
	[tilespmem:$0xF50] =	vst v1;
	v1 =	vadd.s32 v47, v2;
	v2 =	vshll.u32 v48, $0x9  }
0x95: {  	v59 =	vld [tilespmem:$0x7D0];
	[tilespmem:$0xF60] =	vst v1;
	v1 =	vadd.s32 v49, v2;
	v2 =	vshll.u32 v50, $0x9  }
0x96: {  	v61 =	vld [tilespmem:$0x7E0];
	[tilespmem:$0xF70] =	vst v1;
	v1 =	vadd.s32 v51, v2;
	v2 =	vshll.u32 v52, $0x9  }
0x97: {  	v13 =	vld [tilespmem:$0x3E0];
	[tilespmem:$0xF80] =	vst v1;
	v1 =	vadd.s32 v53, v2;
	v2 =	vshll.u32 v54, $0x9  }
0x98: {  	v63 =	vld [tilespmem:$0x3F0];
	[tilespmem:$0xF90] =	vst v1;
	v1 =	vadd.s32 v55, v2;
	v2 =	vshll.u32 v56, $0x9  }
0x99: {  	[tilespmem:$0xFA0] =	vst v1;
	v1 =	vadd.s32 v3, v2;
	v2 =	vshll.u32 v57, $0x9  }
0x9a: {  	[tilespmem:$0xFB0] =	vst v1;
	v1 =	vadd.s32 v58, v2;
	v2 =	vshll.u32 v59, $0x9  }
0x9b: {  	[tilespmem:$0xFC0] =	vst v1;
	v1 =	vadd.s32 v60, v2;
	v2 =	vshll.u32 v61, $0x9  }
0x9c: {  	[tilespmem:$0xFD0] =	vst v1;
	v1 =	vadd.s32 v13, v2;
	v2 =	vshll.u32 v62, $0x9  }
0x9d: {  	[tilespmem:$0xFE0] =	vst v1;
	v1 =	vadd.s32 v63, v2  }
0x9e: {  	[tilespmem:$0xFF0] =	vst v1  }
0x9f: {  	_ =	swait.ge [sflag:s23], $0x800  }
0xa0: {  	[sflag:s23] =	ssyncset.done $0x0  }
0xa1: {  	[sflag:s23] =	ssyncadd.s32 $0xFFFFF800  }
0xa2: {  	_ =	swait.ge [sflag:s23], $0x800  }
0xa3: {  	[sflag:s23] =	ssyncset.done $0x0  }
0xa4: {  	[sflag:s23] =	ssyncadd.s32 $0xFFFFF800  }
0xa5: {  	_ =	swait.ge [sflag:s23], $0x800  }
0xa6: {  	[sflag:s23] =	ssyncset.done $0x0  }
0xa7: {  	[sflag:s23] =	ssyncadd.s32 $0xFFFFF800  }
0xa8: {  	_ =	swait.ge [sflag:s23], $0x800  }
0xa9: {  	[sflag:s23] =	ssyncset.done $0x0  }
0xaa: {  	[sflag:s23] =	ssyncadd.s32 $0xFFFFF800  }
0xab: {  	_ =	swait.ge [sflag:s23], $0x800  }
0xac: {  	[sflag:s23] =	ssyncset.done $0x0  }
0xad: {  	[sflag:s23] =	ssyncadd.s32 $0xFFFFF800  }
0xae: {  	_ =	swait.ge [sflag:s23], $0x800  }
0xaf: {  	[sflag:s23] =	ssyncset.done $0x0  }
0xb0: {  	[sflag:s23] =	ssyncadd.s32 $0xFFFFF800  }
0xb1: {  	_ =	swait.ge [sflag:s23], $0x800  }
0xb2: {  	[sflag:s23] =	ssyncset.done $0x0  }
0xb3: {  	[sflag:s23] =	ssyncadd.s32 $0xFFFFF800  }
0xb4: {  	_ =	swait.ge [sflag:s23], $0x800  }
0xb5: {  	[sflag:s23] =	ssyncset.done $0x0  }
0xb6: {  	[sflag:s23] =	ssyncadd.s32 $0xFFFFF800  }
0xb7: {  	s5 =	simm.s32 $0xC00;
	[bflag:$0x0] =	sbarrier.arrive $0xFFFF  }
0xb8: {  	[spmem:s2] =	stream.indirect.scatter.add.f32 [tilespmem:s20], [sflag:$0x2], $0x1, s5, s24, $0xb8;
	[tilespmem:$0x5800] =	vst v63  }
0xb9: {  	s19 =	simm.s32 $0x880;
	s5 =	simm.s32 $0xC80  }
0xba: {  	[spmem:s2] =	stream.indirect.scatter.add.f32 [tilespmem:s19], [sflag:$0x2], $0x1, s5, s24, $0xb8;
	[tilespmem:$0x5800] =	vst v63  }
0xbb: {  	s5 =	simm.s32 $0xD00;
	s19 =	simm.s32 $0x900  }
0xbc: {  	[spmem:s2] =	stream.indirect.scatter.add.f32 [tilespmem:s19], [sflag:$0x2], $0x1, s5, s24, $0xb8;
	[tilespmem:$0x5800] =	vst v63  }
0xbd: {  	s5 =	simm.s32 $0xD80;
	s19 =	simm.s32 $0x980  }
0xbe: {  	[spmem:s2] =	stream.indirect.scatter.add.f32 [tilespmem:s19], [sflag:$0x2], $0x1, s5, s24, $0xb8;
	[tilespmem:$0x5800] =	vst v63  }
0xbf: {  	s5 =	simm.s32 $0xE00;
	s19 =	simm.s32 $0xA00  }
0xc0: {  	[spmem:s2] =	stream.indirect.scatter.add.f32 [tilespmem:s19], [sflag:$0x2], $0x1, s5, s24, $0xb8;
	[tilespmem:$0x5800] =	vst v63  }
0xc1: {  	s19 =	simm.s32 $0xE80  }
0xc2: {  	[spmem:s2] =	stream.indirect.scatter.add.f32 [tilespmem:s25], [sflag:$0x2], $0x1, s19, s24, $0xb8;
	[tilespmem:$0x5800] =	vst v63  }
0xc3: {  	_ = 	snop  }
0xc4: {  	[spmem:s2] =	stream.indirect.scatter.add.f32 [tilespmem:s28], [sflag:$0x2], $0x1, s26, s24, $0xb8;
	[tilespmem:$0x5800] =	vst v63  }
0xc5: {  	_ = 	snop  }
0xc6: {  	[spmem:s2] =	stream.indirect.scatter.add.f32 [tilespmem:s30], [sflag:$0x2], $0x1, s29, s24, $0xb8;
	[tilespmem:$0x5800] =	vst v63  }
0xc7: {  	_ =	swait.ge [sflag:s23], $0x80  }
0xc8: {  	[sflag:s23] =	ssyncset.done $0x0  }
0xc9: {  	[sflag:s23] =	ssyncadd.s32 $0xFFFFFF80  }
0xca: {  	_ =	swait.ge [sflag:s23], $0x80  }
0xcb: {  	[sflag:s23] =	ssyncset.done $0x0  }
0xcc: {  	[sflag:s23] =	ssyncadd.s32 $0xFFFFFF80  }
0xcd: {  	_ =	swait.ge [sflag:s23], $0x80  }
0xce: {  	[sflag:s23] =	ssyncset.done $0x0  }
0xcf: {  	[sflag:s23] =	ssyncadd.s32 $0xFFFFFF80  }
0xd0: {  	_ =	swait.ge [sflag:s23], $0x80  }
0xd1: {  	[sflag:s23] =	ssyncset.done $0x0  }
0xd2: {  	[sflag:s23] =	ssyncadd.s32 $0xFFFFFF80  }
0xd3: {  	_ =	swait.ge [sflag:s23], $0x80  }
0xd4: {  	[sflag:s23] =	ssyncset.done $0x0  }
0xd5: {  	[sflag:s23] =	ssyncadd.s32 $0xFFFFFF80  }
0xd6: {  	_ =	swait.ge [sflag:s23], $0x80  }
0xd7: {  	[sflag:s23] =	ssyncset.done $0x0  }
0xd8: {  	[sflag:s23] =	ssyncadd.s32 $0xFFFFFF80  }
0xd9: {  	_ =	swait.ge [sflag:s23], $0x80  }
0xda: {  	[sflag:s23] =	ssyncset.done $0x0  }
0xdb: {  	[sflag:s23] =	ssyncadd.s32 $0xFFFFFF80  }
0xdc: {  	s1 =	sadd.s32 s1, s17;
	_ =	swait.ge [sflag:s23], $0x80  }
0xdd: {  	s0 =	sadd.s32 $0x1, s0;
	s5 =	sshll.u32 s3, $0x6;
	[sflag:s23] =	ssyncset.done $0x0  }
0xde: {  	p1 =	sne.s32 s0, s18;
	s19 =	sor.u32 $0x1C03, s5;
	[sflag:s23] =	ssyncadd.s32 $0xFFFFFF80  }
.Ltmp1:
0xdf: {  	s5 =	sshrl.u32 s9, $0x3;
	[bflag:$0x0] =	sbarrier.arrive $0xFFFF;
	(pc) =	sbr.rel @!p1 .LBB2_6-.Ltmp1, $4  }
0xe0: {  	[hbm:s1], [sflag:s19] =	dma.local [spmem:s5], $0x800  }
0xe1: {  	_ =	swait.ge [sflag:s31], $0x800  }
0xe2: {  	[sflag:s31] =	ssyncset.done $0x0  }
0xe3: {  	[sflag:s31] =	ssyncadd.s32 $0xFFFFF800  }
.LBB2_1:
0xe4: {  	[tilespmem:s4], [sflag:$0x1] =	stream.linear.gather [hbm4b:s6+s4], $0x400, $0x38;
	[tilespmem:$0x5800] =	vst v63  }
0xe5: {  	s1 =	simm.s32 $0x400  }
0xe6: {  	[tilespmem:s1], [sflag:$0x1] =	stream.linear.gather [hbm4b:s7+s4], $0x400, $0x38;
	[tilespmem:$0x5800] =	vst v63  }
0xe7: {  	s19 =	simm.s32 $0x0;
	s1 =	simm.s32 $0x40  }
0xe8: {  	[tilespmem:s20], [sflag:$0x1] =	stream.linear.gather [hbm4b:s8+s4], $0x400, $0x38;
	[tilespmem:$0x5800] =	vst v63  }
.LBB2_2:
0xe9: {  	p1 =	sne.s32 s1, $0x1FC0;
	[tilespmem:s19+$0x1000] =	vst v0;
	s19 =	smov.u32 s1;
	s1 =	sadd.s32 $0x40, s1  }
.Ltmp2:
0xea: {  	(pc) =	sbr.rel @p1 .LBB2_2-.Ltmp2, $2  }
0xeb: {  	_ =	sdelay $0x2  }
0xec: {  	s19 =	sshra.s32 s19, $0x2  }
0xed: {  	[tilespmem:s19+$0x1000] =	vst v0  }
0xee: {  	[spmem:s9] =	stream.linear.scatter [tilespmem:s21], [sflag:$0x2], $0x800, $0x38;
	[tilespmem:$0x5800] =	vst v63  }
0xef: {  	_ = 	snop  }
0xf0: {  	[spmem:s10] =	stream.linear.scatter [tilespmem:s21], [sflag:$0x2], $0x800, $0x38;
	[tilespmem:$0x5800] =	vst v63  }
0xf1: {  	_ = 	snop  }
0xf2: {  	[spmem:s11] =	stream.linear.scatter [tilespmem:s21], [sflag:$0x2], $0x800, $0x38;
	[tilespmem:$0x5800] =	vst v63  }
0xf3: {  	_ = 	snop  }
0xf4: {  	[spmem:s12] =	stream.linear.scatter [tilespmem:s21], [sflag:$0x2], $0x800, $0x38;
	[tilespmem:$0x5800] =	vst v63  }
0xf5: {  	_ = 	snop  }
0xf6: {  	[spmem:s13] =	stream.linear.scatter [tilespmem:s21], [sflag:$0x2], $0x800, $0x38;
	[tilespmem:$0x5800] =	vst v63  }
0xf7: {  	_ = 	snop  }
0xf8: {  	[spmem:s14] =	stream.linear.scatter [tilespmem:s21], [sflag:$0x2], $0x800, $0x38;
	[tilespmem:$0x5800] =	vst v63  }
0xf9: {  	_ = 	snop  }
0xfa: {  	[spmem:s15] =	stream.linear.scatter [tilespmem:s21], [sflag:$0x2], $0x800, $0x38;
	[tilespmem:$0x5800] =	vst v63  }
0xfb: {  	_ = 	snop  }
0xfc: {  	[spmem:s16] =	stream.linear.scatter [tilespmem:s21], [sflag:$0x2], $0x800, $0x38;
	[tilespmem:$0x5800] =	vst v63  }
0xfd: {  	_ =	swait.ge [sflag:s22], $0x400  }
0xfe: {  	[sflag:s22] =	ssyncset.done $0x0  }
0xff: {  	[sflag:s22] =	ssyncadd.s32 $0xFFFFFC00  }
0x100: {  	_ =	swait.ge [sflag:s22], $0x400  }
0x101: {  	[sflag:s22] =	ssyncset.done $0x0  }
.Ltmp3:
0x102: {  	[sflag:s22] =	ssyncadd.s32 $0xFFFFFC00;
	(pc) =	sbr.rel @p0 .LBB2_5-.Ltmp3, $4  }
0x103: {  	_ =	swait.ge [sflag:s22], $0x400  }
0x104: {  	[sflag:s22] =	ssyncset.done $0x0  }
0x105: {  	[sflag:s22] =	ssyncadd.s32 $0xFFFFFC00  }
0x106: {  	s1 =	rddreg [dreg:$0x3]  }
0x107: {  	[tilespmem:$0x800] =	vst v12  }
0x108: {  	[tilespmem:$0x810] =	vst v12  }
0x109: {  	[tilespmem:$0x820] =	vst v12  }
0x10a: {  	[tilespmem:$0x830] =	vst v12  }
0x10b: {  	[tilespmem:$0x840] =	vst v12  }
0x10c: {  	[tilespmem:$0x850] =	vst v12  }
0x10d: {  	[tilespmem:$0x860] =	vst v12  }
0x10e: {  	[tilespmem:$0x870] =	vst v12  }
0x10f: {  	[tilespmem:$0x880] =	vst v12  }
0x110: {  	[tilespmem:$0x890] =	vst v12  }
0x111: {  	[tilespmem:$0x8A0] =	vst v12  }
0x112: {  	[tilespmem:$0x8B0] =	vst v12  }
0x113: {  	[tilespmem:$0x8C0] =	vst v12  }
0x114: {  	[tilespmem:$0x8D0] =	vst v12  }
0x115: {  	[tilespmem:$0x8E0] =	vst v12  }
0x116: {  	[tilespmem:$0x8F0] =	vst v12  }
0x117: {  	[tilespmem:$0x900] =	vst v12  }
0x118: {  	[tilespmem:$0x910] =	vst v12  }
0x119: {  	[tilespmem:$0x920] =	vst v12  }
0x11a: {  	[tilespmem:$0x930] =	vst v12  }
0x11b: {  	[tilespmem:$0x940] =	vst v12  }
0x11c: {  	[tilespmem:$0x950] =	vst v12  }
0x11d: {  	[tilespmem:$0x960] =	vst v12  }
0x11e: {  	[tilespmem:$0x970] =	vst v12  }
0x11f: {  	[tilespmem:$0x980] =	vst v12  }
0x120: {  	[tilespmem:$0x990] =	vst v12  }
0x121: {  	[tilespmem:$0x9A0] =	vst v12  }
0x122: {  	[tilespmem:$0x9B0] =	vst v12  }
0x123: {  	[tilespmem:$0x9C0] =	vst v12  }
0x124: {  	[tilespmem:$0x9D0] =	vst v12  }
0x125: {  	[tilespmem:$0x9E0] =	vst v12  }
0x126: {  	[tilespmem:$0x9F0] =	vst v12  }
0x127: {  	[tilespmem:$0xA00] =	vst v12  }
0x128: {  	[tilespmem:$0xA10] =	vst v12  }
0x129: {  	[tilespmem:$0xA20] =	vst v12  }
0x12a: {  	[tilespmem:$0xA30] =	vst v12  }
0x12b: {  	[tilespmem:$0xA40] =	vst v12  }
0x12c: {  	[tilespmem:$0xA50] =	vst v12  }
0x12d: {  	[tilespmem:$0xA60] =	vst v12  }
0x12e: {  	[tilespmem:$0xA70] =	vst v12  }
0x12f: {  	[tilespmem:$0xA80] =	vst v12  }
0x130: {  	[tilespmem:$0xA90] =	vst v12  }
0x131: {  	[tilespmem:$0xAA0] =	vst v12  }
0x132: {  	[tilespmem:$0xAB0] =	vst v12  }
0x133: {  	[tilespmem:$0xAC0] =	vst v12  }
0x134: {  	[tilespmem:$0xAD0] =	vst v12  }
0x135: {  	[tilespmem:$0xAE0] =	vst v12  }
0x136: {  	[tilespmem:$0xAF0] =	vst v12  }
0x137: {  	[tilespmem:$0xB00] =	vst v12  }
0x138: {  	[tilespmem:$0xB10] =	vst v12  }
0x139: {  	[tilespmem:$0xB20] =	vst v12  }
0x13a: {  	[tilespmem:$0xB30] =	vst v12  }
0x13b: {  	[tilespmem:$0xB40] =	vst v12  }
0x13c: {  	[tilespmem:$0xB50] =	vst v12  }
0x13d: {  	[tilespmem:$0xB60] =	vst v12  }
0x13e: {  	[tilespmem:$0xB70] =	vst v12  }
0x13f: {  	[tilespmem:$0xB80] =	vst v12  }
0x140: {  	[tilespmem:$0xB90] =	vst v12  }
0x141: {  	[tilespmem:$0xBA0] =	vst v12  }
.Ltmp4:
0x142: {  	[tilespmem:$0xBB0] =	vst v12;
	(pc) =	sbr.rel .LBB2_5-.Ltmp4, $4  }
0x143: {  	[tilespmem:$0xBC0] =	vst v12  }
0x144: {  	[tilespmem:$0xBD0] =	vst v12  }
0x145: {  	[tilespmem:$0xBE0] =	vst v12  }
0x146: {  	[tilespmem:$0xBF0] =	vst v12;
	s1 =	rddreg [dreg:$0x6]  }
.LBB2_6:
0x147: {  	_ =	sfence.sel $0x180000  }
0x148: {  	[bflag:$0x0] =	sbarrier.arrive $0xFFFF  }
0x149: {  	_ =	strace $0x90000047  }
0x14a: {  	[bflag:$0x2] =	sbarrier.arrive $0xFFFF  }
0x14b: {  	p0 =	sne.s32 s3, $0x0;
	s0 =	rddreg [dreg:$0x5]  }
0x14c: {  	s0 =	sadd.s32 @!p0 $0x100000, s0  }
0x14d: {  	[sflag:s0] =	ssyncadd.tile.s32 @!p0 $0x1;
	_ =	shalt  }
.Lfunc_end2:
_tile_overlayer_lowered:
.L_overlay_start_2:
0x14e: {  	(tag) =	ssettag $0x2  }
0x14f: {  	s0 =	rddreg [dreg:$0x0];
	s2 =	stileid.u32  }
0x150: {  	s1 =	rddreg [dreg:$0x1];
	p0 =	sne.s32 s2, $0x0  }
0x151: {  	s3 =	rddreg [dreg:$0x2];
	[bflag:$0x3] =	sbarrier.arrive $0xFFFF;
	s2 =	simm.s32 @!p0 $0x1C03  }
0x152: {  	[timem:s3], [sflag:s2] =	dma.local @!p0 [hbm:s0], s1  }
0x153: {  	s0 =	simm.s32 @!p0 $0x3  }
0x154: {  	_ =	swait.ge @!p0 [sflag:s0], s1  }
0x155: {  	s1 =	ssub.s32 @!p0 $0x0, s1;
	[sflag:s0] =	ssyncset.done @!p0 $0x0  }
0x156: {  	[sflag:s0] =	ssyncadd.s32 @!p0 s1  }
0x157: {  	[bflag:$0x3] =	sbarrier.arrive $0xFFFF  }
0x158: {  	_ =	shalt  }

</sc_bundles>
